<compile_context>
chip_gen: v7x
topology: tpu7x:2x2x1
jax: 0.10.2.dev20260603
libtpu: 0.0.44.dev20260713+nightly
codegen_flags: <defaults>
</compile_context>

<pallas_src>
import functools

import jax
import jax.numpy as jnp
from jax import lax
from jax.experimental import pallas as pl
from jax.experimental.pallas import tpu as pltpu
from jax.experimental.pallas import tpu_sc as plsc

N = 10000
E = 320000
NL = 128
NH = 64
NC = 2
NS = 16
NW = NC * NS
CH = 128
NCH = 79
EPAD = NW * NCH * CH
NPOOL = NW * NCH
FAST_CORE = 1
NCH_FAST = 79
NCH_SLOW = 2 * NCH - NCH_FAST
ACC_ROWS = 10240
DEGW = 16
BM = 2000
_F32 = jnp.float32


def _sc_mesh():
    return plsc.VectorSubcoreMesh(core_axis_name="c", subcore_axis_name="s")


_SC_PARAMS = pltpu.CompilerParams(use_tc_tiling_on_sc=False)


@functools.partial(
    pl.kernel,
    out_type=jax.ShapeDtypeStruct((NC, ACC_ROWS, DEGW), _F32),
    mesh=_sc_mesh(),
    scratch_types=[
        pltpu.VMEM((NCH, CH), jnp.int32),
        pltpu.VMEM((CH, DEGW), _F32),
        pltpu.VMEM((CH, DEGW), _F32),
        pltpu.VMEM((CH, DEGW), _F32),
        pltpu.VMEM_SHARED((ACC_ROWS, DEGW), _F32),
        pltpu.SemaphoreType.DMA,
    ],
    compiler_params=_SC_PARAMS,
)
def _deg_kernel(dst_hbm, ones_hbm, zeros_hbm, out_hbm,
                dst_vm, ones_vm, zero_vm, buf_vm, acc, dsem):
    c = lax.axis_index("c")
    s = lax.axis_index("s")
    wid = c * NS + s
    pltpu.sync_copy(dst_hbm.at[pl.ds(wid * NCH, NCH)], dst_vm)
    pltpu.sync_copy(ones_hbm, ones_vm)
    pltpu.sync_copy(zeros_hbm, zero_vm)
    for z in range(ACC_ROWS // (NS * CH)):
        pltpu.sync_copy(zero_vm, acc.at[pl.ds(s * (ACC_ROWS // NS) + z * CH, CH)])
    plsc.subcore_barrier()

    def dscat(j):
        return pltpu.make_async_copy(ones_vm, acc.at[dst_vm.at[j]], dsem)

    for g in range(0, NCH - 7, 8):
        for j in range(g, g + 8):
            dscat(j).start(add=True)
        for j in range(g, g + 8):
            dscat(j).wait()
    for j in range(NCH - NCH % 8, NCH):
        dscat(j).start(add=True)
    for j in range(NCH - NCH % 8, NCH):
        dscat(j).wait()
    plsc.subcore_barrier()
    for z in range(ACC_ROWS // (NS * CH)):
        r = s * (ACC_ROWS // NS) + z * CH
        pltpu.sync_copy(acc.at[pl.ds(r, CH)], buf_vm)
        pltpu.sync_copy(buf_vm, out_hbm.at[c].at[pl.ds(r, CH)])


@functools.partial(
    pl.kernel,
    out_type=jax.ShapeDtypeStruct((NC, ACC_ROWS, NH), _F32),
    mesh=_sc_mesh(),
    scratch_types=[
        pltpu.VMEM((NCH_FAST, CH), jnp.int32),
        pltpu.VMEM((NCH_FAST, CH), jnp.int32),
        pltpu.VMEM((6, CH, NH), _F32),
        pltpu.VMEM((CH, NH), _F32),
        pltpu.VMEM_SHARED((ACC_ROWS, NH), _F32),
        pltpu.SemaphoreType.DMA((6,)),
        pltpu.SemaphoreType.DMA((6,)),
    ],
    compiler_params=_SC_PARAMS,
)
def _scatter_kernel(y_hbm, src_hbm, dst_hbm, zeros_hbm, out_hbm,
                    src_vm, dst_vm, rows_vm, zero_vm, acc, gsem, ssem):
    c = lax.axis_index("c")
    s = lax.axis_index("s")
    cnt = jnp.where(c == FAST_CORE, NCH_FAST, NCH_SLOW)
    base = jnp.where(c == FAST_CORE, NS * NCH_SLOW + s * NCH_FAST,
                     s * NCH_SLOW)
    pltpu.sync_copy(src_hbm.at[pl.ds(base, NCH_FAST)], src_vm)
    pltpu.sync_copy(dst_hbm.at[pl.ds(base, NCH_FAST)], dst_vm)
    pltpu.sync_copy(zeros_hbm, zero_vm)
    for z in range(ACC_ROWS // (NS * CH)):
        pltpu.sync_copy(zero_vm, acc.at[pl.ds(s * (ACC_ROWS // NS) + z * CH, CH)])
    plsc.subcore_barrier()

    def _gather(j):
        b = lax.rem(j, 6)
        pltpu.async_copy(y_hbm.at[src_vm.at[j]], rows_vm.at[b], gsem.at[b])

    def _scatter(j):
        b = lax.rem(j, 6)
        return pltpu.make_async_copy(rows_vm.at[b], acc.at[dst_vm.at[j]],
                                     ssem.at[b])

    for j in range(5):
        _gather(j)

    def body(j, carry):
        b = lax.rem(j, 6)
        pltpu.make_async_copy(y_hbm.at[src_vm.at[j]], rows_vm.at[b],
                              gsem.at[b]).wait()
        _scatter(j).start(add=True)

        @pl.when(j >= 1)
        def _():
            _scatter(j - 1).wait()

        @pl.when(j + 5 < cnt)
        def _():
            _gather(j + 5)

        return carry

    lax.fori_loop(0, cnt, body, 0)

    def drain(j, carry):
        _scatter(j).wait()
        return carry

    lax.fori_loop(cnt - 1, cnt, drain, 0)
    plsc.subcore_barrier()
    for z in range(ACC_ROWS // (NS * CH)):
        r = s * (ACC_ROWS // NS) + z * CH
        pltpu.sync_copy(acc.at[pl.ds(r, CH)], zero_vm)
        pltpu.sync_copy(zero_vm, out_hbm.at[c].at[pl.ds(r, CH)])


def _deg_stats(da_ref, db_ref):
    deg = da_ref[0, :, 0:1] + db_ref[0, :, 0:1] + 1.0
    return lax.rsqrt(deg), 1.0 / deg


def _tc_mm_body(lg_ref, w_ref, x1_ref):
    x1_ref[...] = jnp.dot(lg_ref[...], w_ref[...], preferred_element_type=_F32)


def _tc_scale_body(x1_ref, da_ref, db_ref, xs_ref, self1_ref):
    dis, inv = _deg_stats(da_ref, db_ref)
    x1 = x1_ref[...]
    xs_ref[...] = x1 * dis
    self1_ref[...] = x1 * inv


def _tc_b_body(sa_ref, sb_ref, da_ref, db_ref, self1_ref, b1_ref,
               hs_ref, self2_ref):
    dis, inv = _deg_stats(da_ref, db_ref)
    h = dis * (sa_ref[0] + sb_ref[0]) + self1_ref[...] + b1_ref[...]
    h = jnp.maximum(h, 0.0)
    hs_ref[...] = h * dis
    self2_ref[...] = h * inv


def _tc_c_body(sa_ref, sb_ref, da_ref, db_ref, self2_ref, w_ref, b2_ref,
               out_ref):
    dis, inv = _deg_stats(da_ref, db_ref)
    p = dis * (sa_ref[0] + sb_ref[0]) + self2_ref[...]
    out_ref[...] = jnp.dot(p, w_ref[...], preferred_element_type=_F32) + b2_ref[...]


def _rows(shape_minor):
    return pl.BlockSpec((BM, shape_minor), lambda i: (i, 0))


def _slab(shape_minor, k):
    return pl.BlockSpec((1, BM, shape_minor), lambda i, _k=k: (_k, i, 0))


def _whole(r, c_):
    return pl.BlockSpec((r, c_), lambda i: (0, 0))


_GRID = (N // BM,)


def _tc_mm(logits, w1):
    return pl.pallas_call(
        _tc_mm_body,
        grid=_GRID,
        in_specs=[_rows(NL), _whole(NL, NH)],
        out_specs=_rows(NH),
        out_shape=jax.ShapeDtypeStruct((N, NH), _F32),
    )(logits, w1)


def _tc_scale(x1, degp):
    return pl.pallas_call(
        _tc_scale_body,
        grid=_GRID,
        in_specs=[_rows(NH), _slab(DEGW, 0), _slab(DEGW, 1)],
        out_specs=[_rows(NH), _rows(NH)],
        out_shape=[jax.ShapeDtypeStruct((N, NH), _F32)] * 2,
    )(x1, degp, degp)


def _tc_b(s1, degp, self1, b1):
    return pl.pallas_call(
        _tc_b_body,
        grid=_GRID,
        in_specs=[_slab(NH, 0), _slab(NH, 1), _slab(DEGW, 0), _slab(DEGW, 1),
                  _rows(NH), _whole(1, NH)],
        out_specs=[_rows(NH), _rows(NH)],
        out_shape=[jax.ShapeDtypeStruct((N, NH), _F32)] * 2,
    )(s1, s1, degp, degp, self1, b1)


def _tc_c(s2, degp, self2, w2, b2):
    return pl.pallas_call(
        _tc_c_body,
        grid=_GRID,
        in_specs=[_slab(NH, 0), _slab(NH, 1), _slab(DEGW, 0), _slab(DEGW, 1),
                  _rows(NH), _whole(NH, NL), _whole(1, NL)],
        out_specs=_rows(NL),
        out_shape=jax.ShapeDtypeStruct((N, NL), _F32),
    )(s2, s2, degp, degp, self2, w2, b2)


def kernel(logits, edge_index, W1, b1, W2, b2):
    assert logits.shape == (N, NL) and edge_index.shape == (2, E)
    src = edge_index[0].astype(jnp.int32)
    dst = edge_index[1].astype(jnp.int32)
    pad = EPAD - E
    pad_dst = N + jnp.arange(pad, dtype=jnp.int32) % (ACC_ROWS - N)
    pad_src = jnp.arange(pad, dtype=jnp.int32) % N
    src_p = jnp.concatenate([src, pad_src]).reshape(NPOOL, CH)
    dst_p = jnp.concatenate([dst, pad_dst]).reshape(NPOOL, CH)

    ones16 = jnp.ones((CH, DEGW), _F32)
    zeros16 = jnp.zeros((CH, DEGW), _F32)
    zeros64 = jnp.zeros((CH, NH), _F32)

    degp = _deg_kernel(dst_p, ones16, zeros16)
    x1 = _tc_mm(logits, W1)
    xs, self1 = _tc_scale(x1, degp)
    s1 = _scatter_kernel(xs, src_p, dst_p, zeros64)
    hs, self2 = _tc_b(s1, degp, self1, b1.reshape(1, NH))
    s2 = _scatter_kernel(hs, src_p, dst_p, zeros64)
    return _tc_c(s2, degp, self2, W2, b2.reshape(1, NL))

# --- scband reference (transcript-rebuilt; emitter-appended) ---
"""Pipeline reference for scband-label-dependency-gcn-62955630624884 (READ-ONLY COPY).

The authoritative reference and input builder live on the scoring server;
editing this copy changes nothing except your own understanding.
"""

import jax, jax.numpy as jnp
import numpy as np

N_NODES = 10000
N_EDGES = 320000
NUM_LABELS = 128
HIDDEN = 64


def setup_inputs(seed: int = 0) -> dict:
    key = jax.random.key(seed)
    k1, k2, k3, k4, k5, k6 = jax.random.split(key, 6)
    logits = jax.random.normal(k1, (N_NODES, NUM_LABELS), dtype=jnp.float32)
    edge_index = jax.random.randint(k2, (2, N_EDGES), 0, N_NODES, dtype=jnp.int64)
    # GCNConv weights (glorot-style scale) and biases
    W1 = jax.random.normal(k3, (NUM_LABELS, HIDDEN), dtype=jnp.float32) * (1.0 / np.sqrt(NUM_LABELS))
    b1 = jnp.zeros((HIDDEN,), dtype=jnp.float32)
    W2 = jax.random.normal(k4, (HIDDEN, NUM_LABELS), dtype=jnp.float32) * (1.0 / np.sqrt(HIDDEN))
    b2 = jnp.zeros((NUM_LABELS,), dtype=jnp.float32)
    return {"logits": logits, "edge_index": edge_index, "W1": W1, "b1": b1, "W2": W2, "b2": b2}


def _gcn_conv(x, edge_index, W, b, num_nodes):
    # PyG GCNConv: x' = D^{-1/2} (A + I) D^{-1/2} X W + b, with added self-loops
    x = x @ W
    src = edge_index[0]
    dst = edge_index[1]
    loop = jnp.arange(num_nodes, dtype=src.dtype)
    src = jnp.concatenate([src, loop])
    dst = jnp.concatenate([dst, loop])
    ones = jnp.ones(src.shape[0], dtype=x.dtype)
    deg = jax.ops.segment_sum(ones, dst, num_segments=num_nodes)
    deg_inv_sqrt = jnp.where(deg > 0, 1.0 / jnp.sqrt(deg), 0.0)
    norm = deg_inv_sqrt[src] * deg_inv_sqrt[dst]
    msg = x[src] * norm[:, None]
    out = jax.ops.segment_sum(msg, dst, num_segments=num_nodes)
    return out + b


def reference(logits, edge_index, W1, b1, W2, b2):
    num_nodes = logits.shape[0]
    x = jax.nn.relu(_gcn_conv(logits, edge_index, W1, b1, num_nodes))
    x = _gcn_conv(x, edge_index, W2, b2, num_nodes)
    return x

if __name__ == "__main__":
    import jax
    _d = setup_inputs()
    print(jax.jit(kernel)(*tuple(_d.values())))

</pallas_src>

<mosaic_0001>
#map = affine_map<(d0, d1) -> (0, 0)>
#map1 = affine_map<(d0, d1) -> (0, 0, 0)>
module attributes {stable_mosaic.version = 14 : i64} {
  func.func @_deg_kernel(%arg0: i32, %arg1: i32, %arg2: memref<2528x128xi32, #tpu.memory_space<hbm>>, %arg3: memref<128x16xf32, #tpu.memory_space<hbm>>, %arg4: memref<128x16xf32, #tpu.memory_space<hbm>>, %arg5: memref<2x10240x16xf32, #tpu.memory_space<hbm>>, %arg6: memref<79x128xi32, #tpu.memory_space<vmem>>, %arg7: memref<128x16xf32, #tpu.memory_space<vmem>>, %arg8: memref<128x16xf32, #tpu.memory_space<vmem>>, %arg9: memref<128x16xf32, #tpu.memory_space<vmem>>, %arg10: memref<10240x16xf32, #tpu.memory_space<vmem_shared>>, %arg11: memref<!tpu.dma_semaphore, #tpu.memory_space<semaphore_mem>>) attributes {dimension_semantics = [#tpu.dimension_semantics<core_parallel>, #tpu.dimension_semantics<subcore_parallel>], iteration_bounds = array<i64: 2, 16>, scalar_prefetch = 0 : i64, scratch_operands = 6 : i64, tpu.core_type = #tpu.core_type<sc_vector_subcore>, window_params = [{transform_indices = #map}, {transform_indices = #map}, {transform_indices = #map}, {transform_indices = #map1}]} {
    %mul3A = arith.constant 16 : i32
    %mul3A_0 = arith.muli %arg0, %mul3A : i32
    %add3A = arith.addi %mul3A_0, %arg1 : i32
    %mul3A_1 = arith.constant 79 : i32
    %mul3A_2 = arith.muli %add3A, %mul3A_1 : i32
    "tpu.region"() ({
      %run_scoped3A = tpu.sem_alloc : memref<!tpu.dma_semaphore, #tpu.memory_space<semaphore_mem>>
      %dma_start3A_1148 = arith.constant 0 : i32
      %dma_start3A_1149 = tpu.memref_slice %arg2[%mul3A_2, %dma_start3A_1148] : memref<2528x128xi32, #tpu.memory_space<hbm>> -> memref<79x128xi32, #tpu.memory_space<hbm>>
      %dma_start3A_1150 = arith.constant 0 : i32
      %dma_start3A_1151 = tpu.memref_slice %arg2[%mul3A_2, %dma_start3A_1150] : memref<2528x128xi32, #tpu.memory_space<hbm>> -> memref<79x128xi32, #tpu.memory_space<hbm>>
      tpu.enqueue_dma source(%dma_start3A_1151 : memref<79x128xi32, #tpu.memory_space<hbm>>) target(%arg6 : memref<79x128xi32, #tpu.memory_space<vmem>>) target_semaphore(%run_scoped3A : memref<!tpu.dma_semaphore, #tpu.memory_space<semaphore_mem>>)
      %dma_wait3A_1152 = arith.constant 0 : i32
      %dma_wait3A_1153 = tpu.memref_slice %arg2[%mul3A_2, %dma_wait3A_1152] : memref<2528x128xi32, #tpu.memory_space<hbm>> -> memref<79x128xi32, #tpu.memory_space<hbm>>
      %dma_wait3A_1154 = arith.constant 0 : i32
      %dma_wait3A_1155 = tpu.memref_slice %arg2[%mul3A_2, %dma_wait3A_1154] : memref<2528x128xi32, #tpu.memory_space<hbm>> -> memref<79x128xi32, #tpu.memory_space<hbm>>
      tpu.wait_dma2 semaphore(%run_scoped3A : memref<!tpu.dma_semaphore, #tpu.memory_space<semaphore_mem>>) src(%dma_wait3A_1155 : memref<79x128xi32, #tpu.memory_space<hbm>>) dst(%arg6 : memref<79x128xi32, #tpu.memory_space<vmem>>)
      tpu.yield
    }) : () -> ()
    "tpu.region"() ({
      %run_scoped3A = tpu.sem_alloc : memref<!tpu.dma_semaphore, #tpu.memory_space<semaphore_mem>>
      tpu.enqueue_dma source(%arg3 : memref<128x16xf32, #tpu.memory_space<hbm>>) target(%arg7 : memref<128x16xf32, #tpu.memory_space<vmem>>) target_semaphore(%run_scoped3A : memref<!tpu.dma_semaphore, #tpu.memory_space<semaphore_mem>>)
      tpu.wait_dma2 semaphore(%run_scoped3A : memref<!tpu.dma_semaphore, #tpu.memory_space<semaphore_mem>>) src(%arg3 : memref<128x16xf32, #tpu.memory_space<hbm>>) dst(%arg7 : memref<128x16xf32, #tpu.memory_space<vmem>>)
      tpu.yield
    }) : () -> ()
    "tpu.region"() ({
      %run_scoped3A = tpu.sem_alloc : memref<!tpu.dma_semaphore, #tpu.memory_space<semaphore_mem>>
      tpu.enqueue_dma source(%arg4 : memref<128x16xf32, #tpu.memory_space<hbm>>) target(%arg8 : memref<128x16xf32, #tpu.memory_space<vmem>>) target_semaphore(%run_scoped3A : memref<!tpu.dma_semaphore, #tpu.memory_space<semaphore_mem>>)
      tpu.wait_dma2 semaphore(%run_scoped3A : memref<!tpu.dma_semaphore, #tpu.memory_space<semaphore_mem>>) src(%arg4 : memref<128x16xf32, #tpu.memory_space<hbm>>) dst(%arg8 : memref<128x16xf32, #tpu.memory_space<vmem>>)
      tpu.yield
    }) : () -> ()
    %mul3A_3 = arith.constant 640 : i32
    %mul3A_4 = arith.muli %arg1, %mul3A_3 : i32
    %add3A_5 = arith.constant 0 : i32
    %add3A_6 = arith.addi %mul3A_4, %add3A_5 : i32
    "tpu.region"() ({
      %run_scoped3A = tpu.sem_alloc : memref<!tpu.dma_semaphore, #tpu.memory_space<semaphore_mem>>
      %dma_start3A_1148 = arith.constant 0 : i32
      %dma_start3A_1149 = tpu.memref_slice %arg10[%add3A_6, %dma_start3A_1148] : memref<10240x16xf32, #tpu.memory_space<vmem_shared>> -> memref<128x16xf32, #tpu.memory_space<vmem_shared>>
      %dma_start3A_1150 = arith.constant 0 : i32
      %dma_start3A_1151 = tpu.memref_slice %arg10[%add3A_6, %dma_start3A_1150] : memref<10240x16xf32, #tpu.memory_space<vmem_shared>> -> memref<128x16xf32, #tpu.memory_space<vmem_shared>>
      tpu.enqueue_dma source(%arg8 : memref<128x16xf32, #tpu.memory_space<vmem>>) target(%dma_start3A_1151 : memref<128x16xf32, #tpu.memory_space<vmem_shared>>) target_semaphore(%run_scoped3A : memref<!tpu.dma_semaphore, #tpu.memory_space<semaphore_mem>>)
      %dma_wait3A_1152 = arith.constant 0 : i32
      %dma_wait3A_1153 = tpu.memref_slice %arg10[%add3A_6, %dma_wait3A_1152] : memref<10240x16xf32, #tpu.memory_space<vmem_shared>> -> memref<128x16xf32, #tpu.memory_space<vmem_shared>>
      %dma_wait3A_1154 = arith.constant 0 : i32
      %dma_wait3A_1155 = tpu.memref_slice %arg10[%add3A_6, %dma_wait3A_1154] : memref<10240x16xf32, #tpu.memory_space<vmem_shared>> -> memref<128x16xf32, #tpu.memory_space<vmem_shared>>
      tpu.wait_dma2 semaphore(%run_scoped3A : memref<!tpu.dma_semaphore, #tpu.memory_space<semaphore_mem>>) src(%arg8 : memref<128x16xf32, #tpu.memory_space<vmem>>) dst(%dma_wait3A_1155 : memref<128x16xf32, #tpu.memory_space<vmem_shared>>)
      tpu.yield
    }) : () -> ()
    %mul3A_7 = arith.constant 640 : i32
    %mul3A_8 = arith.muli %arg1, %mul3A_7 : i32
    %add3A_9 = arith.constant 128 : i32
    %add3A_10 = arith.addi %mul3A_8, %add3A_9 : i32
    "tpu.region"() ({
      %run_scoped3A = tpu.sem_alloc : memref<!tpu.dma_semaphore, #tpu.memory_space<semaphore_mem>>
      %dma_start3A_1148 = arith.constant 0 : i32
      %dma_start3A_1149 = tpu.memref_slice %arg10[%add3A_10, %dma_start3A_1148] : memref<10240x16xf32, #tpu.memory_space<vmem_shared>> -> memref<128x16xf32, #tpu.memory_space<vmem_shared>>
      %dma_start3A_1150 = arith.constant 0 : i32
      %dma_start3A_1151 = tpu.memref_slice %arg10[%add3A_10, %dma_start3A_1150] : memref<10240x16xf32, #tpu.memory_space<vmem_shared>> -> memref<128x16xf32, #tpu.memory_space<vmem_shared>>
      tpu.enqueue_dma source(%arg8 : memref<128x16xf32, #tpu.memory_space<vmem>>) target(%dma_start3A_1151 : memref<128x16xf32, #tpu.memory_space<vmem_shared>>) target_semaphore(%run_scoped3A : memref<!tpu.dma_semaphore, #tpu.memory_space<semaphore_mem>>)
      %dma_wait3A_1152 = arith.constant 0 : i32
      %dma_wait3A_1153 = tpu.memref_slice %arg10[%add3A_10, %dma_wait3A_1152] : memref<10240x16xf32, #tpu.memory_space<vmem_shared>> -> memref<128x16xf32, #tpu.memory_space<vmem_shared>>
      %dma_wait3A_1154 = arith.constant 0 : i32
      %dma_wait3A_1155 = tpu.memref_slice %arg10[%add3A_10, %dma_wait3A_1154] : memref<10240x16xf32, #tpu.memory_space<vmem_shared>> -> memref<128x16xf32, #tpu.memory_space<vmem_shared>>
      tpu.wait_dma2 semaphore(%run_scoped3A : memref<!tpu.dma_semaphore, #tpu.memory_space<semaphore_mem>>) src(%arg8 : memref<128x16xf32, #tpu.memory_space<vmem>>) dst(%dma_wait3A_1155 : memref<128x16xf32, #tpu.memory_space<vmem_shared>>)
      tpu.yield
    }) : () -> ()
    %mul3A_11 = arith.constant 640 : i32
    %mul3A_12 = arith.muli %arg1, %mul3A_11 : i32
    %add3A_13 = arith.constant 256 : i32
    %add3A_14 = arith.addi %mul3A_12, %add3A_13 : i32
    "tpu.region"() ({
      %run_scoped3A = tpu.sem_alloc : memref<!tpu.dma_semaphore, #tpu.memory_space<semaphore_mem>>
      %dma_start3A_1148 = arith.constant 0 : i32
      %dma_start3A_1149 = tpu.memref_slice %arg10[%add3A_14, %dma_start3A_1148] : memref<10240x16xf32, #tpu.memory_space<vmem_shared>> -> memref<128x16xf32, #tpu.memory_space<vmem_shared>>
      %dma_start3A_1150 = arith.constant 0 : i32
      %dma_start3A_1151 = tpu.memref_slice %arg10[%add3A_14, %dma_start3A_1150] : memref<10240x16xf32, #tpu.memory_space<vmem_shared>> -> memref<128x16xf32, #tpu.memory_space<vmem_shared>>
      tpu.enqueue_dma source(%arg8 : memref<128x16xf32, #tpu.memory_space<vmem>>) target(%dma_start3A_1151 : memref<128x16xf32, #tpu.memory_space<vmem_shared>>) target_semaphore(%run_scoped3A : memref<!tpu.dma_semaphore, #tpu.memory_space<semaphore_mem>>)
      %dma_wait3A_1152 = arith.constant 0 : i32
      %dma_wait3A_1153 = tpu.memref_slice %arg10[%add3A_14, %dma_wait3A_1152] : memref<10240x16xf32, #tpu.memory_space<vmem_shared>> -> memref<128x16xf32, #tpu.memory_space<vmem_shared>>
      %dma_wait3A_1154 = arith.constant 0 : i32
      %dma_wait3A_1155 = tpu.memref_slice %arg10[%add3A_14, %dma_wait3A_1154] : memref<10240x16xf32, #tpu.memory_space<vmem_shared>> -> memref<128x16xf32, #tpu.memory_space<vmem_shared>>
      tpu.wait_dma2 semaphore(%run_scoped3A : memref<!tpu.dma_semaphore, #tpu.memory_space<semaphore_mem>>) src(%arg8 : memref<128x16xf32, #tpu.memory_space<vmem>>) dst(%dma_wait3A_1155 : memref<128x16xf32, #tpu.memory_space<vmem_shared>>)
      tpu.yield
    }) : () -> ()
    %mul3A_15 = arith.constant 640 : i32
    %mul3A_16 = arith.muli %arg1, %mul3A_15 : i32
    %add3A_17 = arith.constant 384 : i32
    %add3A_18 = arith.addi %mul3A_16, %add3A_17 : i32
    "tpu.region"() ({
      %run_scoped3A = tpu.sem_alloc : memref<!tpu.dma_semaphore, #tpu.memory_space<semaphore_mem>>
      %dma_start3A_1148 = arith.constant 0 : i32
      %dma_start3A_1149 = tpu.memref_slice %arg10[%add3A_18, %dma_start3A_1148] : memref<10240x16xf32, #tpu.memory_space<vmem_shared>> -> memref<128x16xf32, #tpu.memory_space<vmem_shared>>
      %dma_start3A_1150 = arith.constant 0 : i32
      %dma_start3A_1151 = tpu.memref_slice %arg10[%add3A_18, %dma_start3A_1150] : memref<10240x16xf32, #tpu.memory_space<vmem_shared>> -> memref<128x16xf32, #tpu.memory_space<vmem_shared>>
      tpu.enqueue_dma source(%arg8 : memref<128x16xf32, #tpu.memory_space<vmem>>) target(%dma_start3A_1151 : memref<128x16xf32, #tpu.memory_space<vmem_shared>>) target_semaphore(%run_scoped3A : memref<!tpu.dma_semaphore, #tpu.memory_space<semaphore_mem>>)
      %dma_wait3A_1152 = arith.constant 0 : i32
      %dma_wait3A_1153 = tpu.memref_slice %arg10[%add3A_18, %dma_wait3A_1152] : memref<10240x16xf32, #tpu.memory_space<vmem_shared>> -> memref<128x16xf32, #tpu.memory_space<vmem_shared>>
      %dma_wait3A_1154 = arith.constant 0 : i32
      %dma_wait3A_1155 = tpu.memref_slice %arg10[%add3A_18, %dma_wait3A_1154] : memref<10240x16xf32, #tpu.memory_space<vmem_shared>> -> memref<128x16xf32, #tpu.memory_space<vmem_shared>>
      tpu.wait_dma2 semaphore(%run_scoped3A : memref<!tpu.dma_semaphore, #tpu.memory_space<semaphore_mem>>) src(%arg8 : memref<128x16xf32, #tpu.memory_space<vmem>>) dst(%dma_wait3A_1155 : memref<128x16xf32, #tpu.memory_space<vmem_shared>>)
      tpu.yield
    }) : () -> ()
    %mul3A_19 = arith.constant 640 : i32
    %mul3A_20 = arith.muli %arg1, %mul3A_19 : i32
    %add3A_21 = arith.constant 512 : i32
    %add3A_22 = arith.addi %mul3A_20, %add3A_21 : i32
    "tpu.region"() ({
      %run_scoped3A = tpu.sem_alloc : memref<!tpu.dma_semaphore, #tpu.memory_space<semaphore_mem>>
      %dma_start3A_1148 = arith.constant 0 : i32
      %dma_start3A_1149 = tpu.memref_slice %arg10[%add3A_22, %dma_start3A_1148] : memref<10240x16xf32, #tpu.memory_space<vmem_shared>> -> memref<128x16xf32, #tpu.memory_space<vmem_shared>>
      %dma_start3A_1150 = arith.constant 0 : i32
      %dma_start3A_1151 = tpu.memref_slice %arg10[%add3A_22, %dma_start3A_1150] : memref<10240x16xf32, #tpu.memory_space<vmem_shared>> -> memref<128x16xf32, #tpu.memory_space<vmem_shared>>
      tpu.enqueue_dma source(%arg8 : memref<128x16xf32, #tpu.memory_space<vmem>>) target(%dma_start3A_1151 : memref<128x16xf32, #tpu.memory_space<vmem_shared>>) target_semaphore(%run_scoped3A : memref<!tpu.dma_semaphore, #tpu.memory_space<semaphore_mem>>)
      %dma_wait3A_1152 = arith.constant 0 : i32
      %dma_wait3A_1153 = tpu.memref_slice %arg10[%add3A_22, %dma_wait3A_1152] : memref<10240x16xf32, #tpu.memory_space<vmem_shared>> -> memref<128x16xf32, #tpu.memory_space<vmem_shared>>
      %dma_wait3A_1154 = arith.constant 0 : i32
      %dma_wait3A_1155 = tpu.memref_slice %arg10[%add3A_22, %dma_wait3A_1154] : memref<10240x16xf32, #tpu.memory_space<vmem_shared>> -> memref<128x16xf32, #tpu.memory_space<vmem_shared>>
      tpu.wait_dma2 semaphore(%run_scoped3A : memref<!tpu.dma_semaphore, #tpu.memory_space<semaphore_mem>>) src(%arg8 : memref<128x16xf32, #tpu.memory_space<vmem>>) dst(%dma_wait3A_1155 : memref<128x16xf32, #tpu.memory_space<vmem_shared>>)
      tpu.yield
    }) : () -> ()
    %barrier3A = arith.constant 0 : index
    tpu.barrier barrier_id(%barrier3A)
    %dma_start3A = arith.constant 0 : i32
    %dma_start3A_23 = arith.constant 0 : i32
    %dma_start3A_24 = tpu.memref_slice %arg6[%dma_start3A, %dma_start3A_23] : memref<79x128xi32, #tpu.memory_space<vmem>> -> memref<1x128xi32, #tpu.memory_space<vmem>>
    %dma_start3A_25 = tpu.memref_squeeze %dma_start3A_24 : memref<1x128xi32, #tpu.memory_space<vmem>> -> memref<128xi32, #tpu.memory_space<vmem>>
    %dma_start3A_26 = arith.constant 0 : i32
    %dma_start3A_27 = arith.constant 0 : i32
    %dma_start3A_28 = tpu.memref_slice %arg10[%dma_start3A_26, %dma_start3A_27] : memref<10240x16xf32, #tpu.memory_space<vmem_shared>> -> memref<10240x16xf32, #tpu.memory_space<vmem_shared>>
    tpu.enqueue_indirect_dma source(%arg7 : memref<128x16xf32, #tpu.memory_space<vmem>>) target(%dma_start3A_28 : memref<10240x16xf32, #tpu.memory_space<vmem_shared>>) offsets(%dma_start3A_25 : memref<128xi32, #tpu.memory_space<vmem>>) semaphore(%arg11 : memref<!tpu.dma_semaphore, #tpu.memory_space<semaphore_mem>>) {add = true}
    %dma_start3A_29 = arith.constant 1 : i32
    %dma_start3A_30 = arith.constant 0 : i32
    %dma_start3A_31 = tpu.memref_slice %arg6[%dma_start3A_29, %dma_start3A_30] : memref<79x128xi32, #tpu.memory_space<vmem>> -> memref<1x128xi32, #tpu.memory_space<vmem>>
    %dma_start3A_32 = tpu.memref_squeeze %dma_start3A_31 : memref<1x128xi32, #tpu.memory_space<vmem>> -> memref<128xi32, #tpu.memory_space<vmem>>
    %dma_start3A_33 = arith.constant 0 : i32
    %dma_start3A_34 = arith.constant 0 : i32
    %dma_start3A_35 = tpu.memref_slice %arg10[%dma_start3A_33, %dma_start3A_34] : memref<10240x16xf32, #tpu.memory_space<vmem_shared>> -> memref<10240x16xf32, #tpu.memory_space<vmem_shared>>
    tpu.enqueue_indirect_dma source(%arg7 : memref<128x16xf32, #tpu.memory_space<vmem>>) target(%dma_start3A_35 : memref<10240x16xf32, #tpu.memory_space<vmem_shared>>) offsets(%dma_start3A_32 : memref<128xi32, #tpu.memory_space<vmem>>) semaphore(%arg11 : memref<!tpu.dma_semaphore, #tpu.memory_space<semaphore_mem>>) {add = true}
    %dma_start3A_36 = arith.constant 2 : i32
    %dma_start3A_37 = arith.constant 0 : i32
    %dma_start3A_38 = tpu.memref_slice %arg6[%dma_start3A_36, %dma_start3A_37] : memref<79x128xi32, #tpu.memory_space<vmem>> -> memref<1x128xi32, #tpu.memory_space<vmem>>
    %dma_start3A_39 = tpu.memref_squeeze %dma_start3A_38 : memref<1x128xi32, #tpu.memory_space<vmem>> -> memref<128xi32, #tpu.memory_space<vmem>>
    %dma_start3A_40 = arith.constant 0 : i32
    %dma_start3A_41 = arith.constant 0 : i32
    %dma_start3A_42 = tpu.memref_slice %arg10[%dma_start3A_40, %dma_start3A_41] : memref<10240x16xf32, #tpu.memory_space<vmem_shared>> -> memref<10240x16xf32, #tpu.memory_space<vmem_shared>>
    tpu.enqueue_indirect_dma source(%arg7 : memref<128x16xf32, #tpu.memory_space<vmem>>) target(%dma_start3A_42 : memref<10240x16xf32, #tpu.memory_space<vmem_shared>>) offsets(%dma_start3A_39 : memref<128xi32, #tpu.memory_space<vmem>>) semaphore(%arg11 : memref<!tpu.dma_semaphore, #tpu.memory_space<semaphore_mem>>) {add = true}
    %dma_start3A_43 = arith.constant 3 : i32
    %dma_start3A_44 = arith.constant 0 : i32
    %dma_start3A_45 = tpu.memref_slice %arg6[%dma_start3A_43, %dma_start3A_44] : memref<79x128xi32, #tpu.memory_space<vmem>> -> memref<1x128xi32, #tpu.memory_space<vmem>>
    %dma_start3A_46 = tpu.memref_squeeze %dma_start3A_45 : memref<1x128xi32, #tpu.memory_space<vmem>> -> memref<128xi32, #tpu.memory_space<vmem>>
    %dma_start3A_47 = arith.constant 0 : i32
    %dma_start3A_48 = arith.constant 0 : i32
    %dma_start3A_49 = tpu.memref_slice %arg10[%dma_start3A_47, %dma_start3A_48] : memref<10240x16xf32, #tpu.memory_space<vmem_shared>> -> memref<10240x16xf32, #tpu.memory_space<vmem_shared>>
    tpu.enqueue_indirect_dma source(%arg7 : memref<128x16xf32, #tpu.memory_space<vmem>>) target(%dma_start3A_49 : memref<10240x16xf32, #tpu.memory_space<vmem_shared>>) offsets(%dma_start3A_46 : memref<128xi32, #tpu.memory_space<vmem>>) semaphore(%arg11 : memref<!tpu.dma_semaphore, #tpu.memory_space<semaphore_mem>>) {add = true}
    %dma_start3A_50 = arith.constant 4 : i32
    %dma_start3A_51 = arith.constant 0 : i32
    %dma_start3A_52 = tpu.memref_slice %arg6[%dma_start3A_50, %dma_start3A_51] : memref<79x128xi32, #tpu.memory_space<vmem>> -> memref<1x128xi32, #tpu.memory_space<vmem>>
    %dma_start3A_53 = tpu.memref_squeeze %dma_start3A_52 : memref<1x128xi32, #tpu.memory_space<vmem>> -> memref<128xi32, #tpu.memory_space<vmem>>
    %dma_start3A_54 = arith.constant 0 : i32
    %dma_start3A_55 = arith.constant 0 : i32
    %dma_start3A_56 = tpu.memref_slice %arg10[%dma_start3A_54, %dma_start3A_55] : memref<10240x16xf32, #tpu.memory_space<vmem_shared>> -> memref<10240x16xf32, #tpu.memory_space<vmem_shared>>
    tpu.enqueue_indirect_dma source(%arg7 : memref<128x16xf32, #tpu.memory_space<vmem>>) target(%dma_start3A_56 : memref<10240x16xf32, #tpu.memory_space<vmem_shared>>) offsets(%dma_start3A_53 : memref<128xi32, #tpu.memory_space<vmem>>) semaphore(%arg11 : memref<!tpu.dma_semaphore, #tpu.memory_space<semaphore_mem>>) {add = true}
    %dma_start3A_57 = arith.constant 5 : i32
    %dma_start3A_58 = arith.constant 0 : i32
    %dma_start3A_59 = tpu.memref_slice %arg6[%dma_start3A_57, %dma_start3A_58] : memref<79x128xi32, #tpu.memory_space<vmem>> -> memref<1x128xi32, #tpu.memory_space<vmem>>
    %dma_start3A_60 = tpu.memref_squeeze %dma_start3A_59 : memref<1x128xi32, #tpu.memory_space<vmem>> -> memref<128xi32, #tpu.memory_space<vmem>>
    %dma_start3A_61 = arith.constant 0 : i32
    %dma_start3A_62 = arith.constant 0 : i32
    %dma_start3A_63 = tpu.memref_slice %arg10[%dma_start3A_61, %dma_start3A_62] : memref<10240x16xf32, #tpu.memory_space<vmem_shared>> -> memref<10240x16xf32, #tpu.memory_space<vmem_shared>>
    tpu.enqueue_indirect_dma source(%arg7 : memref<128x16xf32, #tpu.memory_space<vmem>>) target(%dma_start3A_63 : memref<10240x16xf32, #tpu.memory_space<vmem_shared>>) offsets(%dma_start3A_60 : memref<128xi32, #tpu.memory_space<vmem>>) semaphore(%arg11 : memref<!tpu.dma_semaphore, #tpu.memory_space<semaphore_mem>>) {add = true}
    %dma_start3A_64 = arith.constant 6 : i32
    %dma_start3A_65 = arith.constant 0 : i32
    %dma_start3A_66 = tpu.memref_slice %arg6[%dma_start3A_64, %dma_start3A_65] : memref<79x128xi32, #tpu.memory_space<vmem>> -> memref<1x128xi32, #tpu.memory_space<vmem>>
    %dma_start3A_67 = tpu.memref_squeeze %dma_start3A_66 : memref<1x128xi32, #tpu.memory_space<vmem>> -> memref<128xi32, #tpu.memory_space<vmem>>
    %dma_start3A_68 = arith.constant 0 : i32
    %dma_start3A_69 = arith.constant 0 : i32
    %dma_start3A_70 = tpu.memref_slice %arg10[%dma_start3A_68, %dma_start3A_69] : memref<10240x16xf32, #tpu.memory_space<vmem_shared>> -> memref<10240x16xf32, #tpu.memory_space<vmem_shared>>
    tpu.enqueue_indirect_dma source(%arg7 : memref<128x16xf32, #tpu.memory_space<vmem>>) target(%dma_start3A_70 : memref<10240x16xf32, #tpu.memory_space<vmem_shared>>) offsets(%dma_start3A_67 : memref<128xi32, #tpu.memory_space<vmem>>) semaphore(%arg11 : memref<!tpu.dma_semaphore, #tpu.memory_space<semaphore_mem>>) {add = true}
    %dma_start3A_71 = arith.constant 7 : i32
    %dma_start3A_72 = arith.constant 0 : i32
    %dma_start3A_73 = tpu.memref_slice %arg6[%dma_start3A_71, %dma_start3A_72] : memref<79x128xi32, #tpu.memory_space<vmem>> -> memref<1x128xi32, #tpu.memory_space<vmem>>
    %dma_start3A_74 = tpu.memref_squeeze %dma_start3A_73 : memref<1x128xi32, #tpu.memory_space<vmem>> -> memref<128xi32, #tpu.memory_space<vmem>>
    %dma_start3A_75 = arith.constant 0 : i32
    %dma_start3A_76 = arith.constant 0 : i32
    %dma_start3A_77 = tpu.memref_slice %arg10[%dma_start3A_75, %dma_start3A_76] : memref<10240x16xf32, #tpu.memory_space<vmem_shared>> -> memref<10240x16xf32, #tpu.memory_space<vmem_shared>>
    tpu.enqueue_indirect_dma source(%arg7 : memref<128x16xf32, #tpu.memory_space<vmem>>) target(%dma_start3A_77 : memref<10240x16xf32, #tpu.memory_space<vmem_shared>>) offsets(%dma_start3A_74 : memref<128xi32, #tpu.memory_space<vmem>>) semaphore(%arg11 : memref<!tpu.dma_semaphore, #tpu.memory_space<semaphore_mem>>) {add = true}
    %dma_wait3A = arith.constant 0 : i32
    %dma_wait3A_78 = arith.constant 0 : i32
    %dma_wait3A_79 = tpu.memref_slice %arg6[%dma_wait3A, %dma_wait3A_78] : memref<79x128xi32, #tpu.memory_space<vmem>> -> memref<1x128xi32, #tpu.memory_space<vmem>>
    %dma_wait3A_80 = tpu.memref_squeeze %dma_wait3A_79 : memref<1x128xi32, #tpu.memory_space<vmem>> -> memref<128xi32, #tpu.memory_space<vmem>>
    %dma_wait3A_81 = arith.constant 0 : i32
    %dma_wait3A_82 = arith.constant 0 : i32
    %dma_wait3A_83 = tpu.memref_slice %arg10[%dma_wait3A_81, %dma_wait3A_82] : memref<10240x16xf32, #tpu.memory_space<vmem_shared>> -> memref<10240x16xf32, #tpu.memory_space<vmem_shared>>
    tpu.wait_indirect_dma semaphore(%arg11 : memref<!tpu.dma_semaphore, #tpu.memory_space<semaphore_mem>>) src(%arg7 : memref<128x16xf32, #tpu.memory_space<vmem>>) dst(%dma_wait3A_83 : memref<10240x16xf32, #tpu.memory_space<vmem_shared>>)
    %dma_wait3A_84 = arith.constant 1 : i32
    %dma_wait3A_85 = arith.constant 0 : i32
    %dma_wait3A_86 = tpu.memref_slice %arg6[%dma_wait3A_84, %dma_wait3A_85] : memref<79x128xi32, #tpu.memory_space<vmem>> -> memref<1x128xi32, #tpu.memory_space<vmem>>
    %dma_wait3A_87 = tpu.memref_squeeze %dma_wait3A_86 : memref<1x128xi32, #tpu.memory_space<vmem>> -> memref<128xi32, #tpu.memory_space<vmem>>
    %dma_wait3A_88 = arith.constant 0 : i32
    %dma_wait3A_89 = arith.constant 0 : i32
    %dma_wait3A_90 = tpu.memref_slice %arg10[%dma_wait3A_88, %dma_wait3A_89] : memref<10240x16xf32, #tpu.memory_space<vmem_shared>> -> memref<10240x16xf32, #tpu.memory_space<vmem_shared>>
    tpu.wait_indirect_dma semaphore(%arg11 : memref<!tpu.dma_semaphore, #tpu.memory_space<semaphore_mem>>) src(%arg7 : memref<128x16xf32, #tpu.memory_space<vmem>>) dst(%dma_wait3A_90 : memref<10240x16xf32, #tpu.memory_space<vmem_shared>>)
    %dma_wait3A_91 = arith.constant 2 : i32
    %dma_wait3A_92 = arith.constant 0 : i32
    %dma_wait3A_93 = tpu.memref_slice %arg6[%dma_wait3A_91, %dma_wait3A_92] : memref<79x128xi32, #tpu.memory_space<vmem>> -> memref<1x128xi32, #tpu.memory_space<vmem>>
    %dma_wait3A_94 = tpu.memref_squeeze %dma_wait3A_93 : memref<1x128xi32, #tpu.memory_space<vmem>> -> memref<128xi32, #tpu.memory_space<vmem>>
    %dma_wait3A_95 = arith.constant 0 : i32
    %dma_wait3A_96 = arith.constant 0 : i32
    %dma_wait3A_97 = tpu.memref_slice %arg10[%dma_wait3A_95, %dma_wait3A_96] : memref<10240x16xf32, #tpu.memory_space<vmem_shared>> -> memref<10240x16xf32, #tpu.memory_space<vmem_shared>>
    tpu.wait_indirect_dma semaphore(%arg11 : memref<!tpu.dma_semaphore, #tpu.memory_space<semaphore_mem>>) src(%arg7 : memref<128x16xf32, #tpu.memory_space<vmem>>) dst(%dma_wait3A_97 : memref<10240x16xf32, #tpu.memory_space<vmem_shared>>)
    %dma_wait3A_98 = arith.constant 3 : i32
    %dma_wait3A_99 = arith.constant 0 : i32
    %dma_wait3A_100 = tpu.memref_slice %arg6[%dma_wait3A_98, %dma_wait3A_99] : memref<79x128xi32, #tpu.memory_space<vmem>> -> memref<1x128xi32, #tpu.memory_space<vmem>>
    %dma_wait3A_101 = tpu.memref_squeeze %dma_wait3A_100 : memref<1x128xi32, #tpu.memory_space<vmem>> -> memref<128xi32, #tpu.memory_space<vmem>>
    %dma_wait3A_102 = arith.constant 0 : i32
    %dma_wait3A_103 = arith.constant 0 : i32
    %dma_wait3A_104 = tpu.memref_slice %arg10[%dma_wait3A_102, %dma_wait3A_103] : memref<10240x16xf32, #tpu.memory_space<vmem_shared>> -> memref<10240x16xf32, #tpu.memory_space<vmem_shared>>
    tpu.wait_indirect_dma semaphore(%arg11 : memref<!tpu.dma_semaphore, #tpu.memory_space<semaphore_mem>>) src(%arg7 : memref<128x16xf32, #tpu.memory_space<vmem>>) dst(%dma_wait3A_104 : memref<10240x16xf32, #tpu.memory_space<vmem_shared>>)
    %dma_wait3A_105 = arith.constant 4 : i32
    %dma_wait3A_106 = arith.constant 0 : i32
    %dma_wait3A_107 = tpu.memref_slice %arg6[%dma_wait3A_105, %dma_wait3A_106] : memref<79x128xi32, #tpu.memory_space<vmem>> -> memref<1x128xi32, #tpu.memory_space<vmem>>
    %dma_wait3A_108 = tpu.memref_squeeze %dma_wait3A_107 : memref<1x128xi32, #tpu.memory_space<vmem>> -> memref<128xi32, #tpu.memory_space<vmem>>
    %dma_wait3A_109 = arith.constant 0 : i32
    %dma_wait3A_110 = arith.constant 0 : i32
    %dma_wait3A_111 = tpu.memref_slice %arg10[%dma_wait3A_109, %dma_wait3A_110] : memref<10240x16xf32, #tpu.memory_space<vmem_shared>> -> memref<10240x16xf32, #tpu.memory_space<vmem_shared>>
    tpu.wait_indirect_dma semaphore(%arg11 : memref<!tpu.dma_semaphore, #tpu.memory_space<semaphore_mem>>) src(%arg7 : memref<128x16xf32, #tpu.memory_space<vmem>>) dst(%dma_wait3A_111 : memref<10240x16xf32, #tpu.memory_space<vmem_shared>>)
    %dma_wait3A_112 = arith.constant 5 : i32
    %dma_wait3A_113 = arith.constant 0 : i32
    %dma_wait3A_114 = tpu.memref_slice %arg6[%dma_wait3A_112, %dma_wait3A_113] : memref<79x128xi32, #tpu.memory_space<vmem>> -> memref<1x128xi32, #tpu.memory_space<vmem>>
    %dma_wait3A_115 = tpu.memref_squeeze %dma_wait3A_114 : memref<1x128xi32, #tpu.memory_space<vmem>> -> memref<128xi32, #tpu.memory_space<vmem>>
    %dma_wait3A_116 = arith.constant 0 : i32
    %dma_wait3A_117 = arith.constant 0 : i32
    %dma_wait3A_118 = tpu.memref_slice %arg10[%dma_wait3A_116, %dma_wait3A_117] : memref<10240x16xf32, #tpu.memory_space<vmem_shared>> -> memref<10240x16xf32, #tpu.memory_space<vmem_shared>>
    tpu.wait_indirect_dma semaphore(%arg11 : memref<!tpu.dma_semaphore, #tpu.memory_space<semaphore_mem>>) src(%arg7 : memref<128x16xf32, #tpu.memory_space<vmem>>) dst(%dma_wait3A_118 : memref<10240x16xf32, #tpu.memory_space<vmem_shared>>)
    %dma_wait3A_119 = arith.constant 6 : i32
    %dma_wait3A_120 = arith.constant 0 : i32
    %dma_wait3A_121 = tpu.memref_slice %arg6[%dma_wait3A_119, %dma_wait3A_120] : memref<79x128xi32, #tpu.memory_space<vmem>> -> memref<1x128xi32, #tpu.memory_space<vmem>>
    %dma_wait3A_122 = tpu.memref_squeeze %dma_wait3A_121 : memref<1x128xi32, #tpu.memory_space<vmem>> -> memref<128xi32, #tpu.memory_space<vmem>>
    %dma_wait3A_123 = arith.constant 0 : i32
    %dma_wait3A_124 = arith.constant 0 : i32
    %dma_wait3A_125 = tpu.memref_slice %arg10[%dma_wait3A_123, %dma_wait3A_124] : memref<10240x16xf32, #tpu.memory_space<vmem_shared>> -> memref<10240x16xf32, #tpu.memory_space<vmem_shared>>
    tpu.wait_indirect_dma semaphore(%arg11 : memref<!tpu.dma_semaphore, #tpu.memory_space<semaphore_mem>>) src(%arg7 : memref<128x16xf32, #tpu.memory_space<vmem>>) dst(%dma_wait3A_125 : memref<10240x16xf32, #tpu.memory_space<vmem_shared>>)
    %dma_wait3A_126 = arith.constant 7 : i32
    %dma_wait3A_127 = arith.constant 0 : i32
    %dma_wait3A_128 = tpu.memref_slice %arg6[%dma_wait3A_126, %dma_wait3A_127] : memref<79x128xi32, #tpu.memory_space<vmem>> -> memref<1x128xi32, #tpu.memory_space<vmem>>
    %dma_wait3A_129 = tpu.memref_squeeze %dma_wait3A_128 : memref<1x128xi32, #tpu.memory_space<vmem>> -> memref<128xi32, #tpu.memory_space<vmem>>
    %dma_wait3A_130 = arith.constant 0 : i32
    %dma_wait3A_131 = arith.constant 0 : i32
    %dma_wait3A_132 = tpu.memref_slice %arg10[%dma_wait3A_130, %dma_wait3A_131] : memref<10240x16xf32, #tpu.memory_space<vmem_shared>> -> memref<10240x16xf32, #tpu.memory_space<vmem_shared>>
    tpu.wait_indirect_dma semaphore(%arg11 : memref<!tpu.dma_semaphore, #tpu.memory_space<semaphore_mem>>) src(%arg7 : memref<128x16xf32, #tpu.memory_space<vmem>>) dst(%dma_wait3A_132 : memref<10240x16xf32, #tpu.memory_space<vmem_shared>>)
    %dma_start3A_133 = arith.constant 8 : i32
    %dma_start3A_134 = arith.constant 0 : i32
    %dma_start3A_135 = tpu.memref_slice %arg6[%dma_start3A_133, %dma_start3A_134] : memref<79x128xi32, #tpu.memory_space<vmem>> -> memref<1x128xi32, #tpu.memory_space<vmem>>
    %dma_start3A_136 = tpu.memref_squeeze %dma_start3A_135 : memref<1x128xi32, #tpu.memory_space<vmem>> -> memref<128xi32, #tpu.memory_space<vmem>>
    %dma_start3A_137 = arith.constant 0 : i32
    %dma_start3A_138 = arith.constant 0 : i32
    %dma_start3A_139 = tpu.memref_slice %arg10[%dma_start3A_137, %dma_start3A_138] : memref<10240x16xf32, #tpu.memory_space<vmem_shared>> -> memref<10240x16xf32, #tpu.memory_space<vmem_shared>>
    tpu.enqueue_indirect_dma source(%arg7 : memref<128x16xf32, #tpu.memory_space<vmem>>) target(%dma_start3A_139 : memref<10240x16xf32, #tpu.memory_space<vmem_shared>>) offsets(%dma_start3A_136 : memref<128xi32, #tpu.memory_space<vmem>>) semaphore(%arg11 : memref<!tpu.dma_semaphore, #tpu.memory_space<semaphore_mem>>) {add = true}
    %dma_start3A_140 = arith.constant 9 : i32
    %dma_start3A_141 = arith.constant 0 : i32
    %dma_start3A_142 = tpu.memref_slice %arg6[%dma_start3A_140, %dma_start3A_141] : memref<79x128xi32, #tpu.memory_space<vmem>> -> memref<1x128xi32, #tpu.memory_space<vmem>>
    %dma_start3A_143 = tpu.memref_squeeze %dma_start3A_142 : memref<1x128xi32, #tpu.memory_space<vmem>> -> memref<128xi32, #tpu.memory_space<vmem>>
    %dma_start3A_144 = arith.constant 0 : i32
    %dma_start3A_145 = arith.constant 0 : i32
    %dma_start3A_146 = tpu.memref_slice %arg10[%dma_start3A_144, %dma_start3A_145] : memref<10240x16xf32, #tpu.memory_space<vmem_shared>> -> memref<10240x16xf32, #tpu.memory_space<vmem_shared>>
    tpu.enqueue_indirect_dma source(%arg7 : memref<128x16xf32, #tpu.memory_space<vmem>>) target(%dma_start3A_146 : memref<10240x16xf32, #tpu.memory_space<vmem_shared>>) offsets(%dma_start3A_143 : memref<128xi32, #tpu.memory_space<vmem>>) semaphore(%arg11 : memref<!tpu.dma_semaphore, #tpu.memory_space<semaphore_mem>>) {add = true}
    %dma_start3A_147 = arith.constant 10 : i32
    %dma_start3A_148 = arith.constant 0 : i32
    %dma_start3A_149 = tpu.memref_slice %arg6[%dma_start3A_147, %dma_start3A_148] : memref<79x128xi32, #tpu.memory_space<vmem>> -> memref<1x128xi32, #tpu.memory_space<vmem>>
    %dma_start3A_150 = tpu.memref_squeeze %dma_start3A_149 : memref<1x128xi32, #tpu.memory_space<vmem>> -> memref<128xi32, #tpu.memory_space<vmem>>
    %dma_start3A_151 = arith.constant 0 : i32
    %dma_start3A_152 = arith.constant 0 : i32
    %dma_start3A_153 = tpu.memref_slice %arg10[%dma_start3A_151, %dma_start3A_152] : memref<10240x16xf32, #tpu.memory_space<vmem_shared>> -> memref<10240x16xf32, #tpu.memory_space<vmem_shared>>
    tpu.enqueue_indirect_dma source(%arg7 : memref<128x16xf32, #tpu.memory_space<vmem>>) target(%dma_start3A_153 : memref<10240x16xf32, #tpu.memory_space<vmem_shared>>) offsets(%dma_start3A_150 : memref<128xi32, #tpu.memory_space<vmem>>) semaphore(%arg11 : memref<!tpu.dma_semaphore, #tpu.memory_space<semaphore_mem>>) {add = true}
    %dma_start3A_154 = arith.constant 11 : i32
    %dma_start3A_155 = arith.constant 0 : i32
    %dma_start3A_156 = tpu.memref_slice %arg6[%dma_start3A_154, %dma_start3A_155] : memref<79x128xi32, #tpu.memory_space<vmem>> -> memref<1x128xi32, #tpu.memory_space<vmem>>
    %dma_start3A_157 = tpu.memref_squeeze %dma_start3A_156 : memref<1x128xi32, #tpu.memory_space<vmem>> -> memref<128xi32, #tpu.memory_space<vmem>>
    %dma_start3A_158 = arith.constant 0 : i32
    %dma_start3A_159 = arith.constant 0 : i32
    %dma_start3A_160 = tpu.memref_slice %arg10[%dma_start3A_158, %dma_start3A_159] : memref<10240x16xf32, #tpu.memory_space<vmem_shared>> -> memref<10240x16xf32, #tpu.memory_space<vmem_shared>>
    tpu.enqueue_indirect_dma source(%arg7 : memref<128x16xf32, #tpu.memory_space<vmem>>) target(%dma_start3A_160 : memref<10240x16xf32, #tpu.memory_space<vmem_shared>>) offsets(%dma_start3A_157 : memref<128xi32, #tpu.memory_space<vmem>>) semaphore(%arg11 : memref<!tpu.dma_semaphore, #tpu.memory_space<semaphore_mem>>) {add = true}
    %dma_start3A_161 = arith.constant 12 : i32
    %dma_start3A_162 = arith.constant 0 : i32
    %dma_start3A_163 = tpu.memref_slice %arg6[%dma_start3A_161, %dma_start3A_162] : memref<79x128xi32, #tpu.memory_space<vmem>> -> memref<1x128xi32, #tpu.memory_space<vmem>>
    %dma_start3A_164 = tpu.memref_squeeze %dma_start3A_163 : memref<1x128xi32, #tpu.memory_space<vmem>> -> memref<128xi32, #tpu.memory_space<vmem>>
    %dma_start3A_165 = arith.constant 0 : i32
    %dma_start3A_166 = arith.constant 0 : i32
    %dma_start3A_167 = tpu.memref_slice %arg10[%dma_start3A_165, %dma_start3A_166] : memref<10240x16xf32, #tpu.memory_space<vmem_shared>> -> memref<10240x16xf32, #tpu.memory_space<vmem_shared>>
    tpu.enqueue_indirect_dma source(%arg7 : memref<128x16xf32, #tpu.memory_space<vmem>>) target(%dma_start3A_167 : memref<10240x16xf32, #tpu.memory_space<vmem_shared>>) offsets(%dma_start3A_164 : memref<128xi32, #tpu.memory_space<vmem>>) semaphore(%arg11 : memref<!tpu.dma_semaphore, #tpu.memory_space<semaphore_mem>>) {add = true}
    %dma_start3A_168 = arith.constant 13 : i32
    %dma_start3A_169 = arith.constant 0 : i32
    %dma_start3A_170 = tpu.memref_slice %arg6[%dma_start3A_168, %dma_start3A_169] : memref<79x128xi32, #tpu.memory_space<vmem>> -> memref<1x128xi32, #tpu.memory_space<vmem>>
    %dma_start3A_171 = tpu.memref_squeeze %dma_start3A_170 : memref<1x128xi32, #tpu.memory_space<vmem>> -> memref<128xi32, #tpu.memory_space<vmem>>
    %dma_start3A_172 = arith.constant 0 : i32
    %dma_start3A_173 = arith.constant 0 : i32
    %dma_start3A_174 = tpu.memref_slice %arg10[%dma_start3A_172, %dma_start3A_173] : memref<10240x16xf32, #tpu.memory_space<vmem_shared>> -> memref<10240x16xf32, #tpu.memory_space<vmem_shared>>
    tpu.enqueue_indirect_dma source(%arg7 : memref<128x16xf32, #tpu.memory_space<vmem>>) target(%dma_start3A_174 : memref<10240x16xf32, #tpu.memory_space<vmem_shared>>) offsets(%dma_start3A_171 : memref<128xi32, #tpu.memory_space<vmem>>) semaphore(%arg11 : memref<!tpu.dma_semaphore, #tpu.memory_space<semaphore_mem>>) {add = true}
    %dma_start3A_175 = arith.constant 14 : i32
    %dma_start3A_176 = arith.constant 0 : i32
    %dma_start3A_177 = tpu.memref_slice %arg6[%dma_start3A_175, %dma_start3A_176] : memref<79x128xi32, #tpu.memory_space<vmem>> -> memref<1x128xi32, #tpu.memory_space<vmem>>
    %dma_start3A_178 = tpu.memref_squeeze %dma_start3A_177 : memref<1x128xi32, #tpu.memory_space<vmem>> -> memref<128xi32, #tpu.memory_space<vmem>>
    %dma_start3A_179 = arith.constant 0 : i32
    %dma_start3A_180 = arith.constant 0 : i32
    %dma_start3A_181 = tpu.memref_slice %arg10[%dma_start3A_179, %dma_start3A_180] : memref<10240x16xf32, #tpu.memory_space<vmem_shared>> -> memref<10240x16xf32, #tpu.memory_space<vmem_shared>>
    tpu.enqueue_indirect_dma source(%arg7 : memref<128x16xf32, #tpu.memory_space<vmem>>) target(%dma_start3A_181 : memref<10240x16xf32, #tpu.memory_space<vmem_shared>>) offsets(%dma_start3A_178 : memref<128xi32, #tpu.memory_space<vmem>>) semaphore(%arg11 : memref<!tpu.dma_semaphore, #tpu.memory_space<semaphore_mem>>) {add = true}
    %dma_start3A_182 = arith.constant 15 : i32
    %dma_start3A_183 = arith.constant 0 : i32
    %dma_start3A_184 = tpu.memref_slice %arg6[%dma_start3A_182, %dma_start3A_183] : memref<79x128xi32, #tpu.memory_space<vmem>> -> memref<1x128xi32, #tpu.memory_space<vmem>>
    %dma_start3A_185 = tpu.memref_squeeze %dma_start3A_184 : memref<1x128xi32, #tpu.memory_space<vmem>> -> memref<128xi32, #tpu.memory_space<vmem>>
    %dma_start3A_186 = arith.constant 0 : i32
    %dma_start3A_187 = arith.constant 0 : i32
    %dma_start3A_188 = tpu.memref_slice %arg10[%dma_start3A_186, %dma_start3A_187] : memref<10240x16xf32, #tpu.memory_space<vmem_shared>> -> memref<10240x16xf32, #tpu.memory_space<vmem_shared>>
    tpu.enqueue_indirect_dma source(%arg7 : memref<128x16xf32, #tpu.memory_space<vmem>>) target(%dma_start3A_188 : memref<10240x16xf32, #tpu.memory_space<vmem_shared>>) offsets(%dma_start3A_185 : memref<128xi32, #tpu.memory_space<vmem>>) semaphore(%arg11 : memref<!tpu.dma_semaphore, #tpu.memory_space<semaphore_mem>>) {add = true}
    %dma_wait3A_189 = arith.constant 8 : i32
    %dma_wait3A_190 = arith.constant 0 : i32
    %dma_wait3A_191 = tpu.memref_slice %arg6[%dma_wait3A_189, %dma_wait3A_190] : memref<79x128xi32, #tpu.memory_space<vmem>> -> memref<1x128xi32, #tpu.memory_space<vmem>>
    %dma_wait3A_192 = tpu.memref_squeeze %dma_wait3A_191 : memref<1x128xi32, #tpu.memory_space<vmem>> -> memref<128xi32, #tpu.memory_space<vmem>>
    %dma_wait3A_193 = arith.constant 0 : i32
    %dma_wait3A_194 = arith.constant 0 : i32
    %dma_wait3A_195 = tpu.memref_slice %arg10[%dma_wait3A_193, %dma_wait3A_194] : memref<10240x16xf32, #tpu.memory_space<vmem_shared>> -> memref<10240x16xf32, #tpu.memory_space<vmem_shared>>
    tpu.wait_indirect_dma semaphore(%arg11 : memref<!tpu.dma_semaphore, #tpu.memory_space<semaphore_mem>>) src(%arg7 : memref<128x16xf32, #tpu.memory_space<vmem>>) dst(%dma_wait3A_195 : memref<10240x16xf32, #tpu.memory_space<vmem_shared>>)
    %dma_wait3A_196 = arith.constant 9 : i32
    %dma_wait3A_197 = arith.constant 0 : i32
    %dma_wait3A_198 = tpu.memref_slice %arg6[%dma_wait3A_196, %dma_wait3A_197] : memref<79x128xi32, #tpu.memory_space<vmem>> -> memref<1x128xi32, #tpu.memory_space<vmem>>
    %dma_wait3A_199 = tpu.memref_squeeze %dma_wait3A_198 : memref<1x128xi32, #tpu.memory_space<vmem>> -> memref<128xi32, #tpu.memory_space<vmem>>
    %dma_wait3A_200 = arith.constant 0 : i32
    %dma_wait3A_201 = arith.constant 0 : i32
    %dma_wait3A_202 = tpu.memref_slice %arg10[%dma_wait3A_200, %dma_wait3A_201] : memref<10240x16xf32, #tpu.memory_space<vmem_shared>> -> memref<10240x16xf32, #tpu.memory_space<vmem_shared>>
    tpu.wait_indirect_dma semaphore(%arg11 : memref<!tpu.dma_semaphore, #tpu.memory_space<semaphore_mem>>) src(%arg7 : memref<128x16xf32, #tpu.memory_space<vmem>>) dst(%dma_wait3A_202 : memref<10240x16xf32, #tpu.memory_space<vmem_shared>>)
    %dma_wait3A_203 = arith.constant 10 : i32
    %dma_wait3A_204 = arith.constant 0 : i32
    %dma_wait3A_205 = tpu.memref_slice %arg6[%dma_wait3A_203, %dma_wait3A_204] : memref<79x128xi32, #tpu.memory_space<vmem>> -> memref<1x128xi32, #tpu.memory_space<vmem>>
    %dma_wait3A_206 = tpu.memref_squeeze %dma_wait3A_205 : memref<1x128xi32, #tpu.memory_space<vmem>> -> memref<128xi32, #tpu.memory_space<vmem>>
    %dma_wait3A_207 = arith.constant 0 : i32
    %dma_wait3A_208 = arith.constant 0 : i32
    %dma_wait3A_209 = tpu.memref_slice %arg10[%dma_wait3A_207, %dma_wait3A_208] : memref<10240x16xf32, #tpu.memory_space<vmem_shared>> -> memref<10240x16xf32, #tpu.memory_space<vmem_shared>>
    tpu.wait_indirect_dma semaphore(%arg11 : memref<!tpu.dma_semaphore, #tpu.memory_space<semaphore_mem>>) src(%arg7 : memref<128x16xf32, #tpu.memory_space<vmem>>) dst(%dma_wait3A_209 : memref<10240x16xf32, #tpu.memory_space<vmem_shared>>)
    %dma_wait3A_210 = arith.constant 11 : i32
    %dma_wait3A_211 = arith.constant 0 : i32
    %dma_wait3A_212 = tpu.memref_slice %arg6[%dma_wait3A_210, %dma_wait3A_211] : memref<79x128xi32, #tpu.memory_space<vmem>> -> memref<1x128xi32, #tpu.memory_space<vmem>>
    %dma_wait3A_213 = tpu.memref_squeeze %dma_wait3A_212 : memref<1x128xi32, #tpu.memory_space<vmem>> -> memref<128xi32, #tpu.memory_space<vmem>>
    %dma_wait3A_214 = arith.constant 0 : i32
    %dma_wait3A_215 = arith.constant 0 : i32
    %dma_wait3A_216 = tpu.memref_slice %arg10[%dma_wait3A_214, %dma_wait3A_215] : memref<10240x16xf32, #tpu.memory_space<vmem_shared>> -> memref<10240x16xf32, #tpu.memory_space<vmem_shared>>
    tpu.wait_indirect_dma semaphore(%arg11 : memref<!tpu.dma_semaphore, #tpu.memory_space<semaphore_mem>>) src(%arg7 : memref<128x16xf32, #tpu.memory_space<vmem>>) dst(%dma_wait3A_216 : memref<10240x16xf32, #tpu.memory_space<vmem_shared>>)
    %dma_wait3A_217 = arith.constant 12 : i32
    %dma_wait3A_218 = arith.constant 0 : i32
    %dma_wait3A_219 = tpu.memref_slice %arg6[%dma_wait3A_217, %dma_wait3A_218] : memref<79x128xi32, #tpu.memory_space<vmem>> -> memref<1x128xi32, #tpu.memory_space<vmem>>
    %dma_wait3A_220 = tpu.memref_squeeze %dma_wait3A_219 : memref<1x128xi32, #tpu.memory_space<vmem>> -> memref<128xi32, #tpu.memory_space<vmem>>
    %dma_wait3A_221 = arith.constant 0 : i32
    %dma_wait3A_222 = arith.constant 0 : i32
    %dma_wait3A_223 = tpu.memref_slice %arg10[%dma_wait3A_221, %dma_wait3A_222] : memref<10240x16xf32, #tpu.memory_space<vmem_shared>> -> memref<10240x16xf32, #tpu.memory_space<vmem_shared>>
    tpu.wait_indirect_dma semaphore(%arg11 : memref<!tpu.dma_semaphore, #tpu.memory_space<semaphore_mem>>) src(%arg7 : memref<128x16xf32, #tpu.memory_space<vmem>>) dst(%dma_wait3A_223 : memref<10240x16xf32, #tpu.memory_space<vmem_shared>>)
    %dma_wait3A_224 = arith.constant 13 : i32
    %dma_wait3A_225 = arith.constant 0 : i32
    %dma_wait3A_226 = tpu.memref_slice %arg6[%dma_wait3A_224, %dma_wait3A_225] : memref<79x128xi32, #tpu.memory_space<vmem>> -> memref<1x128xi32, #tpu.memory_space<vmem>>
    %dma_wait3A_227 = tpu.memref_squeeze %dma_wait3A_226 : memref<1x128xi32, #tpu.memory_space<vmem>> -> memref<128xi32, #tpu.memory_space<vmem>>
    %dma_wait3A_228 = arith.constant 0 : i32
    %dma_wait3A_229 = arith.constant 0 : i32
    %dma_wait3A_230 = tpu.memref_slice %arg10[%dma_wait3A_228, %dma_wait3A_229] : memref<10240x16xf32, #tpu.memory_space<vmem_shared>> -> memref<10240x16xf32, #tpu.memory_space<vmem_shared>>
    tpu.wait_indirect_dma semaphore(%arg11 : memref<!tpu.dma_semaphore, #tpu.memory_space<semaphore_mem>>) src(%arg7 : memref<128x16xf32, #tpu.memory_space<vmem>>) dst(%dma_wait3A_230 : memref<10240x16xf32, #tpu.memory_space<vmem_shared>>)
    %dma_wait3A_231 = arith.constant 14 : i32
    %dma_wait3A_232 = arith.constant 0 : i32
    %dma_wait3A_233 = tpu.memref_slice %arg6[%dma_wait3A_231, %dma_wait3A_232] : memref<79x128xi32, #tpu.memory_space<vmem>> -> memref<1x128xi32, #tpu.memory_space<vmem>>
    %dma_wait3A_234 = tpu.memref_squeeze %dma_wait3A_233 : memref<1x128xi32, #tpu.memory_space<vmem>> -> memref<128xi32, #tpu.memory_space<vmem>>
    %dma_wait3A_235 = arith.constant 0 : i32
    %dma_wait3A_236 = arith.constant 0 : i32
    %dma_wait3A_237 = tpu.memref_slice %arg10[%dma_wait3A_235, %dma_wait3A_236] : memref<10240x16xf32, #tpu.memory_space<vmem_shared>> -> memref<10240x16xf32, #tpu.memory_space<vmem_shared>>
    tpu.wait_indirect_dma semaphore(%arg11 : memref<!tpu.dma_semaphore, #tpu.memory_space<semaphore_mem>>) src(%arg7 : memref<128x16xf32, #tpu.memory_space<vmem>>) dst(%dma_wait3A_237 : memref<10240x16xf32, #tpu.memory_space<vmem_shared>>)
    %dma_wait3A_238 = arith.constant 15 : i32
    %dma_wait3A_239 = arith.constant 0 : i32
    %dma_wait3A_240 = tpu.memref_slice %arg6[%dma_wait3A_238, %dma_wait3A_239] : memref<79x128xi32, #tpu.memory_space<vmem>> -> memref<1x128xi32, #tpu.memory_space<vmem>>
    %dma_wait3A_241 = tpu.memref_squeeze %dma_wait3A_240 : memref<1x128xi32, #tpu.memory_space<vmem>> -> memref<128xi32, #tpu.memory_space<vmem>>
    %dma_wait3A_242 = arith.constant 0 : i32
    %dma_wait3A_243 = arith.constant 0 : i32
    %dma_wait3A_244 = tpu.memref_slice %arg10[%dma_wait3A_242, %dma_wait3A_243] : memref<10240x16xf32, #tpu.memory_space<vmem_shared>> -> memref<10240x16xf32, #tpu.memory_space<vmem_shared>>
    tpu.wait_indirect_dma semaphore(%arg11 : memref<!tpu.dma_semaphore, #tpu.memory_space<semaphore_mem>>) src(%arg7 : memref<128x16xf32, #tpu.memory_space<vmem>>) dst(%dma_wait3A_244 : memref<10240x16xf32, #tpu.memory_space<vmem_shared>>)
    %dma_start3A_245 = arith.constant 16 : i32
    %dma_start3A_246 = arith.constant 0 : i32
    %dma_start3A_247 = tpu.memref_slice %arg6[%dma_start3A_245, %dma_start3A_246] : memref<79x128xi32, #tpu.memory_space<vmem>> -> memref<1x128xi32, #tpu.memory_space<vmem>>
    %dma_start3A_248 = tpu.memref_squeeze %dma_start3A_247 : memref<1x128xi32, #tpu.memory_space<vmem>> -> memref<128xi32, #tpu.memory_space<vmem>>
    %dma_start3A_249 = arith.constant 0 : i32
    %dma_start3A_250 = arith.constant 0 : i32
    %dma_start3A_251 = tpu.memref_slice %arg10[%dma_start3A_249, %dma_start3A_250] : memref<10240x16xf32, #tpu.memory_space<vmem_shared>> -> memref<10240x16xf32, #tpu.memory_space<vmem_shared>>
    tpu.enqueue_indirect_dma source(%arg7 : memref<128x16xf32, #tpu.memory_space<vmem>>) target(%dma_start3A_251 : memref<10240x16xf32, #tpu.memory_space<vmem_shared>>) offsets(%dma_start3A_248 : memref<128xi32, #tpu.memory_space<vmem>>) semaphore(%arg11 : memref<!tpu.dma_semaphore, #tpu.memory_space<semaphore_mem>>) {add = true}
    %dma_start3A_252 = arith.constant 17 : i32
    %dma_start3A_253 = arith.constant 0 : i32
    %dma_start3A_254 = tpu.memref_slice %arg6[%dma_start3A_252, %dma_start3A_253] : memref<79x128xi32, #tpu.memory_space<vmem>> -> memref<1x128xi32, #tpu.memory_space<vmem>>
    %dma_start3A_255 = tpu.memref_squeeze %dma_start3A_254 : memref<1x128xi32, #tpu.memory_space<vmem>> -> memref<128xi32, #tpu.memory_space<vmem>>
    %dma_start3A_256 = arith.constant 0 : i32
    %dma_start3A_257 = arith.constant 0 : i32
    %dma_start3A_258 = tpu.memref_slice %arg10[%dma_start3A_256, %dma_start3A_257] : memref<10240x16xf32, #tpu.memory_space<vmem_shared>> -> memref<10240x16xf32, #tpu.memory_space<vmem_shared>>
    tpu.enqueue_indirect_dma source(%arg7 : memref<128x16xf32, #tpu.memory_space<vmem>>) target(%dma_start3A_258 : memref<10240x16xf32, #tpu.memory_space<vmem_shared>>) offsets(%dma_start3A_255 : memref<128xi32, #tpu.memory_space<vmem>>) semaphore(%arg11 : memref<!tpu.dma_semaphore, #tpu.memory_space<semaphore_mem>>) {add = true}
    %dma_start3A_259 = arith.constant 18 : i32
    %dma_start3A_260 = arith.constant 0 : i32
    %dma_start3A_261 = tpu.memref_slice %arg6[%dma_start3A_259, %dma_start3A_260] : memref<79x128xi32, #tpu.memory_space<vmem>> -> memref<1x128xi32, #tpu.memory_space<vmem>>
    %dma_start3A_262 = tpu.memref_squeeze %dma_start3A_261 : memref<1x128xi32, #tpu.memory_space<vmem>> -> memref<128xi32, #tpu.memory_space<vmem>>
    %dma_start3A_263 = arith.constant 0 : i32
    %dma_start3A_264 = arith.constant 0 : i32
    %dma_start3A_265 = tpu.memref_slice %arg10[%dma_start3A_263, %dma_start3A_264] : memref<10240x16xf32, #tpu.memory_space<vmem_shared>> -> memref<10240x16xf32, #tpu.memory_space<vmem_shared>>
    tpu.enqueue_indirect_dma source(%arg7 : memref<128x16xf32, #tpu.memory_space<vmem>>) target(%dma_start3A_265 : memref<10240x16xf32, #tpu.memory_space<vmem_shared>>) offsets(%dma_start3A_262 : memref<128xi32, #tpu.memory_space<vmem>>) semaphore(%arg11 : memref<!tpu.dma_semaphore, #tpu.memory_space<semaphore_mem>>) {add = true}
    %dma_start3A_266 = arith.constant 19 : i32
    %dma_start3A_267 = arith.constant 0 : i32
    %dma_start3A_268 = tpu.memref_slice %arg6[%dma_start3A_266, %dma_start3A_267] : memref<79x128xi32, #tpu.memory_space<vmem>> -> memref<1x128xi32, #tpu.memory_space<vmem>>
    %dma_start3A_269 = tpu.memref_squeeze %dma_start3A_268 : memref<1x128xi32, #tpu.memory_space<vmem>> -> memref<128xi32, #tpu.memory_space<vmem>>
    %dma_start3A_270 = arith.constant 0 : i32
    %dma_start3A_271 = arith.constant 0 : i32
    %dma_start3A_272 = tpu.memref_slice %arg10[%dma_start3A_270, %dma_start3A_271] : memref<10240x16xf32, #tpu.memory_space<vmem_shared>> -> memref<10240x16xf32, #tpu.memory_space<vmem_shared>>
    tpu.enqueue_indirect_dma source(%arg7 : memref<128x16xf32, #tpu.memory_space<vmem>>) target(%dma_start3A_272 : memref<10240x16xf32, #tpu.memory_space<vmem_shared>>) offsets(%dma_start3A_269 : memref<128xi32, #tpu.memory_space<vmem>>) semaphore(%arg11 : memref<!tpu.dma_semaphore, #tpu.memory_space<semaphore_mem>>) {add = true}
    %dma_start3A_273 = arith.constant 20 : i32
    %dma_start3A_274 = arith.constant 0 : i32
    %dma_start3A_275 = tpu.memref_slice %arg6[%dma_start3A_273, %dma_start3A_274] : memref<79x128xi32, #tpu.memory_space<vmem>> -> memref<1x128xi32, #tpu.memory_space<vmem>>
    %dma_start3A_276 = tpu.memref_squeeze %dma_start3A_275 : memref<1x128xi32, #tpu.memory_space<vmem>> -> memref<128xi32, #tpu.memory_space<vmem>>
    %dma_start3A_277 = arith.constant 0 : i32
    %dma_start3A_278 = arith.constant 0 : i32
    %dma_start3A_279 = tpu.memref_slice %arg10[%dma_start3A_277, %dma_start3A_278] : memref<10240x16xf32, #tpu.memory_space<vmem_shared>> -> memref<10240x16xf32, #tpu.memory_space<vmem_shared>>
    tpu.enqueue_indirect_dma source(%arg7 : memref<128x16xf32, #tpu.memory_space<vmem>>) target(%dma_start3A_279 : memref<10240x16xf32, #tpu.memory_space<vmem_shared>>) offsets(%dma_start3A_276 : memref<128xi32, #tpu.memory_space<vmem>>) semaphore(%arg11 : memref<!tpu.dma_semaphore, #tpu.memory_space<semaphore_mem>>) {add = true}
    %dma_start3A_280 = arith.constant 21 : i32
    %dma_start3A_281 = arith.constant 0 : i32
    %dma_start3A_282 = tpu.memref_slice %arg6[%dma_start3A_280, %dma_start3A_281] : memref<79x128xi32, #tpu.memory_space<vmem>> -> memref<1x128xi32, #tpu.memory_space<vmem>>
    %dma_start3A_283 = tpu.memref_squeeze %dma_start3A_282 : memref<1x128xi32, #tpu.memory_space<vmem>> -> memref<128xi32, #tpu.memory_space<vmem>>
    %dma_start3A_284 = arith.constant 0 : i32
    %dma_start3A_285 = arith.constant 0 : i32
    %dma_start3A_286 = tpu.memref_slice %arg10[%dma_start3A_284, %dma_start3A_285] : memref<10240x16xf32, #tpu.memory_space<vmem_shared>> -> memref<10240x16xf32, #tpu.memory_space<vmem_shared>>
    tpu.enqueue_indirect_dma source(%arg7 : memref<128x16xf32, #tpu.memory_space<vmem>>) target(%dma_start3A_286 : memref<10240x16xf32, #tpu.memory_space<vmem_shared>>) offsets(%dma_start3A_283 : memref<128xi32, #tpu.memory_space<vmem>>) semaphore(%arg11 : memref<!tpu.dma_semaphore, #tpu.memory_space<semaphore_mem>>) {add = true}
    %dma_start3A_287 = arith.constant 22 : i32
    %dma_start3A_288 = arith.constant 0 : i32
    %dma_start3A_289 = tpu.memref_slice %arg6[%dma_start3A_287, %dma_start3A_288] : memref<79x128xi32, #tpu.memory_space<vmem>> -> memref<1x128xi32, #tpu.memory_space<vmem>>
    %dma_start3A_290 = tpu.memref_squeeze %dma_start3A_289 : memref<1x128xi32, #tpu.memory_space<vmem>> -> memref<128xi32, #tpu.memory_space<vmem>>
    %dma_start3A_291 = arith.constant 0 : i32
    %dma_start3A_292 = arith.constant 0 : i32
    %dma_start3A_293 = tpu.memref_slice %arg10[%dma_start3A_291, %dma_start3A_292] : memref<10240x16xf32, #tpu.memory_space<vmem_shared>> -> memref<10240x16xf32, #tpu.memory_space<vmem_shared>>
    tpu.enqueue_indirect_dma source(%arg7 : memref<128x16xf32, #tpu.memory_space<vmem>>) target(%dma_start3A_293 : memref<10240x16xf32, #tpu.memory_space<vmem_shared>>) offsets(%dma_start3A_290 : memref<128xi32, #tpu.memory_space<vmem>>) semaphore(%arg11 : memref<!tpu.dma_semaphore, #tpu.memory_space<semaphore_mem>>) {add = true}
    %dma_start3A_294 = arith.constant 23 : i32
    %dma_start3A_295 = arith.constant 0 : i32
    %dma_start3A_296 = tpu.memref_slice %arg6[%dma_start3A_294, %dma_start3A_295] : memref<79x128xi32, #tpu.memory_space<vmem>> -> memref<1x128xi32, #tpu.memory_space<vmem>>
    %dma_start3A_297 = tpu.memref_squeeze %dma_start3A_296 : memref<1x128xi32, #tpu.memory_space<vmem>> -> memref<128xi32, #tpu.memory_space<vmem>>
    %dma_start3A_298 = arith.constant 0 : i32
    %dma_start3A_299 = arith.constant 0 : i32
    %dma_start3A_300 = tpu.memref_slice %arg10[%dma_start3A_298, %dma_start3A_299] : memref<10240x16xf32, #tpu.memory_space<vmem_shared>> -> memref<10240x16xf32, #tpu.memory_space<vmem_shared>>
    tpu.enqueue_indirect_dma source(%arg7 : memref<128x16xf32, #tpu.memory_space<vmem>>) target(%dma_start3A_300 : memref<10240x16xf32, #tpu.memory_space<vmem_shared>>) offsets(%dma_start3A_297 : memref<128xi32, #tpu.memory_space<vmem>>) semaphore(%arg11 : memref<!tpu.dma_semaphore, #tpu.memory_space<semaphore_mem>>) {add = true}
    %dma_wait3A_301 = arith.constant 16 : i32
    %dma_wait3A_302 = arith.constant 0 : i32
    %dma_wait3A_303 = tpu.memref_slice %arg6[%dma_wait3A_301, %dma_wait3A_302] : memref<79x128xi32, #tpu.memory_space<vmem>> -> memref<1x128xi32, #tpu.memory_space<vmem>>
    %dma_wait3A_304 = tpu.memref_squeeze %dma_wait3A_303 : memref<1x128xi32, #tpu.memory_space<vmem>> -> memref<128xi32, #tpu.memory_space<vmem>>
    %dma_wait3A_305 = arith.constant 0 : i32
    %dma_wait3A_306 = arith.constant 0 : i32
    %dma_wait3A_307 = tpu.memref_slice %arg10[%dma_wait3A_305, %dma_wait3A_306] : memref<10240x16xf32, #tpu.memory_space<vmem_shared>> -> memref<10240x16xf32, #tpu.memory_space<vmem_shared>>
    tpu.wait_indirect_dma semaphore(%arg11 : memref<!tpu.dma_semaphore, #tpu.memory_space<semaphore_mem>>) src(%arg7 : memref<128x16xf32, #tpu.memory_space<vmem>>) dst(%dma_wait3A_307 : memref<10240x16xf32, #tpu.memory_space<vmem_shared>>)
    %dma_wait3A_308 = arith.constant 17 : i32
    %dma_wait3A_309 = arith.constant 0 : i32
    %dma_wait3A_310 = tpu.memref_slice %arg6[%dma_wait3A_308, %dma_wait3A_309] : memref<79x128xi32, #tpu.memory_space<vmem>> -> memref<1x128xi32, #tpu.memory_space<vmem>>
    %dma_wait3A_311 = tpu.memref_squeeze %dma_wait3A_310 : memref<1x128xi32, #tpu.memory_space<vmem>> -> memref<128xi32, #tpu.memory_space<vmem>>
    %dma_wait3A_312 = arith.constant 0 : i32
    %dma_wait3A_313 = arith.constant 0 : i32
    %dma_wait3A_314 = tpu.memref_slice %arg10[%dma_wait3A_312, %dma_wait3A_313] : memref<10240x16xf32, #tpu.memory_space<vmem_shared>> -> memref<10240x16xf32, #tpu.memory_space<vmem_shared>>
    tpu.wait_indirect_dma semaphore(%arg11 : memref<!tpu.dma_semaphore, #tpu.memory_space<semaphore_mem>>) src(%arg7 : memref<128x16xf32, #tpu.memory_space<vmem>>) dst(%dma_wait3A_314 : memref<10240x16xf32, #tpu.memory_space<vmem_shared>>)
    %dma_wait3A_315 = arith.constant 18 : i32
    %dma_wait3A_316 = arith.constant 0 : i32
    %dma_wait3A_317 = tpu.memref_slice %arg6[%dma_wait3A_315, %dma_wait3A_316] : memref<79x128xi32, #tpu.memory_space<vmem>> -> memref<1x128xi32, #tpu.memory_space<vmem>>
    %dma_wait3A_318 = tpu.memref_squeeze %dma_wait3A_317 : memref<1x128xi32, #tpu.memory_space<vmem>> -> memref<128xi32, #tpu.memory_space<vmem>>
    %dma_wait3A_319 = arith.constant 0 : i32
    %dma_wait3A_320 = arith.constant 0 : i32
    %dma_wait3A_321 = tpu.memref_slice %arg10[%dma_wait3A_319, %dma_wait3A_320] : memref<10240x16xf32, #tpu.memory_space<vmem_shared>> -> memref<10240x16xf32, #tpu.memory_space<vmem_shared>>
    tpu.wait_indirect_dma semaphore(%arg11 : memref<!tpu.dma_semaphore, #tpu.memory_space<semaphore_mem>>) src(%arg7 : memref<128x16xf32, #tpu.memory_space<vmem>>) dst(%dma_wait3A_321 : memref<10240x16xf32, #tpu.memory_space<vmem_shared>>)
    %dma_wait3A_322 = arith.constant 19 : i32
    %dma_wait3A_323 = arith.constant 0 : i32
    %dma_wait3A_324 = tpu.memref_slice %arg6[%dma_wait3A_322, %dma_wait3A_323] : memref<79x128xi32, #tpu.memory_space<vmem>> -> memref<1x128xi32, #tpu.memory_space<vmem>>
    %dma_wait3A_325 = tpu.memref_squeeze %dma_wait3A_324 : memref<1x128xi32, #tpu.memory_space<vmem>> -> memref<128xi32, #tpu.memory_space<vmem>>
    %dma_wait3A_326 = arith.constant 0 : i32
    %dma_wait3A_327 = arith.constant 0 : i32
    %dma_wait3A_328 = tpu.memref_slice %arg10[%dma_wait3A_326, %dma_wait3A_327] : memref<10240x16xf32, #tpu.memory_space<vmem_shared>> -> memref<10240x16xf32, #tpu.memory_space<vmem_shared>>
    tpu.wait_indirect_dma semaphore(%arg11 : memref<!tpu.dma_semaphore, #tpu.memory_space<semaphore_mem>>) src(%arg7 : memref<128x16xf32, #tpu.memory_space<vmem>>) dst(%dma_wait3A_328 : memref<10240x16xf32, #tpu.memory_space<vmem_shared>>)
    %dma_wait3A_329 = arith.constant 20 : i32
    %dma_wait3A_330 = arith.constant 0 : i32
    %dma_wait3A_331 = tpu.memref_slice %arg6[%dma_wait3A_329, %dma_wait3A_330] : memref<79x128xi32, #tpu.memory_space<vmem>> -> memref<1x128xi32, #tpu.memory_space<vmem>>
    %dma_wait3A_332 = tpu.memref_squeeze %dma_wait3A_331 : memref<1x128xi32, #tpu.memory_space<vmem>> -> memref<128xi32, #tpu.memory_space<vmem>>
    %dma_wait3A_333 = arith.constant 0 : i32
    %dma_wait3A_334 = arith.constant 0 : i32
    %dma_wait3A_335 = tpu.memref_slice %arg10[%dma_wait3A_333, %dma_wait3A_334] : memref<10240x16xf32, #tpu.memory_space<vmem_shared>> -> memref<10240x16xf32, #tpu.memory_space<vmem_shared>>
    tpu.wait_indirect_dma semaphore(%arg11 : memref<!tpu.dma_semaphore, #tpu.memory_space<semaphore_mem>>) src(%arg7 : memref<128x16xf32, #tpu.memory_space<vmem>>) dst(%dma_wait3A_335 : memref<10240x16xf32, #tpu.memory_space<vmem_shared>>)
    %dma_wait3A_336 = arith.constant 21 : i32
    %dma_wait3A_337 = arith.constant 0 : i32
    %dma_wait3A_338 = tpu.memref_slice %arg6[%dma_wait3A_336, %dma_wait3A_337] : memref<79x128xi32, #tpu.memory_space<vmem>> -> memref<1x128xi32, #tpu.memory_space<vmem>>
    %dma_wait3A_339 = tpu.memref_squeeze %dma_wait3A_338 : memref<1x128xi32, #tpu.memory_space<vmem>> -> memref<128xi32, #tpu.memory_space<vmem>>
    %dma_wait3A_340 = arith.constant 0 : i32
    %dma_wait3A_341 = arith.constant 0 : i32
    %dma_wait3A_342 = tpu.memref_slice %arg10[%dma_wait3A_340, %dma_wait3A_341] : memref<10240x16xf32, #tpu.memory_space<vmem_shared>> -> memref<10240x16xf32, #tpu.memory_space<vmem_shared>>
    tpu.wait_indirect_dma semaphore(%arg11 : memref<!tpu.dma_semaphore, #tpu.memory_space<semaphore_mem>>) src(%arg7 : memref<128x16xf32, #tpu.memory_space<vmem>>) dst(%dma_wait3A_342 : memref<10240x16xf32, #tpu.memory_space<vmem_shared>>)
    %dma_wait3A_343 = arith.constant 22 : i32
    %dma_wait3A_344 = arith.constant 0 : i32
    %dma_wait3A_345 = tpu.memref_slice %arg6[%dma_wait3A_343, %dma_wait3A_344] : memref<79x128xi32, #tpu.memory_space<vmem>> -> memref<1x128xi32, #tpu.memory_space<vmem>>
    %dma_wait3A_346 = tpu.memref_squeeze %dma_wait3A_345 : memref<1x128xi32, #tpu.memory_space<vmem>> -> memref<128xi32, #tpu.memory_space<vmem>>
    %dma_wait3A_347 = arith.constant 0 : i32
    %dma_wait3A_348 = arith.constant 0 : i32
    %dma_wait3A_349 = tpu.memref_slice %arg10[%dma_wait3A_347, %dma_wait3A_348] : memref<10240x16xf32, #tpu.memory_space<vmem_shared>> -> memref<10240x16xf32, #tpu.memory_space<vmem_shared>>
    tpu.wait_indirect_dma semaphore(%arg11 : memref<!tpu.dma_semaphore, #tpu.memory_space<semaphore_mem>>) src(%arg7 : memref<128x16xf32, #tpu.memory_space<vmem>>) dst(%dma_wait3A_349 : memref<10240x16xf32, #tpu.memory_space<vmem_shared>>)
    %dma_wait3A_350 = arith.constant 23 : i32
    %dma_wait3A_351 = arith.constant 0 : i32
    %dma_wait3A_352 = tpu.memref_slice %arg6[%dma_wait3A_350, %dma_wait3A_351] : memref<79x128xi32, #tpu.memory_space<vmem>> -> memref<1x128xi32, #tpu.memory_space<vmem>>
    %dma_wait3A_353 = tpu.memref_squeeze %dma_wait3A_352 : memref<1x128xi32, #tpu.memory_space<vmem>> -> memref<128xi32, #tpu.memory_space<vmem>>
    %dma_wait3A_354 = arith.constant 0 : i32
    %dma_wait3A_355 = arith.constant 0 : i32
    %dma_wait3A_356 = tpu.memref_slice %arg10[%dma_wait3A_354, %dma_wait3A_355] : memref<10240x16xf32, #tpu.memory_space<vmem_shared>> -> memref<10240x16xf32, #tpu.memory_space<vmem_shared>>
    tpu.wait_indirect_dma semaphore(%arg11 : memref<!tpu.dma_semaphore, #tpu.memory_space<semaphore_mem>>) src(%arg7 : memref<128x16xf32, #tpu.memory_space<vmem>>) dst(%dma_wait3A_356 : memref<10240x16xf32, #tpu.memory_space<vmem_shared>>)
    %dma_start3A_357 = arith.constant 24 : i32
    %dma_start3A_358 = arith.constant 0 : i32
    %dma_start3A_359 = tpu.memref_slice %arg6[%dma_start3A_357, %dma_start3A_358] : memref<79x128xi32, #tpu.memory_space<vmem>> -> memref<1x128xi32, #tpu.memory_space<vmem>>
    %dma_start3A_360 = tpu.memref_squeeze %dma_start3A_359 : memref<1x128xi32, #tpu.memory_space<vmem>> -> memref<128xi32, #tpu.memory_space<vmem>>
    %dma_start3A_361 = arith.constant 0 : i32
    %dma_start3A_362 = arith.constant 0 : i32
    %dma_start3A_363 = tpu.memref_slice %arg10[%dma_start3A_361, %dma_start3A_362] : memref<10240x16xf32, #tpu.memory_space<vmem_shared>> -> memref<10240x16xf32, #tpu.memory_space<vmem_shared>>
    tpu.enqueue_indirect_dma source(%arg7 : memref<128x16xf32, #tpu.memory_space<vmem>>) target(%dma_start3A_363 : memref<10240x16xf32, #tpu.memory_space<vmem_shared>>) offsets(%dma_start3A_360 : memref<128xi32, #tpu.memory_space<vmem>>) semaphore(%arg11 : memref<!tpu.dma_semaphore, #tpu.memory_space<semaphore_mem>>) {add = true}
    %dma_start3A_364 = arith.constant 25 : i32
    %dma_start3A_365 = arith.constant 0 : i32
    %dma_start3A_366 = tpu.memref_slice %arg6[%dma_start3A_364, %dma_start3A_365] : memref<79x128xi32, #tpu.memory_space<vmem>> -> memref<1x128xi32, #tpu.memory_space<vmem>>
    %dma_start3A_367 = tpu.memref_squeeze %dma_start3A_366 : memref<1x128xi32, #tpu.memory_space<vmem>> -> memref<128xi32, #tpu.memory_space<vmem>>
    %dma_start3A_368 = arith.constant 0 : i32
    %dma_start3A_369 = arith.constant 0 : i32
    %dma_start3A_370 = tpu.memref_slice %arg10[%dma_start3A_368, %dma_start3A_369] : memref<10240x16xf32, #tpu.memory_space<vmem_shared>> -> memref<10240x16xf32, #tpu.memory_space<vmem_shared>>
    tpu.enqueue_indirect_dma source(%arg7 : memref<128x16xf32, #tpu.memory_space<vmem>>) target(%dma_start3A_370 : memref<10240x16xf32, #tpu.memory_space<vmem_shared>>) offsets(%dma_start3A_367 : memref<128xi32, #tpu.memory_space<vmem>>) semaphore(%arg11 : memref<!tpu.dma_semaphore, #tpu.memory_space<semaphore_mem>>) {add = true}
    %dma_start3A_371 = arith.constant 26 : i32
    %dma_start3A_372 = arith.constant 0 : i32
    %dma_start3A_373 = tpu.memref_slice %arg6[%dma_start3A_371, %dma_start3A_372] : memref<79x128xi32, #tpu.memory_space<vmem>> -> memref<1x128xi32, #tpu.memory_space<vmem>>
    %dma_start3A_374 = tpu.memref_squeeze %dma_start3A_373 : memref<1x128xi32, #tpu.memory_space<vmem>> -> memref<128xi32, #tpu.memory_space<vmem>>
    %dma_start3A_375 = arith.constant 0 : i32
    %dma_start3A_376 = arith.constant 0 : i32
    %dma_start3A_377 = tpu.memref_slice %arg10[%dma_start3A_375, %dma_start3A_376] : memref<10240x16xf32, #tpu.memory_space<vmem_shared>> -> memref<10240x16xf32, #tpu.memory_space<vmem_shared>>
    tpu.enqueue_indirect_dma source(%arg7 : memref<128x16xf32, #tpu.memory_space<vmem>>) target(%dma_start3A_377 : memref<10240x16xf32, #tpu.memory_space<vmem_shared>>) offsets(%dma_start3A_374 : memref<128xi32, #tpu.memory_space<vmem>>) semaphore(%arg11 : memref<!tpu.dma_semaphore, #tpu.memory_space<semaphore_mem>>) {add = true}
    %dma_start3A_378 = arith.constant 27 : i32
    %dma_start3A_379 = arith.constant 0 : i32
    %dma_start3A_380 = tpu.memref_slice %arg6[%dma_start3A_378, %dma_start3A_379] : memref<79x128xi32, #tpu.memory_space<vmem>> -> memref<1x128xi32, #tpu.memory_space<vmem>>
    %dma_start3A_381 = tpu.memref_squeeze %dma_start3A_380 : memref<1x128xi32, #tpu.memory_space<vmem>> -> memref<128xi32, #tpu.memory_space<vmem>>
    %dma_start3A_382 = arith.constant 0 : i32
    %dma_start3A_383 = arith.constant 0 : i32
    %dma_start3A_384 = tpu.memref_slice %arg10[%dma_start3A_382, %dma_start3A_383] : memref<10240x16xf32, #tpu.memory_space<vmem_shared>> -> memref<10240x16xf32, #tpu.memory_space<vmem_shared>>
    tpu.enqueue_indirect_dma source(%arg7 : memref<128x16xf32, #tpu.memory_space<vmem>>) target(%dma_start3A_384 : memref<10240x16xf32, #tpu.memory_space<vmem_shared>>) offsets(%dma_start3A_381 : memref<128xi32, #tpu.memory_space<vmem>>) semaphore(%arg11 : memref<!tpu.dma_semaphore, #tpu.memory_space<semaphore_mem>>) {add = true}
    %dma_start3A_385 = arith.constant 28 : i32
    %dma_start3A_386 = arith.constant 0 : i32
    %dma_start3A_387 = tpu.memref_slice %arg6[%dma_start3A_385, %dma_start3A_386] : memref<79x128xi32, #tpu.memory_space<vmem>> -> memref<1x128xi32, #tpu.memory_space<vmem>>
    %dma_start3A_388 = tpu.memref_squeeze %dma_start3A_387 : memref<1x128xi32, #tpu.memory_space<vmem>> -> memref<128xi32, #tpu.memory_space<vmem>>
    %dma_start3A_389 = arith.constant 0 : i32
    %dma_start3A_390 = arith.constant 0 : i32
    %dma_start3A_391 = tpu.memref_slice %arg10[%dma_start3A_389, %dma_start3A_390] : memref<10240x16xf32, #tpu.memory_space<vmem_shared>> -> memref<10240x16xf32, #tpu.memory_space<vmem_shared>>
    tpu.enqueue_indirect_dma source(%arg7 : memref<128x16xf32, #tpu.memory_space<vmem>>) target(%dma_start3A_391 : memref<10240x16xf32, #tpu.memory_space<vmem_shared>>) offsets(%dma_start3A_388 : memref<128xi32, #tpu.memory_space<vmem>>) semaphore(%arg11 : memref<!tpu.dma_semaphore, #tpu.memory_space<semaphore_mem>>) {add = true}
    %dma_start3A_392 = arith.constant 29 : i32
    %dma_start3A_393 = arith.constant 0 : i32
    %dma_start3A_394 = tpu.memref_slice %arg6[%dma_start3A_392, %dma_start3A_393] : memref<79x128xi32, #tpu.memory_space<vmem>> -> memref<1x128xi32, #tpu.memory_space<vmem>>
    %dma_start3A_395 = tpu.memref_squeeze %dma_start3A_394 : memref<1x128xi32, #tpu.memory_space<vmem>> -> memref<128xi32, #tpu.memory_space<vmem>>
    %dma_start3A_396 = arith.constant 0 : i32
    %dma_start3A_397 = arith.constant 0 : i32
    %dma_start3A_398 = tpu.memref_slice %arg10[%dma_start3A_396, %dma_start3A_397] : memref<10240x16xf32, #tpu.memory_space<vmem_shared>> -> memref<10240x16xf32, #tpu.memory_space<vmem_shared>>
    tpu.enqueue_indirect_dma source(%arg7 : memref<128x16xf32, #tpu.memory_space<vmem>>) target(%dma_start3A_398 : memref<10240x16xf32, #tpu.memory_space<vmem_shared>>) offsets(%dma_start3A_395 : memref<128xi32, #tpu.memory_space<vmem>>) semaphore(%arg11 : memref<!tpu.dma_semaphore, #tpu.memory_space<semaphore_mem>>) {add = true}
    %dma_start3A_399 = arith.constant 30 : i32
    %dma_start3A_400 = arith.constant 0 : i32
    %dma_start3A_401 = tpu.memref_slice %arg6[%dma_start3A_399, %dma_start3A_400] : memref<79x128xi32, #tpu.memory_space<vmem>> -> memref<1x128xi32, #tpu.memory_space<vmem>>
    %dma_start3A_402 = tpu.memref_squeeze %dma_start3A_401 : memref<1x128xi32, #tpu.memory_space<vmem>> -> memref<128xi32, #tpu.memory_space<vmem>>
    %dma_start3A_403 = arith.constant 0 : i32
    %dma_start3A_404 = arith.constant 0 : i32
    %dma_start3A_405 = tpu.memref_slice %arg10[%dma_start3A_403, %dma_start3A_404] : memref<10240x16xf32, #tpu.memory_space<vmem_shared>> -> memref<10240x16xf32, #tpu.memory_space<vmem_shared>>
    tpu.enqueue_indirect_dma source(%arg7 : memref<128x16xf32, #tpu.memory_space<vmem>>) target(%dma_start3A_405 : memref<10240x16xf32, #tpu.memory_space<vmem_shared>>) offsets(%dma_start3A_402 : memref<128xi32, #tpu.memory_space<vmem>>) semaphore(%arg11 : memref<!tpu.dma_semaphore, #tpu.memory_space<semaphore_mem>>) {add = true}
    %dma_start3A_406 = arith.constant 31 : i32
    %dma_start3A_407 = arith.constant 0 : i32
    %dma_start3A_408 = tpu.memref_slice %arg6[%dma_start3A_406, %dma_start3A_407] : memref<79x128xi32, #tpu.memory_space<vmem>> -> memref<1x128xi32, #tpu.memory_space<vmem>>
    %dma_start3A_409 = tpu.memref_squeeze %dma_start3A_408 : memref<1x128xi32, #tpu.memory_space<vmem>> -> memref<128xi32, #tpu.memory_space<vmem>>
    %dma_start3A_410 = arith.constant 0 : i32
    %dma_start3A_411 = arith.constant 0 : i32
    %dma_start3A_412 = tpu.memref_slice %arg10[%dma_start3A_410, %dma_start3A_411] : memref<10240x16xf32, #tpu.memory_space<vmem_shared>> -> memref<10240x16xf32, #tpu.memory_space<vmem_shared>>
    tpu.enqueue_indirect_dma source(%arg7 : memref<128x16xf32, #tpu.memory_space<vmem>>) target(%dma_start3A_412 : memref<10240x16xf32, #tpu.memory_space<vmem_shared>>) offsets(%dma_start3A_409 : memref<128xi32, #tpu.memory_space<vmem>>) semaphore(%arg11 : memref<!tpu.dma_semaphore, #tpu.memory_space<semaphore_mem>>) {add = true}
    %dma_wait3A_413 = arith.constant 24 : i32
    %dma_wait3A_414 = arith.constant 0 : i32
    %dma_wait3A_415 = tpu.memref_slice %arg6[%dma_wait3A_413, %dma_wait3A_414] : memref<79x128xi32, #tpu.memory_space<vmem>> -> memref<1x128xi32, #tpu.memory_space<vmem>>
    %dma_wait3A_416 = tpu.memref_squeeze %dma_wait3A_415 : memref<1x128xi32, #tpu.memory_space<vmem>> -> memref<128xi32, #tpu.memory_space<vmem>>
    %dma_wait3A_417 = arith.constant 0 : i32
    %dma_wait3A_418 = arith.constant 0 : i32
    %dma_wait3A_419 = tpu.memref_slice %arg10[%dma_wait3A_417, %dma_wait3A_418] : memref<10240x16xf32, #tpu.memory_space<vmem_shared>> -> memref<10240x16xf32, #tpu.memory_space<vmem_shared>>
    tpu.wait_indirect_dma semaphore(%arg11 : memref<!tpu.dma_semaphore, #tpu.memory_space<semaphore_mem>>) src(%arg7 : memref<128x16xf32, #tpu.memory_space<vmem>>) dst(%dma_wait3A_419 : memref<10240x16xf32, #tpu.memory_space<vmem_shared>>)
    %dma_wait3A_420 = arith.constant 25 : i32
    %dma_wait3A_421 = arith.constant 0 : i32
    %dma_wait3A_422 = tpu.memref_slice %arg6[%dma_wait3A_420, %dma_wait3A_421] : memref<79x128xi32, #tpu.memory_space<vmem>> -> memref<1x128xi32, #tpu.memory_space<vmem>>
    %dma_wait3A_423 = tpu.memref_squeeze %dma_wait3A_422 : memref<1x128xi32, #tpu.memory_space<vmem>> -> memref<128xi32, #tpu.memory_space<vmem>>
    %dma_wait3A_424 = arith.constant 0 : i32
    %dma_wait3A_425 = arith.constant 0 : i32
    %dma_wait3A_426 = tpu.memref_slice %arg10[%dma_wait3A_424, %dma_wait3A_425] : memref<10240x16xf32, #tpu.memory_space<vmem_shared>> -> memref<10240x16xf32, #tpu.memory_space<vmem_shared>>
    tpu.wait_indirect_dma semaphore(%arg11 : memref<!tpu.dma_semaphore, #tpu.memory_space<semaphore_mem>>) src(%arg7 : memref<128x16xf32, #tpu.memory_space<vmem>>) dst(%dma_wait3A_426 : memref<10240x16xf32, #tpu.memory_space<vmem_shared>>)
    %dma_wait3A_427 = arith.constant 26 : i32
    %dma_wait3A_428 = arith.constant 0 : i32
    %dma_wait3A_429 = tpu.memref_slice %arg6[%dma_wait3A_427, %dma_wait3A_428] : memref<79x128xi32, #tpu.memory_space<vmem>> -> memref<1x128xi32, #tpu.memory_space<vmem>>
    %dma_wait3A_430 = tpu.memref_squeeze %dma_wait3A_429 : memref<1x128xi32, #tpu.memory_space<vmem>> -> memref<128xi32, #tpu.memory_space<vmem>>
    %dma_wait3A_431 = arith.constant 0 : i32
    %dma_wait3A_432 = arith.constant 0 : i32
    %dma_wait3A_433 = tpu.memref_slice %arg10[%dma_wait3A_431, %dma_wait3A_432] : memref<10240x16xf32, #tpu.memory_space<vmem_shared>> -> memref<10240x16xf32, #tpu.memory_space<vmem_shared>>
    tpu.wait_indirect_dma semaphore(%arg11 : memref<!tpu.dma_semaphore, #tpu.memory_space<semaphore_mem>>) src(%arg7 : memref<128x16xf32, #tpu.memory_space<vmem>>) dst(%dma_wait3A_433 : memref<10240x16xf32, #tpu.memory_space<vmem_shared>>)
    %dma_wait3A_434 = arith.constant 27 : i32
    %dma_wait3A_435 = arith.constant 0 : i32
    %dma_wait3A_436 = tpu.memref_slice %arg6[%dma_wait3A_434, %dma_wait3A_435] : memref<79x128xi32, #tpu.memory_space<vmem>> -> memref<1x128xi32, #tpu.memory_space<vmem>>
    %dma_wait3A_437 = tpu.memref_squeeze %dma_wait3A_436 : memref<1x128xi32, #tpu.memory_space<vmem>> -> memref<128xi32, #tpu.memory_space<vmem>>
    %dma_wait3A_438 = arith.constant 0 : i32
    %dma_wait3A_439 = arith.constant 0 : i32
    %dma_wait3A_440 = tpu.memref_slice %arg10[%dma_wait3A_438, %dma_wait3A_439] : memref<10240x16xf32, #tpu.memory_space<vmem_shared>> -> memref<10240x16xf32, #tpu.memory_space<vmem_shared>>
    tpu.wait_indirect_dma semaphore(%arg11 : memref<!tpu.dma_semaphore, #tpu.memory_space<semaphore_mem>>) src(%arg7 : memref<128x16xf32, #tpu.memory_space<vmem>>) dst(%dma_wait3A_440 : memref<10240x16xf32, #tpu.memory_space<vmem_shared>>)
    %dma_wait3A_441 = arith.constant 28 : i32
    %dma_wait3A_442 = arith.constant 0 : i32
    %dma_wait3A_443 = tpu.memref_slice %arg6[%dma_wait3A_441, %dma_wait3A_442] : memref<79x128xi32, #tpu.memory_space<vmem>> -> memref<1x128xi32, #tpu.memory_space<vmem>>
    %dma_wait3A_444 = tpu.memref_squeeze %dma_wait3A_443 : memref<1x128xi32, #tpu.memory_space<vmem>> -> memref<128xi32, #tpu.memory_space<vmem>>
    %dma_wait3A_445 = arith.constant 0 : i32
    %dma_wait3A_446 = arith.constant 0 : i32
    %dma_wait3A_447 = tpu.memref_slice %arg10[%dma_wait3A_445, %dma_wait3A_446] : memref<10240x16xf32, #tpu.memory_space<vmem_shared>> -> memref<10240x16xf32, #tpu.memory_space<vmem_shared>>
    tpu.wait_indirect_dma semaphore(%arg11 : memref<!tpu.dma_semaphore, #tpu.memory_space<semaphore_mem>>) src(%arg7 : memref<128x16xf32, #tpu.memory_space<vmem>>) dst(%dma_wait3A_447 : memref<10240x16xf32, #tpu.memory_space<vmem_shared>>)
    %dma_wait3A_448 = arith.constant 29 : i32
    %dma_wait3A_449 = arith.constant 0 : i32
    %dma_wait3A_450 = tpu.memref_slice %arg6[%dma_wait3A_448, %dma_wait3A_449] : memref<79x128xi32, #tpu.memory_space<vmem>> -> memref<1x128xi32, #tpu.memory_space<vmem>>
    %dma_wait3A_451 = tpu.memref_squeeze %dma_wait3A_450 : memref<1x128xi32, #tpu.memory_space<vmem>> -> memref<128xi32, #tpu.memory_space<vmem>>
    %dma_wait3A_452 = arith.constant 0 : i32
    %dma_wait3A_453 = arith.constant 0 : i32
    %dma_wait3A_454 = tpu.memref_slice %arg10[%dma_wait3A_452, %dma_wait3A_453] : memref<10240x16xf32, #tpu.memory_space<vmem_shared>> -> memref<10240x16xf32, #tpu.memory_space<vmem_shared>>
    tpu.wait_indirect_dma semaphore(%arg11 : memref<!tpu.dma_semaphore, #tpu.memory_space<semaphore_mem>>) src(%arg7 : memref<128x16xf32, #tpu.memory_space<vmem>>) dst(%dma_wait3A_454 : memref<10240x16xf32, #tpu.memory_space<vmem_shared>>)
    %dma_wait3A_455 = arith.constant 30 : i32
    %dma_wait3A_456 = arith.constant 0 : i32
    %dma_wait3A_457 = tpu.memref_slice %arg6[%dma_wait3A_455, %dma_wait3A_456] : memref<79x128xi32, #tpu.memory_space<vmem>> -> memref<1x128xi32, #tpu.memory_space<vmem>>
    %dma_wait3A_458 = tpu.memref_squeeze %dma_wait3A_457 : memref<1x128xi32, #tpu.memory_space<vmem>> -> memref<128xi32, #tpu.memory_space<vmem>>
    %dma_wait3A_459 = arith.constant 0 : i32
    %dma_wait3A_460 = arith.constant 0 : i32
    %dma_wait3A_461 = tpu.memref_slice %arg10[%dma_wait3A_459, %dma_wait3A_460] : memref<10240x16xf32, #tpu.memory_space<vmem_shared>> -> memref<10240x16xf32, #tpu.memory_space<vmem_shared>>
    tpu.wait_indirect_dma semaphore(%arg11 : memref<!tpu.dma_semaphore, #tpu.memory_space<semaphore_mem>>) src(%arg7 : memref<128x16xf32, #tpu.memory_space<vmem>>) dst(%dma_wait3A_461 : memref<10240x16xf32, #tpu.memory_space<vmem_shared>>)
    %dma_wait3A_462 = arith.constant 31 : i32
    %dma_wait3A_463 = arith.constant 0 : i32
    %dma_wait3A_464 = tpu.memref_slice %arg6[%dma_wait3A_462, %dma_wait3A_463] : memref<79x128xi32, #tpu.memory_space<vmem>> -> memref<1x128xi32, #tpu.memory_space<vmem>>
    %dma_wait3A_465 = tpu.memref_squeeze %dma_wait3A_464 : memref<1x128xi32, #tpu.memory_space<vmem>> -> memref<128xi32, #tpu.memory_space<vmem>>
    %dma_wait3A_466 = arith.constant 0 : i32
    %dma_wait3A_467 = arith.constant 0 : i32
    %dma_wait3A_468 = tpu.memref_slice %arg10[%dma_wait3A_466, %dma_wait3A_467] : memref<10240x16xf32, #tpu.memory_space<vmem_shared>> -> memref<10240x16xf32, #tpu.memory_space<vmem_shared>>
    tpu.wait_indirect_dma semaphore(%arg11 : memref<!tpu.dma_semaphore, #tpu.memory_space<semaphore_mem>>) src(%arg7 : memref<128x16xf32, #tpu.memory_space<vmem>>) dst(%dma_wait3A_468 : memref<10240x16xf32, #tpu.memory_space<vmem_shared>>)
    %dma_start3A_469 = arith.constant 32 : i32
    %dma_start3A_470 = arith.constant 0 : i32
    %dma_start3A_471 = tpu.memref_slice %arg6[%dma_start3A_469, %dma_start3A_470] : memref<79x128xi32, #tpu.memory_space<vmem>> -> memref<1x128xi32, #tpu.memory_space<vmem>>
    %dma_start3A_472 = tpu.memref_squeeze %dma_start3A_471 : memref<1x128xi32, #tpu.memory_space<vmem>> -> memref<128xi32, #tpu.memory_space<vmem>>
    %dma_start3A_473 = arith.constant 0 : i32
    %dma_start3A_474 = arith.constant 0 : i32
    %dma_start3A_475 = tpu.memref_slice %arg10[%dma_start3A_473, %dma_start3A_474] : memref<10240x16xf32, #tpu.memory_space<vmem_shared>> -> memref<10240x16xf32, #tpu.memory_space<vmem_shared>>
    tpu.enqueue_indirect_dma source(%arg7 : memref<128x16xf32, #tpu.memory_space<vmem>>) target(%dma_start3A_475 : memref<10240x16xf32, #tpu.memory_space<vmem_shared>>) offsets(%dma_start3A_472 : memref<128xi32, #tpu.memory_space<vmem>>) semaphore(%arg11 : memref<!tpu.dma_semaphore, #tpu.memory_space<semaphore_mem>>) {add = true}
    %dma_start3A_476 = arith.constant 33 : i32
    %dma_start3A_477 = arith.constant 0 : i32
    %dma_start3A_478 = tpu.memref_slice %arg6[%dma_start3A_476, %dma_start3A_477] : memref<79x128xi32, #tpu.memory_space<vmem>> -> memref<1x128xi32, #tpu.memory_space<vmem>>
    %dma_start3A_479 = tpu.memref_squeeze %dma_start3A_478 : memref<1x128xi32, #tpu.memory_space<vmem>> -> memref<128xi32, #tpu.memory_space<vmem>>
    %dma_start3A_480 = arith.constant 0 : i32
    %dma_start3A_481 = arith.constant 0 : i32
    %dma_start3A_482 = tpu.memref_slice %arg10[%dma_start3A_480, %dma_start3A_481] : memref<10240x16xf32, #tpu.memory_space<vmem_shared>> -> memref<10240x16xf32, #tpu.memory_space<vmem_shared>>
    tpu.enqueue_indirect_dma source(%arg7 : memref<128x16xf32, #tpu.memory_space<vmem>>) target(%dma_start3A_482 : memref<10240x16xf32, #tpu.memory_space<vmem_shared>>) offsets(%dma_start3A_479 : memref<128xi32, #tpu.memory_space<vmem>>) semaphore(%arg11 : memref<!tpu.dma_semaphore, #tpu.memory_space<semaphore_mem>>) {add = true}
    %dma_start3A_483 = arith.constant 34 : i32
    %dma_start3A_484 = arith.constant 0 : i32
    %dma_start3A_485 = tpu.memref_slice %arg6[%dma_start3A_483, %dma_start3A_484] : memref<79x128xi32, #tpu.memory_space<vmem>> -> memref<1x128xi32, #tpu.memory_space<vmem>>
    %dma_start3A_486 = tpu.memref_squeeze %dma_start3A_485 : memref<1x128xi32, #tpu.memory_space<vmem>> -> memref<128xi32, #tpu.memory_space<vmem>>
    %dma_start3A_487 = arith.constant 0 : i32
    %dma_start3A_488 = arith.constant 0 : i32
    %dma_start3A_489 = tpu.memref_slice %arg10[%dma_start3A_487, %dma_start3A_488] : memref<10240x16xf32, #tpu.memory_space<vmem_shared>> -> memref<10240x16xf32, #tpu.memory_space<vmem_shared>>
    tpu.enqueue_indirect_dma source(%arg7 : memref<128x16xf32, #tpu.memory_space<vmem>>) target(%dma_start3A_489 : memref<10240x16xf32, #tpu.memory_space<vmem_shared>>) offsets(%dma_start3A_486 : memref<128xi32, #tpu.memory_space<vmem>>) semaphore(%arg11 : memref<!tpu.dma_semaphore, #tpu.memory_space<semaphore_mem>>) {add = true}
    %dma_start3A_490 = arith.constant 35 : i32
    %dma_start3A_491 = arith.constant 0 : i32
    %dma_start3A_492 = tpu.memref_slice %arg6[%dma_start3A_490, %dma_start3A_491] : memref<79x128xi32, #tpu.memory_space<vmem>> -> memref<1x128xi32, #tpu.memory_space<vmem>>
    %dma_start3A_493 = tpu.memref_squeeze %dma_start3A_492 : memref<1x128xi32, #tpu.memory_space<vmem>> -> memref<128xi32, #tpu.memory_space<vmem>>
    %dma_start3A_494 = arith.constant 0 : i32
    %dma_start3A_495 = arith.constant 0 : i32
    %dma_start3A_496 = tpu.memref_slice %arg10[%dma_start3A_494, %dma_start3A_495] : memref<10240x16xf32, #tpu.memory_space<vmem_shared>> -> memref<10240x16xf32, #tpu.memory_space<vmem_shared>>
    tpu.enqueue_indirect_dma source(%arg7 : memref<128x16xf32, #tpu.memory_space<vmem>>) target(%dma_start3A_496 : memref<10240x16xf32, #tpu.memory_space<vmem_shared>>) offsets(%dma_start3A_493 : memref<128xi32, #tpu.memory_space<vmem>>) semaphore(%arg11 : memref<!tpu.dma_semaphore, #tpu.memory_space<semaphore_mem>>) {add = true}
    %dma_start3A_497 = arith.constant 36 : i32
    %dma_start3A_498 = arith.constant 0 : i32
    %dma_start3A_499 = tpu.memref_slice %arg6[%dma_start3A_497, %dma_start3A_498] : memref<79x128xi32, #tpu.memory_space<vmem>> -> memref<1x128xi32, #tpu.memory_space<vmem>>
    %dma_start3A_500 = tpu.memref_squeeze %dma_start3A_499 : memref<1x128xi32, #tpu.memory_space<vmem>> -> memref<128xi32, #tpu.memory_space<vmem>>
    %dma_start3A_501 = arith.constant 0 : i32
    %dma_start3A_502 = arith.constant 0 : i32
    %dma_start3A_503 = tpu.memref_slice %arg10[%dma_start3A_501, %dma_start3A_502] : memref<10240x16xf32, #tpu.memory_space<vmem_shared>> -> memref<10240x16xf32, #tpu.memory_space<vmem_shared>>
    tpu.enqueue_indirect_dma source(%arg7 : memref<128x16xf32, #tpu.memory_space<vmem>>) target(%dma_start3A_503 : memref<10240x16xf32, #tpu.memory_space<vmem_shared>>) offsets(%dma_start3A_500 : memref<128xi32, #tpu.memory_space<vmem>>) semaphore(%arg11 : memref<!tpu.dma_semaphore, #tpu.memory_space<semaphore_mem>>) {add = true}
    %dma_start3A_504 = arith.constant 37 : i32
    %dma_start3A_505 = arith.constant 0 : i32
    %dma_start3A_506 = tpu.memref_slice %arg6[%dma_start3A_504, %dma_start3A_505] : memref<79x128xi32, #tpu.memory_space<vmem>> -> memref<1x128xi32, #tpu.memory_space<vmem>>
    %dma_start3A_507 = tpu.memref_squeeze %dma_start3A_506 : memref<1x128xi32, #tpu.memory_space<vmem>> -> memref<128xi32, #tpu.memory_space<vmem>>
    %dma_start3A_508 = arith.constant 0 : i32
    %dma_start3A_509 = arith.constant 0 : i32
    %dma_start3A_510 = tpu.memref_slice %arg10[%dma_start3A_508, %dma_start3A_509] : memref<10240x16xf32, #tpu.memory_space<vmem_shared>> -> memref<10240x16xf32, #tpu.memory_space<vmem_shared>>
    tpu.enqueue_indirect_dma source(%arg7 : memref<128x16xf32, #tpu.memory_space<vmem>>) target(%dma_start3A_510 : memref<10240x16xf32, #tpu.memory_space<vmem_shared>>) offsets(%dma_start3A_507 : memref<128xi32, #tpu.memory_space<vmem>>) semaphore(%arg11 : memref<!tpu.dma_semaphore, #tpu.memory_space<semaphore_mem>>) {add = true}
    %dma_start3A_511 = arith.constant 38 : i32
    %dma_start3A_512 = arith.constant 0 : i32
    %dma_start3A_513 = tpu.memref_slice %arg6[%dma_start3A_511, %dma_start3A_512] : memref<79x128xi32, #tpu.memory_space<vmem>> -> memref<1x128xi32, #tpu.memory_space<vmem>>
    %dma_start3A_514 = tpu.memref_squeeze %dma_start3A_513 : memref<1x128xi32, #tpu.memory_space<vmem>> -> memref<128xi32, #tpu.memory_space<vmem>>
    %dma_start3A_515 = arith.constant 0 : i32
    %dma_start3A_516 = arith.constant 0 : i32
    %dma_start3A_517 = tpu.memref_slice %arg10[%dma_start3A_515, %dma_start3A_516] : memref<10240x16xf32, #tpu.memory_space<vmem_shared>> -> memref<10240x16xf32, #tpu.memory_space<vmem_shared>>
    tpu.enqueue_indirect_dma source(%arg7 : memref<128x16xf32, #tpu.memory_space<vmem>>) target(%dma_start3A_517 : memref<10240x16xf32, #tpu.memory_space<vmem_shared>>) offsets(%dma_start3A_514 : memref<128xi32, #tpu.memory_space<vmem>>) semaphore(%arg11 : memref<!tpu.dma_semaphore, #tpu.memory_space<semaphore_mem>>) {add = true}
    %dma_start3A_518 = arith.constant 39 : i32
    %dma_start3A_519 = arith.constant 0 : i32
    %dma_start3A_520 = tpu.memref_slice %arg6[%dma_start3A_518, %dma_start3A_519] : memref<79x128xi32, #tpu.memory_space<vmem>> -> memref<1x128xi32, #tpu.memory_space<vmem>>
    %dma_start3A_521 = tpu.memref_squeeze %dma_start3A_520 : memref<1x128xi32, #tpu.memory_space<vmem>> -> memref<128xi32, #tpu.memory_space<vmem>>
    %dma_start3A_522 = arith.constant 0 : i32
    %dma_start3A_523 = arith.constant 0 : i32
    %dma_start3A_524 = tpu.memref_slice %arg10[%dma_start3A_522, %dma_start3A_523] : memref<10240x16xf32, #tpu.memory_space<vmem_shared>> -> memref<10240x16xf32, #tpu.memory_space<vmem_shared>>
    tpu.enqueue_indirect_dma source(%arg7 : memref<128x16xf32, #tpu.memory_space<vmem>>) target(%dma_start3A_524 : memref<10240x16xf32, #tpu.memory_space<vmem_shared>>) offsets(%dma_start3A_521 : memref<128xi32, #tpu.memory_space<vmem>>) semaphore(%arg11 : memref<!tpu.dma_semaphore, #tpu.memory_space<semaphore_mem>>) {add = true}
    %dma_wait3A_525 = arith.constant 32 : i32
    %dma_wait3A_526 = arith.constant 0 : i32
    %dma_wait3A_527 = tpu.memref_slice %arg6[%dma_wait3A_525, %dma_wait3A_526] : memref<79x128xi32, #tpu.memory_space<vmem>> -> memref<1x128xi32, #tpu.memory_space<vmem>>
    %dma_wait3A_528 = tpu.memref_squeeze %dma_wait3A_527 : memref<1x128xi32, #tpu.memory_space<vmem>> -> memref<128xi32, #tpu.memory_space<vmem>>
    %dma_wait3A_529 = arith.constant 0 : i32
    %dma_wait3A_530 = arith.constant 0 : i32
    %dma_wait3A_531 = tpu.memref_slice %arg10[%dma_wait3A_529, %dma_wait3A_530] : memref<10240x16xf32, #tpu.memory_space<vmem_shared>> -> memref<10240x16xf32, #tpu.memory_space<vmem_shared>>
    tpu.wait_indirect_dma semaphore(%arg11 : memref<!tpu.dma_semaphore, #tpu.memory_space<semaphore_mem>>) src(%arg7 : memref<128x16xf32, #tpu.memory_space<vmem>>) dst(%dma_wait3A_531 : memref<10240x16xf32, #tpu.memory_space<vmem_shared>>)
    %dma_wait3A_532 = arith.constant 33 : i32
    %dma_wait3A_533 = arith.constant 0 : i32
    %dma_wait3A_534 = tpu.memref_slice %arg6[%dma_wait3A_532, %dma_wait3A_533] : memref<79x128xi32, #tpu.memory_space<vmem>> -> memref<1x128xi32, #tpu.memory_space<vmem>>
    %dma_wait3A_535 = tpu.memref_squeeze %dma_wait3A_534 : memref<1x128xi32, #tpu.memory_space<vmem>> -> memref<128xi32, #tpu.memory_space<vmem>>
    %dma_wait3A_536 = arith.constant 0 : i32
    %dma_wait3A_537 = arith.constant 0 : i32
    %dma_wait3A_538 = tpu.memref_slice %arg10[%dma_wait3A_536, %dma_wait3A_537] : memref<10240x16xf32, #tpu.memory_space<vmem_shared>> -> memref<10240x16xf32, #tpu.memory_space<vmem_shared>>
    tpu.wait_indirect_dma semaphore(%arg11 : memref<!tpu.dma_semaphore, #tpu.memory_space<semaphore_mem>>) src(%arg7 : memref<128x16xf32, #tpu.memory_space<vmem>>) dst(%dma_wait3A_538 : memref<10240x16xf32, #tpu.memory_space<vmem_shared>>)
    %dma_wait3A_539 = arith.constant 34 : i32
    %dma_wait3A_540 = arith.constant 0 : i32
    %dma_wait3A_541 = tpu.memref_slice %arg6[%dma_wait3A_539, %dma_wait3A_540] : memref<79x128xi32, #tpu.memory_space<vmem>> -> memref<1x128xi32, #tpu.memory_space<vmem>>
    %dma_wait3A_542 = tpu.memref_squeeze %dma_wait3A_541 : memref<1x128xi32, #tpu.memory_space<vmem>> -> memref<128xi32, #tpu.memory_space<vmem>>
    %dma_wait3A_543 = arith.constant 0 : i32
    %dma_wait3A_544 = arith.constant 0 : i32
    %dma_wait3A_545 = tpu.memref_slice %arg10[%dma_wait3A_543, %dma_wait3A_544] : memref<10240x16xf32, #tpu.memory_space<vmem_shared>> -> memref<10240x16xf32, #tpu.memory_space<vmem_shared>>
    tpu.wait_indirect_dma semaphore(%arg11 : memref<!tpu.dma_semaphore, #tpu.memory_space<semaphore_mem>>) src(%arg7 : memref<128x16xf32, #tpu.memory_space<vmem>>) dst(%dma_wait3A_545 : memref<10240x16xf32, #tpu.memory_space<vmem_shared>>)
    %dma_wait3A_546 = arith.constant 35 : i32
    %dma_wait3A_547 = arith.constant 0 : i32
    %dma_wait3A_548 = tpu.memref_slice %arg6[%dma_wait3A_546, %dma_wait3A_547] : memref<79x128xi32, #tpu.memory_space<vmem>> -> memref<1x128xi32, #tpu.memory_space<vmem>>
    %dma_wait3A_549 = tpu.memref_squeeze %dma_wait3A_548 : memref<1x128xi32, #tpu.memory_space<vmem>> -> memref<128xi32, #tpu.memory_space<vmem>>
    %dma_wait3A_550 = arith.constant 0 : i32
    %dma_wait3A_551 = arith.constant 0 : i32
    %dma_wait3A_552 = tpu.memref_slice %arg10[%dma_wait3A_550, %dma_wait3A_551] : memref<10240x16xf32, #tpu.memory_space<vmem_shared>> -> memref<10240x16xf32, #tpu.memory_space<vmem_shared>>
    tpu.wait_indirect_dma semaphore(%arg11 : memref<!tpu.dma_semaphore, #tpu.memory_space<semaphore_mem>>) src(%arg7 : memref<128x16xf32, #tpu.memory_space<vmem>>) dst(%dma_wait3A_552 : memref<10240x16xf32, #tpu.memory_space<vmem_shared>>)
    %dma_wait3A_553 = arith.constant 36 : i32
    %dma_wait3A_554 = arith.constant 0 : i32
    %dma_wait3A_555 = tpu.memref_slice %arg6[%dma_wait3A_553, %dma_wait3A_554] : memref<79x128xi32, #tpu.memory_space<vmem>> -> memref<1x128xi32, #tpu.memory_space<vmem>>
    %dma_wait3A_556 = tpu.memref_squeeze %dma_wait3A_555 : memref<1x128xi32, #tpu.memory_space<vmem>> -> memref<128xi32, #tpu.memory_space<vmem>>
    %dma_wait3A_557 = arith.constant 0 : i32
    %dma_wait3A_558 = arith.constant 0 : i32
    %dma_wait3A_559 = tpu.memref_slice %arg10[%dma_wait3A_557, %dma_wait3A_558] : memref<10240x16xf32, #tpu.memory_space<vmem_shared>> -> memref<10240x16xf32, #tpu.memory_space<vmem_shared>>
    tpu.wait_indirect_dma semaphore(%arg11 : memref<!tpu.dma_semaphore, #tpu.memory_space<semaphore_mem>>) src(%arg7 : memref<128x16xf32, #tpu.memory_space<vmem>>) dst(%dma_wait3A_559 : memref<10240x16xf32, #tpu.memory_space<vmem_shared>>)
    %dma_wait3A_560 = arith.constant 37 : i32
    %dma_wait3A_561 = arith.constant 0 : i32
    %dma_wait3A_562 = tpu.memref_slice %arg6[%dma_wait3A_560, %dma_wait3A_561] : memref<79x128xi32, #tpu.memory_space<vmem>> -> memref<1x128xi32, #tpu.memory_space<vmem>>
    %dma_wait3A_563 = tpu.memref_squeeze %dma_wait3A_562 : memref<1x128xi32, #tpu.memory_space<vmem>> -> memref<128xi32, #tpu.memory_space<vmem>>
    %dma_wait3A_564 = arith.constant 0 : i32
    %dma_wait3A_565 = arith.constant 0 : i32
    %dma_wait3A_566 = tpu.memref_slice %arg10[%dma_wait3A_564, %dma_wait3A_565] : memref<10240x16xf32, #tpu.memory_space<vmem_shared>> -> memref<10240x16xf32, #tpu.memory_space<vmem_shared>>
    tpu.wait_indirect_dma semaphore(%arg11 : memref<!tpu.dma_semaphore, #tpu.memory_space<semaphore_mem>>) src(%arg7 : memref<128x16xf32, #tpu.memory_space<vmem>>) dst(%dma_wait3A_566 : memref<10240x16xf32, #tpu.memory_space<vmem_shared>>)
    %dma_wait3A_567 = arith.constant 38 : i32
    %dma_wait3A_568 = arith.constant 0 : i32
    %dma_wait3A_569 = tpu.memref_slice %arg6[%dma_wait3A_567, %dma_wait3A_568] : memref<79x128xi32, #tpu.memory_space<vmem>> -> memref<1x128xi32, #tpu.memory_space<vmem>>
    %dma_wait3A_570 = tpu.memref_squeeze %dma_wait3A_569 : memref<1x128xi32, #tpu.memory_space<vmem>> -> memref<128xi32, #tpu.memory_space<vmem>>
    %dma_wait3A_571 = arith.constant 0 : i32
    %dma_wait3A_572 = arith.constant 0 : i32
    %dma_wait3A_573 = tpu.memref_slice %arg10[%dma_wait3A_571, %dma_wait3A_572] : memref<10240x16xf32, #tpu.memory_space<vmem_shared>> -> memref<10240x16xf32, #tpu.memory_space<vmem_shared>>
    tpu.wait_indirect_dma semaphore(%arg11 : memref<!tpu.dma_semaphore, #tpu.memory_space<semaphore_mem>>) src(%arg7 : memref<128x16xf32, #tpu.memory_space<vmem>>) dst(%dma_wait3A_573 : memref<10240x16xf32, #tpu.memory_space<vmem_shared>>)
    %dma_wait3A_574 = arith.constant 39 : i32
    %dma_wait3A_575 = arith.constant 0 : i32
    %dma_wait3A_576 = tpu.memref_slice %arg6[%dma_wait3A_574, %dma_wait3A_575] : memref<79x128xi32, #tpu.memory_space<vmem>> -> memref<1x128xi32, #tpu.memory_space<vmem>>
    %dma_wait3A_577 = tpu.memref_squeeze %dma_wait3A_576 : memref<1x128xi32, #tpu.memory_space<vmem>> -> memref<128xi32, #tpu.memory_space<vmem>>
    %dma_wait3A_578 = arith.constant 0 : i32
    %dma_wait3A_579 = arith.constant 0 : i32
    %dma_wait3A_580 = tpu.memref_slice %arg10[%dma_wait3A_578, %dma_wait3A_579] : memref<10240x16xf32, #tpu.memory_space<vmem_shared>> -> memref<10240x16xf32, #tpu.memory_space<vmem_shared>>
    tpu.wait_indirect_dma semaphore(%arg11 : memref<!tpu.dma_semaphore, #tpu.memory_space<semaphore_mem>>) src(%arg7 : memref<128x16xf32, #tpu.memory_space<vmem>>) dst(%dma_wait3A_580 : memref<10240x16xf32, #tpu.memory_space<vmem_shared>>)
    %dma_start3A_581 = arith.constant 40 : i32
    %dma_start3A_582 = arith.constant 0 : i32
    %dma_start3A_583 = tpu.memref_slice %arg6[%dma_start3A_581, %dma_start3A_582] : memref<79x128xi32, #tpu.memory_space<vmem>> -> memref<1x128xi32, #tpu.memory_space<vmem>>
    %dma_start3A_584 = tpu.memref_squeeze %dma_start3A_583 : memref<1x128xi32, #tpu.memory_space<vmem>> -> memref<128xi32, #tpu.memory_space<vmem>>
    %dma_start3A_585 = arith.constant 0 : i32
    %dma_start3A_586 = arith.constant 0 : i32
    %dma_start3A_587 = tpu.memref_slice %arg10[%dma_start3A_585, %dma_start3A_586] : memref<10240x16xf32, #tpu.memory_space<vmem_shared>> -> memref<10240x16xf32, #tpu.memory_space<vmem_shared>>
    tpu.enqueue_indirect_dma source(%arg7 : memref<128x16xf32, #tpu.memory_space<vmem>>) target(%dma_start3A_587 : memref<10240x16xf32, #tpu.memory_space<vmem_shared>>) offsets(%dma_start3A_584 : memref<128xi32, #tpu.memory_space<vmem>>) semaphore(%arg11 : memref<!tpu.dma_semaphore, #tpu.memory_space<semaphore_mem>>) {add = true}
    %dma_start3A_588 = arith.constant 41 : i32
    %dma_start3A_589 = arith.constant 0 : i32
    %dma_start3A_590 = tpu.memref_slice %arg6[%dma_start3A_588, %dma_start3A_589] : memref<79x128xi32, #tpu.memory_space<vmem>> -> memref<1x128xi32, #tpu.memory_space<vmem>>
    %dma_start3A_591 = tpu.memref_squeeze %dma_start3A_590 : memref<1x128xi32, #tpu.memory_space<vmem>> -> memref<128xi32, #tpu.memory_space<vmem>>
    %dma_start3A_592 = arith.constant 0 : i32
    %dma_start3A_593 = arith.constant 0 : i32
    %dma_start3A_594 = tpu.memref_slice %arg10[%dma_start3A_592, %dma_start3A_593] : memref<10240x16xf32, #tpu.memory_space<vmem_shared>> -> memref<10240x16xf32, #tpu.memory_space<vmem_shared>>
    tpu.enqueue_indirect_dma source(%arg7 : memref<128x16xf32, #tpu.memory_space<vmem>>) target(%dma_start3A_594 : memref<10240x16xf32, #tpu.memory_space<vmem_shared>>) offsets(%dma_start3A_591 : memref<128xi32, #tpu.memory_space<vmem>>) semaphore(%arg11 : memref<!tpu.dma_semaphore, #tpu.memory_space<semaphore_mem>>) {add = true}
    %dma_start3A_595 = arith.constant 42 : i32
    %dma_start3A_596 = arith.constant 0 : i32
    %dma_start3A_597 = tpu.memref_slice %arg6[%dma_start3A_595, %dma_start3A_596] : memref<79x128xi32, #tpu.memory_space<vmem>> -> memref<1x128xi32, #tpu.memory_space<vmem>>
    %dma_start3A_598 = tpu.memref_squeeze %dma_start3A_597 : memref<1x128xi32, #tpu.memory_space<vmem>> -> memref<128xi32, #tpu.memory_space<vmem>>
    %dma_start3A_599 = arith.constant 0 : i32
    %dma_start3A_600 = arith.constant 0 : i32
    %dma_start3A_601 = tpu.memref_slice %arg10[%dma_start3A_599, %dma_start3A_600] : memref<10240x16xf32, #tpu.memory_space<vmem_shared>> -> memref<10240x16xf32, #tpu.memory_space<vmem_shared>>
    tpu.enqueue_indirect_dma source(%arg7 : memref<128x16xf32, #tpu.memory_space<vmem>>) target(%dma_start3A_601 : memref<10240x16xf32, #tpu.memory_space<vmem_shared>>) offsets(%dma_start3A_598 : memref<128xi32, #tpu.memory_space<vmem>>) semaphore(%arg11 : memref<!tpu.dma_semaphore, #tpu.memory_space<semaphore_mem>>) {add = true}
    %dma_start3A_602 = arith.constant 43 : i32
    %dma_start3A_603 = arith.constant 0 : i32
    %dma_start3A_604 = tpu.memref_slice %arg6[%dma_start3A_602, %dma_start3A_603] : memref<79x128xi32, #tpu.memory_space<vmem>> -> memref<1x128xi32, #tpu.memory_space<vmem>>
    %dma_start3A_605 = tpu.memref_squeeze %dma_start3A_604 : memref<1x128xi32, #tpu.memory_space<vmem>> -> memref<128xi32, #tpu.memory_space<vmem>>
    %dma_start3A_606 = arith.constant 0 : i32
    %dma_start3A_607 = arith.constant 0 : i32
    %dma_start3A_608 = tpu.memref_slice %arg10[%dma_start3A_606, %dma_start3A_607] : memref<10240x16xf32, #tpu.memory_space<vmem_shared>> -> memref<10240x16xf32, #tpu.memory_space<vmem_shared>>
    tpu.enqueue_indirect_dma source(%arg7 : memref<128x16xf32, #tpu.memory_space<vmem>>) target(%dma_start3A_608 : memref<10240x16xf32, #tpu.memory_space<vmem_shared>>) offsets(%dma_start3A_605 : memref<128xi32, #tpu.memory_space<vmem>>) semaphore(%arg11 : memref<!tpu.dma_semaphore, #tpu.memory_space<semaphore_mem>>) {add = true}
    %dma_start3A_609 = arith.constant 44 : i32
    %dma_start3A_610 = arith.constant 0 : i32
    %dma_start3A_611 = tpu.memref_slice %arg6[%dma_start3A_609, %dma_start3A_610] : memref<79x128xi32, #tpu.memory_space<vmem>> -> memref<1x128xi32, #tpu.memory_space<vmem>>
    %dma_start3A_612 = tpu.memref_squeeze %dma_start3A_611 : memref<1x128xi32, #tpu.memory_space<vmem>> -> memref<128xi32, #tpu.memory_space<vmem>>
    %dma_start3A_613 = arith.constant 0 : i32
    %dma_start3A_614 = arith.constant 0 : i32
    %dma_start3A_615 = tpu.memref_slice %arg10[%dma_start3A_613, %dma_start3A_614] : memref<10240x16xf32, #tpu.memory_space<vmem_shared>> -> memref<10240x16xf32, #tpu.memory_space<vmem_shared>>
    tpu.enqueue_indirect_dma source(%arg7 : memref<128x16xf32, #tpu.memory_space<vmem>>) target(%dma_start3A_615 : memref<10240x16xf32, #tpu.memory_space<vmem_shared>>) offsets(%dma_start3A_612 : memref<128xi32, #tpu.memory_space<vmem>>) semaphore(%arg11 : memref<!tpu.dma_semaphore, #tpu.memory_space<semaphore_mem>>) {add = true}
    %dma_start3A_616 = arith.constant 45 : i32
    %dma_start3A_617 = arith.constant 0 : i32
    %dma_start3A_618 = tpu.memref_slice %arg6[%dma_start3A_616, %dma_start3A_617] : memref<79x128xi32, #tpu.memory_space<vmem>> -> memref<1x128xi32, #tpu.memory_space<vmem>>
    %dma_start3A_619 = tpu.memref_squeeze %dma_start3A_618 : memref<1x128xi32, #tpu.memory_space<vmem>> -> memref<128xi32, #tpu.memory_space<vmem>>
    %dma_start3A_620 = arith.constant 0 : i32
    %dma_start3A_621 = arith.constant 0 : i32
    %dma_start3A_622 = tpu.memref_slice %arg10[%dma_start3A_620, %dma_start3A_621] : memref<10240x16xf32, #tpu.memory_space<vmem_shared>> -> memref<10240x16xf32, #tpu.memory_space<vmem_shared>>
    tpu.enqueue_indirect_dma source(%arg7 : memref<128x16xf32, #tpu.memory_space<vmem>>) target(%dma_start3A_622 : memref<10240x16xf32, #tpu.memory_space<vmem_shared>>) offsets(%dma_start3A_619 : memref<128xi32, #tpu.memory_space<vmem>>) semaphore(%arg11 : memref<!tpu.dma_semaphore, #tpu.memory_space<semaphore_mem>>) {add = true}
    %dma_start3A_623 = arith.constant 46 : i32
    %dma_start3A_624 = arith.constant 0 : i32
    %dma_start3A_625 = tpu.memref_slice %arg6[%dma_start3A_623, %dma_start3A_624] : memref<79x128xi32, #tpu.memory_space<vmem>> -> memref<1x128xi32, #tpu.memory_space<vmem>>
    %dma_start3A_626 = tpu.memref_squeeze %dma_start3A_625 : memref<1x128xi32, #tpu.memory_space<vmem>> -> memref<128xi32, #tpu.memory_space<vmem>>
    %dma_start3A_627 = arith.constant 0 : i32
    %dma_start3A_628 = arith.constant 0 : i32
    %dma_start3A_629 = tpu.memref_slice %arg10[%dma_start3A_627, %dma_start3A_628] : memref<10240x16xf32, #tpu.memory_space<vmem_shared>> -> memref<10240x16xf32, #tpu.memory_space<vmem_shared>>
    tpu.enqueue_indirect_dma source(%arg7 : memref<128x16xf32, #tpu.memory_space<vmem>>) target(%dma_start3A_629 : memref<10240x16xf32, #tpu.memory_space<vmem_shared>>) offsets(%dma_start3A_626 : memref<128xi32, #tpu.memory_space<vmem>>) semaphore(%arg11 : memref<!tpu.dma_semaphore, #tpu.memory_space<semaphore_mem>>) {add = true}
    %dma_start3A_630 = arith.constant 47 : i32
    %dma_start3A_631 = arith.constant 0 : i32
    %dma_start3A_632 = tpu.memref_slice %arg6[%dma_start3A_630, %dma_start3A_631] : memref<79x128xi32, #tpu.memory_space<vmem>> -> memref<1x128xi32, #tpu.memory_space<vmem>>
    %dma_start3A_633 = tpu.memref_squeeze %dma_start3A_632 : memref<1x128xi32, #tpu.memory_space<vmem>> -> memref<128xi32, #tpu.memory_space<vmem>>
    %dma_start3A_634 = arith.constant 0 : i32
    %dma_start3A_635 = arith.constant 0 : i32
    %dma_start3A_636 = tpu.memref_slice %arg10[%dma_start3A_634, %dma_start3A_635] : memref<10240x16xf32, #tpu.memory_space<vmem_shared>> -> memref<10240x16xf32, #tpu.memory_space<vmem_shared>>
    tpu.enqueue_indirect_dma source(%arg7 : memref<128x16xf32, #tpu.memory_space<vmem>>) target(%dma_start3A_636 : memref<10240x16xf32, #tpu.memory_space<vmem_shared>>) offsets(%dma_start3A_633 : memref<128xi32, #tpu.memory_space<vmem>>) semaphore(%arg11 : memref<!tpu.dma_semaphore, #tpu.memory_space<semaphore_mem>>) {add = true}
    %dma_wait3A_637 = arith.constant 40 : i32
    %dma_wait3A_638 = arith.constant 0 : i32
    %dma_wait3A_639 = tpu.memref_slice %arg6[%dma_wait3A_637, %dma_wait3A_638] : memref<79x128xi32, #tpu.memory_space<vmem>> -> memref<1x128xi32, #tpu.memory_space<vmem>>
    %dma_wait3A_640 = tpu.memref_squeeze %dma_wait3A_639 : memref<1x128xi32, #tpu.memory_space<vmem>> -> memref<128xi32, #tpu.memory_space<vmem>>
    %dma_wait3A_641 = arith.constant 0 : i32
    %dma_wait3A_642 = arith.constant 0 : i32
    %dma_wait3A_643 = tpu.memref_slice %arg10[%dma_wait3A_641, %dma_wait3A_642] : memref<10240x16xf32, #tpu.memory_space<vmem_shared>> -> memref<10240x16xf32, #tpu.memory_space<vmem_shared>>
    tpu.wait_indirect_dma semaphore(%arg11 : memref<!tpu.dma_semaphore, #tpu.memory_space<semaphore_mem>>) src(%arg7 : memref<128x16xf32, #tpu.memory_space<vmem>>) dst(%dma_wait3A_643 : memref<10240x16xf32, #tpu.memory_space<vmem_shared>>)
    %dma_wait3A_644 = arith.constant 41 : i32
    %dma_wait3A_645 = arith.constant 0 : i32
    %dma_wait3A_646 = tpu.memref_slice %arg6[%dma_wait3A_644, %dma_wait3A_645] : memref<79x128xi32, #tpu.memory_space<vmem>> -> memref<1x128xi32, #tpu.memory_space<vmem>>
    %dma_wait3A_647 = tpu.memref_squeeze %dma_wait3A_646 : memref<1x128xi32, #tpu.memory_space<vmem>> -> memref<128xi32, #tpu.memory_space<vmem>>
    %dma_wait3A_648 = arith.constant 0 : i32
    %dma_wait3A_649 = arith.constant 0 : i32
    %dma_wait3A_650 = tpu.memref_slice %arg10[%dma_wait3A_648, %dma_wait3A_649] : memref<10240x16xf32, #tpu.memory_space<vmem_shared>> -> memref<10240x16xf32, #tpu.memory_space<vmem_shared>>
    tpu.wait_indirect_dma semaphore(%arg11 : memref<!tpu.dma_semaphore, #tpu.memory_space<semaphore_mem>>) src(%arg7 : memref<128x16xf32, #tpu.memory_space<vmem>>) dst(%dma_wait3A_650 : memref<10240x16xf32, #tpu.memory_space<vmem_shared>>)
    %dma_wait3A_651 = arith.constant 42 : i32
    %dma_wait3A_652 = arith.constant 0 : i32
    %dma_wait3A_653 = tpu.memref_slice %arg6[%dma_wait3A_651, %dma_wait3A_652] : memref<79x128xi32, #tpu.memory_space<vmem>> -> memref<1x128xi32, #tpu.memory_space<vmem>>
    %dma_wait3A_654 = tpu.memref_squeeze %dma_wait3A_653 : memref<1x128xi32, #tpu.memory_space<vmem>> -> memref<128xi32, #tpu.memory_space<vmem>>
    %dma_wait3A_655 = arith.constant 0 : i32
    %dma_wait3A_656 = arith.constant 0 : i32
    %dma_wait3A_657 = tpu.memref_slice %arg10[%dma_wait3A_655, %dma_wait3A_656] : memref<10240x16xf32, #tpu.memory_space<vmem_shared>> -> memref<10240x16xf32, #tpu.memory_space<vmem_shared>>
    tpu.wait_indirect_dma semaphore(%arg11 : memref<!tpu.dma_semaphore, #tpu.memory_space<semaphore_mem>>) src(%arg7 : memref<128x16xf32, #tpu.memory_space<vmem>>) dst(%dma_wait3A_657 : memref<10240x16xf32, #tpu.memory_space<vmem_shared>>)
    %dma_wait3A_658 = arith.constant 43 : i32
    %dma_wait3A_659 = arith.constant 0 : i32
    %dma_wait3A_660 = tpu.memref_slice %arg6[%dma_wait3A_658, %dma_wait3A_659] : memref<79x128xi32, #tpu.memory_space<vmem>> -> memref<1x128xi32, #tpu.memory_space<vmem>>
    %dma_wait3A_661 = tpu.memref_squeeze %dma_wait3A_660 : memref<1x128xi32, #tpu.memory_space<vmem>> -> memref<128xi32, #tpu.memory_space<vmem>>
    %dma_wait3A_662 = arith.constant 0 : i32
    %dma_wait3A_663 = arith.constant 0 : i32
    %dma_wait3A_664 = tpu.memref_slice %arg10[%dma_wait3A_662, %dma_wait3A_663] : memref<10240x16xf32, #tpu.memory_space<vmem_shared>> -> memref<10240x16xf32, #tpu.memory_space<vmem_shared>>
    tpu.wait_indirect_dma semaphore(%arg11 : memref<!tpu.dma_semaphore, #tpu.memory_space<semaphore_mem>>) src(%arg7 : memref<128x16xf32, #tpu.memory_space<vmem>>) dst(%dma_wait3A_664 : memref<10240x16xf32, #tpu.memory_space<vmem_shared>>)
    %dma_wait3A_665 = arith.constant 44 : i32
    %dma_wait3A_666 = arith.constant 0 : i32
    %dma_wait3A_667 = tpu.memref_slice %arg6[%dma_wait3A_665, %dma_wait3A_666] : memref<79x128xi32, #tpu.memory_space<vmem>> -> memref<1x128xi32, #tpu.memory_space<vmem>>
    %dma_wait3A_668 = tpu.memref_squeeze %dma_wait3A_667 : memref<1x128xi32, #tpu.memory_space<vmem>> -> memref<128xi32, #tpu.memory_space<vmem>>
    %dma_wait3A_669 = arith.constant 0 : i32
    %dma_wait3A_670 = arith.constant 0 : i32
    %dma_wait3A_671 = tpu.memref_slice %arg10[%dma_wait3A_669, %dma_wait3A_670] : memref<10240x16xf32, #tpu.memory_space<vmem_shared>> -> memref<10240x16xf32, #tpu.memory_space<vmem_shared>>
    tpu.wait_indirect_dma semaphore(%arg11 : memref<!tpu.dma_semaphore, #tpu.memory_space<semaphore_mem>>) src(%arg7 : memref<128x16xf32, #tpu.memory_space<vmem>>) dst(%dma_wait3A_671 : memref<10240x16xf32, #tpu.memory_space<vmem_shared>>)
    %dma_wait3A_672 = arith.constant 45 : i32
    %dma_wait3A_673 = arith.constant 0 : i32
    %dma_wait3A_674 = tpu.memref_slice %arg6[%dma_wait3A_672, %dma_wait3A_673] : memref<79x128xi32, #tpu.memory_space<vmem>> -> memref<1x128xi32, #tpu.memory_space<vmem>>
    %dma_wait3A_675 = tpu.memref_squeeze %dma_wait3A_674 : memref<1x128xi32, #tpu.memory_space<vmem>> -> memref<128xi32, #tpu.memory_space<vmem>>
    %dma_wait3A_676 = arith.constant 0 : i32
    %dma_wait3A_677 = arith.constant 0 : i32
    %dma_wait3A_678 = tpu.memref_slice %arg10[%dma_wait3A_676, %dma_wait3A_677] : memref<10240x16xf32, #tpu.memory_space<vmem_shared>> -> memref<10240x16xf32, #tpu.memory_space<vmem_shared>>
    tpu.wait_indirect_dma semaphore(%arg11 : memref<!tpu.dma_semaphore, #tpu.memory_space<semaphore_mem>>) src(%arg7 : memref<128x16xf32, #tpu.memory_space<vmem>>) dst(%dma_wait3A_678 : memref<10240x16xf32, #tpu.memory_space<vmem_shared>>)
    %dma_wait3A_679 = arith.constant 46 : i32
    %dma_wait3A_680 = arith.constant 0 : i32
    %dma_wait3A_681 = tpu.memref_slice %arg6[%dma_wait3A_679, %dma_wait3A_680] : memref<79x128xi32, #tpu.memory_space<vmem>> -> memref<1x128xi32, #tpu.memory_space<vmem>>
    %dma_wait3A_682 = tpu.memref_squeeze %dma_wait3A_681 : memref<1x128xi32, #tpu.memory_space<vmem>> -> memref<128xi32, #tpu.memory_space<vmem>>
    %dma_wait3A_683 = arith.constant 0 : i32
    %dma_wait3A_684 = arith.constant 0 : i32
    %dma_wait3A_685 = tpu.memref_slice %arg10[%dma_wait3A_683, %dma_wait3A_684] : memref<10240x16xf32, #tpu.memory_space<vmem_shared>> -> memref<10240x16xf32, #tpu.memory_space<vmem_shared>>
    tpu.wait_indirect_dma semaphore(%arg11 : memref<!tpu.dma_semaphore, #tpu.memory_space<semaphore_mem>>) src(%arg7 : memref<128x16xf32, #tpu.memory_space<vmem>>) dst(%dma_wait3A_685 : memref<10240x16xf32, #tpu.memory_space<vmem_shared>>)
    %dma_wait3A_686 = arith.constant 47 : i32
    %dma_wait3A_687 = arith.constant 0 : i32
    %dma_wait3A_688 = tpu.memref_slice %arg6[%dma_wait3A_686, %dma_wait3A_687] : memref<79x128xi32, #tpu.memory_space<vmem>> -> memref<1x128xi32, #tpu.memory_space<vmem>>
    %dma_wait3A_689 = tpu.memref_squeeze %dma_wait3A_688 : memref<1x128xi32, #tpu.memory_space<vmem>> -> memref<128xi32, #tpu.memory_space<vmem>>
    %dma_wait3A_690 = arith.constant 0 : i32
    %dma_wait3A_691 = arith.constant 0 : i32
    %dma_wait3A_692 = tpu.memref_slice %arg10[%dma_wait3A_690, %dma_wait3A_691] : memref<10240x16xf32, #tpu.memory_space<vmem_shared>> -> memref<10240x16xf32, #tpu.memory_space<vmem_shared>>
    tpu.wait_indirect_dma semaphore(%arg11 : memref<!tpu.dma_semaphore, #tpu.memory_space<semaphore_mem>>) src(%arg7 : memref<128x16xf32, #tpu.memory_space<vmem>>) dst(%dma_wait3A_692 : memref<10240x16xf32, #tpu.memory_space<vmem_shared>>)
    %dma_start3A_693 = arith.constant 48 : i32
    %dma_start3A_694 = arith.constant 0 : i32
    %dma_start3A_695 = tpu.memref_slice %arg6[%dma_start3A_693, %dma_start3A_694] : memref<79x128xi32, #tpu.memory_space<vmem>> -> memref<1x128xi32, #tpu.memory_space<vmem>>
    %dma_start3A_696 = tpu.memref_squeeze %dma_start3A_695 : memref<1x128xi32, #tpu.memory_space<vmem>> -> memref<128xi32, #tpu.memory_space<vmem>>
    %dma_start3A_697 = arith.constant 0 : i32
    %dma_start3A_698 = arith.constant 0 : i32
    %dma_start3A_699 = tpu.memref_slice %arg10[%dma_start3A_697, %dma_start3A_698] : memref<10240x16xf32, #tpu.memory_space<vmem_shared>> -> memref<10240x16xf32, #tpu.memory_space<vmem_shared>>
    tpu.enqueue_indirect_dma source(%arg7 : memref<128x16xf32, #tpu.memory_space<vmem>>) target(%dma_start3A_699 : memref<10240x16xf32, #tpu.memory_space<vmem_shared>>) offsets(%dma_start3A_696 : memref<128xi32, #tpu.memory_space<vmem>>) semaphore(%arg11 : memref<!tpu.dma_semaphore, #tpu.memory_space<semaphore_mem>>) {add = true}
    %dma_start3A_700 = arith.constant 49 : i32
    %dma_start3A_701 = arith.constant 0 : i32
    %dma_start3A_702 = tpu.memref_slice %arg6[%dma_start3A_700, %dma_start3A_701] : memref<79x128xi32, #tpu.memory_space<vmem>> -> memref<1x128xi32, #tpu.memory_space<vmem>>
    %dma_start3A_703 = tpu.memref_squeeze %dma_start3A_702 : memref<1x128xi32, #tpu.memory_space<vmem>> -> memref<128xi32, #tpu.memory_space<vmem>>
    %dma_start3A_704 = arith.constant 0 : i32
    %dma_start3A_705 = arith.constant 0 : i32
    %dma_start3A_706 = tpu.memref_slice %arg10[%dma_start3A_704, %dma_start3A_705] : memref<10240x16xf32, #tpu.memory_space<vmem_shared>> -> memref<10240x16xf32, #tpu.memory_space<vmem_shared>>
    tpu.enqueue_indirect_dma source(%arg7 : memref<128x16xf32, #tpu.memory_space<vmem>>) target(%dma_start3A_706 : memref<10240x16xf32, #tpu.memory_space<vmem_shared>>) offsets(%dma_start3A_703 : memref<128xi32, #tpu.memory_space<vmem>>) semaphore(%arg11 : memref<!tpu.dma_semaphore, #tpu.memory_space<semaphore_mem>>) {add = true}
    %dma_start3A_707 = arith.constant 50 : i32
    %dma_start3A_708 = arith.constant 0 : i32
    %dma_start3A_709 = tpu.memref_slice %arg6[%dma_start3A_707, %dma_start3A_708] : memref<79x128xi32, #tpu.memory_space<vmem>> -> memref<1x128xi32, #tpu.memory_space<vmem>>
    %dma_start3A_710 = tpu.memref_squeeze %dma_start3A_709 : memref<1x128xi32, #tpu.memory_space<vmem>> -> memref<128xi32, #tpu.memory_space<vmem>>
    %dma_start3A_711 = arith.constant 0 : i32
    %dma_start3A_712 = arith.constant 0 : i32
    %dma_start3A_713 = tpu.memref_slice %arg10[%dma_start3A_711, %dma_start3A_712] : memref<10240x16xf32, #tpu.memory_space<vmem_shared>> -> memref<10240x16xf32, #tpu.memory_space<vmem_shared>>
    tpu.enqueue_indirect_dma source(%arg7 : memref<128x16xf32, #tpu.memory_space<vmem>>) target(%dma_start3A_713 : memref<10240x16xf32, #tpu.memory_space<vmem_shared>>) offsets(%dma_start3A_710 : memref<128xi32, #tpu.memory_space<vmem>>) semaphore(%arg11 : memref<!tpu.dma_semaphore, #tpu.memory_space<semaphore_mem>>) {add = true}
    %dma_start3A_714 = arith.constant 51 : i32
    %dma_start3A_715 = arith.constant 0 : i32
    %dma_start3A_716 = tpu.memref_slice %arg6[%dma_start3A_714, %dma_start3A_715] : memref<79x128xi32, #tpu.memory_space<vmem>> -> memref<1x128xi32, #tpu.memory_space<vmem>>
    %dma_start3A_717 = tpu.memref_squeeze %dma_start3A_716 : memref<1x128xi32, #tpu.memory_space<vmem>> -> memref<128xi32, #tpu.memory_space<vmem>>
    %dma_start3A_718 = arith.constant 0 : i32
    %dma_start3A_719 = arith.constant 0 : i32
    %dma_start3A_720 = tpu.memref_slice %arg10[%dma_start3A_718, %dma_start3A_719] : memref<10240x16xf32, #tpu.memory_space<vmem_shared>> -> memref<10240x16xf32, #tpu.memory_space<vmem_shared>>
    tpu.enqueue_indirect_dma source(%arg7 : memref<128x16xf32, #tpu.memory_space<vmem>>) target(%dma_start3A_720 : memref<10240x16xf32, #tpu.memory_space<vmem_shared>>) offsets(%dma_start3A_717 : memref<128xi32, #tpu.memory_space<vmem>>) semaphore(%arg11 : memref<!tpu.dma_semaphore, #tpu.memory_space<semaphore_mem>>) {add = true}
    %dma_start3A_721 = arith.constant 52 : i32
    %dma_start3A_722 = arith.constant 0 : i32
    %dma_start3A_723 = tpu.memref_slice %arg6[%dma_start3A_721, %dma_start3A_722] : memref<79x128xi32, #tpu.memory_space<vmem>> -> memref<1x128xi32, #tpu.memory_space<vmem>>
    %dma_start3A_724 = tpu.memref_squeeze %dma_start3A_723 : memref<1x128xi32, #tpu.memory_space<vmem>> -> memref<128xi32, #tpu.memory_space<vmem>>
    %dma_start3A_725 = arith.constant 0 : i32
    %dma_start3A_726 = arith.constant 0 : i32
    %dma_start3A_727 = tpu.memref_slice %arg10[%dma_start3A_725, %dma_start3A_726] : memref<10240x16xf32, #tpu.memory_space<vmem_shared>> -> memref<10240x16xf32, #tpu.memory_space<vmem_shared>>
    tpu.enqueue_indirect_dma source(%arg7 : memref<128x16xf32, #tpu.memory_space<vmem>>) target(%dma_start3A_727 : memref<10240x16xf32, #tpu.memory_space<vmem_shared>>) offsets(%dma_start3A_724 : memref<128xi32, #tpu.memory_space<vmem>>) semaphore(%arg11 : memref<!tpu.dma_semaphore, #tpu.memory_space<semaphore_mem>>) {add = true}
    %dma_start3A_728 = arith.constant 53 : i32
    %dma_start3A_729 = arith.constant 0 : i32
    %dma_start3A_730 = tpu.memref_slice %arg6[%dma_start3A_728, %dma_start3A_729] : memref<79x128xi32, #tpu.memory_space<vmem>> -> memref<1x128xi32, #tpu.memory_space<vmem>>
    %dma_start3A_731 = tpu.memref_squeeze %dma_start3A_730 : memref<1x128xi32, #tpu.memory_space<vmem>> -> memref<128xi32, #tpu.memory_space<vmem>>
    %dma_start3A_732 = arith.constant 0 : i32
    %dma_start3A_733 = arith.constant 0 : i32
    %dma_start3A_734 = tpu.memref_slice %arg10[%dma_start3A_732, %dma_start3A_733] : memref<10240x16xf32, #tpu.memory_space<vmem_shared>> -> memref<10240x16xf32, #tpu.memory_space<vmem_shared>>
    tpu.enqueue_indirect_dma source(%arg7 : memref<128x16xf32, #tpu.memory_space<vmem>>) target(%dma_start3A_734 : memref<10240x16xf32, #tpu.memory_space<vmem_shared>>) offsets(%dma_start3A_731 : memref<128xi32, #tpu.memory_space<vmem>>) semaphore(%arg11 : memref<!tpu.dma_semaphore, #tpu.memory_space<semaphore_mem>>) {add = true}
    %dma_start3A_735 = arith.constant 54 : i32
    %dma_start3A_736 = arith.constant 0 : i32
    %dma_start3A_737 = tpu.memref_slice %arg6[%dma_start3A_735, %dma_start3A_736] : memref<79x128xi32, #tpu.memory_space<vmem>> -> memref<1x128xi32, #tpu.memory_space<vmem>>
    %dma_start3A_738 = tpu.memref_squeeze %dma_start3A_737 : memref<1x128xi32, #tpu.memory_space<vmem>> -> memref<128xi32, #tpu.memory_space<vmem>>
    %dma_start3A_739 = arith.constant 0 : i32
    %dma_start3A_740 = arith.constant 0 : i32
    %dma_start3A_741 = tpu.memref_slice %arg10[%dma_start3A_739, %dma_start3A_740] : memref<10240x16xf32, #tpu.memory_space<vmem_shared>> -> memref<10240x16xf32, #tpu.memory_space<vmem_shared>>
    tpu.enqueue_indirect_dma source(%arg7 : memref<128x16xf32, #tpu.memory_space<vmem>>) target(%dma_start3A_741 : memref<10240x16xf32, #tpu.memory_space<vmem_shared>>) offsets(%dma_start3A_738 : memref<128xi32, #tpu.memory_space<vmem>>) semaphore(%arg11 : memref<!tpu.dma_semaphore, #tpu.memory_space<semaphore_mem>>) {add = true}
    %dma_start3A_742 = arith.constant 55 : i32
    %dma_start3A_743 = arith.constant 0 : i32
    %dma_start3A_744 = tpu.memref_slice %arg6[%dma_start3A_742, %dma_start3A_743] : memref<79x128xi32, #tpu.memory_space<vmem>> -> memref<1x128xi32, #tpu.memory_space<vmem>>
    %dma_start3A_745 = tpu.memref_squeeze %dma_start3A_744 : memref<1x128xi32, #tpu.memory_space<vmem>> -> memref<128xi32, #tpu.memory_space<vmem>>
    %dma_start3A_746 = arith.constant 0 : i32
    %dma_start3A_747 = arith.constant 0 : i32
    %dma_start3A_748 = tpu.memref_slice %arg10[%dma_start3A_746, %dma_start3A_747] : memref<10240x16xf32, #tpu.memory_space<vmem_shared>> -> memref<10240x16xf32, #tpu.memory_space<vmem_shared>>
    tpu.enqueue_indirect_dma source(%arg7 : memref<128x16xf32, #tpu.memory_space<vmem>>) target(%dma_start3A_748 : memref<10240x16xf32, #tpu.memory_space<vmem_shared>>) offsets(%dma_start3A_745 : memref<128xi32, #tpu.memory_space<vmem>>) semaphore(%arg11 : memref<!tpu.dma_semaphore, #tpu.memory_space<semaphore_mem>>) {add = true}
    %dma_wait3A_749 = arith.constant 48 : i32
    %dma_wait3A_750 = arith.constant 0 : i32
    %dma_wait3A_751 = tpu.memref_slice %arg6[%dma_wait3A_749, %dma_wait3A_750] : memref<79x128xi32, #tpu.memory_space<vmem>> -> memref<1x128xi32, #tpu.memory_space<vmem>>
    %dma_wait3A_752 = tpu.memref_squeeze %dma_wait3A_751 : memref<1x128xi32, #tpu.memory_space<vmem>> -> memref<128xi32, #tpu.memory_space<vmem>>
    %dma_wait3A_753 = arith.constant 0 : i32
    %dma_wait3A_754 = arith.constant 0 : i32
    %dma_wait3A_755 = tpu.memref_slice %arg10[%dma_wait3A_753, %dma_wait3A_754] : memref<10240x16xf32, #tpu.memory_space<vmem_shared>> -> memref<10240x16xf32, #tpu.memory_space<vmem_shared>>
    tpu.wait_indirect_dma semaphore(%arg11 : memref<!tpu.dma_semaphore, #tpu.memory_space<semaphore_mem>>) src(%arg7 : memref<128x16xf32, #tpu.memory_space<vmem>>) dst(%dma_wait3A_755 : memref<10240x16xf32, #tpu.memory_space<vmem_shared>>)
    %dma_wait3A_756 = arith.constant 49 : i32
    %dma_wait3A_757 = arith.constant 0 : i32
    %dma_wait3A_758 = tpu.memref_slice %arg6[%dma_wait3A_756, %dma_wait3A_757] : memref<79x128xi32, #tpu.memory_space<vmem>> -> memref<1x128xi32, #tpu.memory_space<vmem>>
    %dma_wait3A_759 = tpu.memref_squeeze %dma_wait3A_758 : memref<1x128xi32, #tpu.memory_space<vmem>> -> memref<128xi32, #tpu.memory_space<vmem>>
    %dma_wait3A_760 = arith.constant 0 : i32
    %dma_wait3A_761 = arith.constant 0 : i32
    %dma_wait3A_762 = tpu.memref_slice %arg10[%dma_wait3A_760, %dma_wait3A_761] : memref<10240x16xf32, #tpu.memory_space<vmem_shared>> -> memref<10240x16xf32, #tpu.memory_space<vmem_shared>>
    tpu.wait_indirect_dma semaphore(%arg11 : memref<!tpu.dma_semaphore, #tpu.memory_space<semaphore_mem>>) src(%arg7 : memref<128x16xf32, #tpu.memory_space<vmem>>) dst(%dma_wait3A_762 : memref<10240x16xf32, #tpu.memory_space<vmem_shared>>)
    %dma_wait3A_763 = arith.constant 50 : i32
    %dma_wait3A_764 = arith.constant 0 : i32
    %dma_wait3A_765 = tpu.memref_slice %arg6[%dma_wait3A_763, %dma_wait3A_764] : memref<79x128xi32, #tpu.memory_space<vmem>> -> memref<1x128xi32, #tpu.memory_space<vmem>>
    %dma_wait3A_766 = tpu.memref_squeeze %dma_wait3A_765 : memref<1x128xi32, #tpu.memory_space<vmem>> -> memref<128xi32, #tpu.memory_space<vmem>>
    %dma_wait3A_767 = arith.constant 0 : i32
    %dma_wait3A_768 = arith.constant 0 : i32
    %dma_wait3A_769 = tpu.memref_slice %arg10[%dma_wait3A_767, %dma_wait3A_768] : memref<10240x16xf32, #tpu.memory_space<vmem_shared>> -> memref<10240x16xf32, #tpu.memory_space<vmem_shared>>
    tpu.wait_indirect_dma semaphore(%arg11 : memref<!tpu.dma_semaphore, #tpu.memory_space<semaphore_mem>>) src(%arg7 : memref<128x16xf32, #tpu.memory_space<vmem>>) dst(%dma_wait3A_769 : memref<10240x16xf32, #tpu.memory_space<vmem_shared>>)
    %dma_wait3A_770 = arith.constant 51 : i32
    %dma_wait3A_771 = arith.constant 0 : i32
    %dma_wait3A_772 = tpu.memref_slice %arg6[%dma_wait3A_770, %dma_wait3A_771] : memref<79x128xi32, #tpu.memory_space<vmem>> -> memref<1x128xi32, #tpu.memory_space<vmem>>
    %dma_wait3A_773 = tpu.memref_squeeze %dma_wait3A_772 : memref<1x128xi32, #tpu.memory_space<vmem>> -> memref<128xi32, #tpu.memory_space<vmem>>
    %dma_wait3A_774 = arith.constant 0 : i32
    %dma_wait3A_775 = arith.constant 0 : i32
    %dma_wait3A_776 = tpu.memref_slice %arg10[%dma_wait3A_774, %dma_wait3A_775] : memref<10240x16xf32, #tpu.memory_space<vmem_shared>> -> memref<10240x16xf32, #tpu.memory_space<vmem_shared>>
    tpu.wait_indirect_dma semaphore(%arg11 : memref<!tpu.dma_semaphore, #tpu.memory_space<semaphore_mem>>) src(%arg7 : memref<128x16xf32, #tpu.memory_space<vmem>>) dst(%dma_wait3A_776 : memref<10240x16xf32, #tpu.memory_space<vmem_shared>>)
    %dma_wait3A_777 = arith.constant 52 : i32
    %dma_wait3A_778 = arith.constant 0 : i32
    %dma_wait3A_779 = tpu.memref_slice %arg6[%dma_wait3A_777, %dma_wait3A_778] : memref<79x128xi32, #tpu.memory_space<vmem>> -> memref<1x128xi32, #tpu.memory_space<vmem>>
    %dma_wait3A_780 = tpu.memref_squeeze %dma_wait3A_779 : memref<1x128xi32, #tpu.memory_space<vmem>> -> memref<128xi32, #tpu.memory_space<vmem>>
    %dma_wait3A_781 = arith.constant 0 : i32
    %dma_wait3A_782 = arith.constant 0 : i32
    %dma_wait3A_783 = tpu.memref_slice %arg10[%dma_wait3A_781, %dma_wait3A_782] : memref<10240x16xf32, #tpu.memory_space<vmem_shared>> -> memref<10240x16xf32, #tpu.memory_space<vmem_shared>>
    tpu.wait_indirect_dma semaphore(%arg11 : memref<!tpu.dma_semaphore, #tpu.memory_space<semaphore_mem>>) src(%arg7 : memref<128x16xf32, #tpu.memory_space<vmem>>) dst(%dma_wait3A_783 : memref<10240x16xf32, #tpu.memory_space<vmem_shared>>)
    %dma_wait3A_784 = arith.constant 53 : i32
    %dma_wait3A_785 = arith.constant 0 : i32
    %dma_wait3A_786 = tpu.memref_slice %arg6[%dma_wait3A_784, %dma_wait3A_785] : memref<79x128xi32, #tpu.memory_space<vmem>> -> memref<1x128xi32, #tpu.memory_space<vmem>>
    %dma_wait3A_787 = tpu.memref_squeeze %dma_wait3A_786 : memref<1x128xi32, #tpu.memory_space<vmem>> -> memref<128xi32, #tpu.memory_space<vmem>>
    %dma_wait3A_788 = arith.constant 0 : i32
    %dma_wait3A_789 = arith.constant 0 : i32
    %dma_wait3A_790 = tpu.memref_slice %arg10[%dma_wait3A_788, %dma_wait3A_789] : memref<10240x16xf32, #tpu.memory_space<vmem_shared>> -> memref<10240x16xf32, #tpu.memory_space<vmem_shared>>
    tpu.wait_indirect_dma semaphore(%arg11 : memref<!tpu.dma_semaphore, #tpu.memory_space<semaphore_mem>>) src(%arg7 : memref<128x16xf32, #tpu.memory_space<vmem>>) dst(%dma_wait3A_790 : memref<10240x16xf32, #tpu.memory_space<vmem_shared>>)
    %dma_wait3A_791 = arith.constant 54 : i32
    %dma_wait3A_792 = arith.constant 0 : i32
    %dma_wait3A_793 = tpu.memref_slice %arg6[%dma_wait3A_791, %dma_wait3A_792] : memref<79x128xi32, #tpu.memory_space<vmem>> -> memref<1x128xi32, #tpu.memory_space<vmem>>
    %dma_wait3A_794 = tpu.memref_squeeze %dma_wait3A_793 : memref<1x128xi32, #tpu.memory_space<vmem>> -> memref<128xi32, #tpu.memory_space<vmem>>
    %dma_wait3A_795 = arith.constant 0 : i32
    %dma_wait3A_796 = arith.constant 0 : i32
    %dma_wait3A_797 = tpu.memref_slice %arg10[%dma_wait3A_795, %dma_wait3A_796] : memref<10240x16xf32, #tpu.memory_space<vmem_shared>> -> memref<10240x16xf32, #tpu.memory_space<vmem_shared>>
    tpu.wait_indirect_dma semaphore(%arg11 : memref<!tpu.dma_semaphore, #tpu.memory_space<semaphore_mem>>) src(%arg7 : memref<128x16xf32, #tpu.memory_space<vmem>>) dst(%dma_wait3A_797 : memref<10240x16xf32, #tpu.memory_space<vmem_shared>>)
    %dma_wait3A_798 = arith.constant 55 : i32
    %dma_wait3A_799 = arith.constant 0 : i32
    %dma_wait3A_800 = tpu.memref_slice %arg6[%dma_wait3A_798, %dma_wait3A_799] : memref<79x128xi32, #tpu.memory_space<vmem>> -> memref<1x128xi32, #tpu.memory_space<vmem>>
    %dma_wait3A_801 = tpu.memref_squeeze %dma_wait3A_800 : memref<1x128xi32, #tpu.memory_space<vmem>> -> memref<128xi32, #tpu.memory_space<vmem>>
    %dma_wait3A_802 = arith.constant 0 : i32
    %dma_wait3A_803 = arith.constant 0 : i32
    %dma_wait3A_804 = tpu.memref_slice %arg10[%dma_wait3A_802, %dma_wait3A_803] : memref<10240x16xf32, #tpu.memory_space<vmem_shared>> -> memref<10240x16xf32, #tpu.memory_space<vmem_shared>>
    tpu.wait_indirect_dma semaphore(%arg11 : memref<!tpu.dma_semaphore, #tpu.memory_space<semaphore_mem>>) src(%arg7 : memref<128x16xf32, #tpu.memory_space<vmem>>) dst(%dma_wait3A_804 : memref<10240x16xf32, #tpu.memory_space<vmem_shared>>)
    %dma_start3A_805 = arith.constant 56 : i32
    %dma_start3A_806 = arith.constant 0 : i32
    %dma_start3A_807 = tpu.memref_slice %arg6[%dma_start3A_805, %dma_start3A_806] : memref<79x128xi32, #tpu.memory_space<vmem>> -> memref<1x128xi32, #tpu.memory_space<vmem>>
    %dma_start3A_808 = tpu.memref_squeeze %dma_start3A_807 : memref<1x128xi32, #tpu.memory_space<vmem>> -> memref<128xi32, #tpu.memory_space<vmem>>
    %dma_start3A_809 = arith.constant 0 : i32
    %dma_start3A_810 = arith.constant 0 : i32
    %dma_start3A_811 = tpu.memref_slice %arg10[%dma_start3A_809, %dma_start3A_810] : memref<10240x16xf32, #tpu.memory_space<vmem_shared>> -> memref<10240x16xf32, #tpu.memory_space<vmem_shared>>
    tpu.enqueue_indirect_dma source(%arg7 : memref<128x16xf32, #tpu.memory_space<vmem>>) target(%dma_start3A_811 : memref<10240x16xf32, #tpu.memory_space<vmem_shared>>) offsets(%dma_start3A_808 : memref<128xi32, #tpu.memory_space<vmem>>) semaphore(%arg11 : memref<!tpu.dma_semaphore, #tpu.memory_space<semaphore_mem>>) {add = true}
    %dma_start3A_812 = arith.constant 57 : i32
    %dma_start3A_813 = arith.constant 0 : i32
    %dma_start3A_814 = tpu.memref_slice %arg6[%dma_start3A_812, %dma_start3A_813] : memref<79x128xi32, #tpu.memory_space<vmem>> -> memref<1x128xi32, #tpu.memory_space<vmem>>
    %dma_start3A_815 = tpu.memref_squeeze %dma_start3A_814 : memref<1x128xi32, #tpu.memory_space<vmem>> -> memref<128xi32, #tpu.memory_space<vmem>>
    %dma_start3A_816 = arith.constant 0 : i32
    %dma_start3A_817 = arith.constant 0 : i32
    %dma_start3A_818 = tpu.memref_slice %arg10[%dma_start3A_816, %dma_start3A_817] : memref<10240x16xf32, #tpu.memory_space<vmem_shared>> -> memref<10240x16xf32, #tpu.memory_space<vmem_shared>>
    tpu.enqueue_indirect_dma source(%arg7 : memref<128x16xf32, #tpu.memory_space<vmem>>) target(%dma_start3A_818 : memref<10240x16xf32, #tpu.memory_space<vmem_shared>>) offsets(%dma_start3A_815 : memref<128xi32, #tpu.memory_space<vmem>>) semaphore(%arg11 : memref<!tpu.dma_semaphore, #tpu.memory_space<semaphore_mem>>) {add = true}
    %dma_start3A_819 = arith.constant 58 : i32
    %dma_start3A_820 = arith.constant 0 : i32
    %dma_start3A_821 = tpu.memref_slice %arg6[%dma_start3A_819, %dma_start3A_820] : memref<79x128xi32, #tpu.memory_space<vmem>> -> memref<1x128xi32, #tpu.memory_space<vmem>>
    %dma_start3A_822 = tpu.memref_squeeze %dma_start3A_821 : memref<1x128xi32, #tpu.memory_space<vmem>> -> memref<128xi32, #tpu.memory_space<vmem>>
    %dma_start3A_823 = arith.constant 0 : i32
    %dma_start3A_824 = arith.constant 0 : i32
    %dma_start3A_825 = tpu.memref_slice %arg10[%dma_start3A_823, %dma_start3A_824] : memref<10240x16xf32, #tpu.memory_space<vmem_shared>> -> memref<10240x16xf32, #tpu.memory_space<vmem_shared>>
    tpu.enqueue_indirect_dma source(%arg7 : memref<128x16xf32, #tpu.memory_space<vmem>>) target(%dma_start3A_825 : memref<10240x16xf32, #tpu.memory_space<vmem_shared>>) offsets(%dma_start3A_822 : memref<128xi32, #tpu.memory_space<vmem>>) semaphore(%arg11 : memref<!tpu.dma_semaphore, #tpu.memory_space<semaphore_mem>>) {add = true}
    %dma_start3A_826 = arith.constant 59 : i32
    %dma_start3A_827 = arith.constant 0 : i32
    %dma_start3A_828 = tpu.memref_slice %arg6[%dma_start3A_826, %dma_start3A_827] : memref<79x128xi32, #tpu.memory_space<vmem>> -> memref<1x128xi32, #tpu.memory_space<vmem>>
    %dma_start3A_829 = tpu.memref_squeeze %dma_start3A_828 : memref<1x128xi32, #tpu.memory_space<vmem>> -> memref<128xi32, #tpu.memory_space<vmem>>
    %dma_start3A_830 = arith.constant 0 : i32
    %dma_start3A_831 = arith.constant 0 : i32
    %dma_start3A_832 = tpu.memref_slice %arg10[%dma_start3A_830, %dma_start3A_831] : memref<10240x16xf32, #tpu.memory_space<vmem_shared>> -> memref<10240x16xf32, #tpu.memory_space<vmem_shared>>
    tpu.enqueue_indirect_dma source(%arg7 : memref<128x16xf32, #tpu.memory_space<vmem>>) target(%dma_start3A_832 : memref<10240x16xf32, #tpu.memory_space<vmem_shared>>) offsets(%dma_start3A_829 : memref<128xi32, #tpu.memory_space<vmem>>) semaphore(%arg11 : memref<!tpu.dma_semaphore, #tpu.memory_space<semaphore_mem>>) {add = true}
    %dma_start3A_833 = arith.constant 60 : i32
    %dma_start3A_834 = arith.constant 0 : i32
    %dma_start3A_835 = tpu.memref_slice %arg6[%dma_start3A_833, %dma_start3A_834] : memref<79x128xi32, #tpu.memory_space<vmem>> -> memref<1x128xi32, #tpu.memory_space<vmem>>
    %dma_start3A_836 = tpu.memref_squeeze %dma_start3A_835 : memref<1x128xi32, #tpu.memory_space<vmem>> -> memref<128xi32, #tpu.memory_space<vmem>>
    %dma_start3A_837 = arith.constant 0 : i32
    %dma_start3A_838 = arith.constant 0 : i32
    %dma_start3A_839 = tpu.memref_slice %arg10[%dma_start3A_837, %dma_start3A_838] : memref<10240x16xf32, #tpu.memory_space<vmem_shared>> -> memref<10240x16xf32, #tpu.memory_space<vmem_shared>>
    tpu.enqueue_indirect_dma source(%arg7 : memref<128x16xf32, #tpu.memory_space<vmem>>) target(%dma_start3A_839 : memref<10240x16xf32, #tpu.memory_space<vmem_shared>>) offsets(%dma_start3A_836 : memref<128xi32, #tpu.memory_space<vmem>>) semaphore(%arg11 : memref<!tpu.dma_semaphore, #tpu.memory_space<semaphore_mem>>) {add = true}
    %dma_start3A_840 = arith.constant 61 : i32
    %dma_start3A_841 = arith.constant 0 : i32
    %dma_start3A_842 = tpu.memref_slice %arg6[%dma_start3A_840, %dma_start3A_841] : memref<79x128xi32, #tpu.memory_space<vmem>> -> memref<1x128xi32, #tpu.memory_space<vmem>>
    %dma_start3A_843 = tpu.memref_squeeze %dma_start3A_842 : memref<1x128xi32, #tpu.memory_space<vmem>> -> memref<128xi32, #tpu.memory_space<vmem>>
    %dma_start3A_844 = arith.constant 0 : i32
    %dma_start3A_845 = arith.constant 0 : i32
    %dma_start3A_846 = tpu.memref_slice %arg10[%dma_start3A_844, %dma_start3A_845] : memref<10240x16xf32, #tpu.memory_space<vmem_shared>> -> memref<10240x16xf32, #tpu.memory_space<vmem_shared>>
    tpu.enqueue_indirect_dma source(%arg7 : memref<128x16xf32, #tpu.memory_space<vmem>>) target(%dma_start3A_846 : memref<10240x16xf32, #tpu.memory_space<vmem_shared>>) offsets(%dma_start3A_843 : memref<128xi32, #tpu.memory_space<vmem>>) semaphore(%arg11 : memref<!tpu.dma_semaphore, #tpu.memory_space<semaphore_mem>>) {add = true}
    %dma_start3A_847 = arith.constant 62 : i32
    %dma_start3A_848 = arith.constant 0 : i32
    %dma_start3A_849 = tpu.memref_slice %arg6[%dma_start3A_847, %dma_start3A_848] : memref<79x128xi32, #tpu.memory_space<vmem>> -> memref<1x128xi32, #tpu.memory_space<vmem>>
    %dma_start3A_850 = tpu.memref_squeeze %dma_start3A_849 : memref<1x128xi32, #tpu.memory_space<vmem>> -> memref<128xi32, #tpu.memory_space<vmem>>
    %dma_start3A_851 = arith.constant 0 : i32
    %dma_start3A_852 = arith.constant 0 : i32
    %dma_start3A_853 = tpu.memref_slice %arg10[%dma_start3A_851, %dma_start3A_852] : memref<10240x16xf32, #tpu.memory_space<vmem_shared>> -> memref<10240x16xf32, #tpu.memory_space<vmem_shared>>
    tpu.enqueue_indirect_dma source(%arg7 : memref<128x16xf32, #tpu.memory_space<vmem>>) target(%dma_start3A_853 : memref<10240x16xf32, #tpu.memory_space<vmem_shared>>) offsets(%dma_start3A_850 : memref<128xi32, #tpu.memory_space<vmem>>) semaphore(%arg11 : memref<!tpu.dma_semaphore, #tpu.memory_space<semaphore_mem>>) {add = true}
    %dma_start3A_854 = arith.constant 63 : i32
    %dma_start3A_855 = arith.constant 0 : i32
    %dma_start3A_856 = tpu.memref_slice %arg6[%dma_start3A_854, %dma_start3A_855] : memref<79x128xi32, #tpu.memory_space<vmem>> -> memref<1x128xi32, #tpu.memory_space<vmem>>
    %dma_start3A_857 = tpu.memref_squeeze %dma_start3A_856 : memref<1x128xi32, #tpu.memory_space<vmem>> -> memref<128xi32, #tpu.memory_space<vmem>>
    %dma_start3A_858 = arith.constant 0 : i32
    %dma_start3A_859 = arith.constant 0 : i32
    %dma_start3A_860 = tpu.memref_slice %arg10[%dma_start3A_858, %dma_start3A_859] : memref<10240x16xf32, #tpu.memory_space<vmem_shared>> -> memref<10240x16xf32, #tpu.memory_space<vmem_shared>>
    tpu.enqueue_indirect_dma source(%arg7 : memref<128x16xf32, #tpu.memory_space<vmem>>) target(%dma_start3A_860 : memref<10240x16xf32, #tpu.memory_space<vmem_shared>>) offsets(%dma_start3A_857 : memref<128xi32, #tpu.memory_space<vmem>>) semaphore(%arg11 : memref<!tpu.dma_semaphore, #tpu.memory_space<semaphore_mem>>) {add = true}
    %dma_wait3A_861 = arith.constant 56 : i32
    %dma_wait3A_862 = arith.constant 0 : i32
    %dma_wait3A_863 = tpu.memref_slice %arg6[%dma_wait3A_861, %dma_wait3A_862] : memref<79x128xi32, #tpu.memory_space<vmem>> -> memref<1x128xi32, #tpu.memory_space<vmem>>
    %dma_wait3A_864 = tpu.memref_squeeze %dma_wait3A_863 : memref<1x128xi32, #tpu.memory_space<vmem>> -> memref<128xi32, #tpu.memory_space<vmem>>
    %dma_wait3A_865 = arith.constant 0 : i32
    %dma_wait3A_866 = arith.constant 0 : i32
    %dma_wait3A_867 = tpu.memref_slice %arg10[%dma_wait3A_865, %dma_wait3A_866] : memref<10240x16xf32, #tpu.memory_space<vmem_shared>> -> memref<10240x16xf32, #tpu.memory_space<vmem_shared>>
    tpu.wait_indirect_dma semaphore(%arg11 : memref<!tpu.dma_semaphore, #tpu.memory_space<semaphore_mem>>) src(%arg7 : memref<128x16xf32, #tpu.memory_space<vmem>>) dst(%dma_wait3A_867 : memref<10240x16xf32, #tpu.memory_space<vmem_shared>>)
    %dma_wait3A_868 = arith.constant 57 : i32
    %dma_wait3A_869 = arith.constant 0 : i32
    %dma_wait3A_870 = tpu.memref_slice %arg6[%dma_wait3A_868, %dma_wait3A_869] : memref<79x128xi32, #tpu.memory_space<vmem>> -> memref<1x128xi32, #tpu.memory_space<vmem>>
    %dma_wait3A_871 = tpu.memref_squeeze %dma_wait3A_870 : memref<1x128xi32, #tpu.memory_space<vmem>> -> memref<128xi32, #tpu.memory_space<vmem>>
    %dma_wait3A_872 = arith.constant 0 : i32
    %dma_wait3A_873 = arith.constant 0 : i32
    %dma_wait3A_874 = tpu.memref_slice %arg10[%dma_wait3A_872, %dma_wait3A_873] : memref<10240x16xf32, #tpu.memory_space<vmem_shared>> -> memref<10240x16xf32, #tpu.memory_space<vmem_shared>>
    tpu.wait_indirect_dma semaphore(%arg11 : memref<!tpu.dma_semaphore, #tpu.memory_space<semaphore_mem>>) src(%arg7 : memref<128x16xf32, #tpu.memory_space<vmem>>) dst(%dma_wait3A_874 : memref<10240x16xf32, #tpu.memory_space<vmem_shared>>)
    %dma_wait3A_875 = arith.constant 58 : i32
    %dma_wait3A_876 = arith.constant 0 : i32
    %dma_wait3A_877 = tpu.memref_slice %arg6[%dma_wait3A_875, %dma_wait3A_876] : memref<79x128xi32, #tpu.memory_space<vmem>> -> memref<1x128xi32, #tpu.memory_space<vmem>>
    %dma_wait3A_878 = tpu.memref_squeeze %dma_wait3A_877 : memref<1x128xi32, #tpu.memory_space<vmem>> -> memref<128xi32, #tpu.memory_space<vmem>>
    %dma_wait3A_879 = arith.constant 0 : i32
    %dma_wait3A_880 = arith.constant 0 : i32
    %dma_wait3A_881 = tpu.memref_slice %arg10[%dma_wait3A_879, %dma_wait3A_880] : memref<10240x16xf32, #tpu.memory_space<vmem_shared>> -> memref<10240x16xf32, #tpu.memory_space<vmem_shared>>
    tpu.wait_indirect_dma semaphore(%arg11 : memref<!tpu.dma_semaphore, #tpu.memory_space<semaphore_mem>>) src(%arg7 : memref<128x16xf32, #tpu.memory_space<vmem>>) dst(%dma_wait3A_881 : memref<10240x16xf32, #tpu.memory_space<vmem_shared>>)
    %dma_wait3A_882 = arith.constant 59 : i32
    %dma_wait3A_883 = arith.constant 0 : i32
    %dma_wait3A_884 = tpu.memref_slice %arg6[%dma_wait3A_882, %dma_wait3A_883] : memref<79x128xi32, #tpu.memory_space<vmem>> -> memref<1x128xi32, #tpu.memory_space<vmem>>
    %dma_wait3A_885 = tpu.memref_squeeze %dma_wait3A_884 : memref<1x128xi32, #tpu.memory_space<vmem>> -> memref<128xi32, #tpu.memory_space<vmem>>
    %dma_wait3A_886 = arith.constant 0 : i32
    %dma_wait3A_887 = arith.constant 0 : i32
    %dma_wait3A_888 = tpu.memref_slice %arg10[%dma_wait3A_886, %dma_wait3A_887] : memref<10240x16xf32, #tpu.memory_space<vmem_shared>> -> memref<10240x16xf32, #tpu.memory_space<vmem_shared>>
    tpu.wait_indirect_dma semaphore(%arg11 : memref<!tpu.dma_semaphore, #tpu.memory_space<semaphore_mem>>) src(%arg7 : memref<128x16xf32, #tpu.memory_space<vmem>>) dst(%dma_wait3A_888 : memref<10240x16xf32, #tpu.memory_space<vmem_shared>>)
    %dma_wait3A_889 = arith.constant 60 : i32
    %dma_wait3A_890 = arith.constant 0 : i32
    %dma_wait3A_891 = tpu.memref_slice %arg6[%dma_wait3A_889, %dma_wait3A_890] : memref<79x128xi32, #tpu.memory_space<vmem>> -> memref<1x128xi32, #tpu.memory_space<vmem>>
    %dma_wait3A_892 = tpu.memref_squeeze %dma_wait3A_891 : memref<1x128xi32, #tpu.memory_space<vmem>> -> memref<128xi32, #tpu.memory_space<vmem>>
    %dma_wait3A_893 = arith.constant 0 : i32
    %dma_wait3A_894 = arith.constant 0 : i32
    %dma_wait3A_895 = tpu.memref_slice %arg10[%dma_wait3A_893, %dma_wait3A_894] : memref<10240x16xf32, #tpu.memory_space<vmem_shared>> -> memref<10240x16xf32, #tpu.memory_space<vmem_shared>>
    tpu.wait_indirect_dma semaphore(%arg11 : memref<!tpu.dma_semaphore, #tpu.memory_space<semaphore_mem>>) src(%arg7 : memref<128x16xf32, #tpu.memory_space<vmem>>) dst(%dma_wait3A_895 : memref<10240x16xf32, #tpu.memory_space<vmem_shared>>)
    %dma_wait3A_896 = arith.constant 61 : i32
    %dma_wait3A_897 = arith.constant 0 : i32
    %dma_wait3A_898 = tpu.memref_slice %arg6[%dma_wait3A_896, %dma_wait3A_897] : memref<79x128xi32, #tpu.memory_space<vmem>> -> memref<1x128xi32, #tpu.memory_space<vmem>>
    %dma_wait3A_899 = tpu.memref_squeeze %dma_wait3A_898 : memref<1x128xi32, #tpu.memory_space<vmem>> -> memref<128xi32, #tpu.memory_space<vmem>>
    %dma_wait3A_900 = arith.constant 0 : i32
    %dma_wait3A_901 = arith.constant 0 : i32
    %dma_wait3A_902 = tpu.memref_slice %arg10[%dma_wait3A_900, %dma_wait3A_901] : memref<10240x16xf32, #tpu.memory_space<vmem_shared>> -> memref<10240x16xf32, #tpu.memory_space<vmem_shared>>
    tpu.wait_indirect_dma semaphore(%arg11 : memref<!tpu.dma_semaphore, #tpu.memory_space<semaphore_mem>>) src(%arg7 : memref<128x16xf32, #tpu.memory_space<vmem>>) dst(%dma_wait3A_902 : memref<10240x16xf32, #tpu.memory_space<vmem_shared>>)
    %dma_wait3A_903 = arith.constant 62 : i32
    %dma_wait3A_904 = arith.constant 0 : i32
    %dma_wait3A_905 = tpu.memref_slice %arg6[%dma_wait3A_903, %dma_wait3A_904] : memref<79x128xi32, #tpu.memory_space<vmem>> -> memref<1x128xi32, #tpu.memory_space<vmem>>
    %dma_wait3A_906 = tpu.memref_squeeze %dma_wait3A_905 : memref<1x128xi32, #tpu.memory_space<vmem>> -> memref<128xi32, #tpu.memory_space<vmem>>
    %dma_wait3A_907 = arith.constant 0 : i32
    %dma_wait3A_908 = arith.constant 0 : i32
    %dma_wait3A_909 = tpu.memref_slice %arg10[%dma_wait3A_907, %dma_wait3A_908] : memref<10240x16xf32, #tpu.memory_space<vmem_shared>> -> memref<10240x16xf32, #tpu.memory_space<vmem_shared>>
    tpu.wait_indirect_dma semaphore(%arg11 : memref<!tpu.dma_semaphore, #tpu.memory_space<semaphore_mem>>) src(%arg7 : memref<128x16xf32, #tpu.memory_space<vmem>>) dst(%dma_wait3A_909 : memref<10240x16xf32, #tpu.memory_space<vmem_shared>>)
    %dma_wait3A_910 = arith.constant 63 : i32
    %dma_wait3A_911 = arith.constant 0 : i32
    %dma_wait3A_912 = tpu.memref_slice %arg6[%dma_wait3A_910, %dma_wait3A_911] : memref<79x128xi32, #tpu.memory_space<vmem>> -> memref<1x128xi32, #tpu.memory_space<vmem>>
    %dma_wait3A_913 = tpu.memref_squeeze %dma_wait3A_912 : memref<1x128xi32, #tpu.memory_space<vmem>> -> memref<128xi32, #tpu.memory_space<vmem>>
    %dma_wait3A_914 = arith.constant 0 : i32
    %dma_wait3A_915 = arith.constant 0 : i32
    %dma_wait3A_916 = tpu.memref_slice %arg10[%dma_wait3A_914, %dma_wait3A_915] : memref<10240x16xf32, #tpu.memory_space<vmem_shared>> -> memref<10240x16xf32, #tpu.memory_space<vmem_shared>>
    tpu.wait_indirect_dma semaphore(%arg11 : memref<!tpu.dma_semaphore, #tpu.memory_space<semaphore_mem>>) src(%arg7 : memref<128x16xf32, #tpu.memory_space<vmem>>) dst(%dma_wait3A_916 : memref<10240x16xf32, #tpu.memory_space<vmem_shared>>)
    %dma_start3A_917 = arith.constant 64 : i32
    %dma_start3A_918 = arith.constant 0 : i32
    %dma_start3A_919 = tpu.memref_slice %arg6[%dma_start3A_917, %dma_start3A_918] : memref<79x128xi32, #tpu.memory_space<vmem>> -> memref<1x128xi32, #tpu.memory_space<vmem>>
    %dma_start3A_920 = tpu.memref_squeeze %dma_start3A_919 : memref<1x128xi32, #tpu.memory_space<vmem>> -> memref<128xi32, #tpu.memory_space<vmem>>
    %dma_start3A_921 = arith.constant 0 : i32
    %dma_start3A_922 = arith.constant 0 : i32
    %dma_start3A_923 = tpu.memref_slice %arg10[%dma_start3A_921, %dma_start3A_922] : memref<10240x16xf32, #tpu.memory_space<vmem_shared>> -> memref<10240x16xf32, #tpu.memory_space<vmem_shared>>
    tpu.enqueue_indirect_dma source(%arg7 : memref<128x16xf32, #tpu.memory_space<vmem>>) target(%dma_start3A_923 : memref<10240x16xf32, #tpu.memory_space<vmem_shared>>) offsets(%dma_start3A_920 : memref<128xi32, #tpu.memory_space<vmem>>) semaphore(%arg11 : memref<!tpu.dma_semaphore, #tpu.memory_space<semaphore_mem>>) {add = true}
    %dma_start3A_924 = arith.constant 65 : i32
    %dma_start3A_925 = arith.constant 0 : i32
    %dma_start3A_926 = tpu.memref_slice %arg6[%dma_start3A_924, %dma_start3A_925] : memref<79x128xi32, #tpu.memory_space<vmem>> -> memref<1x128xi32, #tpu.memory_space<vmem>>
    %dma_start3A_927 = tpu.memref_squeeze %dma_start3A_926 : memref<1x128xi32, #tpu.memory_space<vmem>> -> memref<128xi32, #tpu.memory_space<vmem>>
    %dma_start3A_928 = arith.constant 0 : i32
    %dma_start3A_929 = arith.constant 0 : i32
    %dma_start3A_930 = tpu.memref_slice %arg10[%dma_start3A_928, %dma_start3A_929] : memref<10240x16xf32, #tpu.memory_space<vmem_shared>> -> memref<10240x16xf32, #tpu.memory_space<vmem_shared>>
    tpu.enqueue_indirect_dma source(%arg7 : memref<128x16xf32, #tpu.memory_space<vmem>>) target(%dma_start3A_930 : memref<10240x16xf32, #tpu.memory_space<vmem_shared>>) offsets(%dma_start3A_927 : memref<128xi32, #tpu.memory_space<vmem>>) semaphore(%arg11 : memref<!tpu.dma_semaphore, #tpu.memory_space<semaphore_mem>>) {add = true}
    %dma_start3A_931 = arith.constant 66 : i32
    %dma_start3A_932 = arith.constant 0 : i32
    %dma_start3A_933 = tpu.memref_slice %arg6[%dma_start3A_931, %dma_start3A_932] : memref<79x128xi32, #tpu.memory_space<vmem>> -> memref<1x128xi32, #tpu.memory_space<vmem>>
    %dma_start3A_934 = tpu.memref_squeeze %dma_start3A_933 : memref<1x128xi32, #tpu.memory_space<vmem>> -> memref<128xi32, #tpu.memory_space<vmem>>
    %dma_start3A_935 = arith.constant 0 : i32
    %dma_start3A_936 = arith.constant 0 : i32
    %dma_start3A_937 = tpu.memref_slice %arg10[%dma_start3A_935, %dma_start3A_936] : memref<10240x16xf32, #tpu.memory_space<vmem_shared>> -> memref<10240x16xf32, #tpu.memory_space<vmem_shared>>
    tpu.enqueue_indirect_dma source(%arg7 : memref<128x16xf32, #tpu.memory_space<vmem>>) target(%dma_start3A_937 : memref<10240x16xf32, #tpu.memory_space<vmem_shared>>) offsets(%dma_start3A_934 : memref<128xi32, #tpu.memory_space<vmem>>) semaphore(%arg11 : memref<!tpu.dma_semaphore, #tpu.memory_space<semaphore_mem>>) {add = true}
    %dma_start3A_938 = arith.constant 67 : i32
    %dma_start3A_939 = arith.constant 0 : i32
    %dma_start3A_940 = tpu.memref_slice %arg6[%dma_start3A_938, %dma_start3A_939] : memref<79x128xi32, #tpu.memory_space<vmem>> -> memref<1x128xi32, #tpu.memory_space<vmem>>
    %dma_start3A_941 = tpu.memref_squeeze %dma_start3A_940 : memref<1x128xi32, #tpu.memory_space<vmem>> -> memref<128xi32, #tpu.memory_space<vmem>>
    %dma_start3A_942 = arith.constant 0 : i32
    %dma_start3A_943 = arith.constant 0 : i32
    %dma_start3A_944 = tpu.memref_slice %arg10[%dma_start3A_942, %dma_start3A_943] : memref<10240x16xf32, #tpu.memory_space<vmem_shared>> -> memref<10240x16xf32, #tpu.memory_space<vmem_shared>>
    tpu.enqueue_indirect_dma source(%arg7 : memref<128x16xf32, #tpu.memory_space<vmem>>) target(%dma_start3A_944 : memref<10240x16xf32, #tpu.memory_space<vmem_shared>>) offsets(%dma_start3A_941 : memref<128xi32, #tpu.memory_space<vmem>>) semaphore(%arg11 : memref<!tpu.dma_semaphore, #tpu.memory_space<semaphore_mem>>) {add = true}
    %dma_start3A_945 = arith.constant 68 : i32
    %dma_start3A_946 = arith.constant 0 : i32
    %dma_start3A_947 = tpu.memref_slice %arg6[%dma_start3A_945, %dma_start3A_946] : memref<79x128xi32, #tpu.memory_space<vmem>> -> memref<1x128xi32, #tpu.memory_space<vmem>>
    %dma_start3A_948 = tpu.memref_squeeze %dma_start3A_947 : memref<1x128xi32, #tpu.memory_space<vmem>> -> memref<128xi32, #tpu.memory_space<vmem>>
    %dma_start3A_949 = arith.constant 0 : i32
    %dma_start3A_950 = arith.constant 0 : i32
    %dma_start3A_951 = tpu.memref_slice %arg10[%dma_start3A_949, %dma_start3A_950] : memref<10240x16xf32, #tpu.memory_space<vmem_shared>> -> memref<10240x16xf32, #tpu.memory_space<vmem_shared>>
    tpu.enqueue_indirect_dma source(%arg7 : memref<128x16xf32, #tpu.memory_space<vmem>>) target(%dma_start3A_951 : memref<10240x16xf32, #tpu.memory_space<vmem_shared>>) offsets(%dma_start3A_948 : memref<128xi32, #tpu.memory_space<vmem>>) semaphore(%arg11 : memref<!tpu.dma_semaphore, #tpu.memory_space<semaphore_mem>>) {add = true}
    %dma_start3A_952 = arith.constant 69 : i32
    %dma_start3A_953 = arith.constant 0 : i32
    %dma_start3A_954 = tpu.memref_slice %arg6[%dma_start3A_952, %dma_start3A_953] : memref<79x128xi32, #tpu.memory_space<vmem>> -> memref<1x128xi32, #tpu.memory_space<vmem>>
    %dma_start3A_955 = tpu.memref_squeeze %dma_start3A_954 : memref<1x128xi32, #tpu.memory_space<vmem>> -> memref<128xi32, #tpu.memory_space<vmem>>
    %dma_start3A_956 = arith.constant 0 : i32
    %dma_start3A_957 = arith.constant 0 : i32
    %dma_start3A_958 = tpu.memref_slice %arg10[%dma_start3A_956, %dma_start3A_957] : memref<10240x16xf32, #tpu.memory_space<vmem_shared>> -> memref<10240x16xf32, #tpu.memory_space<vmem_shared>>
    tpu.enqueue_indirect_dma source(%arg7 : memref<128x16xf32, #tpu.memory_space<vmem>>) target(%dma_start3A_958 : memref<10240x16xf32, #tpu.memory_space<vmem_shared>>) offsets(%dma_start3A_955 : memref<128xi32, #tpu.memory_space<vmem>>) semaphore(%arg11 : memref<!tpu.dma_semaphore, #tpu.memory_space<semaphore_mem>>) {add = true}
    %dma_start3A_959 = arith.constant 70 : i32
    %dma_start3A_960 = arith.constant 0 : i32
    %dma_start3A_961 = tpu.memref_slice %arg6[%dma_start3A_959, %dma_start3A_960] : memref<79x128xi32, #tpu.memory_space<vmem>> -> memref<1x128xi32, #tpu.memory_space<vmem>>
    %dma_start3A_962 = tpu.memref_squeeze %dma_start3A_961 : memref<1x128xi32, #tpu.memory_space<vmem>> -> memref<128xi32, #tpu.memory_space<vmem>>
    %dma_start3A_963 = arith.constant 0 : i32
    %dma_start3A_964 = arith.constant 0 : i32
    %dma_start3A_965 = tpu.memref_slice %arg10[%dma_start3A_963, %dma_start3A_964] : memref<10240x16xf32, #tpu.memory_space<vmem_shared>> -> memref<10240x16xf32, #tpu.memory_space<vmem_shared>>
    tpu.enqueue_indirect_dma source(%arg7 : memref<128x16xf32, #tpu.memory_space<vmem>>) target(%dma_start3A_965 : memref<10240x16xf32, #tpu.memory_space<vmem_shared>>) offsets(%dma_start3A_962 : memref<128xi32, #tpu.memory_space<vmem>>) semaphore(%arg11 : memref<!tpu.dma_semaphore, #tpu.memory_space<semaphore_mem>>) {add = true}
    %dma_start3A_966 = arith.constant 71 : i32
    %dma_start3A_967 = arith.constant 0 : i32
    %dma_start3A_968 = tpu.memref_slice %arg6[%dma_start3A_966, %dma_start3A_967] : memref<79x128xi32, #tpu.memory_space<vmem>> -> memref<1x128xi32, #tpu.memory_space<vmem>>
    %dma_start3A_969 = tpu.memref_squeeze %dma_start3A_968 : memref<1x128xi32, #tpu.memory_space<vmem>> -> memref<128xi32, #tpu.memory_space<vmem>>
    %dma_start3A_970 = arith.constant 0 : i32
    %dma_start3A_971 = arith.constant 0 : i32
    %dma_start3A_972 = tpu.memref_slice %arg10[%dma_start3A_970, %dma_start3A_971] : memref<10240x16xf32, #tpu.memory_space<vmem_shared>> -> memref<10240x16xf32, #tpu.memory_space<vmem_shared>>
    tpu.enqueue_indirect_dma source(%arg7 : memref<128x16xf32, #tpu.memory_space<vmem>>) target(%dma_start3A_972 : memref<10240x16xf32, #tpu.memory_space<vmem_shared>>) offsets(%dma_start3A_969 : memref<128xi32, #tpu.memory_space<vmem>>) semaphore(%arg11 : memref<!tpu.dma_semaphore, #tpu.memory_space<semaphore_mem>>) {add = true}
    %dma_wait3A_973 = arith.constant 64 : i32
    %dma_wait3A_974 = arith.constant 0 : i32
    %dma_wait3A_975 = tpu.memref_slice %arg6[%dma_wait3A_973, %dma_wait3A_974] : memref<79x128xi32, #tpu.memory_space<vmem>> -> memref<1x128xi32, #tpu.memory_space<vmem>>
    %dma_wait3A_976 = tpu.memref_squeeze %dma_wait3A_975 : memref<1x128xi32, #tpu.memory_space<vmem>> -> memref<128xi32, #tpu.memory_space<vmem>>
    %dma_wait3A_977 = arith.constant 0 : i32
    %dma_wait3A_978 = arith.constant 0 : i32
    %dma_wait3A_979 = tpu.memref_slice %arg10[%dma_wait3A_977, %dma_wait3A_978] : memref<10240x16xf32, #tpu.memory_space<vmem_shared>> -> memref<10240x16xf32, #tpu.memory_space<vmem_shared>>
    tpu.wait_indirect_dma semaphore(%arg11 : memref<!tpu.dma_semaphore, #tpu.memory_space<semaphore_mem>>) src(%arg7 : memref<128x16xf32, #tpu.memory_space<vmem>>) dst(%dma_wait3A_979 : memref<10240x16xf32, #tpu.memory_space<vmem_shared>>)
    %dma_wait3A_980 = arith.constant 65 : i32
    %dma_wait3A_981 = arith.constant 0 : i32
    %dma_wait3A_982 = tpu.memref_slice %arg6[%dma_wait3A_980, %dma_wait3A_981] : memref<79x128xi32, #tpu.memory_space<vmem>> -> memref<1x128xi32, #tpu.memory_space<vmem>>
    %dma_wait3A_983 = tpu.memref_squeeze %dma_wait3A_982 : memref<1x128xi32, #tpu.memory_space<vmem>> -> memref<128xi32, #tpu.memory_space<vmem>>
    %dma_wait3A_984 = arith.constant 0 : i32
    %dma_wait3A_985 = arith.constant 0 : i32
    %dma_wait3A_986 = tpu.memref_slice %arg10[%dma_wait3A_984, %dma_wait3A_985] : memref<10240x16xf32, #tpu.memory_space<vmem_shared>> -> memref<10240x16xf32, #tpu.memory_space<vmem_shared>>
    tpu.wait_indirect_dma semaphore(%arg11 : memref<!tpu.dma_semaphore, #tpu.memory_space<semaphore_mem>>) src(%arg7 : memref<128x16xf32, #tpu.memory_space<vmem>>) dst(%dma_wait3A_986 : memref<10240x16xf32, #tpu.memory_space<vmem_shared>>)
    %dma_wait3A_987 = arith.constant 66 : i32
    %dma_wait3A_988 = arith.constant 0 : i32
    %dma_wait3A_989 = tpu.memref_slice %arg6[%dma_wait3A_987, %dma_wait3A_988] : memref<79x128xi32, #tpu.memory_space<vmem>> -> memref<1x128xi32, #tpu.memory_space<vmem>>
    %dma_wait3A_990 = tpu.memref_squeeze %dma_wait3A_989 : memref<1x128xi32, #tpu.memory_space<vmem>> -> memref<128xi32, #tpu.memory_space<vmem>>
    %dma_wait3A_991 = arith.constant 0 : i32
    %dma_wait3A_992 = arith.constant 0 : i32
    %dma_wait3A_993 = tpu.memref_slice %arg10[%dma_wait3A_991, %dma_wait3A_992] : memref<10240x16xf32, #tpu.memory_space<vmem_shared>> -> memref<10240x16xf32, #tpu.memory_space<vmem_shared>>
    tpu.wait_indirect_dma semaphore(%arg11 : memref<!tpu.dma_semaphore, #tpu.memory_space<semaphore_mem>>) src(%arg7 : memref<128x16xf32, #tpu.memory_space<vmem>>) dst(%dma_wait3A_993 : memref<10240x16xf32, #tpu.memory_space<vmem_shared>>)
    %dma_wait3A_994 = arith.constant 67 : i32
    %dma_wait3A_995 = arith.constant 0 : i32
    %dma_wait3A_996 = tpu.memref_slice %arg6[%dma_wait3A_994, %dma_wait3A_995] : memref<79x128xi32, #tpu.memory_space<vmem>> -> memref<1x128xi32, #tpu.memory_space<vmem>>
    %dma_wait3A_997 = tpu.memref_squeeze %dma_wait3A_996 : memref<1x128xi32, #tpu.memory_space<vmem>> -> memref<128xi32, #tpu.memory_space<vmem>>
    %dma_wait3A_998 = arith.constant 0 : i32
    %dma_wait3A_999 = arith.constant 0 : i32
    %dma_wait3A_1000 = tpu.memref_slice %arg10[%dma_wait3A_998, %dma_wait3A_999] : memref<10240x16xf32, #tpu.memory_space<vmem_shared>> -> memref<10240x16xf32, #tpu.memory_space<vmem_shared>>
    tpu.wait_indirect_dma semaphore(%arg11 : memref<!tpu.dma_semaphore, #tpu.memory_space<semaphore_mem>>) src(%arg7 : memref<128x16xf32, #tpu.memory_space<vmem>>) dst(%dma_wait3A_1000 : memref<10240x16xf32, #tpu.memory_space<vmem_shared>>)
    %dma_wait3A_1001 = arith.constant 68 : i32
    %dma_wait3A_1002 = arith.constant 0 : i32
    %dma_wait3A_1003 = tpu.memref_slice %arg6[%dma_wait3A_1001, %dma_wait3A_1002] : memref<79x128xi32, #tpu.memory_space<vmem>> -> memref<1x128xi32, #tpu.memory_space<vmem>>
    %dma_wait3A_1004 = tpu.memref_squeeze %dma_wait3A_1003 : memref<1x128xi32, #tpu.memory_space<vmem>> -> memref<128xi32, #tpu.memory_space<vmem>>
    %dma_wait3A_1005 = arith.constant 0 : i32
    %dma_wait3A_1006 = arith.constant 0 : i32
    %dma_wait3A_1007 = tpu.memref_slice %arg10[%dma_wait3A_1005, %dma_wait3A_1006] : memref<10240x16xf32, #tpu.memory_space<vmem_shared>> -> memref<10240x16xf32, #tpu.memory_space<vmem_shared>>
    tpu.wait_indirect_dma semaphore(%arg11 : memref<!tpu.dma_semaphore, #tpu.memory_space<semaphore_mem>>) src(%arg7 : memref<128x16xf32, #tpu.memory_space<vmem>>) dst(%dma_wait3A_1007 : memref<10240x16xf32, #tpu.memory_space<vmem_shared>>)
    %dma_wait3A_1008 = arith.constant 69 : i32
    %dma_wait3A_1009 = arith.constant 0 : i32
    %dma_wait3A_1010 = tpu.memref_slice %arg6[%dma_wait3A_1008, %dma_wait3A_1009] : memref<79x128xi32, #tpu.memory_space<vmem>> -> memref<1x128xi32, #tpu.memory_space<vmem>>
    %dma_wait3A_1011 = tpu.memref_squeeze %dma_wait3A_1010 : memref<1x128xi32, #tpu.memory_space<vmem>> -> memref<128xi32, #tpu.memory_space<vmem>>
    %dma_wait3A_1012 = arith.constant 0 : i32
    %dma_wait3A_1013 = arith.constant 0 : i32
    %dma_wait3A_1014 = tpu.memref_slice %arg10[%dma_wait3A_1012, %dma_wait3A_1013] : memref<10240x16xf32, #tpu.memory_space<vmem_shared>> -> memref<10240x16xf32, #tpu.memory_space<vmem_shared>>
    tpu.wait_indirect_dma semaphore(%arg11 : memref<!tpu.dma_semaphore, #tpu.memory_space<semaphore_mem>>) src(%arg7 : memref<128x16xf32, #tpu.memory_space<vmem>>) dst(%dma_wait3A_1014 : memref<10240x16xf32, #tpu.memory_space<vmem_shared>>)
    %dma_wait3A_1015 = arith.constant 70 : i32
    %dma_wait3A_1016 = arith.constant 0 : i32
    %dma_wait3A_1017 = tpu.memref_slice %arg6[%dma_wait3A_1015, %dma_wait3A_1016] : memref<79x128xi32, #tpu.memory_space<vmem>> -> memref<1x128xi32, #tpu.memory_space<vmem>>
    %dma_wait3A_1018 = tpu.memref_squeeze %dma_wait3A_1017 : memref<1x128xi32, #tpu.memory_space<vmem>> -> memref<128xi32, #tpu.memory_space<vmem>>
    %dma_wait3A_1019 = arith.constant 0 : i32
    %dma_wait3A_1020 = arith.constant 0 : i32
    %dma_wait3A_1021 = tpu.memref_slice %arg10[%dma_wait3A_1019, %dma_wait3A_1020] : memref<10240x16xf32, #tpu.memory_space<vmem_shared>> -> memref<10240x16xf32, #tpu.memory_space<vmem_shared>>
    tpu.wait_indirect_dma semaphore(%arg11 : memref<!tpu.dma_semaphore, #tpu.memory_space<semaphore_mem>>) src(%arg7 : memref<128x16xf32, #tpu.memory_space<vmem>>) dst(%dma_wait3A_1021 : memref<10240x16xf32, #tpu.memory_space<vmem_shared>>)
    %dma_wait3A_1022 = arith.constant 71 : i32
    %dma_wait3A_1023 = arith.constant 0 : i32
    %dma_wait3A_1024 = tpu.memref_slice %arg6[%dma_wait3A_1022, %dma_wait3A_1023] : memref<79x128xi32, #tpu.memory_space<vmem>> -> memref<1x128xi32, #tpu.memory_space<vmem>>
    %dma_wait3A_1025 = tpu.memref_squeeze %dma_wait3A_1024 : memref<1x128xi32, #tpu.memory_space<vmem>> -> memref<128xi32, #tpu.memory_space<vmem>>
    %dma_wait3A_1026 = arith.constant 0 : i32
    %dma_wait3A_1027 = arith.constant 0 : i32
    %dma_wait3A_1028 = tpu.memref_slice %arg10[%dma_wait3A_1026, %dma_wait3A_1027] : memref<10240x16xf32, #tpu.memory_space<vmem_shared>> -> memref<10240x16xf32, #tpu.memory_space<vmem_shared>>
    tpu.wait_indirect_dma semaphore(%arg11 : memref<!tpu.dma_semaphore, #tpu.memory_space<semaphore_mem>>) src(%arg7 : memref<128x16xf32, #tpu.memory_space<vmem>>) dst(%dma_wait3A_1028 : memref<10240x16xf32, #tpu.memory_space<vmem_shared>>)
    %dma_start3A_1029 = arith.constant 72 : i32
    %dma_start3A_1030 = arith.constant 0 : i32
    %dma_start3A_1031 = tpu.memref_slice %arg6[%dma_start3A_1029, %dma_start3A_1030] : memref<79x128xi32, #tpu.memory_space<vmem>> -> memref<1x128xi32, #tpu.memory_space<vmem>>
    %dma_start3A_1032 = tpu.memref_squeeze %dma_start3A_1031 : memref<1x128xi32, #tpu.memory_space<vmem>> -> memref<128xi32, #tpu.memory_space<vmem>>
    %dma_start3A_1033 = arith.constant 0 : i32
    %dma_start3A_1034 = arith.constant 0 : i32
    %dma_start3A_1035 = tpu.memref_slice %arg10[%dma_start3A_1033, %dma_start3A_1034] : memref<10240x16xf32, #tpu.memory_space<vmem_shared>> -> memref<10240x16xf32, #tpu.memory_space<vmem_shared>>
    tpu.enqueue_indirect_dma source(%arg7 : memref<128x16xf32, #tpu.memory_space<vmem>>) target(%dma_start3A_1035 : memref<10240x16xf32, #tpu.memory_space<vmem_shared>>) offsets(%dma_start3A_1032 : memref<128xi32, #tpu.memory_space<vmem>>) semaphore(%arg11 : memref<!tpu.dma_semaphore, #tpu.memory_space<semaphore_mem>>) {add = true}
    %dma_start3A_1036 = arith.constant 73 : i32
    %dma_start3A_1037 = arith.constant 0 : i32
    %dma_start3A_1038 = tpu.memref_slice %arg6[%dma_start3A_1036, %dma_start3A_1037] : memref<79x128xi32, #tpu.memory_space<vmem>> -> memref<1x128xi32, #tpu.memory_space<vmem>>
    %dma_start3A_1039 = tpu.memref_squeeze %dma_start3A_1038 : memref<1x128xi32, #tpu.memory_space<vmem>> -> memref<128xi32, #tpu.memory_space<vmem>>
    %dma_start3A_1040 = arith.constant 0 : i32
    %dma_start3A_1041 = arith.constant 0 : i32
    %dma_start3A_1042 = tpu.memref_slice %arg10[%dma_start3A_1040, %dma_start3A_1041] : memref<10240x16xf32, #tpu.memory_space<vmem_shared>> -> memref<10240x16xf32, #tpu.memory_space<vmem_shared>>
    tpu.enqueue_indirect_dma source(%arg7 : memref<128x16xf32, #tpu.memory_space<vmem>>) target(%dma_start3A_1042 : memref<10240x16xf32, #tpu.memory_space<vmem_shared>>) offsets(%dma_start3A_1039 : memref<128xi32, #tpu.memory_space<vmem>>) semaphore(%arg11 : memref<!tpu.dma_semaphore, #tpu.memory_space<semaphore_mem>>) {add = true}
    %dma_start3A_1043 = arith.constant 74 : i32
    %dma_start3A_1044 = arith.constant 0 : i32
    %dma_start3A_1045 = tpu.memref_slice %arg6[%dma_start3A_1043, %dma_start3A_1044] : memref<79x128xi32, #tpu.memory_space<vmem>> -> memref<1x128xi32, #tpu.memory_space<vmem>>
    %dma_start3A_1046 = tpu.memref_squeeze %dma_start3A_1045 : memref<1x128xi32, #tpu.memory_space<vmem>> -> memref<128xi32, #tpu.memory_space<vmem>>
    %dma_start3A_1047 = arith.constant 0 : i32
    %dma_start3A_1048 = arith.constant 0 : i32
    %dma_start3A_1049 = tpu.memref_slice %arg10[%dma_start3A_1047, %dma_start3A_1048] : memref<10240x16xf32, #tpu.memory_space<vmem_shared>> -> memref<10240x16xf32, #tpu.memory_space<vmem_shared>>
    tpu.enqueue_indirect_dma source(%arg7 : memref<128x16xf32, #tpu.memory_space<vmem>>) target(%dma_start3A_1049 : memref<10240x16xf32, #tpu.memory_space<vmem_shared>>) offsets(%dma_start3A_1046 : memref<128xi32, #tpu.memory_space<vmem>>) semaphore(%arg11 : memref<!tpu.dma_semaphore, #tpu.memory_space<semaphore_mem>>) {add = true}
    %dma_start3A_1050 = arith.constant 75 : i32
    %dma_start3A_1051 = arith.constant 0 : i32
    %dma_start3A_1052 = tpu.memref_slice %arg6[%dma_start3A_1050, %dma_start3A_1051] : memref<79x128xi32, #tpu.memory_space<vmem>> -> memref<1x128xi32, #tpu.memory_space<vmem>>
    %dma_start3A_1053 = tpu.memref_squeeze %dma_start3A_1052 : memref<1x128xi32, #tpu.memory_space<vmem>> -> memref<128xi32, #tpu.memory_space<vmem>>
    %dma_start3A_1054 = arith.constant 0 : i32
    %dma_start3A_1055 = arith.constant 0 : i32
    %dma_start3A_1056 = tpu.memref_slice %arg10[%dma_start3A_1054, %dma_start3A_1055] : memref<10240x16xf32, #tpu.memory_space<vmem_shared>> -> memref<10240x16xf32, #tpu.memory_space<vmem_shared>>
    tpu.enqueue_indirect_dma source(%arg7 : memref<128x16xf32, #tpu.memory_space<vmem>>) target(%dma_start3A_1056 : memref<10240x16xf32, #tpu.memory_space<vmem_shared>>) offsets(%dma_start3A_1053 : memref<128xi32, #tpu.memory_space<vmem>>) semaphore(%arg11 : memref<!tpu.dma_semaphore, #tpu.memory_space<semaphore_mem>>) {add = true}
    %dma_start3A_1057 = arith.constant 76 : i32
    %dma_start3A_1058 = arith.constant 0 : i32
    %dma_start3A_1059 = tpu.memref_slice %arg6[%dma_start3A_1057, %dma_start3A_1058] : memref<79x128xi32, #tpu.memory_space<vmem>> -> memref<1x128xi32, #tpu.memory_space<vmem>>
    %dma_start3A_1060 = tpu.memref_squeeze %dma_start3A_1059 : memref<1x128xi32, #tpu.memory_space<vmem>> -> memref<128xi32, #tpu.memory_space<vmem>>
    %dma_start3A_1061 = arith.constant 0 : i32
    %dma_start3A_1062 = arith.constant 0 : i32
    %dma_start3A_1063 = tpu.memref_slice %arg10[%dma_start3A_1061, %dma_start3A_1062] : memref<10240x16xf32, #tpu.memory_space<vmem_shared>> -> memref<10240x16xf32, #tpu.memory_space<vmem_shared>>
    tpu.enqueue_indirect_dma source(%arg7 : memref<128x16xf32, #tpu.memory_space<vmem>>) target(%dma_start3A_1063 : memref<10240x16xf32, #tpu.memory_space<vmem_shared>>) offsets(%dma_start3A_1060 : memref<128xi32, #tpu.memory_space<vmem>>) semaphore(%arg11 : memref<!tpu.dma_semaphore, #tpu.memory_space<semaphore_mem>>) {add = true}
    %dma_start3A_1064 = arith.constant 77 : i32
    %dma_start3A_1065 = arith.constant 0 : i32
    %dma_start3A_1066 = tpu.memref_slice %arg6[%dma_start3A_1064, %dma_start3A_1065] : memref<79x128xi32, #tpu.memory_space<vmem>> -> memref<1x128xi32, #tpu.memory_space<vmem>>
    %dma_start3A_1067 = tpu.memref_squeeze %dma_start3A_1066 : memref<1x128xi32, #tpu.memory_space<vmem>> -> memref<128xi32, #tpu.memory_space<vmem>>
    %dma_start3A_1068 = arith.constant 0 : i32
    %dma_start3A_1069 = arith.constant 0 : i32
    %dma_start3A_1070 = tpu.memref_slice %arg10[%dma_start3A_1068, %dma_start3A_1069] : memref<10240x16xf32, #tpu.memory_space<vmem_shared>> -> memref<10240x16xf32, #tpu.memory_space<vmem_shared>>
    tpu.enqueue_indirect_dma source(%arg7 : memref<128x16xf32, #tpu.memory_space<vmem>>) target(%dma_start3A_1070 : memref<10240x16xf32, #tpu.memory_space<vmem_shared>>) offsets(%dma_start3A_1067 : memref<128xi32, #tpu.memory_space<vmem>>) semaphore(%arg11 : memref<!tpu.dma_semaphore, #tpu.memory_space<semaphore_mem>>) {add = true}
    %dma_start3A_1071 = arith.constant 78 : i32
    %dma_start3A_1072 = arith.constant 0 : i32
    %dma_start3A_1073 = tpu.memref_slice %arg6[%dma_start3A_1071, %dma_start3A_1072] : memref<79x128xi32, #tpu.memory_space<vmem>> -> memref<1x128xi32, #tpu.memory_space<vmem>>
    %dma_start3A_1074 = tpu.memref_squeeze %dma_start3A_1073 : memref<1x128xi32, #tpu.memory_space<vmem>> -> memref<128xi32, #tpu.memory_space<vmem>>
    %dma_start3A_1075 = arith.constant 0 : i32
    %dma_start3A_1076 = arith.constant 0 : i32
    %dma_start3A_1077 = tpu.memref_slice %arg10[%dma_start3A_1075, %dma_start3A_1076] : memref<10240x16xf32, #tpu.memory_space<vmem_shared>> -> memref<10240x16xf32, #tpu.memory_space<vmem_shared>>
    tpu.enqueue_indirect_dma source(%arg7 : memref<128x16xf32, #tpu.memory_space<vmem>>) target(%dma_start3A_1077 : memref<10240x16xf32, #tpu.memory_space<vmem_shared>>) offsets(%dma_start3A_1074 : memref<128xi32, #tpu.memory_space<vmem>>) semaphore(%arg11 : memref<!tpu.dma_semaphore, #tpu.memory_space<semaphore_mem>>) {add = true}
    %dma_wait3A_1078 = arith.constant 72 : i32
    %dma_wait3A_1079 = arith.constant 0 : i32
    %dma_wait3A_1080 = tpu.memref_slice %arg6[%dma_wait3A_1078, %dma_wait3A_1079] : memref<79x128xi32, #tpu.memory_space<vmem>> -> memref<1x128xi32, #tpu.memory_space<vmem>>
    %dma_wait3A_1081 = tpu.memref_squeeze %dma_wait3A_1080 : memref<1x128xi32, #tpu.memory_space<vmem>> -> memref<128xi32, #tpu.memory_space<vmem>>
    %dma_wait3A_1082 = arith.constant 0 : i32
    %dma_wait3A_1083 = arith.constant 0 : i32
    %dma_wait3A_1084 = tpu.memref_slice %arg10[%dma_wait3A_1082, %dma_wait3A_1083] : memref<10240x16xf32, #tpu.memory_space<vmem_shared>> -> memref<10240x16xf32, #tpu.memory_space<vmem_shared>>
    tpu.wait_indirect_dma semaphore(%arg11 : memref<!tpu.dma_semaphore, #tpu.memory_space<semaphore_mem>>) src(%arg7 : memref<128x16xf32, #tpu.memory_space<vmem>>) dst(%dma_wait3A_1084 : memref<10240x16xf32, #tpu.memory_space<vmem_shared>>)
    %dma_wait3A_1085 = arith.constant 73 : i32
    %dma_wait3A_1086 = arith.constant 0 : i32
    %dma_wait3A_1087 = tpu.memref_slice %arg6[%dma_wait3A_1085, %dma_wait3A_1086] : memref<79x128xi32, #tpu.memory_space<vmem>> -> memref<1x128xi32, #tpu.memory_space<vmem>>
    %dma_wait3A_1088 = tpu.memref_squeeze %dma_wait3A_1087 : memref<1x128xi32, #tpu.memory_space<vmem>> -> memref<128xi32, #tpu.memory_space<vmem>>
    %dma_wait3A_1089 = arith.constant 0 : i32
    %dma_wait3A_1090 = arith.constant 0 : i32
    %dma_wait3A_1091 = tpu.memref_slice %arg10[%dma_wait3A_1089, %dma_wait3A_1090] : memref<10240x16xf32, #tpu.memory_space<vmem_shared>> -> memref<10240x16xf32, #tpu.memory_space<vmem_shared>>
    tpu.wait_indirect_dma semaphore(%arg11 : memref<!tpu.dma_semaphore, #tpu.memory_space<semaphore_mem>>) src(%arg7 : memref<128x16xf32, #tpu.memory_space<vmem>>) dst(%dma_wait3A_1091 : memref<10240x16xf32, #tpu.memory_space<vmem_shared>>)
    %dma_wait3A_1092 = arith.constant 74 : i32
    %dma_wait3A_1093 = arith.constant 0 : i32
    %dma_wait3A_1094 = tpu.memref_slice %arg6[%dma_wait3A_1092, %dma_wait3A_1093] : memref<79x128xi32, #tpu.memory_space<vmem>> -> memref<1x128xi32, #tpu.memory_space<vmem>>
    %dma_wait3A_1095 = tpu.memref_squeeze %dma_wait3A_1094 : memref<1x128xi32, #tpu.memory_space<vmem>> -> memref<128xi32, #tpu.memory_space<vmem>>
    %dma_wait3A_1096 = arith.constant 0 : i32
    %dma_wait3A_1097 = arith.constant 0 : i32
    %dma_wait3A_1098 = tpu.memref_slice %arg10[%dma_wait3A_1096, %dma_wait3A_1097] : memref<10240x16xf32, #tpu.memory_space<vmem_shared>> -> memref<10240x16xf32, #tpu.memory_space<vmem_shared>>
    tpu.wait_indirect_dma semaphore(%arg11 : memref<!tpu.dma_semaphore, #tpu.memory_space<semaphore_mem>>) src(%arg7 : memref<128x16xf32, #tpu.memory_space<vmem>>) dst(%dma_wait3A_1098 : memref<10240x16xf32, #tpu.memory_space<vmem_shared>>)
    %dma_wait3A_1099 = arith.constant 75 : i32
    %dma_wait3A_1100 = arith.constant 0 : i32
    %dma_wait3A_1101 = tpu.memref_slice %arg6[%dma_wait3A_1099, %dma_wait3A_1100] : memref<79x128xi32, #tpu.memory_space<vmem>> -> memref<1x128xi32, #tpu.memory_space<vmem>>
    %dma_wait3A_1102 = tpu.memref_squeeze %dma_wait3A_1101 : memref<1x128xi32, #tpu.memory_space<vmem>> -> memref<128xi32, #tpu.memory_space<vmem>>
    %dma_wait3A_1103 = arith.constant 0 : i32
    %dma_wait3A_1104 = arith.constant 0 : i32
    %dma_wait3A_1105 = tpu.memref_slice %arg10[%dma_wait3A_1103, %dma_wait3A_1104] : memref<10240x16xf32, #tpu.memory_space<vmem_shared>> -> memref<10240x16xf32, #tpu.memory_space<vmem_shared>>
    tpu.wait_indirect_dma semaphore(%arg11 : memref<!tpu.dma_semaphore, #tpu.memory_space<semaphore_mem>>) src(%arg7 : memref<128x16xf32, #tpu.memory_space<vmem>>) dst(%dma_wait3A_1105 : memref<10240x16xf32, #tpu.memory_space<vmem_shared>>)
    %dma_wait3A_1106 = arith.constant 76 : i32
    %dma_wait3A_1107 = arith.constant 0 : i32
    %dma_wait3A_1108 = tpu.memref_slice %arg6[%dma_wait3A_1106, %dma_wait3A_1107] : memref<79x128xi32, #tpu.memory_space<vmem>> -> memref<1x128xi32, #tpu.memory_space<vmem>>
    %dma_wait3A_1109 = tpu.memref_squeeze %dma_wait3A_1108 : memref<1x128xi32, #tpu.memory_space<vmem>> -> memref<128xi32, #tpu.memory_space<vmem>>
    %dma_wait3A_1110 = arith.constant 0 : i32
    %dma_wait3A_1111 = arith.constant 0 : i32
    %dma_wait3A_1112 = tpu.memref_slice %arg10[%dma_wait3A_1110, %dma_wait3A_1111] : memref<10240x16xf32, #tpu.memory_space<vmem_shared>> -> memref<10240x16xf32, #tpu.memory_space<vmem_shared>>
    tpu.wait_indirect_dma semaphore(%arg11 : memref<!tpu.dma_semaphore, #tpu.memory_space<semaphore_mem>>) src(%arg7 : memref<128x16xf32, #tpu.memory_space<vmem>>) dst(%dma_wait3A_1112 : memref<10240x16xf32, #tpu.memory_space<vmem_shared>>)
    %dma_wait3A_1113 = arith.constant 77 : i32
    %dma_wait3A_1114 = arith.constant 0 : i32
    %dma_wait3A_1115 = tpu.memref_slice %arg6[%dma_wait3A_1113, %dma_wait3A_1114] : memref<79x128xi32, #tpu.memory_space<vmem>> -> memref<1x128xi32, #tpu.memory_space<vmem>>
    %dma_wait3A_1116 = tpu.memref_squeeze %dma_wait3A_1115 : memref<1x128xi32, #tpu.memory_space<vmem>> -> memref<128xi32, #tpu.memory_space<vmem>>
    %dma_wait3A_1117 = arith.constant 0 : i32
    %dma_wait3A_1118 = arith.constant 0 : i32
    %dma_wait3A_1119 = tpu.memref_slice %arg10[%dma_wait3A_1117, %dma_wait3A_1118] : memref<10240x16xf32, #tpu.memory_space<vmem_shared>> -> memref<10240x16xf32, #tpu.memory_space<vmem_shared>>
    tpu.wait_indirect_dma semaphore(%arg11 : memref<!tpu.dma_semaphore, #tpu.memory_space<semaphore_mem>>) src(%arg7 : memref<128x16xf32, #tpu.memory_space<vmem>>) dst(%dma_wait3A_1119 : memref<10240x16xf32, #tpu.memory_space<vmem_shared>>)
    %dma_wait3A_1120 = arith.constant 78 : i32
    %dma_wait3A_1121 = arith.constant 0 : i32
    %dma_wait3A_1122 = tpu.memref_slice %arg6[%dma_wait3A_1120, %dma_wait3A_1121] : memref<79x128xi32, #tpu.memory_space<vmem>> -> memref<1x128xi32, #tpu.memory_space<vmem>>
    %dma_wait3A_1123 = tpu.memref_squeeze %dma_wait3A_1122 : memref<1x128xi32, #tpu.memory_space<vmem>> -> memref<128xi32, #tpu.memory_space<vmem>>
    %dma_wait3A_1124 = arith.constant 0 : i32
    %dma_wait3A_1125 = arith.constant 0 : i32
    %dma_wait3A_1126 = tpu.memref_slice %arg10[%dma_wait3A_1124, %dma_wait3A_1125] : memref<10240x16xf32, #tpu.memory_space<vmem_shared>> -> memref<10240x16xf32, #tpu.memory_space<vmem_shared>>
    tpu.wait_indirect_dma semaphore(%arg11 : memref<!tpu.dma_semaphore, #tpu.memory_space<semaphore_mem>>) src(%arg7 : memref<128x16xf32, #tpu.memory_space<vmem>>) dst(%dma_wait3A_1126 : memref<10240x16xf32, #tpu.memory_space<vmem_shared>>)
    %barrier3A_1127 = arith.constant 0 : index
    tpu.barrier barrier_id(%barrier3A_1127)
    %mul3A_1128 = arith.constant 640 : i32
    %mul3A_1129 = arith.muli %arg1, %mul3A_1128 : i32
    %add3A_1130 = arith.constant 0 : i32
    %add3A_1131 = arith.addi %mul3A_1129, %add3A_1130 : i32
    "tpu.region"() ({
      %run_scoped3A = tpu.sem_alloc : memref<!tpu.dma_semaphore, #tpu.memory_space<semaphore_mem>>
      %dma_start3A_1148 = arith.constant 0 : i32
      %dma_start3A_1149 = tpu.memref_slice %arg10[%add3A_1131, %dma_start3A_1148] : memref<10240x16xf32, #tpu.memory_space<vmem_shared>> -> memref<128x16xf32, #tpu.memory_space<vmem_shared>>
      %dma_start3A_1150 = arith.constant 0 : i32
      %dma_start3A_1151 = tpu.memref_slice %arg10[%add3A_1131, %dma_start3A_1150] : memref<10240x16xf32, #tpu.memory_space<vmem_shared>> -> memref<128x16xf32, #tpu.memory_space<vmem_shared>>
      tpu.enqueue_dma source(%dma_start3A_1151 : memref<128x16xf32, #tpu.memory_space<vmem_shared>>) target(%arg9 : memref<128x16xf32, #tpu.memory_space<vmem>>) target_semaphore(%run_scoped3A : memref<!tpu.dma_semaphore, #tpu.memory_space<semaphore_mem>>)
      %dma_wait3A_1152 = arith.constant 0 : i32
      %dma_wait3A_1153 = tpu.memref_slice %arg10[%add3A_1131, %dma_wait3A_1152] : memref<10240x16xf32, #tpu.memory_space<vmem_shared>> -> memref<128x16xf32, #tpu.memory_space<vmem_shared>>
      %dma_wait3A_1154 = arith.constant 0 : i32
      %dma_wait3A_1155 = tpu.memref_slice %arg10[%add3A_1131, %dma_wait3A_1154] : memref<10240x16xf32, #tpu.memory_space<vmem_shared>> -> memref<128x16xf32, #tpu.memory_space<vmem_shared>>
      tpu.wait_dma2 semaphore(%run_scoped3A : memref<!tpu.dma_semaphore, #tpu.memory_space<semaphore_mem>>) src(%dma_wait3A_1155 : memref<128x16xf32, #tpu.memory_space<vmem_shared>>) dst(%arg9 : memref<128x16xf32, #tpu.memory_space<vmem>>)
      tpu.yield
    }) : () -> ()
    "tpu.region"() ({
      %run_scoped3A = tpu.sem_alloc : memref<!tpu.dma_semaphore, #tpu.memory_space<semaphore_mem>>
      %dma_start3A_1148 = arith.constant 0 : i32
      %dma_start3A_1149 = arith.constant 0 : i32
      %dma_start3A_1150 = tpu.memref_slice %arg5[%arg0, %dma_start3A_1148, %dma_start3A_1149] : memref<2x10240x16xf32, #tpu.memory_space<hbm>> -> memref<1x10240x16xf32, #tpu.memory_space<hbm>>
      %dma_start3A_1151 = tpu.memref_squeeze %dma_start3A_1150 : memref<1x10240x16xf32, #tpu.memory_space<hbm>> -> memref<10240x16xf32, #tpu.memory_space<hbm>>
      %dma_start3A_1152 = arith.constant 0 : i32
      %dma_start3A_1153 = tpu.memref_slice %dma_start3A_1151[%add3A_1131, %dma_start3A_1152] : memref<10240x16xf32, #tpu.memory_space<hbm>> -> memref<128x16xf32, #tpu.memory_space<hbm>>
      %dma_start3A_1154 = arith.constant 0 : i32
      %dma_start3A_1155 = arith.constant 0 : i32
      %dma_start3A_1156 = tpu.memref_slice %arg5[%arg0, %dma_start3A_1154, %dma_start3A_1155] : memref<2x10240x16xf32, #tpu.memory_space<hbm>> -> memref<1x10240x16xf32, #tpu.memory_space<hbm>>
      %dma_start3A_1157 = tpu.memref_squeeze %dma_start3A_1156 : memref<1x10240x16xf32, #tpu.memory_space<hbm>> -> memref<10240x16xf32, #tpu.memory_space<hbm>>
      %dma_start3A_1158 = arith.constant 0 : i32
      %dma_start3A_1159 = tpu.memref_slice %dma_start3A_1157[%add3A_1131, %dma_start3A_1158] : memref<10240x16xf32, #tpu.memory_space<hbm>> -> memref<128x16xf32, #tpu.memory_space<hbm>>
      tpu.enqueue_dma source(%arg9 : memref<128x16xf32, #tpu.memory_space<vmem>>) target(%dma_start3A_1159 : memref<128x16xf32, #tpu.memory_space<hbm>>) target_semaphore(%run_scoped3A : memref<!tpu.dma_semaphore, #tpu.memory_space<semaphore_mem>>)
      %dma_wait3A_1160 = arith.constant 0 : i32
      %dma_wait3A_1161 = arith.constant 0 : i32
      %dma_wait3A_1162 = tpu.memref_slice %arg5[%arg0, %dma_wait3A_1160, %dma_wait3A_1161] : memref<2x10240x16xf32, #tpu.memory_space<hbm>> -> memref<1x10240x16xf32, #tpu.memory_space<hbm>>
      %dma_wait3A_1163 = tpu.memref_squeeze %dma_wait3A_1162 : memref<1x10240x16xf32, #tpu.memory_space<hbm>> -> memref<10240x16xf32, #tpu.memory_space<hbm>>
      %dma_wait3A_1164 = arith.constant 0 : i32
      %dma_wait3A_1165 = tpu.memref_slice %dma_wait3A_1163[%add3A_1131, %dma_wait3A_1164] : memref<10240x16xf32, #tpu.memory_space<hbm>> -> memref<128x16xf32, #tpu.memory_space<hbm>>
      %dma_wait3A_1166 = arith.constant 0 : i32
      %dma_wait3A_1167 = arith.constant 0 : i32
      %dma_wait3A_1168 = tpu.memref_slice %arg5[%arg0, %dma_wait3A_1166, %dma_wait3A_1167] : memref<2x10240x16xf32, #tpu.memory_space<hbm>> -> memref<1x10240x16xf32, #tpu.memory_space<hbm>>
      %dma_wait3A_1169 = tpu.memref_squeeze %dma_wait3A_1168 : memref<1x10240x16xf32, #tpu.memory_space<hbm>> -> memref<10240x16xf32, #tpu.memory_space<hbm>>
      %dma_wait3A_1170 = arith.constant 0 : i32
      %dma_wait3A_1171 = tpu.memref_slice %dma_wait3A_1169[%add3A_1131, %dma_wait3A_1170] : memref<10240x16xf32, #tpu.memory_space<hbm>> -> memref<128x16xf32, #tpu.memory_space<hbm>>
      tpu.wait_dma2 semaphore(%run_scoped3A : memref<!tpu.dma_semaphore, #tpu.memory_space<semaphore_mem>>) src(%arg9 : memref<128x16xf32, #tpu.memory_space<vmem>>) dst(%dma_wait3A_1171 : memref<128x16xf32, #tpu.memory_space<hbm>>)
      tpu.yield
    }) : () -> ()
    %mul3A_1132 = arith.constant 640 : i32
    %mul3A_1133 = arith.muli %arg1, %mul3A_1132 : i32
    %add3A_1134 = arith.constant 128 : i32
    %add3A_1135 = arith.addi %mul3A_1133, %add3A_1134 : i32
    "tpu.region"() ({
      %run_scoped3A = tpu.sem_alloc : memref<!tpu.dma_semaphore, #tpu.memory_space<semaphore_mem>>
      %dma_start3A_1148 = arith.constant 0 : i32
      %dma_start3A_1149 = tpu.memref_slice %arg10[%add3A_1135, %dma_start3A_1148] : memref<10240x16xf32, #tpu.memory_space<vmem_shared>> -> memref<128x16xf32, #tpu.memory_space<vmem_shared>>
      %dma_start3A_1150 = arith.constant 0 : i32
      %dma_start3A_1151 = tpu.memref_slice %arg10[%add3A_1135, %dma_start3A_1150] : memref<10240x16xf32, #tpu.memory_space<vmem_shared>> -> memref<128x16xf32, #tpu.memory_space<vmem_shared>>
      tpu.enqueue_dma source(%dma_start3A_1151 : memref<128x16xf32, #tpu.memory_space<vmem_shared>>) target(%arg9 : memref<128x16xf32, #tpu.memory_space<vmem>>) target_semaphore(%run_scoped3A : memref<!tpu.dma_semaphore, #tpu.memory_space<semaphore_mem>>)
      %dma_wait3A_1152 = arith.constant 0 : i32
      %dma_wait3A_1153 = tpu.memref_slice %arg10[%add3A_1135, %dma_wait3A_1152] : memref<10240x16xf32, #tpu.memory_space<vmem_shared>> -> memref<128x16xf32, #tpu.memory_space<vmem_shared>>
      %dma_wait3A_1154 = arith.constant 0 : i32
      %dma_wait3A_1155 = tpu.memref_slice %arg10[%add3A_1135, %dma_wait3A_1154] : memref<10240x16xf32, #tpu.memory_space<vmem_shared>> -> memref<128x16xf32, #tpu.memory_space<vmem_shared>>
      tpu.wait_dma2 semaphore(%run_scoped3A : memref<!tpu.dma_semaphore, #tpu.memory_space<semaphore_mem>>) src(%dma_wait3A_1155 : memref<128x16xf32, #tpu.memory_space<vmem_shared>>) dst(%arg9 : memref<128x16xf32, #tpu.memory_space<vmem>>)
      tpu.yield
    }) : () -> ()
    "tpu.region"() ({
      %run_scoped3A = tpu.sem_alloc : memref<!tpu.dma_semaphore, #tpu.memory_space<semaphore_mem>>
      %dma_start3A_1148 = arith.constant 0 : i32
      %dma_start3A_1149 = arith.constant 0 : i32
      %dma_start3A_1150 = tpu.memref_slice %arg5[%arg0, %dma_start3A_1148, %dma_start3A_1149] : memref<2x10240x16xf32, #tpu.memory_space<hbm>> -> memref<1x10240x16xf32, #tpu.memory_space<hbm>>
      %dma_start3A_1151 = tpu.memref_squeeze %dma_start3A_1150 : memref<1x10240x16xf32, #tpu.memory_space<hbm>> -> memref<10240x16xf32, #tpu.memory_space<hbm>>
      %dma_start3A_1152 = arith.constant 0 : i32
      %dma_start3A_1153 = tpu.memref_slice %dma_start3A_1151[%add3A_1135, %dma_start3A_1152] : memref<10240x16xf32, #tpu.memory_space<hbm>> -> memref<128x16xf32, #tpu.memory_space<hbm>>
      %dma_start3A_1154 = arith.constant 0 : i32
      %dma_start3A_1155 = arith.constant 0 : i32
      %dma_start3A_1156 = tpu.memref_slice %arg5[%arg0, %dma_start3A_1154, %dma_start3A_1155] : memref<2x10240x16xf32, #tpu.memory_space<hbm>> -> memref<1x10240x16xf32, #tpu.memory_space<hbm>>
      %dma_start3A_1157 = tpu.memref_squeeze %dma_start3A_1156 : memref<1x10240x16xf32, #tpu.memory_space<hbm>> -> memref<10240x16xf32, #tpu.memory_space<hbm>>
      %dma_start3A_1158 = arith.constant 0 : i32
      %dma_start3A_1159 = tpu.memref_slice %dma_start3A_1157[%add3A_1135, %dma_start3A_1158] : memref<10240x16xf32, #tpu.memory_space<hbm>> -> memref<128x16xf32, #tpu.memory_space<hbm>>
      tpu.enqueue_dma source(%arg9 : memref<128x16xf32, #tpu.memory_space<vmem>>) target(%dma_start3A_1159 : memref<128x16xf32, #tpu.memory_space<hbm>>) target_semaphore(%run_scoped3A : memref<!tpu.dma_semaphore, #tpu.memory_space<semaphore_mem>>)
      %dma_wait3A_1160 = arith.constant 0 : i32
      %dma_wait3A_1161 = arith.constant 0 : i32
      %dma_wait3A_1162 = tpu.memref_slice %arg5[%arg0, %dma_wait3A_1160, %dma_wait3A_1161] : memref<2x10240x16xf32, #tpu.memory_space<hbm>> -> memref<1x10240x16xf32, #tpu.memory_space<hbm>>
      %dma_wait3A_1163 = tpu.memref_squeeze %dma_wait3A_1162 : memref<1x10240x16xf32, #tpu.memory_space<hbm>> -> memref<10240x16xf32, #tpu.memory_space<hbm>>
      %dma_wait3A_1164 = arith.constant 0 : i32
      %dma_wait3A_1165 = tpu.memref_slice %dma_wait3A_1163[%add3A_1135, %dma_wait3A_1164] : memref<10240x16xf32, #tpu.memory_space<hbm>> -> memref<128x16xf32, #tpu.memory_space<hbm>>
      %dma_wait3A_1166 = arith.constant 0 : i32
      %dma_wait3A_1167 = arith.constant 0 : i32
      %dma_wait3A_1168 = tpu.memref_slice %arg5[%arg0, %dma_wait3A_1166, %dma_wait3A_1167] : memref<2x10240x16xf32, #tpu.memory_space<hbm>> -> memref<1x10240x16xf32, #tpu.memory_space<hbm>>
      %dma_wait3A_1169 = tpu.memref_squeeze %dma_wait3A_1168 : memref<1x10240x16xf32, #tpu.memory_space<hbm>> -> memref<10240x16xf32, #tpu.memory_space<hbm>>
      %dma_wait3A_1170 = arith.constant 0 : i32
      %dma_wait3A_1171 = tpu.memref_slice %dma_wait3A_1169[%add3A_1135, %dma_wait3A_1170] : memref<10240x16xf32, #tpu.memory_space<hbm>> -> memref<128x16xf32, #tpu.memory_space<hbm>>
      tpu.wait_dma2 semaphore(%run_scoped3A : memref<!tpu.dma_semaphore, #tpu.memory_space<semaphore_mem>>) src(%arg9 : memref<128x16xf32, #tpu.memory_space<vmem>>) dst(%dma_wait3A_1171 : memref<128x16xf32, #tpu.memory_space<hbm>>)
      tpu.yield
    }) : () -> ()
    %mul3A_1136 = arith.constant 640 : i32
    %mul3A_1137 = arith.muli %arg1, %mul3A_1136 : i32
    %add3A_1138 = arith.constant 256 : i32
    %add3A_1139 = arith.addi %mul3A_1137, %add3A_1138 : i32
    "tpu.region"() ({
      %run_scoped3A = tpu.sem_alloc : memref<!tpu.dma_semaphore, #tpu.memory_space<semaphore_mem>>
      %dma_start3A_1148 = arith.constant 0 : i32
      %dma_start3A_1149 = tpu.memref_slice %arg10[%add3A_1139, %dma_start3A_1148] : memref<10240x16xf32, #tpu.memory_space<vmem_shared>> -> memref<128x16xf32, #tpu.memory_space<vmem_shared>>
      %dma_start3A_1150 = arith.constant 0 : i32
      %dma_start3A_1151 = tpu.memref_slice %arg10[%add3A_1139, %dma_start3A_1150] : memref<10240x16xf32, #tpu.memory_space<vmem_shared>> -> memref<128x16xf32, #tpu.memory_space<vmem_shared>>
      tpu.enqueue_dma source(%dma_start3A_1151 : memref<128x16xf32, #tpu.memory_space<vmem_shared>>) target(%arg9 : memref<128x16xf32, #tpu.memory_space<vmem>>) target_semaphore(%run_scoped3A : memref<!tpu.dma_semaphore, #tpu.memory_space<semaphore_mem>>)
      %dma_wait3A_1152 = arith.constant 0 : i32
      %dma_wait3A_1153 = tpu.memref_slice %arg10[%add3A_1139, %dma_wait3A_1152] : memref<10240x16xf32, #tpu.memory_space<vmem_shared>> -> memref<128x16xf32, #tpu.memory_space<vmem_shared>>
      %dma_wait3A_1154 = arith.constant 0 : i32
      %dma_wait3A_1155 = tpu.memref_slice %arg10[%add3A_1139, %dma_wait3A_1154] : memref<10240x16xf32, #tpu.memory_space<vmem_shared>> -> memref<128x16xf32, #tpu.memory_space<vmem_shared>>
      tpu.wait_dma2 semaphore(%run_scoped3A : memref<!tpu.dma_semaphore, #tpu.memory_space<semaphore_mem>>) src(%dma_wait3A_1155 : memref<128x16xf32, #tpu.memory_space<vmem_shared>>) dst(%arg9 : memref<128x16xf32, #tpu.memory_space<vmem>>)
      tpu.yield
    }) : () -> ()
    "tpu.region"() ({
      %run_scoped3A = tpu.sem_alloc : memref<!tpu.dma_semaphore, #tpu.memory_space<semaphore_mem>>
      %dma_start3A_1148 = arith.constant 0 : i32
      %dma_start3A_1149 = arith.constant 0 : i32
      %dma_start3A_1150 = tpu.memref_slice %arg5[%arg0, %dma_start3A_1148, %dma_start3A_1149] : memref<2x10240x16xf32, #tpu.memory_space<hbm>> -> memref<1x10240x16xf32, #tpu.memory_space<hbm>>
      %dma_start3A_1151 = tpu.memref_squeeze %dma_start3A_1150 : memref<1x10240x16xf32, #tpu.memory_space<hbm>> -> memref<10240x16xf32, #tpu.memory_space<hbm>>
      %dma_start3A_1152 = arith.constant 0 : i32
      %dma_start3A_1153 = tpu.memref_slice %dma_start3A_1151[%add3A_1139, %dma_start3A_1152] : memref<10240x16xf32, #tpu.memory_space<hbm>> -> memref<128x16xf32, #tpu.memory_space<hbm>>
      %dma_start3A_1154 = arith.constant 0 : i32
      %dma_start3A_1155 = arith.constant 0 : i32
      %dma_start3A_1156 = tpu.memref_slice %arg5[%arg0, %dma_start3A_1154, %dma_start3A_1155] : memref<2x10240x16xf32, #tpu.memory_space<hbm>> -> memref<1x10240x16xf32, #tpu.memory_space<hbm>>
      %dma_start3A_1157 = tpu.memref_squeeze %dma_start3A_1156 : memref<1x10240x16xf32, #tpu.memory_space<hbm>> -> memref<10240x16xf32, #tpu.memory_space<hbm>>
      %dma_start3A_1158 = arith.constant 0 : i32
      %dma_start3A_1159 = tpu.memref_slice %dma_start3A_1157[%add3A_1139, %dma_start3A_1158] : memref<10240x16xf32, #tpu.memory_space<hbm>> -> memref<128x16xf32, #tpu.memory_space<hbm>>
      tpu.enqueue_dma source(%arg9 : memref<128x16xf32, #tpu.memory_space<vmem>>) target(%dma_start3A_1159 : memref<128x16xf32, #tpu.memory_space<hbm>>) target_semaphore(%run_scoped3A : memref<!tpu.dma_semaphore, #tpu.memory_space<semaphore_mem>>)
      %dma_wait3A_1160 = arith.constant 0 : i32
      %dma_wait3A_1161 = arith.constant 0 : i32
      %dma_wait3A_1162 = tpu.memref_slice %arg5[%arg0, %dma_wait3A_1160, %dma_wait3A_1161] : memref<2x10240x16xf32, #tpu.memory_space<hbm>> -> memref<1x10240x16xf32, #tpu.memory_space<hbm>>
      %dma_wait3A_1163 = tpu.memref_squeeze %dma_wait3A_1162 : memref<1x10240x16xf32, #tpu.memory_space<hbm>> -> memref<10240x16xf32, #tpu.memory_space<hbm>>
      %dma_wait3A_1164 = arith.constant 0 : i32
      %dma_wait3A_1165 = tpu.memref_slice %dma_wait3A_1163[%add3A_1139, %dma_wait3A_1164] : memref<10240x16xf32, #tpu.memory_space<hbm>> -> memref<128x16xf32, #tpu.memory_space<hbm>>
      %dma_wait3A_1166 = arith.constant 0 : i32
      %dma_wait3A_1167 = arith.constant 0 : i32
      %dma_wait3A_1168 = tpu.memref_slice %arg5[%arg0, %dma_wait3A_1166, %dma_wait3A_1167] : memref<2x10240x16xf32, #tpu.memory_space<hbm>> -> memref<1x10240x16xf32, #tpu.memory_space<hbm>>
      %dma_wait3A_1169 = tpu.memref_squeeze %dma_wait3A_1168 : memref<1x10240x16xf32, #tpu.memory_space<hbm>> -> memref<10240x16xf32, #tpu.memory_space<hbm>>
      %dma_wait3A_1170 = arith.constant 0 : i32
      %dma_wait3A_1171 = tpu.memref_slice %dma_wait3A_1169[%add3A_1139, %dma_wait3A_1170] : memref<10240x16xf32, #tpu.memory_space<hbm>> -> memref<128x16xf32, #tpu.memory_space<hbm>>
      tpu.wait_dma2 semaphore(%run_scoped3A : memref<!tpu.dma_semaphore, #tpu.memory_space<semaphore_mem>>) src(%arg9 : memref<128x16xf32, #tpu.memory_space<vmem>>) dst(%dma_wait3A_1171 : memref<128x16xf32, #tpu.memory_space<hbm>>)
      tpu.yield
    }) : () -> ()
    %mul3A_1140 = arith.constant 640 : i32
    %mul3A_1141 = arith.muli %arg1, %mul3A_1140 : i32
    %add3A_1142 = arith.constant 384 : i32
    %add3A_1143 = arith.addi %mul3A_1141, %add3A_1142 : i32
    "tpu.region"() ({
      %run_scoped3A = tpu.sem_alloc : memref<!tpu.dma_semaphore, #tpu.memory_space<semaphore_mem>>
      %dma_start3A_1148 = arith.constant 0 : i32
      %dma_start3A_1149 = tpu.memref_slice %arg10[%add3A_1143, %dma_start3A_1148] : memref<10240x16xf32, #tpu.memory_space<vmem_shared>> -> memref<128x16xf32, #tpu.memory_space<vmem_shared>>
      %dma_start3A_1150 = arith.constant 0 : i32
      %dma_start3A_1151 = tpu.memref_slice %arg10[%add3A_1143, %dma_start3A_1150] : memref<10240x16xf32, #tpu.memory_space<vmem_shared>> -> memref<128x16xf32, #tpu.memory_space<vmem_shared>>
      tpu.enqueue_dma source(%dma_start3A_1151 : memref<128x16xf32, #tpu.memory_space<vmem_shared>>) target(%arg9 : memref<128x16xf32, #tpu.memory_space<vmem>>) target_semaphore(%run_scoped3A : memref<!tpu.dma_semaphore, #tpu.memory_space<semaphore_mem>>)
      %dma_wait3A_1152 = arith.constant 0 : i32
      %dma_wait3A_1153 = tpu.memref_slice %arg10[%add3A_1143, %dma_wait3A_1152] : memref<10240x16xf32, #tpu.memory_space<vmem_shared>> -> memref<128x16xf32, #tpu.memory_space<vmem_shared>>
      %dma_wait3A_1154 = arith.constant 0 : i32
      %dma_wait3A_1155 = tpu.memref_slice %arg10[%add3A_1143, %dma_wait3A_1154] : memref<10240x16xf32, #tpu.memory_space<vmem_shared>> -> memref<128x16xf32, #tpu.memory_space<vmem_shared>>
      tpu.wait_dma2 semaphore(%run_scoped3A : memref<!tpu.dma_semaphore, #tpu.memory_space<semaphore_mem>>) src(%dma_wait3A_1155 : memref<128x16xf32, #tpu.memory_space<vmem_shared>>) dst(%arg9 : memref<128x16xf32, #tpu.memory_space<vmem>>)
      tpu.yield
    }) : () -> ()
    "tpu.region"() ({
      %run_scoped3A = tpu.sem_alloc : memref<!tpu.dma_semaphore, #tpu.memory_space<semaphore_mem>>
      %dma_start3A_1148 = arith.constant 0 : i32
      %dma_start3A_1149 = arith.constant 0 : i32
      %dma_start3A_1150 = tpu.memref_slice %arg5[%arg0, %dma_start3A_1148, %dma_start3A_1149] : memref<2x10240x16xf32, #tpu.memory_space<hbm>> -> memref<1x10240x16xf32, #tpu.memory_space<hbm>>
      %dma_start3A_1151 = tpu.memref_squeeze %dma_start3A_1150 : memref<1x10240x16xf32, #tpu.memory_space<hbm>> -> memref<10240x16xf32, #tpu.memory_space<hbm>>
      %dma_start3A_1152 = arith.constant 0 : i32
      %dma_start3A_1153 = tpu.memref_slice %dma_start3A_1151[%add3A_1143, %dma_start3A_1152] : memref<10240x16xf32, #tpu.memory_space<hbm>> -> memref<128x16xf32, #tpu.memory_space<hbm>>
      %dma_start3A_1154 = arith.constant 0 : i32
      %dma_start3A_1155 = arith.constant 0 : i32
      %dma_start3A_1156 = tpu.memref_slice %arg5[%arg0, %dma_start3A_1154, %dma_start3A_1155] : memref<2x10240x16xf32, #tpu.memory_space<hbm>> -> memref<1x10240x16xf32, #tpu.memory_space<hbm>>
      %dma_start3A_1157 = tpu.memref_squeeze %dma_start3A_1156 : memref<1x10240x16xf32, #tpu.memory_space<hbm>> -> memref<10240x16xf32, #tpu.memory_space<hbm>>
      %dma_start3A_1158 = arith.constant 0 : i32
      %dma_start3A_1159 = tpu.memref_slice %dma_start3A_1157[%add3A_1143, %dma_start3A_1158] : memref<10240x16xf32, #tpu.memory_space<hbm>> -> memref<128x16xf32, #tpu.memory_space<hbm>>
      tpu.enqueue_dma source(%arg9 : memref<128x16xf32, #tpu.memory_space<vmem>>) target(%dma_start3A_1159 : memref<128x16xf32, #tpu.memory_space<hbm>>) target_semaphore(%run_scoped3A : memref<!tpu.dma_semaphore, #tpu.memory_space<semaphore_mem>>)
      %dma_wait3A_1160 = arith.constant 0 : i32
      %dma_wait3A_1161 = arith.constant 0 : i32
      %dma_wait3A_1162 = tpu.memref_slice %arg5[%arg0, %dma_wait3A_1160, %dma_wait3A_1161] : memref<2x10240x16xf32, #tpu.memory_space<hbm>> -> memref<1x10240x16xf32, #tpu.memory_space<hbm>>
      %dma_wait3A_1163 = tpu.memref_squeeze %dma_wait3A_1162 : memref<1x10240x16xf32, #tpu.memory_space<hbm>> -> memref<10240x16xf32, #tpu.memory_space<hbm>>
      %dma_wait3A_1164 = arith.constant 0 : i32
      %dma_wait3A_1165 = tpu.memref_slice %dma_wait3A_1163[%add3A_1143, %dma_wait3A_1164] : memref<10240x16xf32, #tpu.memory_space<hbm>> -> memref<128x16xf32, #tpu.memory_space<hbm>>
      %dma_wait3A_1166 = arith.constant 0 : i32
      %dma_wait3A_1167 = arith.constant 0 : i32
      %dma_wait3A_1168 = tpu.memref_slice %arg5[%arg0, %dma_wait3A_1166, %dma_wait3A_1167] : memref<2x10240x16xf32, #tpu.memory_space<hbm>> -> memref<1x10240x16xf32, #tpu.memory_space<hbm>>
      %dma_wait3A_1169 = tpu.memref_squeeze %dma_wait3A_1168 : memref<1x10240x16xf32, #tpu.memory_space<hbm>> -> memref<10240x16xf32, #tpu.memory_space<hbm>>
      %dma_wait3A_1170 = arith.constant 0 : i32
      %dma_wait3A_1171 = tpu.memref_slice %dma_wait3A_1169[%add3A_1143, %dma_wait3A_1170] : memref<10240x16xf32, #tpu.memory_space<hbm>> -> memref<128x16xf32, #tpu.memory_space<hbm>>
      tpu.wait_dma2 semaphore(%run_scoped3A : memref<!tpu.dma_semaphore, #tpu.memory_space<semaphore_mem>>) src(%arg9 : memref<128x16xf32, #tpu.memory_space<vmem>>) dst(%dma_wait3A_1171 : memref<128x16xf32, #tpu.memory_space<hbm>>)
      tpu.yield
    }) : () -> ()
    %mul3A_1144 = arith.constant 640 : i32
    %mul3A_1145 = arith.muli %arg1, %mul3A_1144 : i32
    %add3A_1146 = arith.constant 512 : i32
    %add3A_1147 = arith.addi %mul3A_1145, %add3A_1146 : i32
    "tpu.region"() ({
      %run_scoped3A = tpu.sem_alloc : memref<!tpu.dma_semaphore, #tpu.memory_space<semaphore_mem>>
      %dma_start3A_1148 = arith.constant 0 : i32
      %dma_start3A_1149 = tpu.memref_slice %arg10[%add3A_1147, %dma_start3A_1148] : memref<10240x16xf32, #tpu.memory_space<vmem_shared>> -> memref<128x16xf32, #tpu.memory_space<vmem_shared>>
      %dma_start3A_1150 = arith.constant 0 : i32
      %dma_start3A_1151 = tpu.memref_slice %arg10[%add3A_1147, %dma_start3A_1150] : memref<10240x16xf32, #tpu.memory_space<vmem_shared>> -> memref<128x16xf32, #tpu.memory_space<vmem_shared>>
      tpu.enqueue_dma source(%dma_start3A_1151 : memref<128x16xf32, #tpu.memory_space<vmem_shared>>) target(%arg9 : memref<128x16xf32, #tpu.memory_space<vmem>>) target_semaphore(%run_scoped3A : memref<!tpu.dma_semaphore, #tpu.memory_space<semaphore_mem>>)
      %dma_wait3A_1152 = arith.constant 0 : i32
      %dma_wait3A_1153 = tpu.memref_slice %arg10[%add3A_1147, %dma_wait3A_1152] : memref<10240x16xf32, #tpu.memory_space<vmem_shared>> -> memref<128x16xf32, #tpu.memory_space<vmem_shared>>
      %dma_wait3A_1154 = arith.constant 0 : i32
      %dma_wait3A_1155 = tpu.memref_slice %arg10[%add3A_1147, %dma_wait3A_1154] : memref<10240x16xf32, #tpu.memory_space<vmem_shared>> -> memref<128x16xf32, #tpu.memory_space<vmem_shared>>
      tpu.wait_dma2 semaphore(%run_scoped3A : memref<!tpu.dma_semaphore, #tpu.memory_space<semaphore_mem>>) src(%dma_wait3A_1155 : memref<128x16xf32, #tpu.memory_space<vmem_shared>>) dst(%arg9 : memref<128x16xf32, #tpu.memory_space<vmem>>)
      tpu.yield
    }) : () -> ()
    "tpu.region"() ({
      %run_scoped3A = tpu.sem_alloc : memref<!tpu.dma_semaphore, #tpu.memory_space<semaphore_mem>>
      %dma_start3A_1148 = arith.constant 0 : i32
      %dma_start3A_1149 = arith.constant 0 : i32
      %dma_start3A_1150 = tpu.memref_slice %arg5[%arg0, %dma_start3A_1148, %dma_start3A_1149] : memref<2x10240x16xf32, #tpu.memory_space<hbm>> -> memref<1x10240x16xf32, #tpu.memory_space<hbm>>
      %dma_start3A_1151 = tpu.memref_squeeze %dma_start3A_1150 : memref<1x10240x16xf32, #tpu.memory_space<hbm>> -> memref<10240x16xf32, #tpu.memory_space<hbm>>
      %dma_start3A_1152 = arith.constant 0 : i32
      %dma_start3A_1153 = tpu.memref_slice %dma_start3A_1151[%add3A_1147, %dma_start3A_1152] : memref<10240x16xf32, #tpu.memory_space<hbm>> -> memref<128x16xf32, #tpu.memory_space<hbm>>
      %dma_start3A_1154 = arith.constant 0 : i32
      %dma_start3A_1155 = arith.constant 0 : i32
      %dma_start3A_1156 = tpu.memref_slice %arg5[%arg0, %dma_start3A_1154, %dma_start3A_1155] : memref<2x10240x16xf32, #tpu.memory_space<hbm>> -> memref<1x10240x16xf32, #tpu.memory_space<hbm>>
      %dma_start3A_1157 = tpu.memref_squeeze %dma_start3A_1156 : memref<1x10240x16xf32, #tpu.memory_space<hbm>> -> memref<10240x16xf32, #tpu.memory_space<hbm>>
      %dma_start3A_1158 = arith.constant 0 : i32
      %dma_start3A_1159 = tpu.memref_slice %dma_start3A_1157[%add3A_1147, %dma_start3A_1158] : memref<10240x16xf32, #tpu.memory_space<hbm>> -> memref<128x16xf32, #tpu.memory_space<hbm>>
      tpu.enqueue_dma source(%arg9 : memref<128x16xf32, #tpu.memory_space<vmem>>) target(%dma_start3A_1159 : memref<128x16xf32, #tpu.memory_space<hbm>>) target_semaphore(%run_scoped3A : memref<!tpu.dma_semaphore, #tpu.memory_space<semaphore_mem>>)
      %dma_wait3A_1160 = arith.constant 0 : i32
      %dma_wait3A_1161 = arith.constant 0 : i32
      %dma_wait3A_1162 = tpu.memref_slice %arg5[%arg0, %dma_wait3A_1160, %dma_wait3A_1161] : memref<2x10240x16xf32, #tpu.memory_space<hbm>> -> memref<1x10240x16xf32, #tpu.memory_space<hbm>>
      %dma_wait3A_1163 = tpu.memref_squeeze %dma_wait3A_1162 : memref<1x10240x16xf32, #tpu.memory_space<hbm>> -> memref<10240x16xf32, #tpu.memory_space<hbm>>
      %dma_wait3A_1164 = arith.constant 0 : i32
      %dma_wait3A_1165 = tpu.memref_slice %dma_wait3A_1163[%add3A_1147, %dma_wait3A_1164] : memref<10240x16xf32, #tpu.memory_space<hbm>> -> memref<128x16xf32, #tpu.memory_space<hbm>>
      %dma_wait3A_1166 = arith.constant 0 : i32
      %dma_wait3A_1167 = arith.constant 0 : i32
      %dma_wait3A_1168 = tpu.memref_slice %arg5[%arg0, %dma_wait3A_1166, %dma_wait3A_1167] : memref<2x10240x16xf32, #tpu.memory_space<hbm>> -> memref<1x10240x16xf32, #tpu.memory_space<hbm>>
      %dma_wait3A_1169 = tpu.memref_squeeze %dma_wait3A_1168 : memref<1x10240x16xf32, #tpu.memory_space<hbm>> -> memref<10240x16xf32, #tpu.memory_space<hbm>>
      %dma_wait3A_1170 = arith.constant 0 : i32
      %dma_wait3A_1171 = tpu.memref_slice %dma_wait3A_1169[%add3A_1147, %dma_wait3A_1170] : memref<10240x16xf32, #tpu.memory_space<hbm>> -> memref<128x16xf32, #tpu.memory_space<hbm>>
      tpu.wait_dma2 semaphore(%run_scoped3A : memref<!tpu.dma_semaphore, #tpu.memory_space<semaphore_mem>>) src(%arg9 : memref<128x16xf32, #tpu.memory_space<vmem>>) dst(%dma_wait3A_1171 : memref<128x16xf32, #tpu.memory_space<hbm>>)
      tpu.yield
    }) : () -> ()
    return
  }
}

#map = affine_map<(d0, d1) -> (0, 0)>
#map1 = affine_map<(d0, d1) -> (0, 0, 0)>
module attributes {stable_mosaic.version = 14 : i64} {
  func.func @_scatter_kernel(%arg0: i32, %arg1: i32, %arg2: memref<10000x64xf32, #tpu.memory_space<hbm>>, %arg3: memref<2528x128xi32, #tpu.memory_space<hbm>>, %arg4: memref<2528x128xi32, #tpu.memory_space<hbm>>, %arg5: memref<128x64xf32, #tpu.memory_space<hbm>>, %arg6: memref<2x10240x64xf32, #tpu.memory_space<hbm>>, %arg7: memref<79x128xi32, #tpu.memory_space<vmem>>, %arg8: memref<79x128xi32, #tpu.memory_space<vmem>>, %arg9: memref<6x128x64xf32, #tpu.memory_space<vmem>>, %arg10: memref<128x64xf32, #tpu.memory_space<vmem>>, %arg11: memref<10240x64xf32, #tpu.memory_space<vmem_shared>>, %arg12: memref<6x!tpu.dma_semaphore, #tpu.memory_space<semaphore_mem>>, %arg13: memref<6x!tpu.dma_semaphore, #tpu.memory_space<semaphore_mem>>) attributes {dimension_semantics = [#tpu.dimension_semantics<core_parallel>, #tpu.dimension_semantics<subcore_parallel>], iteration_bounds = array<i64: 2, 16>, scalar_prefetch = 0 : i64, scratch_operands = 7 : i64, tpu.core_type = #tpu.core_type<sc_vector_subcore>, window_params = [{transform_indices = #map}, {transform_indices = #map}, {transform_indices = #map}, {transform_indices = #map}, {transform_indices = #map1}]} {
    %eq3A = arith.constant 1 : i32
    %eq3A_0 = arith.cmpi eq, %arg0, %eq3A : i32
    %jit3A = arith.constant 79 : i32
    %jit3A_1 = arith.constant 79 : i32
    %select_n3A = arith.select %eq3A_0, %jit3A, %jit3A_1 : i32
    %eq3A_2 = arith.constant 1 : i32
    %eq3A_3 = arith.cmpi eq, %arg0, %eq3A_2 : i32
    %mul3A = arith.constant 79 : i32
    %mul3A_4 = arith.muli %arg1, %mul3A : i32
    %add3A = arith.constant 1264 : i32
    %add3A_5 = arith.addi %add3A, %mul3A_4 : i32
    %mul3A_6 = arith.constant 79 : i32
    %mul3A_7 = arith.muli %arg1, %mul3A_6 : i32
    %select_n3A_8 = arith.select %eq3A_3, %add3A_5, %mul3A_7 : i32
    "tpu.region"() ({
      %run_scoped3A = tpu.sem_alloc : memref<!tpu.dma_semaphore, #tpu.memory_space<semaphore_mem>>
      %dma_start3A_147 = arith.constant 0 : i32
      %dma_start3A_148 = tpu.memref_slice %arg3[%select_n3A_8, %dma_start3A_147] : memref<2528x128xi32, #tpu.memory_space<hbm>> -> memref<79x128xi32, #tpu.memory_space<hbm>>
      %dma_start3A_149 = arith.constant 0 : i32
      %dma_start3A_150 = tpu.memref_slice %arg3[%select_n3A_8, %dma_start3A_149] : memref<2528x128xi32, #tpu.memory_space<hbm>> -> memref<79x128xi32, #tpu.memory_space<hbm>>
      tpu.enqueue_dma source(%dma_start3A_150 : memref<79x128xi32, #tpu.memory_space<hbm>>) target(%arg7 : memref<79x128xi32, #tpu.memory_space<vmem>>) target_semaphore(%run_scoped3A : memref<!tpu.dma_semaphore, #tpu.memory_space<semaphore_mem>>)
      %dma_wait3A = arith.constant 0 : i32
      %dma_wait3A_151 = tpu.memref_slice %arg3[%select_n3A_8, %dma_wait3A] : memref<2528x128xi32, #tpu.memory_space<hbm>> -> memref<79x128xi32, #tpu.memory_space<hbm>>
      %dma_wait3A_152 = arith.constant 0 : i32
      %dma_wait3A_153 = tpu.memref_slice %arg3[%select_n3A_8, %dma_wait3A_152] : memref<2528x128xi32, #tpu.memory_space<hbm>> -> memref<79x128xi32, #tpu.memory_space<hbm>>
      tpu.wait_dma2 semaphore(%run_scoped3A : memref<!tpu.dma_semaphore, #tpu.memory_space<semaphore_mem>>) src(%dma_wait3A_153 : memref<79x128xi32, #tpu.memory_space<hbm>>) dst(%arg7 : memref<79x128xi32, #tpu.memory_space<vmem>>)
      tpu.yield
    }) : () -> ()
    "tpu.region"() ({
      %run_scoped3A = tpu.sem_alloc : memref<!tpu.dma_semaphore, #tpu.memory_space<semaphore_mem>>
      %dma_start3A_147 = arith.constant 0 : i32
      %dma_start3A_148 = tpu.memref_slice %arg4[%select_n3A_8, %dma_start3A_147] : memref<2528x128xi32, #tpu.memory_space<hbm>> -> memref<79x128xi32, #tpu.memory_space<hbm>>
      %dma_start3A_149 = arith.constant 0 : i32
      %dma_start3A_150 = tpu.memref_slice %arg4[%select_n3A_8, %dma_start3A_149] : memref<2528x128xi32, #tpu.memory_space<hbm>> -> memref<79x128xi32, #tpu.memory_space<hbm>>
      tpu.enqueue_dma source(%dma_start3A_150 : memref<79x128xi32, #tpu.memory_space<hbm>>) target(%arg8 : memref<79x128xi32, #tpu.memory_space<vmem>>) target_semaphore(%run_scoped3A : memref<!tpu.dma_semaphore, #tpu.memory_space<semaphore_mem>>)
      %dma_wait3A = arith.constant 0 : i32
      %dma_wait3A_151 = tpu.memref_slice %arg4[%select_n3A_8, %dma_wait3A] : memref<2528x128xi32, #tpu.memory_space<hbm>> -> memref<79x128xi32, #tpu.memory_space<hbm>>
      %dma_wait3A_152 = arith.constant 0 : i32
      %dma_wait3A_153 = tpu.memref_slice %arg4[%select_n3A_8, %dma_wait3A_152] : memref<2528x128xi32, #tpu.memory_space<hbm>> -> memref<79x128xi32, #tpu.memory_space<hbm>>
      tpu.wait_dma2 semaphore(%run_scoped3A : memref<!tpu.dma_semaphore, #tpu.memory_space<semaphore_mem>>) src(%dma_wait3A_153 : memref<79x128xi32, #tpu.memory_space<hbm>>) dst(%arg8 : memref<79x128xi32, #tpu.memory_space<vmem>>)
      tpu.yield
    }) : () -> ()
    "tpu.region"() ({
      %run_scoped3A = tpu.sem_alloc : memref<!tpu.dma_semaphore, #tpu.memory_space<semaphore_mem>>
      tpu.enqueue_dma source(%arg5 : memref<128x64xf32, #tpu.memory_space<hbm>>) target(%arg10 : memref<128x64xf32, #tpu.memory_space<vmem>>) target_semaphore(%run_scoped3A : memref<!tpu.dma_semaphore, #tpu.memory_space<semaphore_mem>>)
      tpu.wait_dma2 semaphore(%run_scoped3A : memref<!tpu.dma_semaphore, #tpu.memory_space<semaphore_mem>>) src(%arg5 : memref<128x64xf32, #tpu.memory_space<hbm>>) dst(%arg10 : memref<128x64xf32, #tpu.memory_space<vmem>>)
      tpu.yield
    }) : () -> ()
    %mul3A_9 = arith.constant 640 : i32
    %mul3A_10 = arith.muli %arg1, %mul3A_9 : i32
    %add3A_11 = arith.constant 0 : i32
    %add3A_12 = arith.addi %mul3A_10, %add3A_11 : i32
    "tpu.region"() ({
      %run_scoped3A = tpu.sem_alloc : memref<!tpu.dma_semaphore, #tpu.memory_space<semaphore_mem>>
      %dma_start3A_147 = arith.constant 0 : i32
      %dma_start3A_148 = tpu.memref_slice %arg11[%add3A_12, %dma_start3A_147] : memref<10240x64xf32, #tpu.memory_space<vmem_shared>> -> memref<128x64xf32, #tpu.memory_space<vmem_shared>>
      %dma_start3A_149 = arith.constant 0 : i32
      %dma_start3A_150 = tpu.memref_slice %arg11[%add3A_12, %dma_start3A_149] : memref<10240x64xf32, #tpu.memory_space<vmem_shared>> -> memref<128x64xf32, #tpu.memory_space<vmem_shared>>
      tpu.enqueue_dma source(%arg10 : memref<128x64xf32, #tpu.memory_space<vmem>>) target(%dma_start3A_150 : memref<128x64xf32, #tpu.memory_space<vmem_shared>>) target_semaphore(%run_scoped3A : memref<!tpu.dma_semaphore, #tpu.memory_space<semaphore_mem>>)
      %dma_wait3A = arith.constant 0 : i32
      %dma_wait3A_151 = tpu.memref_slice %arg11[%add3A_12, %dma_wait3A] : memref<10240x64xf32, #tpu.memory_space<vmem_shared>> -> memref<128x64xf32, #tpu.memory_space<vmem_shared>>
      %dma_wait3A_152 = arith.constant 0 : i32
      %dma_wait3A_153 = tpu.memref_slice %arg11[%add3A_12, %dma_wait3A_152] : memref<10240x64xf32, #tpu.memory_space<vmem_shared>> -> memref<128x64xf32, #tpu.memory_space<vmem_shared>>
      tpu.wait_dma2 semaphore(%run_scoped3A : memref<!tpu.dma_semaphore, #tpu.memory_space<semaphore_mem>>) src(%arg10 : memref<128x64xf32, #tpu.memory_space<vmem>>) dst(%dma_wait3A_153 : memref<128x64xf32, #tpu.memory_space<vmem_shared>>)
      tpu.yield
    }) : () -> ()
    %mul3A_13 = arith.constant 640 : i32
    %mul3A_14 = arith.muli %arg1, %mul3A_13 : i32
    %add3A_15 = arith.constant 128 : i32
    %add3A_16 = arith.addi %mul3A_14, %add3A_15 : i32
    "tpu.region"() ({
      %run_scoped3A = tpu.sem_alloc : memref<!tpu.dma_semaphore, #tpu.memory_space<semaphore_mem>>
      %dma_start3A_147 = arith.constant 0 : i32
      %dma_start3A_148 = tpu.memref_slice %arg11[%add3A_16, %dma_start3A_147] : memref<10240x64xf32, #tpu.memory_space<vmem_shared>> -> memref<128x64xf32, #tpu.memory_space<vmem_shared>>
      %dma_start3A_149 = arith.constant 0 : i32
      %dma_start3A_150 = tpu.memref_slice %arg11[%add3A_16, %dma_start3A_149] : memref<10240x64xf32, #tpu.memory_space<vmem_shared>> -> memref<128x64xf32, #tpu.memory_space<vmem_shared>>
      tpu.enqueue_dma source(%arg10 : memref<128x64xf32, #tpu.memory_space<vmem>>) target(%dma_start3A_150 : memref<128x64xf32, #tpu.memory_space<vmem_shared>>) target_semaphore(%run_scoped3A : memref<!tpu.dma_semaphore, #tpu.memory_space<semaphore_mem>>)
      %dma_wait3A = arith.constant 0 : i32
      %dma_wait3A_151 = tpu.memref_slice %arg11[%add3A_16, %dma_wait3A] : memref<10240x64xf32, #tpu.memory_space<vmem_shared>> -> memref<128x64xf32, #tpu.memory_space<vmem_shared>>
      %dma_wait3A_152 = arith.constant 0 : i32
      %dma_wait3A_153 = tpu.memref_slice %arg11[%add3A_16, %dma_wait3A_152] : memref<10240x64xf32, #tpu.memory_space<vmem_shared>> -> memref<128x64xf32, #tpu.memory_space<vmem_shared>>
      tpu.wait_dma2 semaphore(%run_scoped3A : memref<!tpu.dma_semaphore, #tpu.memory_space<semaphore_mem>>) src(%arg10 : memref<128x64xf32, #tpu.memory_space<vmem>>) dst(%dma_wait3A_153 : memref<128x64xf32, #tpu.memory_space<vmem_shared>>)
      tpu.yield
    }) : () -> ()
    %mul3A_17 = arith.constant 640 : i32
    %mul3A_18 = arith.muli %arg1, %mul3A_17 : i32
    %add3A_19 = arith.constant 256 : i32
    %add3A_20 = arith.addi %mul3A_18, %add3A_19 : i32
    "tpu.region"() ({
      %run_scoped3A = tpu.sem_alloc : memref<!tpu.dma_semaphore, #tpu.memory_space<semaphore_mem>>
      %dma_start3A_147 = arith.constant 0 : i32
      %dma_start3A_148 = tpu.memref_slice %arg11[%add3A_20, %dma_start3A_147] : memref<10240x64xf32, #tpu.memory_space<vmem_shared>> -> memref<128x64xf32, #tpu.memory_space<vmem_shared>>
      %dma_start3A_149 = arith.constant 0 : i32
      %dma_start3A_150 = tpu.memref_slice %arg11[%add3A_20, %dma_start3A_149] : memref<10240x64xf32, #tpu.memory_space<vmem_shared>> -> memref<128x64xf32, #tpu.memory_space<vmem_shared>>
      tpu.enqueue_dma source(%arg10 : memref<128x64xf32, #tpu.memory_space<vmem>>) target(%dma_start3A_150 : memref<128x64xf32, #tpu.memory_space<vmem_shared>>) target_semaphore(%run_scoped3A : memref<!tpu.dma_semaphore, #tpu.memory_space<semaphore_mem>>)
      %dma_wait3A = arith.constant 0 : i32
      %dma_wait3A_151 = tpu.memref_slice %arg11[%add3A_20, %dma_wait3A] : memref<10240x64xf32, #tpu.memory_space<vmem_shared>> -> memref<128x64xf32, #tpu.memory_space<vmem_shared>>
      %dma_wait3A_152 = arith.constant 0 : i32
      %dma_wait3A_153 = tpu.memref_slice %arg11[%add3A_20, %dma_wait3A_152] : memref<10240x64xf32, #tpu.memory_space<vmem_shared>> -> memref<128x64xf32, #tpu.memory_space<vmem_shared>>
      tpu.wait_dma2 semaphore(%run_scoped3A : memref<!tpu.dma_semaphore, #tpu.memory_space<semaphore_mem>>) src(%arg10 : memref<128x64xf32, #tpu.memory_space<vmem>>) dst(%dma_wait3A_153 : memref<128x64xf32, #tpu.memory_space<vmem_shared>>)
      tpu.yield
    }) : () -> ()
    %mul3A_21 = arith.constant 640 : i32
    %mul3A_22 = arith.muli %arg1, %mul3A_21 : i32
    %add3A_23 = arith.constant 384 : i32
    %add3A_24 = arith.addi %mul3A_22, %add3A_23 : i32
    "tpu.region"() ({
      %run_scoped3A = tpu.sem_alloc : memref<!tpu.dma_semaphore, #tpu.memory_space<semaphore_mem>>
      %dma_start3A_147 = arith.constant 0 : i32
      %dma_start3A_148 = tpu.memref_slice %arg11[%add3A_24, %dma_start3A_147] : memref<10240x64xf32, #tpu.memory_space<vmem_shared>> -> memref<128x64xf32, #tpu.memory_space<vmem_shared>>
      %dma_start3A_149 = arith.constant 0 : i32
      %dma_start3A_150 = tpu.memref_slice %arg11[%add3A_24, %dma_start3A_149] : memref<10240x64xf32, #tpu.memory_space<vmem_shared>> -> memref<128x64xf32, #tpu.memory_space<vmem_shared>>
      tpu.enqueue_dma source(%arg10 : memref<128x64xf32, #tpu.memory_space<vmem>>) target(%dma_start3A_150 : memref<128x64xf32, #tpu.memory_space<vmem_shared>>) target_semaphore(%run_scoped3A : memref<!tpu.dma_semaphore, #tpu.memory_space<semaphore_mem>>)
      %dma_wait3A = arith.constant 0 : i32
      %dma_wait3A_151 = tpu.memref_slice %arg11[%add3A_24, %dma_wait3A] : memref<10240x64xf32, #tpu.memory_space<vmem_shared>> -> memref<128x64xf32, #tpu.memory_space<vmem_shared>>
      %dma_wait3A_152 = arith.constant 0 : i32
      %dma_wait3A_153 = tpu.memref_slice %arg11[%add3A_24, %dma_wait3A_152] : memref<10240x64xf32, #tpu.memory_space<vmem_shared>> -> memref<128x64xf32, #tpu.memory_space<vmem_shared>>
      tpu.wait_dma2 semaphore(%run_scoped3A : memref<!tpu.dma_semaphore, #tpu.memory_space<semaphore_mem>>) src(%arg10 : memref<128x64xf32, #tpu.memory_space<vmem>>) dst(%dma_wait3A_153 : memref<128x64xf32, #tpu.memory_space<vmem_shared>>)
      tpu.yield
    }) : () -> ()
    %mul3A_25 = arith.constant 640 : i32
    %mul3A_26 = arith.muli %arg1, %mul3A_25 : i32
    %add3A_27 = arith.constant 512 : i32
    %add3A_28 = arith.addi %mul3A_26, %add3A_27 : i32
    "tpu.region"() ({
      %run_scoped3A = tpu.sem_alloc : memref<!tpu.dma_semaphore, #tpu.memory_space<semaphore_mem>>
      %dma_start3A_147 = arith.constant 0 : i32
      %dma_start3A_148 = tpu.memref_slice %arg11[%add3A_28, %dma_start3A_147] : memref<10240x64xf32, #tpu.memory_space<vmem_shared>> -> memref<128x64xf32, #tpu.memory_space<vmem_shared>>
      %dma_start3A_149 = arith.constant 0 : i32
      %dma_start3A_150 = tpu.memref_slice %arg11[%add3A_28, %dma_start3A_149] : memref<10240x64xf32, #tpu.memory_space<vmem_shared>> -> memref<128x64xf32, #tpu.memory_space<vmem_shared>>
      tpu.enqueue_dma source(%arg10 : memref<128x64xf32, #tpu.memory_space<vmem>>) target(%dma_start3A_150 : memref<128x64xf32, #tpu.memory_space<vmem_shared>>) target_semaphore(%run_scoped3A : memref<!tpu.dma_semaphore, #tpu.memory_space<semaphore_mem>>)
      %dma_wait3A = arith.constant 0 : i32
      %dma_wait3A_151 = tpu.memref_slice %arg11[%add3A_28, %dma_wait3A] : memref<10240x64xf32, #tpu.memory_space<vmem_shared>> -> memref<128x64xf32, #tpu.memory_space<vmem_shared>>
      %dma_wait3A_152 = arith.constant 0 : i32
      %dma_wait3A_153 = tpu.memref_slice %arg11[%add3A_28, %dma_wait3A_152] : memref<10240x64xf32, #tpu.memory_space<vmem_shared>> -> memref<128x64xf32, #tpu.memory_space<vmem_shared>>
      tpu.wait_dma2 semaphore(%run_scoped3A : memref<!tpu.dma_semaphore, #tpu.memory_space<semaphore_mem>>) src(%arg10 : memref<128x64xf32, #tpu.memory_space<vmem>>) dst(%dma_wait3A_153 : memref<128x64xf32, #tpu.memory_space<vmem_shared>>)
      tpu.yield
    }) : () -> ()
    %barrier3A = arith.constant 0 : index
    tpu.barrier barrier_id(%barrier3A)
    %rem3A = arith.constant 0 : i32
    %rem3A_29 = arith.constant 6 : i32
    %rem3A_30 = arith.remsi %rem3A, %rem3A_29 : i32
    %dma_start3A = arith.constant 0 : i32
    %dma_start3A_31 = arith.constant 0 : i32
    %dma_start3A_32 = arith.constant 0 : i32
    %dma_start3A_33 = tpu.memref_slice %arg9[%rem3A_30, %dma_start3A_31, %dma_start3A_32] : memref<6x128x64xf32, #tpu.memory_space<vmem>> -> memref<1x128x64xf32, #tpu.memory_space<vmem>>
    %dma_start3A_34 = tpu.memref_squeeze %dma_start3A_33 : memref<1x128x64xf32, #tpu.memory_space<vmem>> -> memref<128x64xf32, #tpu.memory_space<vmem>>
    %dma_start3A_35 = arith.constant 0 : i32
    %dma_start3A_36 = tpu.memref_slice %arg7[%dma_start3A, %dma_start3A_35] : memref<79x128xi32, #tpu.memory_space<vmem>> -> memref<1x128xi32, #tpu.memory_space<vmem>>
    %dma_start3A_37 = tpu.memref_squeeze %dma_start3A_36 : memref<1x128xi32, #tpu.memory_space<vmem>> -> memref<128xi32, #tpu.memory_space<vmem>>
    %dma_start3A_38 = arith.constant 0 : i32
    %dma_start3A_39 = arith.constant 0 : i32
    %dma_start3A_40 = tpu.memref_slice %arg2[%dma_start3A_38, %dma_start3A_39] : memref<10000x64xf32, #tpu.memory_space<hbm>> -> memref<10000x64xf32, #tpu.memory_space<hbm>>
    %dma_start3A_41 = tpu.memref_slice %arg12[%rem3A_30] : memref<6x!tpu.dma_semaphore, #tpu.memory_space<semaphore_mem>> -> memref<1x!tpu.dma_semaphore, #tpu.memory_space<semaphore_mem>>
    %dma_start3A_42 = tpu.memref_squeeze %dma_start3A_41 : memref<1x!tpu.dma_semaphore, #tpu.memory_space<semaphore_mem>> -> memref<!tpu.dma_semaphore, #tpu.memory_space<semaphore_mem>>
    tpu.enqueue_indirect_dma source(%dma_start3A_40 : memref<10000x64xf32, #tpu.memory_space<hbm>>) target(%dma_start3A_34 : memref<128x64xf32, #tpu.memory_space<vmem>>) offsets(%dma_start3A_37 : memref<128xi32, #tpu.memory_space<vmem>>) semaphore(%dma_start3A_42 : memref<!tpu.dma_semaphore, #tpu.memory_space<semaphore_mem>>)
    %rem3A_43 = arith.constant 1 : i32
    %rem3A_44 = arith.constant 6 : i32
    %rem3A_45 = arith.remsi %rem3A_43, %rem3A_44 : i32
    %dma_start3A_46 = arith.constant 1 : i32
    %dma_start3A_47 = arith.constant 0 : i32
    %dma_start3A_48 = arith.constant 0 : i32
    %dma_start3A_49 = tpu.memref_slice %arg9[%rem3A_45, %dma_start3A_47, %dma_start3A_48] : memref<6x128x64xf32, #tpu.memory_space<vmem>> -> memref<1x128x64xf32, #tpu.memory_space<vmem>>
    %dma_start3A_50 = tpu.memref_squeeze %dma_start3A_49 : memref<1x128x64xf32, #tpu.memory_space<vmem>> -> memref<128x64xf32, #tpu.memory_space<vmem>>
    %dma_start3A_51 = arith.constant 0 : i32
    %dma_start3A_52 = tpu.memref_slice %arg7[%dma_start3A_46, %dma_start3A_51] : memref<79x128xi32, #tpu.memory_space<vmem>> -> memref<1x128xi32, #tpu.memory_space<vmem>>
    %dma_start3A_53 = tpu.memref_squeeze %dma_start3A_52 : memref<1x128xi32, #tpu.memory_space<vmem>> -> memref<128xi32, #tpu.memory_space<vmem>>
    %dma_start3A_54 = arith.constant 0 : i32
    %dma_start3A_55 = arith.constant 0 : i32
    %dma_start3A_56 = tpu.memref_slice %arg2[%dma_start3A_54, %dma_start3A_55] : memref<10000x64xf32, #tpu.memory_space<hbm>> -> memref<10000x64xf32, #tpu.memory_space<hbm>>
    %dma_start3A_57 = tpu.memref_slice %arg12[%rem3A_45] : memref<6x!tpu.dma_semaphore, #tpu.memory_space<semaphore_mem>> -> memref<1x!tpu.dma_semaphore, #tpu.memory_space<semaphore_mem>>
    %dma_start3A_58 = tpu.memref_squeeze %dma_start3A_57 : memref<1x!tpu.dma_semaphore, #tpu.memory_space<semaphore_mem>> -> memref<!tpu.dma_semaphore, #tpu.memory_space<semaphore_mem>>
    tpu.enqueue_indirect_dma source(%dma_start3A_56 : memref<10000x64xf32, #tpu.memory_space<hbm>>) target(%dma_start3A_50 : memref<128x64xf32, #tpu.memory_space<vmem>>) offsets(%dma_start3A_53 : memref<128xi32, #tpu.memory_space<vmem>>) semaphore(%dma_start3A_58 : memref<!tpu.dma_semaphore, #tpu.memory_space<semaphore_mem>>)
    %rem3A_59 = arith.constant 2 : i32
    %rem3A_60 = arith.constant 6 : i32
    %rem3A_61 = arith.remsi %rem3A_59, %rem3A_60 : i32
    %dma_start3A_62 = arith.constant 2 : i32
    %dma_start3A_63 = arith.constant 0 : i32
    %dma_start3A_64 = arith.constant 0 : i32
    %dma_start3A_65 = tpu.memref_slice %arg9[%rem3A_61, %dma_start3A_63, %dma_start3A_64] : memref<6x128x64xf32, #tpu.memory_space<vmem>> -> memref<1x128x64xf32, #tpu.memory_space<vmem>>
    %dma_start3A_66 = tpu.memref_squeeze %dma_start3A_65 : memref<1x128x64xf32, #tpu.memory_space<vmem>> -> memref<128x64xf32, #tpu.memory_space<vmem>>
    %dma_start3A_67 = arith.constant 0 : i32
    %dma_start3A_68 = tpu.memref_slice %arg7[%dma_start3A_62, %dma_start3A_67] : memref<79x128xi32, #tpu.memory_space<vmem>> -> memref<1x128xi32, #tpu.memory_space<vmem>>
    %dma_start3A_69 = tpu.memref_squeeze %dma_start3A_68 : memref<1x128xi32, #tpu.memory_space<vmem>> -> memref<128xi32, #tpu.memory_space<vmem>>
    %dma_start3A_70 = arith.constant 0 : i32
    %dma_start3A_71 = arith.constant 0 : i32
    %dma_start3A_72 = tpu.memref_slice %arg2[%dma_start3A_70, %dma_start3A_71] : memref<10000x64xf32, #tpu.memory_space<hbm>> -> memref<10000x64xf32, #tpu.memory_space<hbm>>
    %dma_start3A_73 = tpu.memref_slice %arg12[%rem3A_61] : memref<6x!tpu.dma_semaphore, #tpu.memory_space<semaphore_mem>> -> memref<1x!tpu.dma_semaphore, #tpu.memory_space<semaphore_mem>>
    %dma_start3A_74 = tpu.memref_squeeze %dma_start3A_73 : memref<1x!tpu.dma_semaphore, #tpu.memory_space<semaphore_mem>> -> memref<!tpu.dma_semaphore, #tpu.memory_space<semaphore_mem>>
    tpu.enqueue_indirect_dma source(%dma_start3A_72 : memref<10000x64xf32, #tpu.memory_space<hbm>>) target(%dma_start3A_66 : memref<128x64xf32, #tpu.memory_space<vmem>>) offsets(%dma_start3A_69 : memref<128xi32, #tpu.memory_space<vmem>>) semaphore(%dma_start3A_74 : memref<!tpu.dma_semaphore, #tpu.memory_space<semaphore_mem>>)
    %rem3A_75 = arith.constant 3 : i32
    %rem3A_76 = arith.constant 6 : i32
    %rem3A_77 = arith.remsi %rem3A_75, %rem3A_76 : i32
    %dma_start3A_78 = arith.constant 3 : i32
    %dma_start3A_79 = arith.constant 0 : i32
    %dma_start3A_80 = arith.constant 0 : i32
    %dma_start3A_81 = tpu.memref_slice %arg9[%rem3A_77, %dma_start3A_79, %dma_start3A_80] : memref<6x128x64xf32, #tpu.memory_space<vmem>> -> memref<1x128x64xf32, #tpu.memory_space<vmem>>
    %dma_start3A_82 = tpu.memref_squeeze %dma_start3A_81 : memref<1x128x64xf32, #tpu.memory_space<vmem>> -> memref<128x64xf32, #tpu.memory_space<vmem>>
    %dma_start3A_83 = arith.constant 0 : i32
    %dma_start3A_84 = tpu.memref_slice %arg7[%dma_start3A_78, %dma_start3A_83] : memref<79x128xi32, #tpu.memory_space<vmem>> -> memref<1x128xi32, #tpu.memory_space<vmem>>
    %dma_start3A_85 = tpu.memref_squeeze %dma_start3A_84 : memref<1x128xi32, #tpu.memory_space<vmem>> -> memref<128xi32, #tpu.memory_space<vmem>>
    %dma_start3A_86 = arith.constant 0 : i32
    %dma_start3A_87 = arith.constant 0 : i32
    %dma_start3A_88 = tpu.memref_slice %arg2[%dma_start3A_86, %dma_start3A_87] : memref<10000x64xf32, #tpu.memory_space<hbm>> -> memref<10000x64xf32, #tpu.memory_space<hbm>>
    %dma_start3A_89 = tpu.memref_slice %arg12[%rem3A_77] : memref<6x!tpu.dma_semaphore, #tpu.memory_space<semaphore_mem>> -> memref<1x!tpu.dma_semaphore, #tpu.memory_space<semaphore_mem>>
    %dma_start3A_90 = tpu.memref_squeeze %dma_start3A_89 : memref<1x!tpu.dma_semaphore, #tpu.memory_space<semaphore_mem>> -> memref<!tpu.dma_semaphore, #tpu.memory_space<semaphore_mem>>
    tpu.enqueue_indirect_dma source(%dma_start3A_88 : memref<10000x64xf32, #tpu.memory_space<hbm>>) target(%dma_start3A_82 : memref<128x64xf32, #tpu.memory_space<vmem>>) offsets(%dma_start3A_85 : memref<128xi32, #tpu.memory_space<vmem>>) semaphore(%dma_start3A_90 : memref<!tpu.dma_semaphore, #tpu.memory_space<semaphore_mem>>)
    %rem3A_91 = arith.constant 4 : i32
    %rem3A_92 = arith.constant 6 : i32
    %rem3A_93 = arith.remsi %rem3A_91, %rem3A_92 : i32
    %dma_start3A_94 = arith.constant 4 : i32
    %dma_start3A_95 = arith.constant 0 : i32
    %dma_start3A_96 = arith.constant 0 : i32
    %dma_start3A_97 = tpu.memref_slice %arg9[%rem3A_93, %dma_start3A_95, %dma_start3A_96] : memref<6x128x64xf32, #tpu.memory_space<vmem>> -> memref<1x128x64xf32, #tpu.memory_space<vmem>>
    %dma_start3A_98 = tpu.memref_squeeze %dma_start3A_97 : memref<1x128x64xf32, #tpu.memory_space<vmem>> -> memref<128x64xf32, #tpu.memory_space<vmem>>
    %dma_start3A_99 = arith.constant 0 : i32
    %dma_start3A_100 = tpu.memref_slice %arg7[%dma_start3A_94, %dma_start3A_99] : memref<79x128xi32, #tpu.memory_space<vmem>> -> memref<1x128xi32, #tpu.memory_space<vmem>>
    %dma_start3A_101 = tpu.memref_squeeze %dma_start3A_100 : memref<1x128xi32, #tpu.memory_space<vmem>> -> memref<128xi32, #tpu.memory_space<vmem>>
    %dma_start3A_102 = arith.constant 0 : i32
    %dma_start3A_103 = arith.constant 0 : i32
    %dma_start3A_104 = tpu.memref_slice %arg2[%dma_start3A_102, %dma_start3A_103] : memref<10000x64xf32, #tpu.memory_space<hbm>> -> memref<10000x64xf32, #tpu.memory_space<hbm>>
    %dma_start3A_105 = tpu.memref_slice %arg12[%rem3A_93] : memref<6x!tpu.dma_semaphore, #tpu.memory_space<semaphore_mem>> -> memref<1x!tpu.dma_semaphore, #tpu.memory_space<semaphore_mem>>
    %dma_start3A_106 = tpu.memref_squeeze %dma_start3A_105 : memref<1x!tpu.dma_semaphore, #tpu.memory_space<semaphore_mem>> -> memref<!tpu.dma_semaphore, #tpu.memory_space<semaphore_mem>>
    tpu.enqueue_indirect_dma source(%dma_start3A_104 : memref<10000x64xf32, #tpu.memory_space<hbm>>) target(%dma_start3A_98 : memref<128x64xf32, #tpu.memory_space<vmem>>) offsets(%dma_start3A_101 : memref<128xi32, #tpu.memory_space<vmem>>) semaphore(%dma_start3A_106 : memref<!tpu.dma_semaphore, #tpu.memory_space<semaphore_mem>>)
    %while3A = arith.constant 0 : i32
    %while3A_107 = arith.constant 0 : i32
    %while3A_108 = arith.subi %select_n3A, %while3A_107 : i32
    %while3A_109 = arith.addi %while3A_107, %while3A_108 : i32
    %while3A_110 = arith.constant 1 : i32
    %while3A_111 = arith.divsi %while3A_108, %while3A_110 : i32
    %while3A_112 = arith.muli %while3A_111, %while3A_110 : i32
    %while3A_113 = arith.addi %while3A_107, %while3A_112 : i32
    %while3A_114 = arith.constant 1 : i32
    scf.for %while3A_147 = %while3A_107 to %while3A_113 step %while3A_114  : i32 {
      %rem3A_148 = arith.constant 6 : i32
      %rem3A_149 = arith.remsi %while3A_147, %rem3A_148 : i32
      %dma_wait3A = arith.constant 0 : i32
      %dma_wait3A_150 = arith.constant 0 : i32
      %dma_wait3A_151 = tpu.memref_slice %arg9[%rem3A_149, %dma_wait3A, %dma_wait3A_150] : memref<6x128x64xf32, #tpu.memory_space<vmem>> -> memref<1x128x64xf32, #tpu.memory_space<vmem>>
      %dma_wait3A_152 = tpu.memref_squeeze %dma_wait3A_151 : memref<1x128x64xf32, #tpu.memory_space<vmem>> -> memref<128x64xf32, #tpu.memory_space<vmem>>
      %dma_wait3A_153 = arith.constant 0 : i32
      %dma_wait3A_154 = tpu.memref_slice %arg7[%while3A_147, %dma_wait3A_153] : memref<79x128xi32, #tpu.memory_space<vmem>> -> memref<1x128xi32, #tpu.memory_space<vmem>>
      %dma_wait3A_155 = tpu.memref_squeeze %dma_wait3A_154 : memref<1x128xi32, #tpu.memory_space<vmem>> -> memref<128xi32, #tpu.memory_space<vmem>>
      %dma_wait3A_156 = arith.constant 0 : i32
      %dma_wait3A_157 = arith.constant 0 : i32
      %dma_wait3A_158 = tpu.memref_slice %arg2[%dma_wait3A_156, %dma_wait3A_157] : memref<10000x64xf32, #tpu.memory_space<hbm>> -> memref<10000x64xf32, #tpu.memory_space<hbm>>
      %dma_wait3A_159 = tpu.memref_slice %arg12[%rem3A_149] : memref<6x!tpu.dma_semaphore, #tpu.memory_space<semaphore_mem>> -> memref<1x!tpu.dma_semaphore, #tpu.memory_space<semaphore_mem>>
      %dma_wait3A_160 = tpu.memref_squeeze %dma_wait3A_159 : memref<1x!tpu.dma_semaphore, #tpu.memory_space<semaphore_mem>> -> memref<!tpu.dma_semaphore, #tpu.memory_space<semaphore_mem>>
      tpu.wait_indirect_dma semaphore(%dma_wait3A_160 : memref<!tpu.dma_semaphore, #tpu.memory_space<semaphore_mem>>) src(%dma_wait3A_158 : memref<10000x64xf32, #tpu.memory_space<hbm>>) dst(%dma_wait3A_152 : memref<128x64xf32, #tpu.memory_space<vmem>>)
      %rem3A_161 = arith.constant 6 : i32
      %rem3A_162 = arith.remsi %while3A_147, %rem3A_161 : i32
      %dma_start3A_163 = arith.constant 0 : i32
      %dma_start3A_164 = arith.constant 0 : i32
      %dma_start3A_165 = tpu.memref_slice %arg9[%rem3A_162, %dma_start3A_163, %dma_start3A_164] : memref<6x128x64xf32, #tpu.memory_space<vmem>> -> memref<1x128x64xf32, #tpu.memory_space<vmem>>
      %dma_start3A_166 = tpu.memref_squeeze %dma_start3A_165 : memref<1x128x64xf32, #tpu.memory_space<vmem>> -> memref<128x64xf32, #tpu.memory_space<vmem>>
      %dma_start3A_167 = arith.constant 0 : i32
      %dma_start3A_168 = tpu.memref_slice %arg8[%while3A_147, %dma_start3A_167] : memref<79x128xi32, #tpu.memory_space<vmem>> -> memref<1x128xi32, #tpu.memory_space<vmem>>
      %dma_start3A_169 = tpu.memref_squeeze %dma_start3A_168 : memref<1x128xi32, #tpu.memory_space<vmem>> -> memref<128xi32, #tpu.memory_space<vmem>>
      %dma_start3A_170 = arith.constant 0 : i32
      %dma_start3A_171 = arith.constant 0 : i32
      %dma_start3A_172 = tpu.memref_slice %arg11[%dma_start3A_170, %dma_start3A_171] : memref<10240x64xf32, #tpu.memory_space<vmem_shared>> -> memref<10240x64xf32, #tpu.memory_space<vmem_shared>>
      %dma_start3A_173 = tpu.memref_slice %arg13[%rem3A_162] : memref<6x!tpu.dma_semaphore, #tpu.memory_space<semaphore_mem>> -> memref<1x!tpu.dma_semaphore, #tpu.memory_space<semaphore_mem>>
      %dma_start3A_174 = tpu.memref_squeeze %dma_start3A_173 : memref<1x!tpu.dma_semaphore, #tpu.memory_space<semaphore_mem>> -> memref<!tpu.dma_semaphore, #tpu.memory_space<semaphore_mem>>
      tpu.enqueue_indirect_dma source(%dma_start3A_166 : memref<128x64xf32, #tpu.memory_space<vmem>>) target(%dma_start3A_172 : memref<10240x64xf32, #tpu.memory_space<vmem_shared>>) offsets(%dma_start3A_169 : memref<128xi32, #tpu.memory_space<vmem>>) semaphore(%dma_start3A_174 : memref<!tpu.dma_semaphore, #tpu.memory_space<semaphore_mem>>) {add = true}
      %ge3A = arith.constant 1 : i32
      %ge3A_175 = arith.cmpi sge, %while3A_147, %ge3A : i32
      %convert_element_type3A = arith.extui %ge3A_175 : i1 to i32
      %cond3A = arith.constant 0 : i32
      %cond3A_176 = arith.cmpi ne, %convert_element_type3A, %cond3A : i32
      scf.if %cond3A_176 {
        %sub3A_182 = arith.constant 1 : i32
        %sub3A_183 = arith.subi %while3A_147, %sub3A_182 : i32
        %rem3A_184 = arith.constant 6 : i32
        %rem3A_185 = arith.remsi %sub3A_183, %rem3A_184 : i32
        %dma_wait3A_186 = arith.constant 0 : i32
        %dma_wait3A_187 = arith.constant 0 : i32
        %dma_wait3A_188 = tpu.memref_slice %arg9[%rem3A_185, %dma_wait3A_186, %dma_wait3A_187] : memref<6x128x64xf32, #tpu.memory_space<vmem>> -> memref<1x128x64xf32, #tpu.memory_space<vmem>>
        %dma_wait3A_189 = tpu.memref_squeeze %dma_wait3A_188 : memref<1x128x64xf32, #tpu.memory_space<vmem>> -> memref<128x64xf32, #tpu.memory_space<vmem>>
        %dma_wait3A_190 = arith.constant 0 : i32
        %dma_wait3A_191 = tpu.memref_slice %arg8[%sub3A_183, %dma_wait3A_190] : memref<79x128xi32, #tpu.memory_space<vmem>> -> memref<1x128xi32, #tpu.memory_space<vmem>>
        %dma_wait3A_192 = tpu.memref_squeeze %dma_wait3A_191 : memref<1x128xi32, #tpu.memory_space<vmem>> -> memref<128xi32, #tpu.memory_space<vmem>>
        %dma_wait3A_193 = arith.constant 0 : i32
        %dma_wait3A_194 = arith.constant 0 : i32
        %dma_wait3A_195 = tpu.memref_slice %arg11[%dma_wait3A_193, %dma_wait3A_194] : memref<10240x64xf32, #tpu.memory_space<vmem_shared>> -> memref<10240x64xf32, #tpu.memory_space<vmem_shared>>
        %dma_wait3A_196 = tpu.memref_slice %arg13[%rem3A_185] : memref<6x!tpu.dma_semaphore, #tpu.memory_space<semaphore_mem>> -> memref<1x!tpu.dma_semaphore, #tpu.memory_space<semaphore_mem>>
        %dma_wait3A_197 = tpu.memref_squeeze %dma_wait3A_196 : memref<1x!tpu.dma_semaphore, #tpu.memory_space<semaphore_mem>> -> memref<!tpu.dma_semaphore, #tpu.memory_space<semaphore_mem>>
        tpu.wait_indirect_dma semaphore(%dma_wait3A_197 : memref<!tpu.dma_semaphore, #tpu.memory_space<semaphore_mem>>) src(%dma_wait3A_189 : memref<128x64xf32, #tpu.memory_space<vmem>>) dst(%dma_wait3A_195 : memref<10240x64xf32, #tpu.memory_space<vmem_shared>>)
      } else {
      }
      %add3A_177 = arith.constant 5 : i32
      %add3A_178 = arith.addi %while3A_147, %add3A_177 : i32
      %lt3A = arith.cmpi slt, %add3A_178, %select_n3A : i32
      %convert_element_type3A_179 = arith.extui %lt3A : i1 to i32
      %cond3A_180 = arith.constant 0 : i32
      %cond3A_181 = arith.cmpi ne, %convert_element_type3A_179, %cond3A_180 : i32
      scf.if %cond3A_181 {
        %add3A_182 = arith.constant 5 : i32
        %add3A_183 = arith.addi %while3A_147, %add3A_182 : i32
        %rem3A_184 = arith.constant 6 : i32
        %rem3A_185 = arith.remsi %add3A_183, %rem3A_184 : i32
        %dma_start3A_186 = arith.constant 0 : i32
        %dma_start3A_187 = arith.constant 0 : i32
        %dma_start3A_188 = tpu.memref_slice %arg9[%rem3A_185, %dma_start3A_186, %dma_start3A_187] : memref<6x128x64xf32, #tpu.memory_space<vmem>> -> memref<1x128x64xf32, #tpu.memory_space<vmem>>
        %dma_start3A_189 = tpu.memref_squeeze %dma_start3A_188 : memref<1x128x64xf32, #tpu.memory_space<vmem>> -> memref<128x64xf32, #tpu.memory_space<vmem>>
        %dma_start3A_190 = arith.constant 0 : i32
        %dma_start3A_191 = tpu.memref_slice %arg7[%add3A_183, %dma_start3A_190] : memref<79x128xi32, #tpu.memory_space<vmem>> -> memref<1x128xi32, #tpu.memory_space<vmem>>
        %dma_start3A_192 = tpu.memref_squeeze %dma_start3A_191 : memref<1x128xi32, #tpu.memory_space<vmem>> -> memref<128xi32, #tpu.memory_space<vmem>>
        %dma_start3A_193 = arith.constant 0 : i32
        %dma_start3A_194 = arith.constant 0 : i32
        %dma_start3A_195 = tpu.memref_slice %arg2[%dma_start3A_193, %dma_start3A_194] : memref<10000x64xf32, #tpu.memory_space<hbm>> -> memref<10000x64xf32, #tpu.memory_space<hbm>>
        %dma_start3A_196 = tpu.memref_slice %arg12[%rem3A_185] : memref<6x!tpu.dma_semaphore, #tpu.memory_space<semaphore_mem>> -> memref<1x!tpu.dma_semaphore, #tpu.memory_space<semaphore_mem>>
        %dma_start3A_197 = tpu.memref_squeeze %dma_start3A_196 : memref<1x!tpu.dma_semaphore, #tpu.memory_space<semaphore_mem>> -> memref<!tpu.dma_semaphore, #tpu.memory_space<semaphore_mem>>
        tpu.enqueue_indirect_dma source(%dma_start3A_195 : memref<10000x64xf32, #tpu.memory_space<hbm>>) target(%dma_start3A_189 : memref<128x64xf32, #tpu.memory_space<vmem>>) offsets(%dma_start3A_192 : memref<128xi32, #tpu.memory_space<vmem>>) semaphore(%dma_start3A_197 : memref<!tpu.dma_semaphore, #tpu.memory_space<semaphore_mem>>)
      } else {
      }
    }
    %while3A_115 = arith.constant 1 : i32
    scf.for %while3A_147 = %while3A_113 to %while3A_109 step %while3A_115  : i32 {
      %rem3A_148 = arith.constant 6 : i32
      %rem3A_149 = arith.remsi %while3A_147, %rem3A_148 : i32
      %dma_wait3A = arith.constant 0 : i32
      %dma_wait3A_150 = arith.constant 0 : i32
      %dma_wait3A_151 = tpu.memref_slice %arg9[%rem3A_149, %dma_wait3A, %dma_wait3A_150] : memref<6x128x64xf32, #tpu.memory_space<vmem>> -> memref<1x128x64xf32, #tpu.memory_space<vmem>>
      %dma_wait3A_152 = tpu.memref_squeeze %dma_wait3A_151 : memref<1x128x64xf32, #tpu.memory_space<vmem>> -> memref<128x64xf32, #tpu.memory_space<vmem>>
      %dma_wait3A_153 = arith.constant 0 : i32
      %dma_wait3A_154 = tpu.memref_slice %arg7[%while3A_147, %dma_wait3A_153] : memref<79x128xi32, #tpu.memory_space<vmem>> -> memref<1x128xi32, #tpu.memory_space<vmem>>
      %dma_wait3A_155 = tpu.memref_squeeze %dma_wait3A_154 : memref<1x128xi32, #tpu.memory_space<vmem>> -> memref<128xi32, #tpu.memory_space<vmem>>
      %dma_wait3A_156 = arith.constant 0 : i32
      %dma_wait3A_157 = arith.constant 0 : i32
      %dma_wait3A_158 = tpu.memref_slice %arg2[%dma_wait3A_156, %dma_wait3A_157] : memref<10000x64xf32, #tpu.memory_space<hbm>> -> memref<10000x64xf32, #tpu.memory_space<hbm>>
      %dma_wait3A_159 = tpu.memref_slice %arg12[%rem3A_149] : memref<6x!tpu.dma_semaphore, #tpu.memory_space<semaphore_mem>> -> memref<1x!tpu.dma_semaphore, #tpu.memory_space<semaphore_mem>>
      %dma_wait3A_160 = tpu.memref_squeeze %dma_wait3A_159 : memref<1x!tpu.dma_semaphore, #tpu.memory_space<semaphore_mem>> -> memref<!tpu.dma_semaphore, #tpu.memory_space<semaphore_mem>>
      tpu.wait_indirect_dma semaphore(%dma_wait3A_160 : memref<!tpu.dma_semaphore, #tpu.memory_space<semaphore_mem>>) src(%dma_wait3A_158 : memref<10000x64xf32, #tpu.memory_space<hbm>>) dst(%dma_wait3A_152 : memref<128x64xf32, #tpu.memory_space<vmem>>)
      %rem3A_161 = arith.constant 6 : i32
      %rem3A_162 = arith.remsi %while3A_147, %rem3A_161 : i32
      %dma_start3A_163 = arith.constant 0 : i32
      %dma_start3A_164 = arith.constant 0 : i32
      %dma_start3A_165 = tpu.memref_slice %arg9[%rem3A_162, %dma_start3A_163, %dma_start3A_164] : memref<6x128x64xf32, #tpu.memory_space<vmem>> -> memref<1x128x64xf32, #tpu.memory_space<vmem>>
      %dma_start3A_166 = tpu.memref_squeeze %dma_start3A_165 : memref<1x128x64xf32, #tpu.memory_space<vmem>> -> memref<128x64xf32, #tpu.memory_space<vmem>>
      %dma_start3A_167 = arith.constant 0 : i32
      %dma_start3A_168 = tpu.memref_slice %arg8[%while3A_147, %dma_start3A_167] : memref<79x128xi32, #tpu.memory_space<vmem>> -> memref<1x128xi32, #tpu.memory_space<vmem>>
      %dma_start3A_169 = tpu.memref_squeeze %dma_start3A_168 : memref<1x128xi32, #tpu.memory_space<vmem>> -> memref<128xi32, #tpu.memory_space<vmem>>
      %dma_start3A_170 = arith.constant 0 : i32
      %dma_start3A_171 = arith.constant 0 : i32
      %dma_start3A_172 = tpu.memref_slice %arg11[%dma_start3A_170, %dma_start3A_171] : memref<10240x64xf32, #tpu.memory_space<vmem_shared>> -> memref<10240x64xf32, #tpu.memory_space<vmem_shared>>
      %dma_start3A_173 = tpu.memref_slice %arg13[%rem3A_162] : memref<6x!tpu.dma_semaphore, #tpu.memory_space<semaphore_mem>> -> memref<1x!tpu.dma_semaphore, #tpu.memory_space<semaphore_mem>>
      %dma_start3A_174 = tpu.memref_squeeze %dma_start3A_173 : memref<1x!tpu.dma_semaphore, #tpu.memory_space<semaphore_mem>> -> memref<!tpu.dma_semaphore, #tpu.memory_space<semaphore_mem>>
      tpu.enqueue_indirect_dma source(%dma_start3A_166 : memref<128x64xf32, #tpu.memory_space<vmem>>) target(%dma_start3A_172 : memref<10240x64xf32, #tpu.memory_space<vmem_shared>>) offsets(%dma_start3A_169 : memref<128xi32, #tpu.memory_space<vmem>>) semaphore(%dma_start3A_174 : memref<!tpu.dma_semaphore, #tpu.memory_space<semaphore_mem>>) {add = true}
      %ge3A = arith.constant 1 : i32
      %ge3A_175 = arith.cmpi sge, %while3A_147, %ge3A : i32
      %convert_element_type3A = arith.extui %ge3A_175 : i1 to i32
      %cond3A = arith.constant 0 : i32
      %cond3A_176 = arith.cmpi ne, %convert_element_type3A, %cond3A : i32
      scf.if %cond3A_176 {
        %sub3A_182 = arith.constant 1 : i32
        %sub3A_183 = arith.subi %while3A_147, %sub3A_182 : i32
        %rem3A_184 = arith.constant 6 : i32
        %rem3A_185 = arith.remsi %sub3A_183, %rem3A_184 : i32
        %dma_wait3A_186 = arith.constant 0 : i32
        %dma_wait3A_187 = arith.constant 0 : i32
        %dma_wait3A_188 = tpu.memref_slice %arg9[%rem3A_185, %dma_wait3A_186, %dma_wait3A_187] : memref<6x128x64xf32, #tpu.memory_space<vmem>> -> memref<1x128x64xf32, #tpu.memory_space<vmem>>
        %dma_wait3A_189 = tpu.memref_squeeze %dma_wait3A_188 : memref<1x128x64xf32, #tpu.memory_space<vmem>> -> memref<128x64xf32, #tpu.memory_space<vmem>>
        %dma_wait3A_190 = arith.constant 0 : i32
        %dma_wait3A_191 = tpu.memref_slice %arg8[%sub3A_183, %dma_wait3A_190] : memref<79x128xi32, #tpu.memory_space<vmem>> -> memref<1x128xi32, #tpu.memory_space<vmem>>
        %dma_wait3A_192 = tpu.memref_squeeze %dma_wait3A_191 : memref<1x128xi32, #tpu.memory_space<vmem>> -> memref<128xi32, #tpu.memory_space<vmem>>
        %dma_wait3A_193 = arith.constant 0 : i32
        %dma_wait3A_194 = arith.constant 0 : i32
        %dma_wait3A_195 = tpu.memref_slice %arg11[%dma_wait3A_193, %dma_wait3A_194] : memref<10240x64xf32, #tpu.memory_space<vmem_shared>> -> memref<10240x64xf32, #tpu.memory_space<vmem_shared>>
        %dma_wait3A_196 = tpu.memref_slice %arg13[%rem3A_185] : memref<6x!tpu.dma_semaphore, #tpu.memory_space<semaphore_mem>> -> memref<1x!tpu.dma_semaphore, #tpu.memory_space<semaphore_mem>>
        %dma_wait3A_197 = tpu.memref_squeeze %dma_wait3A_196 : memref<1x!tpu.dma_semaphore, #tpu.memory_space<semaphore_mem>> -> memref<!tpu.dma_semaphore, #tpu.memory_space<semaphore_mem>>
        tpu.wait_indirect_dma semaphore(%dma_wait3A_197 : memref<!tpu.dma_semaphore, #tpu.memory_space<semaphore_mem>>) src(%dma_wait3A_189 : memref<128x64xf32, #tpu.memory_space<vmem>>) dst(%dma_wait3A_195 : memref<10240x64xf32, #tpu.memory_space<vmem_shared>>)
      } else {
      }
      %add3A_177 = arith.constant 5 : i32
      %add3A_178 = arith.addi %while3A_147, %add3A_177 : i32
      %lt3A = arith.cmpi slt, %add3A_178, %select_n3A : i32
      %convert_element_type3A_179 = arith.extui %lt3A : i1 to i32
      %cond3A_180 = arith.constant 0 : i32
      %cond3A_181 = arith.cmpi ne, %convert_element_type3A_179, %cond3A_180 : i32
      scf.if %cond3A_181 {
        %add3A_182 = arith.constant 5 : i32
        %add3A_183 = arith.addi %while3A_147, %add3A_182 : i32
        %rem3A_184 = arith.constant 6 : i32
        %rem3A_185 = arith.remsi %add3A_183, %rem3A_184 : i32
        %dma_start3A_186 = arith.constant 0 : i32
        %dma_start3A_187 = arith.constant 0 : i32
        %dma_start3A_188 = tpu.memref_slice %arg9[%rem3A_185, %dma_start3A_186, %dma_start3A_187] : memref<6x128x64xf32, #tpu.memory_space<vmem>> -> memref<1x128x64xf32, #tpu.memory_space<vmem>>
        %dma_start3A_189 = tpu.memref_squeeze %dma_start3A_188 : memref<1x128x64xf32, #tpu.memory_space<vmem>> -> memref<128x64xf32, #tpu.memory_space<vmem>>
        %dma_start3A_190 = arith.constant 0 : i32
        %dma_start3A_191 = tpu.memref_slice %arg7[%add3A_183, %dma_start3A_190] : memref<79x128xi32, #tpu.memory_space<vmem>> -> memref<1x128xi32, #tpu.memory_space<vmem>>
        %dma_start3A_192 = tpu.memref_squeeze %dma_start3A_191 : memref<1x128xi32, #tpu.memory_space<vmem>> -> memref<128xi32, #tpu.memory_space<vmem>>
        %dma_start3A_193 = arith.constant 0 : i32
        %dma_start3A_194 = arith.constant 0 : i32
        %dma_start3A_195 = tpu.memref_slice %arg2[%dma_start3A_193, %dma_start3A_194] : memref<10000x64xf32, #tpu.memory_space<hbm>> -> memref<10000x64xf32, #tpu.memory_space<hbm>>
        %dma_start3A_196 = tpu.memref_slice %arg12[%rem3A_185] : memref<6x!tpu.dma_semaphore, #tpu.memory_space<semaphore_mem>> -> memref<1x!tpu.dma_semaphore, #tpu.memory_space<semaphore_mem>>
        %dma_start3A_197 = tpu.memref_squeeze %dma_start3A_196 : memref<1x!tpu.dma_semaphore, #tpu.memory_space<semaphore_mem>> -> memref<!tpu.dma_semaphore, #tpu.memory_space<semaphore_mem>>
        tpu.enqueue_indirect_dma source(%dma_start3A_195 : memref<10000x64xf32, #tpu.memory_space<hbm>>) target(%dma_start3A_189 : memref<128x64xf32, #tpu.memory_space<vmem>>) offsets(%dma_start3A_192 : memref<128xi32, #tpu.memory_space<vmem>>) semaphore(%dma_start3A_197 : memref<!tpu.dma_semaphore, #tpu.memory_space<semaphore_mem>>)
      } else {
      }
    }
    %sub3A = arith.constant 1 : i32
    %sub3A_116 = arith.subi %select_n3A, %sub3A : i32
    %while3A_117 = arith.constant 0 : i32
    %while3A_118 = arith.subi %select_n3A, %sub3A_116 : i32
    %while3A_119 = arith.addi %sub3A_116, %while3A_118 : i32
    %while3A_120 = arith.constant 1 : i32
    %while3A_121 = arith.divsi %while3A_118, %while3A_120 : i32
    %while3A_122 = arith.muli %while3A_121, %while3A_120 : i32
    %while3A_123 = arith.addi %sub3A_116, %while3A_122 : i32
    %while3A_124 = arith.constant 1 : i32
    scf.for %while3A_147 = %sub3A_116 to %while3A_123 step %while3A_124  : i32 {
      %rem3A_148 = arith.constant 6 : i32
      %rem3A_149 = arith.remsi %while3A_147, %rem3A_148 : i32
      %dma_wait3A = arith.constant 0 : i32
      %dma_wait3A_150 = arith.constant 0 : i32
      %dma_wait3A_151 = tpu.memref_slice %arg9[%rem3A_149, %dma_wait3A, %dma_wait3A_150] : memref<6x128x64xf32, #tpu.memory_space<vmem>> -> memref<1x128x64xf32, #tpu.memory_space<vmem>>
      %dma_wait3A_152 = tpu.memref_squeeze %dma_wait3A_151 : memref<1x128x64xf32, #tpu.memory_space<vmem>> -> memref<128x64xf32, #tpu.memory_space<vmem>>
      %dma_wait3A_153 = arith.constant 0 : i32
      %dma_wait3A_154 = tpu.memref_slice %arg8[%while3A_147, %dma_wait3A_153] : memref<79x128xi32, #tpu.memory_space<vmem>> -> memref<1x128xi32, #tpu.memory_space<vmem>>
      %dma_wait3A_155 = tpu.memref_squeeze %dma_wait3A_154 : memref<1x128xi32, #tpu.memory_space<vmem>> -> memref<128xi32, #tpu.memory_space<vmem>>
      %dma_wait3A_156 = arith.constant 0 : i32
      %dma_wait3A_157 = arith.constant 0 : i32
      %dma_wait3A_158 = tpu.memref_slice %arg11[%dma_wait3A_156, %dma_wait3A_157] : memref<10240x64xf32, #tpu.memory_space<vmem_shared>> -> memref<10240x64xf32, #tpu.memory_space<vmem_shared>>
      %dma_wait3A_159 = tpu.memref_slice %arg13[%rem3A_149] : memref<6x!tpu.dma_semaphore, #tpu.memory_space<semaphore_mem>> -> memref<1x!tpu.dma_semaphore, #tpu.memory_space<semaphore_mem>>
      %dma_wait3A_160 = tpu.memref_squeeze %dma_wait3A_159 : memref<1x!tpu.dma_semaphore, #tpu.memory_space<semaphore_mem>> -> memref<!tpu.dma_semaphore, #tpu.memory_space<semaphore_mem>>
      tpu.wait_indirect_dma semaphore(%dma_wait3A_160 : memref<!tpu.dma_semaphore, #tpu.memory_space<semaphore_mem>>) src(%dma_wait3A_152 : memref<128x64xf32, #tpu.memory_space<vmem>>) dst(%dma_wait3A_158 : memref<10240x64xf32, #tpu.memory_space<vmem_shared>>)
    }
    %while3A_125 = arith.constant 1 : i32
    scf.for %while3A_147 = %while3A_123 to %while3A_119 step %while3A_125  : i32 {
      %rem3A_148 = arith.constant 6 : i32
      %rem3A_149 = arith.remsi %while3A_147, %rem3A_148 : i32
      %dma_wait3A = arith.constant 0 : i32
      %dma_wait3A_150 = arith.constant 0 : i32
      %dma_wait3A_151 = tpu.memref_slice %arg9[%rem3A_149, %dma_wait3A, %dma_wait3A_150] : memref<6x128x64xf32, #tpu.memory_space<vmem>> -> memref<1x128x64xf32, #tpu.memory_space<vmem>>
      %dma_wait3A_152 = tpu.memref_squeeze %dma_wait3A_151 : memref<1x128x64xf32, #tpu.memory_space<vmem>> -> memref<128x64xf32, #tpu.memory_space<vmem>>
      %dma_wait3A_153 = arith.constant 0 : i32
      %dma_wait3A_154 = tpu.memref_slice %arg8[%while3A_147, %dma_wait3A_153] : memref<79x128xi32, #tpu.memory_space<vmem>> -> memref<1x128xi32, #tpu.memory_space<vmem>>
      %dma_wait3A_155 = tpu.memref_squeeze %dma_wait3A_154 : memref<1x128xi32, #tpu.memory_space<vmem>> -> memref<128xi32, #tpu.memory_space<vmem>>
      %dma_wait3A_156 = arith.constant 0 : i32
      %dma_wait3A_157 = arith.constant 0 : i32
      %dma_wait3A_158 = tpu.memref_slice %arg11[%dma_wait3A_156, %dma_wait3A_157] : memref<10240x64xf32, #tpu.memory_space<vmem_shared>> -> memref<10240x64xf32, #tpu.memory_space<vmem_shared>>
      %dma_wait3A_159 = tpu.memref_slice %arg13[%rem3A_149] : memref<6x!tpu.dma_semaphore, #tpu.memory_space<semaphore_mem>> -> memref<1x!tpu.dma_semaphore, #tpu.memory_space<semaphore_mem>>
      %dma_wait3A_160 = tpu.memref_squeeze %dma_wait3A_159 : memref<1x!tpu.dma_semaphore, #tpu.memory_space<semaphore_mem>> -> memref<!tpu.dma_semaphore, #tpu.memory_space<semaphore_mem>>
      tpu.wait_indirect_dma semaphore(%dma_wait3A_160 : memref<!tpu.dma_semaphore, #tpu.memory_space<semaphore_mem>>) src(%dma_wait3A_152 : memref<128x64xf32, #tpu.memory_space<vmem>>) dst(%dma_wait3A_158 : memref<10240x64xf32, #tpu.memory_space<vmem_shared>>)
    }
    %barrier3A_126 = arith.constant 0 : index
    tpu.barrier barrier_id(%barrier3A_126)
    %mul3A_127 = arith.constant 640 : i32
    %mul3A_128 = arith.muli %arg1, %mul3A_127 : i32
    %add3A_129 = arith.constant 0 : i32
    %add3A_130 = arith.addi %mul3A_128, %add3A_129 : i32
    "tpu.region"() ({
      %run_scoped3A = tpu.sem_alloc : memref<!tpu.dma_semaphore, #tpu.memory_space<semaphore_mem>>
      %dma_start3A_147 = arith.constant 0 : i32
      %dma_start3A_148 = tpu.memref_slice %arg11[%add3A_130, %dma_start3A_147] : memref<10240x64xf32, #tpu.memory_space<vmem_shared>> -> memref<128x64xf32, #tpu.memory_space<vmem_shared>>
      %dma_start3A_149 = arith.constant 0 : i32
      %dma_start3A_150 = tpu.memref_slice %arg11[%add3A_130, %dma_start3A_149] : memref<10240x64xf32, #tpu.memory_space<vmem_shared>> -> memref<128x64xf32, #tpu.memory_space<vmem_shared>>
      tpu.enqueue_dma source(%dma_start3A_150 : memref<128x64xf32, #tpu.memory_space<vmem_shared>>) target(%arg10 : memref<128x64xf32, #tpu.memory_space<vmem>>) target_semaphore(%run_scoped3A : memref<!tpu.dma_semaphore, #tpu.memory_space<semaphore_mem>>)
      %dma_wait3A = arith.constant 0 : i32
      %dma_wait3A_151 = tpu.memref_slice %arg11[%add3A_130, %dma_wait3A] : memref<10240x64xf32, #tpu.memory_space<vmem_shared>> -> memref<128x64xf32, #tpu.memory_space<vmem_shared>>
      %dma_wait3A_152 = arith.constant 0 : i32
      %dma_wait3A_153 = tpu.memref_slice %arg11[%add3A_130, %dma_wait3A_152] : memref<10240x64xf32, #tpu.memory_space<vmem_shared>> -> memref<128x64xf32, #tpu.memory_space<vmem_shared>>
      tpu.wait_dma2 semaphore(%run_scoped3A : memref<!tpu.dma_semaphore, #tpu.memory_space<semaphore_mem>>) src(%dma_wait3A_153 : memref<128x64xf32, #tpu.memory_space<vmem_shared>>) dst(%arg10 : memref<128x64xf32, #tpu.memory_space<vmem>>)
      tpu.yield
    }) : () -> ()
    "tpu.region"() ({
      %run_scoped3A = tpu.sem_alloc : memref<!tpu.dma_semaphore, #tpu.memory_space<semaphore_mem>>
      %dma_start3A_147 = arith.constant 0 : i32
      %dma_start3A_148 = arith.constant 0 : i32
      %dma_start3A_149 = tpu.memref_slice %arg6[%arg0, %dma_start3A_147, %dma_start3A_148] : memref<2x10240x64xf32, #tpu.memory_space<hbm>> -> memref<1x10240x64xf32, #tpu.memory_space<hbm>>
      %dma_start3A_150 = tpu.memref_squeeze %dma_start3A_149 : memref<1x10240x64xf32, #tpu.memory_space<hbm>> -> memref<10240x64xf32, #tpu.memory_space<hbm>>
      %dma_start3A_151 = arith.constant 0 : i32
      %dma_start3A_152 = tpu.memref_slice %dma_start3A_150[%add3A_130, %dma_start3A_151] : memref<10240x64xf32, #tpu.memory_space<hbm>> -> memref<128x64xf32, #tpu.memory_space<hbm>>
      %dma_start3A_153 = arith.constant 0 : i32
      %dma_start3A_154 = arith.constant 0 : i32
      %dma_start3A_155 = tpu.memref_slice %arg6[%arg0, %dma_start3A_153, %dma_start3A_154] : memref<2x10240x64xf32, #tpu.memory_space<hbm>> -> memref<1x10240x64xf32, #tpu.memory_space<hbm>>
      %dma_start3A_156 = tpu.memref_squeeze %dma_start3A_155 : memref<1x10240x64xf32, #tpu.memory_space<hbm>> -> memref<10240x64xf32, #tpu.memory_space<hbm>>
      %dma_start3A_157 = arith.constant 0 : i32
      %dma_start3A_158 = tpu.memref_slice %dma_start3A_156[%add3A_130, %dma_start3A_157] : memref<10240x64xf32, #tpu.memory_space<hbm>> -> memref<128x64xf32, #tpu.memory_space<hbm>>
      tpu.enqueue_dma source(%arg10 : memref<128x64xf32, #tpu.memory_space<vmem>>) target(%dma_start3A_158 : memref<128x64xf32, #tpu.memory_space<hbm>>) target_semaphore(%run_scoped3A : memref<!tpu.dma_semaphore, #tpu.memory_space<semaphore_mem>>)
      %dma_wait3A = arith.constant 0 : i32
      %dma_wait3A_159 = arith.constant 0 : i32
      %dma_wait3A_160 = tpu.memref_slice %arg6[%arg0, %dma_wait3A, %dma_wait3A_159] : memref<2x10240x64xf32, #tpu.memory_space<hbm>> -> memref<1x10240x64xf32, #tpu.memory_space<hbm>>
      %dma_wait3A_161 = tpu.memref_squeeze %dma_wait3A_160 : memref<1x10240x64xf32, #tpu.memory_space<hbm>> -> memref<10240x64xf32, #tpu.memory_space<hbm>>
      %dma_wait3A_162 = arith.constant 0 : i32
      %dma_wait3A_163 = tpu.memref_slice %dma_wait3A_161[%add3A_130, %dma_wait3A_162] : memref<10240x64xf32, #tpu.memory_space<hbm>> -> memref<128x64xf32, #tpu.memory_space<hbm>>
      %dma_wait3A_164 = arith.constant 0 : i32
      %dma_wait3A_165 = arith.constant 0 : i32
      %dma_wait3A_166 = tpu.memref_slice %arg6[%arg0, %dma_wait3A_164, %dma_wait3A_165] : memref<2x10240x64xf32, #tpu.memory_space<hbm>> -> memref<1x10240x64xf32, #tpu.memory_space<hbm>>
      %dma_wait3A_167 = tpu.memref_squeeze %dma_wait3A_166 : memref<1x10240x64xf32, #tpu.memory_space<hbm>> -> memref<10240x64xf32, #tpu.memory_space<hbm>>
      %dma_wait3A_168 = arith.constant 0 : i32
      %dma_wait3A_169 = tpu.memref_slice %dma_wait3A_167[%add3A_130, %dma_wait3A_168] : memref<10240x64xf32, #tpu.memory_space<hbm>> -> memref<128x64xf32, #tpu.memory_space<hbm>>
      tpu.wait_dma2 semaphore(%run_scoped3A : memref<!tpu.dma_semaphore, #tpu.memory_space<semaphore_mem>>) src(%arg10 : memref<128x64xf32, #tpu.memory_space<vmem>>) dst(%dma_wait3A_169 : memref<128x64xf32, #tpu.memory_space<hbm>>)
      tpu.yield
    }) : () -> ()
    %mul3A_131 = arith.constant 640 : i32
    %mul3A_132 = arith.muli %arg1, %mul3A_131 : i32
    %add3A_133 = arith.constant 128 : i32
    %add3A_134 = arith.addi %mul3A_132, %add3A_133 : i32
    "tpu.region"() ({
      %run_scoped3A = tpu.sem_alloc : memref<!tpu.dma_semaphore, #tpu.memory_space<semaphore_mem>>
      %dma_start3A_147 = arith.constant 0 : i32
      %dma_start3A_148 = tpu.memref_slice %arg11[%add3A_134, %dma_start3A_147] : memref<10240x64xf32, #tpu.memory_space<vmem_shared>> -> memref<128x64xf32, #tpu.memory_space<vmem_shared>>
      %dma_start3A_149 = arith.constant 0 : i32
      %dma_start3A_150 = tpu.memref_slice %arg11[%add3A_134, %dma_start3A_149] : memref<10240x64xf32, #tpu.memory_space<vmem_shared>> -> memref<128x64xf32, #tpu.memory_space<vmem_shared>>
      tpu.enqueue_dma source(%dma_start3A_150 : memref<128x64xf32, #tpu.memory_space<vmem_shared>>) target(%arg10 : memref<128x64xf32, #tpu.memory_space<vmem>>) target_semaphore(%run_scoped3A : memref<!tpu.dma_semaphore, #tpu.memory_space<semaphore_mem>>)
      %dma_wait3A = arith.constant 0 : i32
      %dma_wait3A_151 = tpu.memref_slice %arg11[%add3A_134, %dma_wait3A] : memref<10240x64xf32, #tpu.memory_space<vmem_shared>> -> memref<128x64xf32, #tpu.memory_space<vmem_shared>>
      %dma_wait3A_152 = arith.constant 0 : i32
      %dma_wait3A_153 = tpu.memref_slice %arg11[%add3A_134, %dma_wait3A_152] : memref<10240x64xf32, #tpu.memory_space<vmem_shared>> -> memref<128x64xf32, #tpu.memory_space<vmem_shared>>
      tpu.wait_dma2 semaphore(%run_scoped3A : memref<!tpu.dma_semaphore, #tpu.memory_space<semaphore_mem>>) src(%dma_wait3A_153 : memref<128x64xf32, #tpu.memory_space<vmem_shared>>) dst(%arg10 : memref<128x64xf32, #tpu.memory_space<vmem>>)
      tpu.yield
    }) : () -> ()
    "tpu.region"() ({
      %run_scoped3A = tpu.sem_alloc : memref<!tpu.dma_semaphore, #tpu.memory_space<semaphore_mem>>
      %dma_start3A_147 = arith.constant 0 : i32
      %dma_start3A_148 = arith.constant 0 : i32
      %dma_start3A_149 = tpu.memref_slice %arg6[%arg0, %dma_start3A_147, %dma_start3A_148] : memref<2x10240x64xf32, #tpu.memory_space<hbm>> -> memref<1x10240x64xf32, #tpu.memory_space<hbm>>
      %dma_start3A_150 = tpu.memref_squeeze %dma_start3A_149 : memref<1x10240x64xf32, #tpu.memory_space<hbm>> -> memref<10240x64xf32, #tpu.memory_space<hbm>>
      %dma_start3A_151 = arith.constant 0 : i32
      %dma_start3A_152 = tpu.memref_slice %dma_start3A_150[%add3A_134, %dma_start3A_151] : memref<10240x64xf32, #tpu.memory_space<hbm>> -> memref<128x64xf32, #tpu.memory_space<hbm>>
      %dma_start3A_153 = arith.constant 0 : i32
      %dma_start3A_154 = arith.constant 0 : i32
      %dma_start3A_155 = tpu.memref_slice %arg6[%arg0, %dma_start3A_153, %dma_start3A_154] : memref<2x10240x64xf32, #tpu.memory_space<hbm>> -> memref<1x10240x64xf32, #tpu.memory_space<hbm>>
      %dma_start3A_156 = tpu.memref_squeeze %dma_start3A_155 : memref<1x10240x64xf32, #tpu.memory_space<hbm>> -> memref<10240x64xf32, #tpu.memory_space<hbm>>
      %dma_start3A_157 = arith.constant 0 : i32
      %dma_start3A_158 = tpu.memref_slice %dma_start3A_156[%add3A_134, %dma_start3A_157] : memref<10240x64xf32, #tpu.memory_space<hbm>> -> memref<128x64xf32, #tpu.memory_space<hbm>>
      tpu.enqueue_dma source(%arg10 : memref<128x64xf32, #tpu.memory_space<vmem>>) target(%dma_start3A_158 : memref<128x64xf32, #tpu.memory_space<hbm>>) target_semaphore(%run_scoped3A : memref<!tpu.dma_semaphore, #tpu.memory_space<semaphore_mem>>)
      %dma_wait3A = arith.constant 0 : i32
      %dma_wait3A_159 = arith.constant 0 : i32
      %dma_wait3A_160 = tpu.memref_slice %arg6[%arg0, %dma_wait3A, %dma_wait3A_159] : memref<2x10240x64xf32, #tpu.memory_space<hbm>> -> memref<1x10240x64xf32, #tpu.memory_space<hbm>>
      %dma_wait3A_161 = tpu.memref_squeeze %dma_wait3A_160 : memref<1x10240x64xf32, #tpu.memory_space<hbm>> -> memref<10240x64xf32, #tpu.memory_space<hbm>>
      %dma_wait3A_162 = arith.constant 0 : i32
      %dma_wait3A_163 = tpu.memref_slice %dma_wait3A_161[%add3A_134, %dma_wait3A_162] : memref<10240x64xf32, #tpu.memory_space<hbm>> -> memref<128x64xf32, #tpu.memory_space<hbm>>
      %dma_wait3A_164 = arith.constant 0 : i32
      %dma_wait3A_165 = arith.constant 0 : i32
      %dma_wait3A_166 = tpu.memref_slice %arg6[%arg0, %dma_wait3A_164, %dma_wait3A_165] : memref<2x10240x64xf32, #tpu.memory_space<hbm>> -> memref<1x10240x64xf32, #tpu.memory_space<hbm>>
      %dma_wait3A_167 = tpu.memref_squeeze %dma_wait3A_166 : memref<1x10240x64xf32, #tpu.memory_space<hbm>> -> memref<10240x64xf32, #tpu.memory_space<hbm>>
      %dma_wait3A_168 = arith.constant 0 : i32
      %dma_wait3A_169 = tpu.memref_slice %dma_wait3A_167[%add3A_134, %dma_wait3A_168] : memref<10240x64xf32, #tpu.memory_space<hbm>> -> memref<128x64xf32, #tpu.memory_space<hbm>>
      tpu.wait_dma2 semaphore(%run_scoped3A : memref<!tpu.dma_semaphore, #tpu.memory_space<semaphore_mem>>) src(%arg10 : memref<128x64xf32, #tpu.memory_space<vmem>>) dst(%dma_wait3A_169 : memref<128x64xf32, #tpu.memory_space<hbm>>)
      tpu.yield
    }) : () -> ()
    %mul3A_135 = arith.constant 640 : i32
    %mul3A_136 = arith.muli %arg1, %mul3A_135 : i32
    %add3A_137 = arith.constant 256 : i32
    %add3A_138 = arith.addi %mul3A_136, %add3A_137 : i32
    "tpu.region"() ({
      %run_scoped3A = tpu.sem_alloc : memref<!tpu.dma_semaphore, #tpu.memory_space<semaphore_mem>>
      %dma_start3A_147 = arith.constant 0 : i32
      %dma_start3A_148 = tpu.memref_slice %arg11[%add3A_138, %dma_start3A_147] : memref<10240x64xf32, #tpu.memory_space<vmem_shared>> -> memref<128x64xf32, #tpu.memory_space<vmem_shared>>
      %dma_start3A_149 = arith.constant 0 : i32
      %dma_start3A_150 = tpu.memref_slice %arg11[%add3A_138, %dma_start3A_149] : memref<10240x64xf32, #tpu.memory_space<vmem_shared>> -> memref<128x64xf32, #tpu.memory_space<vmem_shared>>
      tpu.enqueue_dma source(%dma_start3A_150 : memref<128x64xf32, #tpu.memory_space<vmem_shared>>) target(%arg10 : memref<128x64xf32, #tpu.memory_space<vmem>>) target_semaphore(%run_scoped3A : memref<!tpu.dma_semaphore, #tpu.memory_space<semaphore_mem>>)
      %dma_wait3A = arith.constant 0 : i32
      %dma_wait3A_151 = tpu.memref_slice %arg11[%add3A_138, %dma_wait3A] : memref<10240x64xf32, #tpu.memory_space<vmem_shared>> -> memref<128x64xf32, #tpu.memory_space<vmem_shared>>
      %dma_wait3A_152 = arith.constant 0 : i32
      %dma_wait3A_153 = tpu.memref_slice %arg11[%add3A_138, %dma_wait3A_152] : memref<10240x64xf32, #tpu.memory_space<vmem_shared>> -> memref<128x64xf32, #tpu.memory_space<vmem_shared>>
      tpu.wait_dma2 semaphore(%run_scoped3A : memref<!tpu.dma_semaphore, #tpu.memory_space<semaphore_mem>>) src(%dma_wait3A_153 : memref<128x64xf32, #tpu.memory_space<vmem_shared>>) dst(%arg10 : memref<128x64xf32, #tpu.memory_space<vmem>>)
      tpu.yield
    }) : () -> ()
    "tpu.region"() ({
      %run_scoped3A = tpu.sem_alloc : memref<!tpu.dma_semaphore, #tpu.memory_space<semaphore_mem>>
      %dma_start3A_147 = arith.constant 0 : i32
      %dma_start3A_148 = arith.constant 0 : i32
      %dma_start3A_149 = tpu.memref_slice %arg6[%arg0, %dma_start3A_147, %dma_start3A_148] : memref<2x10240x64xf32, #tpu.memory_space<hbm>> -> memref<1x10240x64xf32, #tpu.memory_space<hbm>>
      %dma_start3A_150 = tpu.memref_squeeze %dma_start3A_149 : memref<1x10240x64xf32, #tpu.memory_space<hbm>> -> memref<10240x64xf32, #tpu.memory_space<hbm>>
      %dma_start3A_151 = arith.constant 0 : i32
      %dma_start3A_152 = tpu.memref_slice %dma_start3A_150[%add3A_138, %dma_start3A_151] : memref<10240x64xf32, #tpu.memory_space<hbm>> -> memref<128x64xf32, #tpu.memory_space<hbm>>
      %dma_start3A_153 = arith.constant 0 : i32
      %dma_start3A_154 = arith.constant 0 : i32
      %dma_start3A_155 = tpu.memref_slice %arg6[%arg0, %dma_start3A_153, %dma_start3A_154] : memref<2x10240x64xf32, #tpu.memory_space<hbm>> -> memref<1x10240x64xf32, #tpu.memory_space<hbm>>
      %dma_start3A_156 = tpu.memref_squeeze %dma_start3A_155 : memref<1x10240x64xf32, #tpu.memory_space<hbm>> -> memref<10240x64xf32, #tpu.memory_space<hbm>>
      %dma_start3A_157 = arith.constant 0 : i32
      %dma_start3A_158 = tpu.memref_slice %dma_start3A_156[%add3A_138, %dma_start3A_157] : memref<10240x64xf32, #tpu.memory_space<hbm>> -> memref<128x64xf32, #tpu.memory_space<hbm>>
      tpu.enqueue_dma source(%arg10 : memref<128x64xf32, #tpu.memory_space<vmem>>) target(%dma_start3A_158 : memref<128x64xf32, #tpu.memory_space<hbm>>) target_semaphore(%run_scoped3A : memref<!tpu.dma_semaphore, #tpu.memory_space<semaphore_mem>>)
      %dma_wait3A = arith.constant 0 : i32
      %dma_wait3A_159 = arith.constant 0 : i32
      %dma_wait3A_160 = tpu.memref_slice %arg6[%arg0, %dma_wait3A, %dma_wait3A_159] : memref<2x10240x64xf32, #tpu.memory_space<hbm>> -> memref<1x10240x64xf32, #tpu.memory_space<hbm>>
      %dma_wait3A_161 = tpu.memref_squeeze %dma_wait3A_160 : memref<1x10240x64xf32, #tpu.memory_space<hbm>> -> memref<10240x64xf32, #tpu.memory_space<hbm>>
      %dma_wait3A_162 = arith.constant 0 : i32
      %dma_wait3A_163 = tpu.memref_slice %dma_wait3A_161[%add3A_138, %dma_wait3A_162] : memref<10240x64xf32, #tpu.memory_space<hbm>> -> memref<128x64xf32, #tpu.memory_space<hbm>>
      %dma_wait3A_164 = arith.constant 0 : i32
      %dma_wait3A_165 = arith.constant 0 : i32
      %dma_wait3A_166 = tpu.memref_slice %arg6[%arg0, %dma_wait3A_164, %dma_wait3A_165] : memref<2x10240x64xf32, #tpu.memory_space<hbm>> -> memref<1x10240x64xf32, #tpu.memory_space<hbm>>
      %dma_wait3A_167 = tpu.memref_squeeze %dma_wait3A_166 : memref<1x10240x64xf32, #tpu.memory_space<hbm>> -> memref<10240x64xf32, #tpu.memory_space<hbm>>
      %dma_wait3A_168 = arith.constant 0 : i32
      %dma_wait3A_169 = tpu.memref_slice %dma_wait3A_167[%add3A_138, %dma_wait3A_168] : memref<10240x64xf32, #tpu.memory_space<hbm>> -> memref<128x64xf32, #tpu.memory_space<hbm>>
      tpu.wait_dma2 semaphore(%run_scoped3A : memref<!tpu.dma_semaphore, #tpu.memory_space<semaphore_mem>>) src(%arg10 : memref<128x64xf32, #tpu.memory_space<vmem>>) dst(%dma_wait3A_169 : memref<128x64xf32, #tpu.memory_space<hbm>>)
      tpu.yield
    }) : () -> ()
    %mul3A_139 = arith.constant 640 : i32
    %mul3A_140 = arith.muli %arg1, %mul3A_139 : i32
    %add3A_141 = arith.constant 384 : i32
    %add3A_142 = arith.addi %mul3A_140, %add3A_141 : i32
    "tpu.region"() ({
      %run_scoped3A = tpu.sem_alloc : memref<!tpu.dma_semaphore, #tpu.memory_space<semaphore_mem>>
      %dma_start3A_147 = arith.constant 0 : i32
      %dma_start3A_148 = tpu.memref_slice %arg11[%add3A_142, %dma_start3A_147] : memref<10240x64xf32, #tpu.memory_space<vmem_shared>> -> memref<128x64xf32, #tpu.memory_space<vmem_shared>>
      %dma_start3A_149 = arith.constant 0 : i32
      %dma_start3A_150 = tpu.memref_slice %arg11[%add3A_142, %dma_start3A_149] : memref<10240x64xf32, #tpu.memory_space<vmem_shared>> -> memref<128x64xf32, #tpu.memory_space<vmem_shared>>
      tpu.enqueue_dma source(%dma_start3A_150 : memref<128x64xf32, #tpu.memory_space<vmem_shared>>) target(%arg10 : memref<128x64xf32, #tpu.memory_space<vmem>>) target_semaphore(%run_scoped3A : memref<!tpu.dma_semaphore, #tpu.memory_space<semaphore_mem>>)
      %dma_wait3A = arith.constant 0 : i32
      %dma_wait3A_151 = tpu.memref_slice %arg11[%add3A_142, %dma_wait3A] : memref<10240x64xf32, #tpu.memory_space<vmem_shared>> -> memref<128x64xf32, #tpu.memory_space<vmem_shared>>
      %dma_wait3A_152 = arith.constant 0 : i32
      %dma_wait3A_153 = tpu.memref_slice %arg11[%add3A_142, %dma_wait3A_152] : memref<10240x64xf32, #tpu.memory_space<vmem_shared>> -> memref<128x64xf32, #tpu.memory_space<vmem_shared>>
      tpu.wait_dma2 semaphore(%run_scoped3A : memref<!tpu.dma_semaphore, #tpu.memory_space<semaphore_mem>>) src(%dma_wait3A_153 : memref<128x64xf32, #tpu.memory_space<vmem_shared>>) dst(%arg10 : memref<128x64xf32, #tpu.memory_space<vmem>>)
      tpu.yield
    }) : () -> ()
    "tpu.region"() ({
      %run_scoped3A = tpu.sem_alloc : memref<!tpu.dma_semaphore, #tpu.memory_space<semaphore_mem>>
      %dma_start3A_147 = arith.constant 0 : i32
      %dma_start3A_148 = arith.constant 0 : i32
      %dma_start3A_149 = tpu.memref_slice %arg6[%arg0, %dma_start3A_147, %dma_start3A_148] : memref<2x10240x64xf32, #tpu.memory_space<hbm>> -> memref<1x10240x64xf32, #tpu.memory_space<hbm>>
      %dma_start3A_150 = tpu.memref_squeeze %dma_start3A_149 : memref<1x10240x64xf32, #tpu.memory_space<hbm>> -> memref<10240x64xf32, #tpu.memory_space<hbm>>
      %dma_start3A_151 = arith.constant 0 : i32
      %dma_start3A_152 = tpu.memref_slice %dma_start3A_150[%add3A_142, %dma_start3A_151] : memref<10240x64xf32, #tpu.memory_space<hbm>> -> memref<128x64xf32, #tpu.memory_space<hbm>>
      %dma_start3A_153 = arith.constant 0 : i32
      %dma_start3A_154 = arith.constant 0 : i32
      %dma_start3A_155 = tpu.memref_slice %arg6[%arg0, %dma_start3A_153, %dma_start3A_154] : memref<2x10240x64xf32, #tpu.memory_space<hbm>> -> memref<1x10240x64xf32, #tpu.memory_space<hbm>>
      %dma_start3A_156 = tpu.memref_squeeze %dma_start3A_155 : memref<1x10240x64xf32, #tpu.memory_space<hbm>> -> memref<10240x64xf32, #tpu.memory_space<hbm>>
      %dma_start3A_157 = arith.constant 0 : i32
      %dma_start3A_158 = tpu.memref_slice %dma_start3A_156[%add3A_142, %dma_start3A_157] : memref<10240x64xf32, #tpu.memory_space<hbm>> -> memref<128x64xf32, #tpu.memory_space<hbm>>
      tpu.enqueue_dma source(%arg10 : memref<128x64xf32, #tpu.memory_space<vmem>>) target(%dma_start3A_158 : memref<128x64xf32, #tpu.memory_space<hbm>>) target_semaphore(%run_scoped3A : memref<!tpu.dma_semaphore, #tpu.memory_space<semaphore_mem>>)
      %dma_wait3A = arith.constant 0 : i32
      %dma_wait3A_159 = arith.constant 0 : i32
      %dma_wait3A_160 = tpu.memref_slice %arg6[%arg0, %dma_wait3A, %dma_wait3A_159] : memref<2x10240x64xf32, #tpu.memory_space<hbm>> -> memref<1x10240x64xf32, #tpu.memory_space<hbm>>
      %dma_wait3A_161 = tpu.memref_squeeze %dma_wait3A_160 : memref<1x10240x64xf32, #tpu.memory_space<hbm>> -> memref<10240x64xf32, #tpu.memory_space<hbm>>
      %dma_wait3A_162 = arith.constant 0 : i32
      %dma_wait3A_163 = tpu.memref_slice %dma_wait3A_161[%add3A_142, %dma_wait3A_162] : memref<10240x64xf32, #tpu.memory_space<hbm>> -> memref<128x64xf32, #tpu.memory_space<hbm>>
      %dma_wait3A_164 = arith.constant 0 : i32
      %dma_wait3A_165 = arith.constant 0 : i32
      %dma_wait3A_166 = tpu.memref_slice %arg6[%arg0, %dma_wait3A_164, %dma_wait3A_165] : memref<2x10240x64xf32, #tpu.memory_space<hbm>> -> memref<1x10240x64xf32, #tpu.memory_space<hbm>>
      %dma_wait3A_167 = tpu.memref_squeeze %dma_wait3A_166 : memref<1x10240x64xf32, #tpu.memory_space<hbm>> -> memref<10240x64xf32, #tpu.memory_space<hbm>>
      %dma_wait3A_168 = arith.constant 0 : i32
      %dma_wait3A_169 = tpu.memref_slice %dma_wait3A_167[%add3A_142, %dma_wait3A_168] : memref<10240x64xf32, #tpu.memory_space<hbm>> -> memref<128x64xf32, #tpu.memory_space<hbm>>
      tpu.wait_dma2 semaphore(%run_scoped3A : memref<!tpu.dma_semaphore, #tpu.memory_space<semaphore_mem>>) src(%arg10 : memref<128x64xf32, #tpu.memory_space<vmem>>) dst(%dma_wait3A_169 : memref<128x64xf32, #tpu.memory_space<hbm>>)
      tpu.yield
    }) : () -> ()
    %mul3A_143 = arith.constant 640 : i32
    %mul3A_144 = arith.muli %arg1, %mul3A_143 : i32
    %add3A_145 = arith.constant 512 : i32
    %add3A_146 = arith.addi %mul3A_144, %add3A_145 : i32
    "tpu.region"() ({
      %run_scoped3A = tpu.sem_alloc : memref<!tpu.dma_semaphore, #tpu.memory_space<semaphore_mem>>
      %dma_start3A_147 = arith.constant 0 : i32
      %dma_start3A_148 = tpu.memref_slice %arg11[%add3A_146, %dma_start3A_147] : memref<10240x64xf32, #tpu.memory_space<vmem_shared>> -> memref<128x64xf32, #tpu.memory_space<vmem_shared>>
      %dma_start3A_149 = arith.constant 0 : i32
      %dma_start3A_150 = tpu.memref_slice %arg11[%add3A_146, %dma_start3A_149] : memref<10240x64xf32, #tpu.memory_space<vmem_shared>> -> memref<128x64xf32, #tpu.memory_space<vmem_shared>>
      tpu.enqueue_dma source(%dma_start3A_150 : memref<128x64xf32, #tpu.memory_space<vmem_shared>>) target(%arg10 : memref<128x64xf32, #tpu.memory_space<vmem>>) target_semaphore(%run_scoped3A : memref<!tpu.dma_semaphore, #tpu.memory_space<semaphore_mem>>)
      %dma_wait3A = arith.constant 0 : i32
      %dma_wait3A_151 = tpu.memref_slice %arg11[%add3A_146, %dma_wait3A] : memref<10240x64xf32, #tpu.memory_space<vmem_shared>> -> memref<128x64xf32, #tpu.memory_space<vmem_shared>>
      %dma_wait3A_152 = arith.constant 0 : i32
      %dma_wait3A_153 = tpu.memref_slice %arg11[%add3A_146, %dma_wait3A_152] : memref<10240x64xf32, #tpu.memory_space<vmem_shared>> -> memref<128x64xf32, #tpu.memory_space<vmem_shared>>
      tpu.wait_dma2 semaphore(%run_scoped3A : memref<!tpu.dma_semaphore, #tpu.memory_space<semaphore_mem>>) src(%dma_wait3A_153 : memref<128x64xf32, #tpu.memory_space<vmem_shared>>) dst(%arg10 : memref<128x64xf32, #tpu.memory_space<vmem>>)
      tpu.yield
    }) : () -> ()
    "tpu.region"() ({
      %run_scoped3A = tpu.sem_alloc : memref<!tpu.dma_semaphore, #tpu.memory_space<semaphore_mem>>
      %dma_start3A_147 = arith.constant 0 : i32
      %dma_start3A_148 = arith.constant 0 : i32
      %dma_start3A_149 = tpu.memref_slice %arg6[%arg0, %dma_start3A_147, %dma_start3A_148] : memref<2x10240x64xf32, #tpu.memory_space<hbm>> -> memref<1x10240x64xf32, #tpu.memory_space<hbm>>
      %dma_start3A_150 = tpu.memref_squeeze %dma_start3A_149 : memref<1x10240x64xf32, #tpu.memory_space<hbm>> -> memref<10240x64xf32, #tpu.memory_space<hbm>>
      %dma_start3A_151 = arith.constant 0 : i32
      %dma_start3A_152 = tpu.memref_slice %dma_start3A_150[%add3A_146, %dma_start3A_151] : memref<10240x64xf32, #tpu.memory_space<hbm>> -> memref<128x64xf32, #tpu.memory_space<hbm>>
      %dma_start3A_153 = arith.constant 0 : i32
      %dma_start3A_154 = arith.constant 0 : i32
      %dma_start3A_155 = tpu.memref_slice %arg6[%arg0, %dma_start3A_153, %dma_start3A_154] : memref<2x10240x64xf32, #tpu.memory_space<hbm>> -> memref<1x10240x64xf32, #tpu.memory_space<hbm>>
      %dma_start3A_156 = tpu.memref_squeeze %dma_start3A_155 : memref<1x10240x64xf32, #tpu.memory_space<hbm>> -> memref<10240x64xf32, #tpu.memory_space<hbm>>
      %dma_start3A_157 = arith.constant 0 : i32
      %dma_start3A_158 = tpu.memref_slice %dma_start3A_156[%add3A_146, %dma_start3A_157] : memref<10240x64xf32, #tpu.memory_space<hbm>> -> memref<128x64xf32, #tpu.memory_space<hbm>>
      tpu.enqueue_dma source(%arg10 : memref<128x64xf32, #tpu.memory_space<vmem>>) target(%dma_start3A_158 : memref<128x64xf32, #tpu.memory_space<hbm>>) target_semaphore(%run_scoped3A : memref<!tpu.dma_semaphore, #tpu.memory_space<semaphore_mem>>)
      %dma_wait3A = arith.constant 0 : i32
      %dma_wait3A_159 = arith.constant 0 : i32
      %dma_wait3A_160 = tpu.memref_slice %arg6[%arg0, %dma_wait3A, %dma_wait3A_159] : memref<2x10240x64xf32, #tpu.memory_space<hbm>> -> memref<1x10240x64xf32, #tpu.memory_space<hbm>>
      %dma_wait3A_161 = tpu.memref_squeeze %dma_wait3A_160 : memref<1x10240x64xf32, #tpu.memory_space<hbm>> -> memref<10240x64xf32, #tpu.memory_space<hbm>>
      %dma_wait3A_162 = arith.constant 0 : i32
      %dma_wait3A_163 = tpu.memref_slice %dma_wait3A_161[%add3A_146, %dma_wait3A_162] : memref<10240x64xf32, #tpu.memory_space<hbm>> -> memref<128x64xf32, #tpu.memory_space<hbm>>
      %dma_wait3A_164 = arith.constant 0 : i32
      %dma_wait3A_165 = arith.constant 0 : i32
      %dma_wait3A_166 = tpu.memref_slice %arg6[%arg0, %dma_wait3A_164, %dma_wait3A_165] : memref<2x10240x64xf32, #tpu.memory_space<hbm>> -> memref<1x10240x64xf32, #tpu.memory_space<hbm>>
      %dma_wait3A_167 = tpu.memref_squeeze %dma_wait3A_166 : memref<1x10240x64xf32, #tpu.memory_space<hbm>> -> memref<10240x64xf32, #tpu.memory_space<hbm>>
      %dma_wait3A_168 = arith.constant 0 : i32
      %dma_wait3A_169 = tpu.memref_slice %dma_wait3A_167[%add3A_146, %dma_wait3A_168] : memref<10240x64xf32, #tpu.memory_space<hbm>> -> memref<128x64xf32, #tpu.memory_space<hbm>>
      tpu.wait_dma2 semaphore(%run_scoped3A : memref<!tpu.dma_semaphore, #tpu.memory_space<semaphore_mem>>) src(%arg10 : memref<128x64xf32, #tpu.memory_space<vmem>>) dst(%dma_wait3A_169 : memref<128x64xf32, #tpu.memory_space<hbm>>)
      tpu.yield
    }) : () -> ()
    return
  }
}

#map = affine_map<(d0, d1) -> (0, 0)>
#map1 = affine_map<(d0, d1) -> (0, 0, 0)>
module attributes {stable_mosaic.version = 14 : i64} {
  func.func @_scatter_kernel(%arg0: i32, %arg1: i32, %arg2: memref<10000x64xf32, #tpu.memory_space<hbm>>, %arg3: memref<2528x128xi32, #tpu.memory_space<hbm>>, %arg4: memref<2528x128xi32, #tpu.memory_space<hbm>>, %arg5: memref<128x64xf32, #tpu.memory_space<hbm>>, %arg6: memref<2x10240x64xf32, #tpu.memory_space<hbm>>, %arg7: memref<79x128xi32, #tpu.memory_space<vmem>>, %arg8: memref<79x128xi32, #tpu.memory_space<vmem>>, %arg9: memref<6x128x64xf32, #tpu.memory_space<vmem>>, %arg10: memref<128x64xf32, #tpu.memory_space<vmem>>, %arg11: memref<10240x64xf32, #tpu.memory_space<vmem_shared>>, %arg12: memref<6x!tpu.dma_semaphore, #tpu.memory_space<semaphore_mem>>, %arg13: memref<6x!tpu.dma_semaphore, #tpu.memory_space<semaphore_mem>>) attributes {dimension_semantics = [#tpu.dimension_semantics<core_parallel>, #tpu.dimension_semantics<subcore_parallel>], iteration_bounds = array<i64: 2, 16>, scalar_prefetch = 0 : i64, scratch_operands = 7 : i64, tpu.core_type = #tpu.core_type<sc_vector_subcore>, window_params = [{transform_indices = #map}, {transform_indices = #map}, {transform_indices = #map}, {transform_indices = #map}, {transform_indices = #map1}]} {
    %eq3A = arith.constant 1 : i32
    %eq3A_0 = arith.cmpi eq, %arg0, %eq3A : i32
    %jit3A = arith.constant 79 : i32
    %jit3A_1 = arith.constant 79 : i32
    %select_n3A = arith.select %eq3A_0, %jit3A, %jit3A_1 : i32
    %eq3A_2 = arith.constant 1 : i32
    %eq3A_3 = arith.cmpi eq, %arg0, %eq3A_2 : i32
    %mul3A = arith.constant 79 : i32
    %mul3A_4 = arith.muli %arg1, %mul3A : i32
    %add3A = arith.constant 1264 : i32
    %add3A_5 = arith.addi %add3A, %mul3A_4 : i32
    %mul3A_6 = arith.constant 79 : i32
    %mul3A_7 = arith.muli %arg1, %mul3A_6 : i32
    %select_n3A_8 = arith.select %eq3A_3, %add3A_5, %mul3A_7 : i32
    "tpu.region"() ({
      %run_scoped3A = tpu.sem_alloc : memref<!tpu.dma_semaphore, #tpu.memory_space<semaphore_mem>>
      %dma_start3A_147 = arith.constant 0 : i32
      %dma_start3A_148 = tpu.memref_slice %arg3[%select_n3A_8, %dma_start3A_147] : memref<2528x128xi32, #tpu.memory_space<hbm>> -> memref<79x128xi32, #tpu.memory_space<hbm>>
      %dma_start3A_149 = arith.constant 0 : i32
      %dma_start3A_150 = tpu.memref_slice %arg3[%select_n3A_8, %dma_start3A_149] : memref<2528x128xi32, #tpu.memory_space<hbm>> -> memref<79x128xi32, #tpu.memory_space<hbm>>
      tpu.enqueue_dma source(%dma_start3A_150 : memref<79x128xi32, #tpu.memory_space<hbm>>) target(%arg7 : memref<79x128xi32, #tpu.memory_space<vmem>>) target_semaphore(%run_scoped3A : memref<!tpu.dma_semaphore, #tpu.memory_space<semaphore_mem>>)
      %dma_wait3A = arith.constant 0 : i32
      %dma_wait3A_151 = tpu.memref_slice %arg3[%select_n3A_8, %dma_wait3A] : memref<2528x128xi32, #tpu.memory_space<hbm>> -> memref<79x128xi32, #tpu.memory_space<hbm>>
      %dma_wait3A_152 = arith.constant 0 : i32
      %dma_wait3A_153 = tpu.memref_slice %arg3[%select_n3A_8, %dma_wait3A_152] : memref<2528x128xi32, #tpu.memory_space<hbm>> -> memref<79x128xi32, #tpu.memory_space<hbm>>
      tpu.wait_dma2 semaphore(%run_scoped3A : memref<!tpu.dma_semaphore, #tpu.memory_space<semaphore_mem>>) src(%dma_wait3A_153 : memref<79x128xi32, #tpu.memory_space<hbm>>) dst(%arg7 : memref<79x128xi32, #tpu.memory_space<vmem>>)
      tpu.yield
    }) : () -> ()
    "tpu.region"() ({
      %run_scoped3A = tpu.sem_alloc : memref<!tpu.dma_semaphore, #tpu.memory_space<semaphore_mem>>
      %dma_start3A_147 = arith.constant 0 : i32
      %dma_start3A_148 = tpu.memref_slice %arg4[%select_n3A_8, %dma_start3A_147] : memref<2528x128xi32, #tpu.memory_space<hbm>> -> memref<79x128xi32, #tpu.memory_space<hbm>>
      %dma_start3A_149 = arith.constant 0 : i32
      %dma_start3A_150 = tpu.memref_slice %arg4[%select_n3A_8, %dma_start3A_149] : memref<2528x128xi32, #tpu.memory_space<hbm>> -> memref<79x128xi32, #tpu.memory_space<hbm>>
      tpu.enqueue_dma source(%dma_start3A_150 : memref<79x128xi32, #tpu.memory_space<hbm>>) target(%arg8 : memref<79x128xi32, #tpu.memory_space<vmem>>) target_semaphore(%run_scoped3A : memref<!tpu.dma_semaphore, #tpu.memory_space<semaphore_mem>>)
      %dma_wait3A = arith.constant 0 : i32
      %dma_wait3A_151 = tpu.memref_slice %arg4[%select_n3A_8, %dma_wait3A] : memref<2528x128xi32, #tpu.memory_space<hbm>> -> memref<79x128xi32, #tpu.memory_space<hbm>>
      %dma_wait3A_152 = arith.constant 0 : i32
      %dma_wait3A_153 = tpu.memref_slice %arg4[%select_n3A_8, %dma_wait3A_152] : memref<2528x128xi32, #tpu.memory_space<hbm>> -> memref<79x128xi32, #tpu.memory_space<hbm>>
      tpu.wait_dma2 semaphore(%run_scoped3A : memref<!tpu.dma_semaphore, #tpu.memory_space<semaphore_mem>>) src(%dma_wait3A_153 : memref<79x128xi32, #tpu.memory_space<hbm>>) dst(%arg8 : memref<79x128xi32, #tpu.memory_space<vmem>>)
      tpu.yield
    }) : () -> ()
    "tpu.region"() ({
      %run_scoped3A = tpu.sem_alloc : memref<!tpu.dma_semaphore, #tpu.memory_space<semaphore_mem>>
      tpu.enqueue_dma source(%arg5 : memref<128x64xf32, #tpu.memory_space<hbm>>) target(%arg10 : memref<128x64xf32, #tpu.memory_space<vmem>>) target_semaphore(%run_scoped3A : memref<!tpu.dma_semaphore, #tpu.memory_space<semaphore_mem>>)
      tpu.wait_dma2 semaphore(%run_scoped3A : memref<!tpu.dma_semaphore, #tpu.memory_space<semaphore_mem>>) src(%arg5 : memref<128x64xf32, #tpu.memory_space<hbm>>) dst(%arg10 : memref<128x64xf32, #tpu.memory_space<vmem>>)
      tpu.yield
    }) : () -> ()
    %mul3A_9 = arith.constant 640 : i32
    %mul3A_10 = arith.muli %arg1, %mul3A_9 : i32
    %add3A_11 = arith.constant 0 : i32
    %add3A_12 = arith.addi %mul3A_10, %add3A_11 : i32
    "tpu.region"() ({
      %run_scoped3A = tpu.sem_alloc : memref<!tpu.dma_semaphore, #tpu.memory_space<semaphore_mem>>
      %dma_start3A_147 = arith.constant 0 : i32
      %dma_start3A_148 = tpu.memref_slice %arg11[%add3A_12, %dma_start3A_147] : memref<10240x64xf32, #tpu.memory_space<vmem_shared>> -> memref<128x64xf32, #tpu.memory_space<vmem_shared>>
      %dma_start3A_149 = arith.constant 0 : i32
      %dma_start3A_150 = tpu.memref_slice %arg11[%add3A_12, %dma_start3A_149] : memref<10240x64xf32, #tpu.memory_space<vmem_shared>> -> memref<128x64xf32, #tpu.memory_space<vmem_shared>>
      tpu.enqueue_dma source(%arg10 : memref<128x64xf32, #tpu.memory_space<vmem>>) target(%dma_start3A_150 : memref<128x64xf32, #tpu.memory_space<vmem_shared>>) target_semaphore(%run_scoped3A : memref<!tpu.dma_semaphore, #tpu.memory_space<semaphore_mem>>)
      %dma_wait3A = arith.constant 0 : i32
      %dma_wait3A_151 = tpu.memref_slice %arg11[%add3A_12, %dma_wait3A] : memref<10240x64xf32, #tpu.memory_space<vmem_shared>> -> memref<128x64xf32, #tpu.memory_space<vmem_shared>>
      %dma_wait3A_152 = arith.constant 0 : i32
      %dma_wait3A_153 = tpu.memref_slice %arg11[%add3A_12, %dma_wait3A_152] : memref<10240x64xf32, #tpu.memory_space<vmem_shared>> -> memref<128x64xf32, #tpu.memory_space<vmem_shared>>
      tpu.wait_dma2 semaphore(%run_scoped3A : memref<!tpu.dma_semaphore, #tpu.memory_space<semaphore_mem>>) src(%arg10 : memref<128x64xf32, #tpu.memory_space<vmem>>) dst(%dma_wait3A_153 : memref<128x64xf32, #tpu.memory_space<vmem_shared>>)
      tpu.yield
    }) : () -> ()
    %mul3A_13 = arith.constant 640 : i32
    %mul3A_14 = arith.muli %arg1, %mul3A_13 : i32
    %add3A_15 = arith.constant 128 : i32
    %add3A_16 = arith.addi %mul3A_14, %add3A_15 : i32
    "tpu.region"() ({
      %run_scoped3A = tpu.sem_alloc : memref<!tpu.dma_semaphore, #tpu.memory_space<semaphore_mem>>
      %dma_start3A_147 = arith.constant 0 : i32
      %dma_start3A_148 = tpu.memref_slice %arg11[%add3A_16, %dma_start3A_147] : memref<10240x64xf32, #tpu.memory_space<vmem_shared>> -> memref<128x64xf32, #tpu.memory_space<vmem_shared>>
      %dma_start3A_149 = arith.constant 0 : i32
      %dma_start3A_150 = tpu.memref_slice %arg11[%add3A_16, %dma_start3A_149] : memref<10240x64xf32, #tpu.memory_space<vmem_shared>> -> memref<128x64xf32, #tpu.memory_space<vmem_shared>>
      tpu.enqueue_dma source(%arg10 : memref<128x64xf32, #tpu.memory_space<vmem>>) target(%dma_start3A_150 : memref<128x64xf32, #tpu.memory_space<vmem_shared>>) target_semaphore(%run_scoped3A : memref<!tpu.dma_semaphore, #tpu.memory_space<semaphore_mem>>)
      %dma_wait3A = arith.constant 0 : i32
      %dma_wait3A_151 = tpu.memref_slice %arg11[%add3A_16, %dma_wait3A] : memref<10240x64xf32, #tpu.memory_space<vmem_shared>> -> memref<128x64xf32, #tpu.memory_space<vmem_shared>>
      %dma_wait3A_152 = arith.constant 0 : i32
      %dma_wait3A_153 = tpu.memref_slice %arg11[%add3A_16, %dma_wait3A_152] : memref<10240x64xf32, #tpu.memory_space<vmem_shared>> -> memref<128x64xf32, #tpu.memory_space<vmem_shared>>
      tpu.wait_dma2 semaphore(%run_scoped3A : memref<!tpu.dma_semaphore, #tpu.memory_space<semaphore_mem>>) src(%arg10 : memref<128x64xf32, #tpu.memory_space<vmem>>) dst(%dma_wait3A_153 : memref<128x64xf32, #tpu.memory_space<vmem_shared>>)
      tpu.yield
    }) : () -> ()
    %mul3A_17 = arith.constant 640 : i32
    %mul3A_18 = arith.muli %arg1, %mul3A_17 : i32
    %add3A_19 = arith.constant 256 : i32
    %add3A_20 = arith.addi %mul3A_18, %add3A_19 : i32
    "tpu.region"() ({
      %run_scoped3A = tpu.sem_alloc : memref<!tpu.dma_semaphore, #tpu.memory_space<semaphore_mem>>
      %dma_start3A_147 = arith.constant 0 : i32
      %dma_start3A_148 = tpu.memref_slice %arg11[%add3A_20, %dma_start3A_147] : memref<10240x64xf32, #tpu.memory_space<vmem_shared>> -> memref<128x64xf32, #tpu.memory_space<vmem_shared>>
      %dma_start3A_149 = arith.constant 0 : i32
      %dma_start3A_150 = tpu.memref_slice %arg11[%add3A_20, %dma_start3A_149] : memref<10240x64xf32, #tpu.memory_space<vmem_shared>> -> memref<128x64xf32, #tpu.memory_space<vmem_shared>>
      tpu.enqueue_dma source(%arg10 : memref<128x64xf32, #tpu.memory_space<vmem>>) target(%dma_start3A_150 : memref<128x64xf32, #tpu.memory_space<vmem_shared>>) target_semaphore(%run_scoped3A : memref<!tpu.dma_semaphore, #tpu.memory_space<semaphore_mem>>)
      %dma_wait3A = arith.constant 0 : i32
      %dma_wait3A_151 = tpu.memref_slice %arg11[%add3A_20, %dma_wait3A] : memref<10240x64xf32, #tpu.memory_space<vmem_shared>> -> memref<128x64xf32, #tpu.memory_space<vmem_shared>>
      %dma_wait3A_152 = arith.constant 0 : i32
      %dma_wait3A_153 = tpu.memref_slice %arg11[%add3A_20, %dma_wait3A_152] : memref<10240x64xf32, #tpu.memory_space<vmem_shared>> -> memref<128x64xf32, #tpu.memory_space<vmem_shared>>
      tpu.wait_dma2 semaphore(%run_scoped3A : memref<!tpu.dma_semaphore, #tpu.memory_space<semaphore_mem>>) src(%arg10 : memref<128x64xf32, #tpu.memory_space<vmem>>) dst(%dma_wait3A_153 : memref<128x64xf32, #tpu.memory_space<vmem_shared>>)
      tpu.yield
    }) : () -> ()
    %mul3A_21 = arith.constant 640 : i32
    %mul3A_22 = arith.muli %arg1, %mul3A_21 : i32
    %add3A_23 = arith.constant 384 : i32
    %add3A_24 = arith.addi %mul3A_22, %add3A_23 : i32
    "tpu.region"() ({
      %run_scoped3A = tpu.sem_alloc : memref<!tpu.dma_semaphore, #tpu.memory_space<semaphore_mem>>
      %dma_start3A_147 = arith.constant 0 : i32
      %dma_start3A_148 = tpu.memref_slice %arg11[%add3A_24, %dma_start3A_147] : memref<10240x64xf32, #tpu.memory_space<vmem_shared>> -> memref<128x64xf32, #tpu.memory_space<vmem_shared>>
      %dma_start3A_149 = arith.constant 0 : i32
      %dma_start3A_150 = tpu.memref_slice %arg11[%add3A_24, %dma_start3A_149] : memref<10240x64xf32, #tpu.memory_space<vmem_shared>> -> memref<128x64xf32, #tpu.memory_space<vmem_shared>>
      tpu.enqueue_dma source(%arg10 : memref<128x64xf32, #tpu.memory_space<vmem>>) target(%dma_start3A_150 : memref<128x64xf32, #tpu.memory_space<vmem_shared>>) target_semaphore(%run_scoped3A : memref<!tpu.dma_semaphore, #tpu.memory_space<semaphore_mem>>)
      %dma_wait3A = arith.constant 0 : i32
      %dma_wait3A_151 = tpu.memref_slice %arg11[%add3A_24, %dma_wait3A] : memref<10240x64xf32, #tpu.memory_space<vmem_shared>> -> memref<128x64xf32, #tpu.memory_space<vmem_shared>>
      %dma_wait3A_152 = arith.constant 0 : i32
      %dma_wait3A_153 = tpu.memref_slice %arg11[%add3A_24, %dma_wait3A_152] : memref<10240x64xf32, #tpu.memory_space<vmem_shared>> -> memref<128x64xf32, #tpu.memory_space<vmem_shared>>
      tpu.wait_dma2 semaphore(%run_scoped3A : memref<!tpu.dma_semaphore, #tpu.memory_space<semaphore_mem>>) src(%arg10 : memref<128x64xf32, #tpu.memory_space<vmem>>) dst(%dma_wait3A_153 : memref<128x64xf32, #tpu.memory_space<vmem_shared>>)
      tpu.yield
    }) : () -> ()
    %mul3A_25 = arith.constant 640 : i32
    %mul3A_26 = arith.muli %arg1, %mul3A_25 : i32
    %add3A_27 = arith.constant 512 : i32
    %add3A_28 = arith.addi %mul3A_26, %add3A_27 : i32
    "tpu.region"() ({
      %run_scoped3A = tpu.sem_alloc : memref<!tpu.dma_semaphore, #tpu.memory_space<semaphore_mem>>
      %dma_start3A_147 = arith.constant 0 : i32
      %dma_start3A_148 = tpu.memref_slice %arg11[%add3A_28, %dma_start3A_147] : memref<10240x64xf32, #tpu.memory_space<vmem_shared>> -> memref<128x64xf32, #tpu.memory_space<vmem_shared>>
      %dma_start3A_149 = arith.constant 0 : i32
      %dma_start3A_150 = tpu.memref_slice %arg11[%add3A_28, %dma_start3A_149] : memref<10240x64xf32, #tpu.memory_space<vmem_shared>> -> memref<128x64xf32, #tpu.memory_space<vmem_shared>>
      tpu.enqueue_dma source(%arg10 : memref<128x64xf32, #tpu.memory_space<vmem>>) target(%dma_start3A_150 : memref<128x64xf32, #tpu.memory_space<vmem_shared>>) target_semaphore(%run_scoped3A : memref<!tpu.dma_semaphore, #tpu.memory_space<semaphore_mem>>)
      %dma_wait3A = arith.constant 0 : i32
      %dma_wait3A_151 = tpu.memref_slice %arg11[%add3A_28, %dma_wait3A] : memref<10240x64xf32, #tpu.memory_space<vmem_shared>> -> memref<128x64xf32, #tpu.memory_space<vmem_shared>>
      %dma_wait3A_152 = arith.constant 0 : i32
      %dma_wait3A_153 = tpu.memref_slice %arg11[%add3A_28, %dma_wait3A_152] : memref<10240x64xf32, #tpu.memory_space<vmem_shared>> -> memref<128x64xf32, #tpu.memory_space<vmem_shared>>
      tpu.wait_dma2 semaphore(%run_scoped3A : memref<!tpu.dma_semaphore, #tpu.memory_space<semaphore_mem>>) src(%arg10 : memref<128x64xf32, #tpu.memory_space<vmem>>) dst(%dma_wait3A_153 : memref<128x64xf32, #tpu.memory_space<vmem_shared>>)
      tpu.yield
    }) : () -> ()
    %barrier3A = arith.constant 0 : index
    tpu.barrier barrier_id(%barrier3A)
    %rem3A = arith.constant 0 : i32
    %rem3A_29 = arith.constant 6 : i32
    %rem3A_30 = arith.remsi %rem3A, %rem3A_29 : i32
    %dma_start3A = arith.constant 0 : i32
    %dma_start3A_31 = arith.constant 0 : i32
    %dma_start3A_32 = arith.constant 0 : i32
    %dma_start3A_33 = tpu.memref_slice %arg9[%rem3A_30, %dma_start3A_31, %dma_start3A_32] : memref<6x128x64xf32, #tpu.memory_space<vmem>> -> memref<1x128x64xf32, #tpu.memory_space<vmem>>
    %dma_start3A_34 = tpu.memref_squeeze %dma_start3A_33 : memref<1x128x64xf32, #tpu.memory_space<vmem>> -> memref<128x64xf32, #tpu.memory_space<vmem>>
    %dma_start3A_35 = arith.constant 0 : i32
    %dma_start3A_36 = tpu.memref_slice %arg7[%dma_start3A, %dma_start3A_35] : memref<79x128xi32, #tpu.memory_space<vmem>> -> memref<1x128xi32, #tpu.memory_space<vmem>>
    %dma_start3A_37 = tpu.memref_squeeze %dma_start3A_36 : memref<1x128xi32, #tpu.memory_space<vmem>> -> memref<128xi32, #tpu.memory_space<vmem>>
    %dma_start3A_38 = arith.constant 0 : i32
    %dma_start3A_39 = arith.constant 0 : i32
    %dma_start3A_40 = tpu.memref_slice %arg2[%dma_start3A_38, %dma_start3A_39] : memref<10000x64xf32, #tpu.memory_space<hbm>> -> memref<10000x64xf32, #tpu.memory_space<hbm>>
    %dma_start3A_41 = tpu.memref_slice %arg12[%rem3A_30] : memref<6x!tpu.dma_semaphore, #tpu.memory_space<semaphore_mem>> -> memref<1x!tpu.dma_semaphore, #tpu.memory_space<semaphore_mem>>
    %dma_start3A_42 = tpu.memref_squeeze %dma_start3A_41 : memref<1x!tpu.dma_semaphore, #tpu.memory_space<semaphore_mem>> -> memref<!tpu.dma_semaphore, #tpu.memory_space<semaphore_mem>>
    tpu.enqueue_indirect_dma source(%dma_start3A_40 : memref<10000x64xf32, #tpu.memory_space<hbm>>) target(%dma_start3A_34 : memref<128x64xf32, #tpu.memory_space<vmem>>) offsets(%dma_start3A_37 : memref<128xi32, #tpu.memory_space<vmem>>) semaphore(%dma_start3A_42 : memref<!tpu.dma_semaphore, #tpu.memory_space<semaphore_mem>>)
    %rem3A_43 = arith.constant 1 : i32
    %rem3A_44 = arith.constant 6 : i32
    %rem3A_45 = arith.remsi %rem3A_43, %rem3A_44 : i32
    %dma_start3A_46 = arith.constant 1 : i32
    %dma_start3A_47 = arith.constant 0 : i32
    %dma_start3A_48 = arith.constant 0 : i32
    %dma_start3A_49 = tpu.memref_slice %arg9[%rem3A_45, %dma_start3A_47, %dma_start3A_48] : memref<6x128x64xf32, #tpu.memory_space<vmem>> -> memref<1x128x64xf32, #tpu.memory_space<vmem>>
    %dma_start3A_50 = tpu.memref_squeeze %dma_start3A_49 : memref<1x128x64xf32, #tpu.memory_space<vmem>> -> memref<128x64xf32, #tpu.memory_space<vmem>>
    %dma_start3A_51 = arith.constant 0 : i32
    %dma_start3A_52 = tpu.memref_slice %arg7[%dma_start3A_46, %dma_start3A_51] : memref<79x128xi32, #tpu.memory_space<vmem>> -> memref<1x128xi32, #tpu.memory_space<vmem>>
    %dma_start3A_53 = tpu.memref_squeeze %dma_start3A_52 : memref<1x128xi32, #tpu.memory_space<vmem>> -> memref<128xi32, #tpu.memory_space<vmem>>
    %dma_start3A_54 = arith.constant 0 : i32
    %dma_start3A_55 = arith.constant 0 : i32
    %dma_start3A_56 = tpu.memref_slice %arg2[%dma_start3A_54, %dma_start3A_55] : memref<10000x64xf32, #tpu.memory_space<hbm>> -> memref<10000x64xf32, #tpu.memory_space<hbm>>
    %dma_start3A_57 = tpu.memref_slice %arg12[%rem3A_45] : memref<6x!tpu.dma_semaphore, #tpu.memory_space<semaphore_mem>> -> memref<1x!tpu.dma_semaphore, #tpu.memory_space<semaphore_mem>>
    %dma_start3A_58 = tpu.memref_squeeze %dma_start3A_57 : memref<1x!tpu.dma_semaphore, #tpu.memory_space<semaphore_mem>> -> memref<!tpu.dma_semaphore, #tpu.memory_space<semaphore_mem>>
    tpu.enqueue_indirect_dma source(%dma_start3A_56 : memref<10000x64xf32, #tpu.memory_space<hbm>>) target(%dma_start3A_50 : memref<128x64xf32, #tpu.memory_space<vmem>>) offsets(%dma_start3A_53 : memref<128xi32, #tpu.memory_space<vmem>>) semaphore(%dma_start3A_58 : memref<!tpu.dma_semaphore, #tpu.memory_space<semaphore_mem>>)
    %rem3A_59 = arith.constant 2 : i32
    %rem3A_60 = arith.constant 6 : i32
    %rem3A_61 = arith.remsi %rem3A_59, %rem3A_60 : i32
    %dma_start3A_62 = arith.constant 2 : i32
    %dma_start3A_63 = arith.constant 0 : i32
    %dma_start3A_64 = arith.constant 0 : i32
    %dma_start3A_65 = tpu.memref_slice %arg9[%rem3A_61, %dma_start3A_63, %dma_start3A_64] : memref<6x128x64xf32, #tpu.memory_space<vmem>> -> memref<1x128x64xf32, #tpu.memory_space<vmem>>
    %dma_start3A_66 = tpu.memref_squeeze %dma_start3A_65 : memref<1x128x64xf32, #tpu.memory_space<vmem>> -> memref<128x64xf32, #tpu.memory_space<vmem>>
    %dma_start3A_67 = arith.constant 0 : i32
    %dma_start3A_68 = tpu.memref_slice %arg7[%dma_start3A_62, %dma_start3A_67] : memref<79x128xi32, #tpu.memory_space<vmem>> -> memref<1x128xi32, #tpu.memory_space<vmem>>
    %dma_start3A_69 = tpu.memref_squeeze %dma_start3A_68 : memref<1x128xi32, #tpu.memory_space<vmem>> -> memref<128xi32, #tpu.memory_space<vmem>>
    %dma_start3A_70 = arith.constant 0 : i32
    %dma_start3A_71 = arith.constant 0 : i32
    %dma_start3A_72 = tpu.memref_slice %arg2[%dma_start3A_70, %dma_start3A_71] : memref<10000x64xf32, #tpu.memory_space<hbm>> -> memref<10000x64xf32, #tpu.memory_space<hbm>>
    %dma_start3A_73 = tpu.memref_slice %arg12[%rem3A_61] : memref<6x!tpu.dma_semaphore, #tpu.memory_space<semaphore_mem>> -> memref<1x!tpu.dma_semaphore, #tpu.memory_space<semaphore_mem>>
    %dma_start3A_74 = tpu.memref_squeeze %dma_start3A_73 : memref<1x!tpu.dma_semaphore, #tpu.memory_space<semaphore_mem>> -> memref<!tpu.dma_semaphore, #tpu.memory_space<semaphore_mem>>
    tpu.enqueue_indirect_dma source(%dma_start3A_72 : memref<10000x64xf32, #tpu.memory_space<hbm>>) target(%dma_start3A_66 : memref<128x64xf32, #tpu.memory_space<vmem>>) offsets(%dma_start3A_69 : memref<128xi32, #tpu.memory_space<vmem>>) semaphore(%dma_start3A_74 : memref<!tpu.dma_semaphore, #tpu.memory_space<semaphore_mem>>)
    %rem3A_75 = arith.constant 3 : i32
    %rem3A_76 = arith.constant 6 : i32
    %rem3A_77 = arith.remsi %rem3A_75, %rem3A_76 : i32
    %dma_start3A_78 = arith.constant 3 : i32
    %dma_start3A_79 = arith.constant 0 : i32
    %dma_start3A_80 = arith.constant 0 : i32
    %dma_start3A_81 = tpu.memref_slice %arg9[%rem3A_77, %dma_start3A_79, %dma_start3A_80] : memref<6x128x64xf32, #tpu.memory_space<vmem>> -> memref<1x128x64xf32, #tpu.memory_space<vmem>>
    %dma_start3A_82 = tpu.memref_squeeze %dma_start3A_81 : memref<1x128x64xf32, #tpu.memory_space<vmem>> -> memref<128x64xf32, #tpu.memory_space<vmem>>
    %dma_start3A_83 = arith.constant 0 : i32
    %dma_start3A_84 = tpu.memref_slice %arg7[%dma_start3A_78, %dma_start3A_83] : memref<79x128xi32, #tpu.memory_space<vmem>> -> memref<1x128xi32, #tpu.memory_space<vmem>>
    %dma_start3A_85 = tpu.memref_squeeze %dma_start3A_84 : memref<1x128xi32, #tpu.memory_space<vmem>> -> memref<128xi32, #tpu.memory_space<vmem>>
    %dma_start3A_86 = arith.constant 0 : i32
    %dma_start3A_87 = arith.constant 0 : i32
    %dma_start3A_88 = tpu.memref_slice %arg2[%dma_start3A_86, %dma_start3A_87] : memref<10000x64xf32, #tpu.memory_space<hbm>> -> memref<10000x64xf32, #tpu.memory_space<hbm>>
    %dma_start3A_89 = tpu.memref_slice %arg12[%rem3A_77] : memref<6x!tpu.dma_semaphore, #tpu.memory_space<semaphore_mem>> -> memref<1x!tpu.dma_semaphore, #tpu.memory_space<semaphore_mem>>
    %dma_start3A_90 = tpu.memref_squeeze %dma_start3A_89 : memref<1x!tpu.dma_semaphore, #tpu.memory_space<semaphore_mem>> -> memref<!tpu.dma_semaphore, #tpu.memory_space<semaphore_mem>>
    tpu.enqueue_indirect_dma source(%dma_start3A_88 : memref<10000x64xf32, #tpu.memory_space<hbm>>) target(%dma_start3A_82 : memref<128x64xf32, #tpu.memory_space<vmem>>) offsets(%dma_start3A_85 : memref<128xi32, #tpu.memory_space<vmem>>) semaphore(%dma_start3A_90 : memref<!tpu.dma_semaphore, #tpu.memory_space<semaphore_mem>>)
    %rem3A_91 = arith.constant 4 : i32
    %rem3A_92 = arith.constant 6 : i32
    %rem3A_93 = arith.remsi %rem3A_91, %rem3A_92 : i32
    %dma_start3A_94 = arith.constant 4 : i32
    %dma_start3A_95 = arith.constant 0 : i32
    %dma_start3A_96 = arith.constant 0 : i32
    %dma_start3A_97 = tpu.memref_slice %arg9[%rem3A_93, %dma_start3A_95, %dma_start3A_96] : memref<6x128x64xf32, #tpu.memory_space<vmem>> -> memref<1x128x64xf32, #tpu.memory_space<vmem>>
    %dma_start3A_98 = tpu.memref_squeeze %dma_start3A_97 : memref<1x128x64xf32, #tpu.memory_space<vmem>> -> memref<128x64xf32, #tpu.memory_space<vmem>>
    %dma_start3A_99 = arith.constant 0 : i32
    %dma_start3A_100 = tpu.memref_slice %arg7[%dma_start3A_94, %dma_start3A_99] : memref<79x128xi32, #tpu.memory_space<vmem>> -> memref<1x128xi32, #tpu.memory_space<vmem>>
    %dma_start3A_101 = tpu.memref_squeeze %dma_start3A_100 : memref<1x128xi32, #tpu.memory_space<vmem>> -> memref<128xi32, #tpu.memory_space<vmem>>
    %dma_start3A_102 = arith.constant 0 : i32
    %dma_start3A_103 = arith.constant 0 : i32
    %dma_start3A_104 = tpu.memref_slice %arg2[%dma_start3A_102, %dma_start3A_103] : memref<10000x64xf32, #tpu.memory_space<hbm>> -> memref<10000x64xf32, #tpu.memory_space<hbm>>
    %dma_start3A_105 = tpu.memref_slice %arg12[%rem3A_93] : memref<6x!tpu.dma_semaphore, #tpu.memory_space<semaphore_mem>> -> memref<1x!tpu.dma_semaphore, #tpu.memory_space<semaphore_mem>>
    %dma_start3A_106 = tpu.memref_squeeze %dma_start3A_105 : memref<1x!tpu.dma_semaphore, #tpu.memory_space<semaphore_mem>> -> memref<!tpu.dma_semaphore, #tpu.memory_space<semaphore_mem>>
    tpu.enqueue_indirect_dma source(%dma_start3A_104 : memref<10000x64xf32, #tpu.memory_space<hbm>>) target(%dma_start3A_98 : memref<128x64xf32, #tpu.memory_space<vmem>>) offsets(%dma_start3A_101 : memref<128xi32, #tpu.memory_space<vmem>>) semaphore(%dma_start3A_106 : memref<!tpu.dma_semaphore, #tpu.memory_space<semaphore_mem>>)
    %while3A = arith.constant 0 : i32
    %while3A_107 = arith.constant 0 : i32
    %while3A_108 = arith.subi %select_n3A, %while3A_107 : i32
    %while3A_109 = arith.addi %while3A_107, %while3A_108 : i32
    %while3A_110 = arith.constant 1 : i32
    %while3A_111 = arith.divsi %while3A_108, %while3A_110 : i32
    %while3A_112 = arith.muli %while3A_111, %while3A_110 : i32
    %while3A_113 = arith.addi %while3A_107, %while3A_112 : i32
    %while3A_114 = arith.constant 1 : i32
    scf.for %while3A_147 = %while3A_107 to %while3A_113 step %while3A_114  : i32 {
      %rem3A_148 = arith.constant 6 : i32
      %rem3A_149 = arith.remsi %while3A_147, %rem3A_148 : i32
      %dma_wait3A = arith.constant 0 : i32
      %dma_wait3A_150 = arith.constant 0 : i32
      %dma_wait3A_151 = tpu.memref_slice %arg9[%rem3A_149, %dma_wait3A, %dma_wait3A_150] : memref<6x128x64xf32, #tpu.memory_space<vmem>> -> memref<1x128x64xf32, #tpu.memory_space<vmem>>
      %dma_wait3A_152 = tpu.memref_squeeze %dma_wait3A_151 : memref<1x128x64xf32, #tpu.memory_space<vmem>> -> memref<128x64xf32, #tpu.memory_space<vmem>>
      %dma_wait3A_153 = arith.constant 0 : i32
      %dma_wait3A_154 = tpu.memref_slice %arg7[%while3A_147, %dma_wait3A_153] : memref<79x128xi32, #tpu.memory_space<vmem>> -> memref<1x128xi32, #tpu.memory_space<vmem>>
      %dma_wait3A_155 = tpu.memref_squeeze %dma_wait3A_154 : memref<1x128xi32, #tpu.memory_space<vmem>> -> memref<128xi32, #tpu.memory_space<vmem>>
      %dma_wait3A_156 = arith.constant 0 : i32
      %dma_wait3A_157 = arith.constant 0 : i32
      %dma_wait3A_158 = tpu.memref_slice %arg2[%dma_wait3A_156, %dma_wait3A_157] : memref<10000x64xf32, #tpu.memory_space<hbm>> -> memref<10000x64xf32, #tpu.memory_space<hbm>>
      %dma_wait3A_159 = tpu.memref_slice %arg12[%rem3A_149] : memref<6x!tpu.dma_semaphore, #tpu.memory_space<semaphore_mem>> -> memref<1x!tpu.dma_semaphore, #tpu.memory_space<semaphore_mem>>
      %dma_wait3A_160 = tpu.memref_squeeze %dma_wait3A_159 : memref<1x!tpu.dma_semaphore, #tpu.memory_space<semaphore_mem>> -> memref<!tpu.dma_semaphore, #tpu.memory_space<semaphore_mem>>
      tpu.wait_indirect_dma semaphore(%dma_wait3A_160 : memref<!tpu.dma_semaphore, #tpu.memory_space<semaphore_mem>>) src(%dma_wait3A_158 : memref<10000x64xf32, #tpu.memory_space<hbm>>) dst(%dma_wait3A_152 : memref<128x64xf32, #tpu.memory_space<vmem>>)
      %rem3A_161 = arith.constant 6 : i32
      %rem3A_162 = arith.remsi %while3A_147, %rem3A_161 : i32
      %dma_start3A_163 = arith.constant 0 : i32
      %dma_start3A_164 = arith.constant 0 : i32
      %dma_start3A_165 = tpu.memref_slice %arg9[%rem3A_162, %dma_start3A_163, %dma_start3A_164] : memref<6x128x64xf32, #tpu.memory_space<vmem>> -> memref<1x128x64xf32, #tpu.memory_space<vmem>>
      %dma_start3A_166 = tpu.memref_squeeze %dma_start3A_165 : memref<1x128x64xf32, #tpu.memory_space<vmem>> -> memref<128x64xf32, #tpu.memory_space<vmem>>
      %dma_start3A_167 = arith.constant 0 : i32
      %dma_start3A_168 = tpu.memref_slice %arg8[%while3A_147, %dma_start3A_167] : memref<79x128xi32, #tpu.memory_space<vmem>> -> memref<1x128xi32, #tpu.memory_space<vmem>>
      %dma_start3A_169 = tpu.memref_squeeze %dma_start3A_168 : memref<1x128xi32, #tpu.memory_space<vmem>> -> memref<128xi32, #tpu.memory_space<vmem>>
      %dma_start3A_170 = arith.constant 0 : i32
      %dma_start3A_171 = arith.constant 0 : i32
      %dma_start3A_172 = tpu.memref_slice %arg11[%dma_start3A_170, %dma_start3A_171] : memref<10240x64xf32, #tpu.memory_space<vmem_shared>> -> memref<10240x64xf32, #tpu.memory_space<vmem_shared>>
      %dma_start3A_173 = tpu.memref_slice %arg13[%rem3A_162] : memref<6x!tpu.dma_semaphore, #tpu.memory_space<semaphore_mem>> -> memref<1x!tpu.dma_semaphore, #tpu.memory_space<semaphore_mem>>
      %dma_start3A_174 = tpu.memref_squeeze %dma_start3A_173 : memref<1x!tpu.dma_semaphore, #tpu.memory_space<semaphore_mem>> -> memref<!tpu.dma_semaphore, #tpu.memory_space<semaphore_mem>>
      tpu.enqueue_indirect_dma source(%dma_start3A_166 : memref<128x64xf32, #tpu.memory_space<vmem>>) target(%dma_start3A_172 : memref<10240x64xf32, #tpu.memory_space<vmem_shared>>) offsets(%dma_start3A_169 : memref<128xi32, #tpu.memory_space<vmem>>) semaphore(%dma_start3A_174 : memref<!tpu.dma_semaphore, #tpu.memory_space<semaphore_mem>>) {add = true}
      %ge3A = arith.constant 1 : i32
      %ge3A_175 = arith.cmpi sge, %while3A_147, %ge3A : i32
      %convert_element_type3A = arith.extui %ge3A_175 : i1 to i32
      %cond3A = arith.constant 0 : i32
      %cond3A_176 = arith.cmpi ne, %convert_element_type3A, %cond3A : i32
      scf.if %cond3A_176 {
        %sub3A_182 = arith.constant 1 : i32
        %sub3A_183 = arith.subi %while3A_147, %sub3A_182 : i32
        %rem3A_184 = arith.constant 6 : i32
        %rem3A_185 = arith.remsi %sub3A_183, %rem3A_184 : i32
        %dma_wait3A_186 = arith.constant 0 : i32
        %dma_wait3A_187 = arith.constant 0 : i32
        %dma_wait3A_188 = tpu.memref_slice %arg9[%rem3A_185, %dma_wait3A_186, %dma_wait3A_187] : memref<6x128x64xf32, #tpu.memory_space<vmem>> -> memref<1x128x64xf32, #tpu.memory_space<vmem>>
        %dma_wait3A_189 = tpu.memref_squeeze %dma_wait3A_188 : memref<1x128x64xf32, #tpu.memory_space<vmem>> -> memref<128x64xf32, #tpu.memory_space<vmem>>
        %dma_wait3A_190 = arith.constant 0 : i32
        %dma_wait3A_191 = tpu.memref_slice %arg8[%sub3A_183, %dma_wait3A_190] : memref<79x128xi32, #tpu.memory_space<vmem>> -> memref<1x128xi32, #tpu.memory_space<vmem>>
        %dma_wait3A_192 = tpu.memref_squeeze %dma_wait3A_191 : memref<1x128xi32, #tpu.memory_space<vmem>> -> memref<128xi32, #tpu.memory_space<vmem>>
        %dma_wait3A_193 = arith.constant 0 : i32
        %dma_wait3A_194 = arith.constant 0 : i32
        %dma_wait3A_195 = tpu.memref_slice %arg11[%dma_wait3A_193, %dma_wait3A_194] : memref<10240x64xf32, #tpu.memory_space<vmem_shared>> -> memref<10240x64xf32, #tpu.memory_space<vmem_shared>>
        %dma_wait3A_196 = tpu.memref_slice %arg13[%rem3A_185] : memref<6x!tpu.dma_semaphore, #tpu.memory_space<semaphore_mem>> -> memref<1x!tpu.dma_semaphore, #tpu.memory_space<semaphore_mem>>
        %dma_wait3A_197 = tpu.memref_squeeze %dma_wait3A_196 : memref<1x!tpu.dma_semaphore, #tpu.memory_space<semaphore_mem>> -> memref<!tpu.dma_semaphore, #tpu.memory_space<semaphore_mem>>
        tpu.wait_indirect_dma semaphore(%dma_wait3A_197 : memref<!tpu.dma_semaphore, #tpu.memory_space<semaphore_mem>>) src(%dma_wait3A_189 : memref<128x64xf32, #tpu.memory_space<vmem>>) dst(%dma_wait3A_195 : memref<10240x64xf32, #tpu.memory_space<vmem_shared>>)
      } else {
      }
      %add3A_177 = arith.constant 5 : i32
      %add3A_178 = arith.addi %while3A_147, %add3A_177 : i32
      %lt3A = arith.cmpi slt, %add3A_178, %select_n3A : i32
      %convert_element_type3A_179 = arith.extui %lt3A : i1 to i32
      %cond3A_180 = arith.constant 0 : i32
      %cond3A_181 = arith.cmpi ne, %convert_element_type3A_179, %cond3A_180 : i32
      scf.if %cond3A_181 {
        %add3A_182 = arith.constant 5 : i32
        %add3A_183 = arith.addi %while3A_147, %add3A_182 : i32
        %rem3A_184 = arith.constant 6 : i32
        %rem3A_185 = arith.remsi %add3A_183, %rem3A_184 : i32
        %dma_start3A_186 = arith.constant 0 : i32
        %dma_start3A_187 = arith.constant 0 : i32
        %dma_start3A_188 = tpu.memref_slice %arg9[%rem3A_185, %dma_start3A_186, %dma_start3A_187] : memref<6x128x64xf32, #tpu.memory_space<vmem>> -> memref<1x128x64xf32, #tpu.memory_space<vmem>>
        %dma_start3A_189 = tpu.memref_squeeze %dma_start3A_188 : memref<1x128x64xf32, #tpu.memory_space<vmem>> -> memref<128x64xf32, #tpu.memory_space<vmem>>
        %dma_start3A_190 = arith.constant 0 : i32
        %dma_start3A_191 = tpu.memref_slice %arg7[%add3A_183, %dma_start3A_190] : memref<79x128xi32, #tpu.memory_space<vmem>> -> memref<1x128xi32, #tpu.memory_space<vmem>>
        %dma_start3A_192 = tpu.memref_squeeze %dma_start3A_191 : memref<1x128xi32, #tpu.memory_space<vmem>> -> memref<128xi32, #tpu.memory_space<vmem>>
        %dma_start3A_193 = arith.constant 0 : i32
        %dma_start3A_194 = arith.constant 0 : i32
        %dma_start3A_195 = tpu.memref_slice %arg2[%dma_start3A_193, %dma_start3A_194] : memref<10000x64xf32, #tpu.memory_space<hbm>> -> memref<10000x64xf32, #tpu.memory_space<hbm>>
        %dma_start3A_196 = tpu.memref_slice %arg12[%rem3A_185] : memref<6x!tpu.dma_semaphore, #tpu.memory_space<semaphore_mem>> -> memref<1x!tpu.dma_semaphore, #tpu.memory_space<semaphore_mem>>
        %dma_start3A_197 = tpu.memref_squeeze %dma_start3A_196 : memref<1x!tpu.dma_semaphore, #tpu.memory_space<semaphore_mem>> -> memref<!tpu.dma_semaphore, #tpu.memory_space<semaphore_mem>>
        tpu.enqueue_indirect_dma source(%dma_start3A_195 : memref<10000x64xf32, #tpu.memory_space<hbm>>) target(%dma_start3A_189 : memref<128x64xf32, #tpu.memory_space<vmem>>) offsets(%dma_start3A_192 : memref<128xi32, #tpu.memory_space<vmem>>) semaphore(%dma_start3A_197 : memref<!tpu.dma_semaphore, #tpu.memory_space<semaphore_mem>>)
      } else {
      }
    }
    %while3A_115 = arith.constant 1 : i32
    scf.for %while3A_147 = %while3A_113 to %while3A_109 step %while3A_115  : i32 {
      %rem3A_148 = arith.constant 6 : i32
      %rem3A_149 = arith.remsi %while3A_147, %rem3A_148 : i32
      %dma_wait3A = arith.constant 0 : i32
      %dma_wait3A_150 = arith.constant 0 : i32
      %dma_wait3A_151 = tpu.memref_slice %arg9[%rem3A_149, %dma_wait3A, %dma_wait3A_150] : memref<6x128x64xf32, #tpu.memory_space<vmem>> -> memref<1x128x64xf32, #tpu.memory_space<vmem>>
      %dma_wait3A_152 = tpu.memref_squeeze %dma_wait3A_151 : memref<1x128x64xf32, #tpu.memory_space<vmem>> -> memref<128x64xf32, #tpu.memory_space<vmem>>
      %dma_wait3A_153 = arith.constant 0 : i32
      %dma_wait3A_154 = tpu.memref_slice %arg7[%while3A_147, %dma_wait3A_153] : memref<79x128xi32, #tpu.memory_space<vmem>> -> memref<1x128xi32, #tpu.memory_space<vmem>>
      %dma_wait3A_155 = tpu.memref_squeeze %dma_wait3A_154 : memref<1x128xi32, #tpu.memory_space<vmem>> -> memref<128xi32, #tpu.memory_space<vmem>>
      %dma_wait3A_156 = arith.constant 0 : i32
      %dma_wait3A_157 = arith.constant 0 : i32
      %dma_wait3A_158 = tpu.memref_slice %arg2[%dma_wait3A_156, %dma_wait3A_157] : memref<10000x64xf32, #tpu.memory_space<hbm>> -> memref<10000x64xf32, #tpu.memory_space<hbm>>
      %dma_wait3A_159 = tpu.memref_slice %arg12[%rem3A_149] : memref<6x!tpu.dma_semaphore, #tpu.memory_space<semaphore_mem>> -> memref<1x!tpu.dma_semaphore, #tpu.memory_space<semaphore_mem>>
      %dma_wait3A_160 = tpu.memref_squeeze %dma_wait3A_159 : memref<1x!tpu.dma_semaphore, #tpu.memory_space<semaphore_mem>> -> memref<!tpu.dma_semaphore, #tpu.memory_space<semaphore_mem>>
      tpu.wait_indirect_dma semaphore(%dma_wait3A_160 : memref<!tpu.dma_semaphore, #tpu.memory_space<semaphore_mem>>) src(%dma_wait3A_158 : memref<10000x64xf32, #tpu.memory_space<hbm>>) dst(%dma_wait3A_152 : memref<128x64xf32, #tpu.memory_space<vmem>>)
      %rem3A_161 = arith.constant 6 : i32
      %rem3A_162 = arith.remsi %while3A_147, %rem3A_161 : i32
      %dma_start3A_163 = arith.constant 0 : i32
      %dma_start3A_164 = arith.constant 0 : i32
      %dma_start3A_165 = tpu.memref_slice %arg9[%rem3A_162, %dma_start3A_163, %dma_start3A_164] : memref<6x128x64xf32, #tpu.memory_space<vmem>> -> memref<1x128x64xf32, #tpu.memory_space<vmem>>
      %dma_start3A_166 = tpu.memref_squeeze %dma_start3A_165 : memref<1x128x64xf32, #tpu.memory_space<vmem>> -> memref<128x64xf32, #tpu.memory_space<vmem>>
      %dma_start3A_167 = arith.constant 0 : i32
      %dma_start3A_168 = tpu.memref_slice %arg8[%while3A_147, %dma_start3A_167] : memref<79x128xi32, #tpu.memory_space<vmem>> -> memref<1x128xi32, #tpu.memory_space<vmem>>
      %dma_start3A_169 = tpu.memref_squeeze %dma_start3A_168 : memref<1x128xi32, #tpu.memory_space<vmem>> -> memref<128xi32, #tpu.memory_space<vmem>>
      %dma_start3A_170 = arith.constant 0 : i32
      %dma_start3A_171 = arith.constant 0 : i32
      %dma_start3A_172 = tpu.memref_slice %arg11[%dma_start3A_170, %dma_start3A_171] : memref<10240x64xf32, #tpu.memory_space<vmem_shared>> -> memref<10240x64xf32, #tpu.memory_space<vmem_shared>>
      %dma_start3A_173 = tpu.memref_slice %arg13[%rem3A_162] : memref<6x!tpu.dma_semaphore, #tpu.memory_space<semaphore_mem>> -> memref<1x!tpu.dma_semaphore, #tpu.memory_space<semaphore_mem>>
      %dma_start3A_174 = tpu.memref_squeeze %dma_start3A_173 : memref<1x!tpu.dma_semaphore, #tpu.memory_space<semaphore_mem>> -> memref<!tpu.dma_semaphore, #tpu.memory_space<semaphore_mem>>
      tpu.enqueue_indirect_dma source(%dma_start3A_166 : memref<128x64xf32, #tpu.memory_space<vmem>>) target(%dma_start3A_172 : memref<10240x64xf32, #tpu.memory_space<vmem_shared>>) offsets(%dma_start3A_169 : memref<128xi32, #tpu.memory_space<vmem>>) semaphore(%dma_start3A_174 : memref<!tpu.dma_semaphore, #tpu.memory_space<semaphore_mem>>) {add = true}
      %ge3A = arith.constant 1 : i32
      %ge3A_175 = arith.cmpi sge, %while3A_147, %ge3A : i32
      %convert_element_type3A = arith.extui %ge3A_175 : i1 to i32
      %cond3A = arith.constant 0 : i32
      %cond3A_176 = arith.cmpi ne, %convert_element_type3A, %cond3A : i32
      scf.if %cond3A_176 {
        %sub3A_182 = arith.constant 1 : i32
        %sub3A_183 = arith.subi %while3A_147, %sub3A_182 : i32
        %rem3A_184 = arith.constant 6 : i32
        %rem3A_185 = arith.remsi %sub3A_183, %rem3A_184 : i32
        %dma_wait3A_186 = arith.constant 0 : i32
        %dma_wait3A_187 = arith.constant 0 : i32
        %dma_wait3A_188 = tpu.memref_slice %arg9[%rem3A_185, %dma_wait3A_186, %dma_wait3A_187] : memref<6x128x64xf32, #tpu.memory_space<vmem>> -> memref<1x128x64xf32, #tpu.memory_space<vmem>>
        %dma_wait3A_189 = tpu.memref_squeeze %dma_wait3A_188 : memref<1x128x64xf32, #tpu.memory_space<vmem>> -> memref<128x64xf32, #tpu.memory_space<vmem>>
        %dma_wait3A_190 = arith.constant 0 : i32
        %dma_wait3A_191 = tpu.memref_slice %arg8[%sub3A_183, %dma_wait3A_190] : memref<79x128xi32, #tpu.memory_space<vmem>> -> memref<1x128xi32, #tpu.memory_space<vmem>>
        %dma_wait3A_192 = tpu.memref_squeeze %dma_wait3A_191 : memref<1x128xi32, #tpu.memory_space<vmem>> -> memref<128xi32, #tpu.memory_space<vmem>>
        %dma_wait3A_193 = arith.constant 0 : i32
        %dma_wait3A_194 = arith.constant 0 : i32
        %dma_wait3A_195 = tpu.memref_slice %arg11[%dma_wait3A_193, %dma_wait3A_194] : memref<10240x64xf32, #tpu.memory_space<vmem_shared>> -> memref<10240x64xf32, #tpu.memory_space<vmem_shared>>
        %dma_wait3A_196 = tpu.memref_slice %arg13[%rem3A_185] : memref<6x!tpu.dma_semaphore, #tpu.memory_space<semaphore_mem>> -> memref<1x!tpu.dma_semaphore, #tpu.memory_space<semaphore_mem>>
        %dma_wait3A_197 = tpu.memref_squeeze %dma_wait3A_196 : memref<1x!tpu.dma_semaphore, #tpu.memory_space<semaphore_mem>> -> memref<!tpu.dma_semaphore, #tpu.memory_space<semaphore_mem>>
        tpu.wait_indirect_dma semaphore(%dma_wait3A_197 : memref<!tpu.dma_semaphore, #tpu.memory_space<semaphore_mem>>) src(%dma_wait3A_189 : memref<128x64xf32, #tpu.memory_space<vmem>>) dst(%dma_wait3A_195 : memref<10240x64xf32, #tpu.memory_space<vmem_shared>>)
      } else {
      }
      %add3A_177 = arith.constant 5 : i32
      %add3A_178 = arith.addi %while3A_147, %add3A_177 : i32
      %lt3A = arith.cmpi slt, %add3A_178, %select_n3A : i32
      %convert_element_type3A_179 = arith.extui %lt3A : i1 to i32
      %cond3A_180 = arith.constant 0 : i32
      %cond3A_181 = arith.cmpi ne, %convert_element_type3A_179, %cond3A_180 : i32
      scf.if %cond3A_181 {
        %add3A_182 = arith.constant 5 : i32
        %add3A_183 = arith.addi %while3A_147, %add3A_182 : i32
        %rem3A_184 = arith.constant 6 : i32
        %rem3A_185 = arith.remsi %add3A_183, %rem3A_184 : i32
        %dma_start3A_186 = arith.constant 0 : i32
        %dma_start3A_187 = arith.constant 0 : i32
        %dma_start3A_188 = tpu.memref_slice %arg9[%rem3A_185, %dma_start3A_186, %dma_start3A_187] : memref<6x128x64xf32, #tpu.memory_space<vmem>> -> memref<1x128x64xf32, #tpu.memory_space<vmem>>
        %dma_start3A_189 = tpu.memref_squeeze %dma_start3A_188 : memref<1x128x64xf32, #tpu.memory_space<vmem>> -> memref<128x64xf32, #tpu.memory_space<vmem>>
        %dma_start3A_190 = arith.constant 0 : i32
        %dma_start3A_191 = tpu.memref_slice %arg7[%add3A_183, %dma_start3A_190] : memref<79x128xi32, #tpu.memory_space<vmem>> -> memref<1x128xi32, #tpu.memory_space<vmem>>
        %dma_start3A_192 = tpu.memref_squeeze %dma_start3A_191 : memref<1x128xi32, #tpu.memory_space<vmem>> -> memref<128xi32, #tpu.memory_space<vmem>>
        %dma_start3A_193 = arith.constant 0 : i32
        %dma_start3A_194 = arith.constant 0 : i32
        %dma_start3A_195 = tpu.memref_slice %arg2[%dma_start3A_193, %dma_start3A_194] : memref<10000x64xf32, #tpu.memory_space<hbm>> -> memref<10000x64xf32, #tpu.memory_space<hbm>>
        %dma_start3A_196 = tpu.memref_slice %arg12[%rem3A_185] : memref<6x!tpu.dma_semaphore, #tpu.memory_space<semaphore_mem>> -> memref<1x!tpu.dma_semaphore, #tpu.memory_space<semaphore_mem>>
        %dma_start3A_197 = tpu.memref_squeeze %dma_start3A_196 : memref<1x!tpu.dma_semaphore, #tpu.memory_space<semaphore_mem>> -> memref<!tpu.dma_semaphore, #tpu.memory_space<semaphore_mem>>
        tpu.enqueue_indirect_dma source(%dma_start3A_195 : memref<10000x64xf32, #tpu.memory_space<hbm>>) target(%dma_start3A_189 : memref<128x64xf32, #tpu.memory_space<vmem>>) offsets(%dma_start3A_192 : memref<128xi32, #tpu.memory_space<vmem>>) semaphore(%dma_start3A_197 : memref<!tpu.dma_semaphore, #tpu.memory_space<semaphore_mem>>)
      } else {
      }
    }
    %sub3A = arith.constant 1 : i32
    %sub3A_116 = arith.subi %select_n3A, %sub3A : i32
    %while3A_117 = arith.constant 0 : i32
    %while3A_118 = arith.subi %select_n3A, %sub3A_116 : i32
    %while3A_119 = arith.addi %sub3A_116, %while3A_118 : i32
    %while3A_120 = arith.constant 1 : i32
    %while3A_121 = arith.divsi %while3A_118, %while3A_120 : i32
    %while3A_122 = arith.muli %while3A_121, %while3A_120 : i32
    %while3A_123 = arith.addi %sub3A_116, %while3A_122 : i32
    %while3A_124 = arith.constant 1 : i32
    scf.for %while3A_147 = %sub3A_116 to %while3A_123 step %while3A_124  : i32 {
      %rem3A_148 = arith.constant 6 : i32
      %rem3A_149 = arith.remsi %while3A_147, %rem3A_148 : i32
      %dma_wait3A = arith.constant 0 : i32
      %dma_wait3A_150 = arith.constant 0 : i32
      %dma_wait3A_151 = tpu.memref_slice %arg9[%rem3A_149, %dma_wait3A, %dma_wait3A_150] : memref<6x128x64xf32, #tpu.memory_space<vmem>> -> memref<1x128x64xf32, #tpu.memory_space<vmem>>
      %dma_wait3A_152 = tpu.memref_squeeze %dma_wait3A_151 : memref<1x128x64xf32, #tpu.memory_space<vmem>> -> memref<128x64xf32, #tpu.memory_space<vmem>>
      %dma_wait3A_153 = arith.constant 0 : i32
      %dma_wait3A_154 = tpu.memref_slice %arg8[%while3A_147, %dma_wait3A_153] : memref<79x128xi32, #tpu.memory_space<vmem>> -> memref<1x128xi32, #tpu.memory_space<vmem>>
      %dma_wait3A_155 = tpu.memref_squeeze %dma_wait3A_154 : memref<1x128xi32, #tpu.memory_space<vmem>> -> memref<128xi32, #tpu.memory_space<vmem>>
      %dma_wait3A_156 = arith.constant 0 : i32
      %dma_wait3A_157 = arith.constant 0 : i32
      %dma_wait3A_158 = tpu.memref_slice %arg11[%dma_wait3A_156, %dma_wait3A_157] : memref<10240x64xf32, #tpu.memory_space<vmem_shared>> -> memref<10240x64xf32, #tpu.memory_space<vmem_shared>>
      %dma_wait3A_159 = tpu.memref_slice %arg13[%rem3A_149] : memref<6x!tpu.dma_semaphore, #tpu.memory_space<semaphore_mem>> -> memref<1x!tpu.dma_semaphore, #tpu.memory_space<semaphore_mem>>
      %dma_wait3A_160 = tpu.memref_squeeze %dma_wait3A_159 : memref<1x!tpu.dma_semaphore, #tpu.memory_space<semaphore_mem>> -> memref<!tpu.dma_semaphore, #tpu.memory_space<semaphore_mem>>
      tpu.wait_indirect_dma semaphore(%dma_wait3A_160 : memref<!tpu.dma_semaphore, #tpu.memory_space<semaphore_mem>>) src(%dma_wait3A_152 : memref<128x64xf32, #tpu.memory_space<vmem>>) dst(%dma_wait3A_158 : memref<10240x64xf32, #tpu.memory_space<vmem_shared>>)
    }
    %while3A_125 = arith.constant 1 : i32
    scf.for %while3A_147 = %while3A_123 to %while3A_119 step %while3A_125  : i32 {
      %rem3A_148 = arith.constant 6 : i32
      %rem3A_149 = arith.remsi %while3A_147, %rem3A_148 : i32
      %dma_wait3A = arith.constant 0 : i32
      %dma_wait3A_150 = arith.constant 0 : i32
      %dma_wait3A_151 = tpu.memref_slice %arg9[%rem3A_149, %dma_wait3A, %dma_wait3A_150] : memref<6x128x64xf32, #tpu.memory_space<vmem>> -> memref<1x128x64xf32, #tpu.memory_space<vmem>>
      %dma_wait3A_152 = tpu.memref_squeeze %dma_wait3A_151 : memref<1x128x64xf32, #tpu.memory_space<vmem>> -> memref<128x64xf32, #tpu.memory_space<vmem>>
      %dma_wait3A_153 = arith.constant 0 : i32
      %dma_wait3A_154 = tpu.memref_slice %arg8[%while3A_147, %dma_wait3A_153] : memref<79x128xi32, #tpu.memory_space<vmem>> -> memref<1x128xi32, #tpu.memory_space<vmem>>
      %dma_wait3A_155 = tpu.memref_squeeze %dma_wait3A_154 : memref<1x128xi32, #tpu.memory_space<vmem>> -> memref<128xi32, #tpu.memory_space<vmem>>
      %dma_wait3A_156 = arith.constant 0 : i32
      %dma_wait3A_157 = arith.constant 0 : i32
      %dma_wait3A_158 = tpu.memref_slice %arg11[%dma_wait3A_156, %dma_wait3A_157] : memref<10240x64xf32, #tpu.memory_space<vmem_shared>> -> memref<10240x64xf32, #tpu.memory_space<vmem_shared>>
      %dma_wait3A_159 = tpu.memref_slice %arg13[%rem3A_149] : memref<6x!tpu.dma_semaphore, #tpu.memory_space<semaphore_mem>> -> memref<1x!tpu.dma_semaphore, #tpu.memory_space<semaphore_mem>>
      %dma_wait3A_160 = tpu.memref_squeeze %dma_wait3A_159 : memref<1x!tpu.dma_semaphore, #tpu.memory_space<semaphore_mem>> -> memref<!tpu.dma_semaphore, #tpu.memory_space<semaphore_mem>>
      tpu.wait_indirect_dma semaphore(%dma_wait3A_160 : memref<!tpu.dma_semaphore, #tpu.memory_space<semaphore_mem>>) src(%dma_wait3A_152 : memref<128x64xf32, #tpu.memory_space<vmem>>) dst(%dma_wait3A_158 : memref<10240x64xf32, #tpu.memory_space<vmem_shared>>)
    }
    %barrier3A_126 = arith.constant 0 : index
    tpu.barrier barrier_id(%barrier3A_126)
    %mul3A_127 = arith.constant 640 : i32
    %mul3A_128 = arith.muli %arg1, %mul3A_127 : i32
    %add3A_129 = arith.constant 0 : i32
    %add3A_130 = arith.addi %mul3A_128, %add3A_129 : i32
    "tpu.region"() ({
      %run_scoped3A = tpu.sem_alloc : memref<!tpu.dma_semaphore, #tpu.memory_space<semaphore_mem>>
      %dma_start3A_147 = arith.constant 0 : i32
      %dma_start3A_148 = tpu.memref_slice %arg11[%add3A_130, %dma_start3A_147] : memref<10240x64xf32, #tpu.memory_space<vmem_shared>> -> memref<128x64xf32, #tpu.memory_space<vmem_shared>>
      %dma_start3A_149 = arith.constant 0 : i32
      %dma_start3A_150 = tpu.memref_slice %arg11[%add3A_130, %dma_start3A_149] : memref<10240x64xf32, #tpu.memory_space<vmem_shared>> -> memref<128x64xf32, #tpu.memory_space<vmem_shared>>
      tpu.enqueue_dma source(%dma_start3A_150 : memref<128x64xf32, #tpu.memory_space<vmem_shared>>) target(%arg10 : memref<128x64xf32, #tpu.memory_space<vmem>>) target_semaphore(%run_scoped3A : memref<!tpu.dma_semaphore, #tpu.memory_space<semaphore_mem>>)
      %dma_wait3A = arith.constant 0 : i32
      %dma_wait3A_151 = tpu.memref_slice %arg11[%add3A_130, %dma_wait3A] : memref<10240x64xf32, #tpu.memory_space<vmem_shared>> -> memref<128x64xf32, #tpu.memory_space<vmem_shared>>
      %dma_wait3A_152 = arith.constant 0 : i32
      %dma_wait3A_153 = tpu.memref_slice %arg11[%add3A_130, %dma_wait3A_152] : memref<10240x64xf32, #tpu.memory_space<vmem_shared>> -> memref<128x64xf32, #tpu.memory_space<vmem_shared>>
      tpu.wait_dma2 semaphore(%run_scoped3A : memref<!tpu.dma_semaphore, #tpu.memory_space<semaphore_mem>>) src(%dma_wait3A_153 : memref<128x64xf32, #tpu.memory_space<vmem_shared>>) dst(%arg10 : memref<128x64xf32, #tpu.memory_space<vmem>>)
      tpu.yield
    }) : () -> ()
    "tpu.region"() ({
      %run_scoped3A = tpu.sem_alloc : memref<!tpu.dma_semaphore, #tpu.memory_space<semaphore_mem>>
      %dma_start3A_147 = arith.constant 0 : i32
      %dma_start3A_148 = arith.constant 0 : i32
      %dma_start3A_149 = tpu.memref_slice %arg6[%arg0, %dma_start3A_147, %dma_start3A_148] : memref<2x10240x64xf32, #tpu.memory_space<hbm>> -> memref<1x10240x64xf32, #tpu.memory_space<hbm>>
      %dma_start3A_150 = tpu.memref_squeeze %dma_start3A_149 : memref<1x10240x64xf32, #tpu.memory_space<hbm>> -> memref<10240x64xf32, #tpu.memory_space<hbm>>
      %dma_start3A_151 = arith.constant 0 : i32
      %dma_start3A_152 = tpu.memref_slice %dma_start3A_150[%add3A_130, %dma_start3A_151] : memref<10240x64xf32, #tpu.memory_space<hbm>> -> memref<128x64xf32, #tpu.memory_space<hbm>>
      %dma_start3A_153 = arith.constant 0 : i32
      %dma_start3A_154 = arith.constant 0 : i32
      %dma_start3A_155 = tpu.memref_slice %arg6[%arg0, %dma_start3A_153, %dma_start3A_154] : memref<2x10240x64xf32, #tpu.memory_space<hbm>> -> memref<1x10240x64xf32, #tpu.memory_space<hbm>>
      %dma_start3A_156 = tpu.memref_squeeze %dma_start3A_155 : memref<1x10240x64xf32, #tpu.memory_space<hbm>> -> memref<10240x64xf32, #tpu.memory_space<hbm>>
      %dma_start3A_157 = arith.constant 0 : i32
      %dma_start3A_158 = tpu.memref_slice %dma_start3A_156[%add3A_130, %dma_start3A_157] : memref<10240x64xf32, #tpu.memory_space<hbm>> -> memref<128x64xf32, #tpu.memory_space<hbm>>
      tpu.enqueue_dma source(%arg10 : memref<128x64xf32, #tpu.memory_space<vmem>>) target(%dma_start3A_158 : memref<128x64xf32, #tpu.memory_space<hbm>>) target_semaphore(%run_scoped3A : memref<!tpu.dma_semaphore, #tpu.memory_space<semaphore_mem>>)
      %dma_wait3A = arith.constant 0 : i32
      %dma_wait3A_159 = arith.constant 0 : i32
      %dma_wait3A_160 = tpu.memref_slice %arg6[%arg0, %dma_wait3A, %dma_wait3A_159] : memref<2x10240x64xf32, #tpu.memory_space<hbm>> -> memref<1x10240x64xf32, #tpu.memory_space<hbm>>
      %dma_wait3A_161 = tpu.memref_squeeze %dma_wait3A_160 : memref<1x10240x64xf32, #tpu.memory_space<hbm>> -> memref<10240x64xf32, #tpu.memory_space<hbm>>
      %dma_wait3A_162 = arith.constant 0 : i32
      %dma_wait3A_163 = tpu.memref_slice %dma_wait3A_161[%add3A_130, %dma_wait3A_162] : memref<10240x64xf32, #tpu.memory_space<hbm>> -> memref<128x64xf32, #tpu.memory_space<hbm>>
      %dma_wait3A_164 = arith.constant 0 : i32
      %dma_wait3A_165 = arith.constant 0 : i32
      %dma_wait3A_166 = tpu.memref_slice %arg6[%arg0, %dma_wait3A_164, %dma_wait3A_165] : memref<2x10240x64xf32, #tpu.memory_space<hbm>> -> memref<1x10240x64xf32, #tpu.memory_space<hbm>>
      %dma_wait3A_167 = tpu.memref_squeeze %dma_wait3A_166 : memref<1x10240x64xf32, #tpu.memory_space<hbm>> -> memref<10240x64xf32, #tpu.memory_space<hbm>>
      %dma_wait3A_168 = arith.constant 0 : i32
      %dma_wait3A_169 = tpu.memref_slice %dma_wait3A_167[%add3A_130, %dma_wait3A_168] : memref<10240x64xf32, #tpu.memory_space<hbm>> -> memref<128x64xf32, #tpu.memory_space<hbm>>
      tpu.wait_dma2 semaphore(%run_scoped3A : memref<!tpu.dma_semaphore, #tpu.memory_space<semaphore_mem>>) src(%arg10 : memref<128x64xf32, #tpu.memory_space<vmem>>) dst(%dma_wait3A_169 : memref<128x64xf32, #tpu.memory_space<hbm>>)
      tpu.yield
    }) : () -> ()
    %mul3A_131 = arith.constant 640 : i32
    %mul3A_132 = arith.muli %arg1, %mul3A_131 : i32
    %add3A_133 = arith.constant 128 : i32
    %add3A_134 = arith.addi %mul3A_132, %add3A_133 : i32
    "tpu.region"() ({
      %run_scoped3A = tpu.sem_alloc : memref<!tpu.dma_semaphore, #tpu.memory_space<semaphore_mem>>
      %dma_start3A_147 = arith.constant 0 : i32
      %dma_start3A_148 = tpu.memref_slice %arg11[%add3A_134, %dma_start3A_147] : memref<10240x64xf32, #tpu.memory_space<vmem_shared>> -> memref<128x64xf32, #tpu.memory_space<vmem_shared>>
      %dma_start3A_149 = arith.constant 0 : i32
      %dma_start3A_150 = tpu.memref_slice %arg11[%add3A_134, %dma_start3A_149] : memref<10240x64xf32, #tpu.memory_space<vmem_shared>> -> memref<128x64xf32, #tpu.memory_space<vmem_shared>>
      tpu.enqueue_dma source(%dma_start3A_150 : memref<128x64xf32, #tpu.memory_space<vmem_shared>>) target(%arg10 : memref<128x64xf32, #tpu.memory_space<vmem>>) target_semaphore(%run_scoped3A : memref<!tpu.dma_semaphore, #tpu.memory_space<semaphore_mem>>)
      %dma_wait3A = arith.constant 0 : i32
      %dma_wait3A_151 = tpu.memref_slice %arg11[%add3A_134, %dma_wait3A] : memref<10240x64xf32, #tpu.memory_space<vmem_shared>> -> memref<128x64xf32, #tpu.memory_space<vmem_shared>>
      %dma_wait3A_152 = arith.constant 0 : i32
      %dma_wait3A_153 = tpu.memref_slice %arg11[%add3A_134, %dma_wait3A_152] : memref<10240x64xf32, #tpu.memory_space<vmem_shared>> -> memref<128x64xf32, #tpu.memory_space<vmem_shared>>
      tpu.wait_dma2 semaphore(%run_scoped3A : memref<!tpu.dma_semaphore, #tpu.memory_space<semaphore_mem>>) src(%dma_wait3A_153 : memref<128x64xf32, #tpu.memory_space<vmem_shared>>) dst(%arg10 : memref<128x64xf32, #tpu.memory_space<vmem>>)
      tpu.yield
    }) : () -> ()
    "tpu.region"() ({
      %run_scoped3A = tpu.sem_alloc : memref<!tpu.dma_semaphore, #tpu.memory_space<semaphore_mem>>
      %dma_start3A_147 = arith.constant 0 : i32
      %dma_start3A_148 = arith.constant 0 : i32
      %dma_start3A_149 = tpu.memref_slice %arg6[%arg0, %dma_start3A_147, %dma_start3A_148] : memref<2x10240x64xf32, #tpu.memory_space<hbm>> -> memref<1x10240x64xf32, #tpu.memory_space<hbm>>
      %dma_start3A_150 = tpu.memref_squeeze %dma_start3A_149 : memref<1x10240x64xf32, #tpu.memory_space<hbm>> -> memref<10240x64xf32, #tpu.memory_space<hbm>>
      %dma_start3A_151 = arith.constant 0 : i32
      %dma_start3A_152 = tpu.memref_slice %dma_start3A_150[%add3A_134, %dma_start3A_151] : memref<10240x64xf32, #tpu.memory_space<hbm>> -> memref<128x64xf32, #tpu.memory_space<hbm>>
      %dma_start3A_153 = arith.constant 0 : i32
      %dma_start3A_154 = arith.constant 0 : i32
      %dma_start3A_155 = tpu.memref_slice %arg6[%arg0, %dma_start3A_153, %dma_start3A_154] : memref<2x10240x64xf32, #tpu.memory_space<hbm>> -> memref<1x10240x64xf32, #tpu.memory_space<hbm>>
      %dma_start3A_156 = tpu.memref_squeeze %dma_start3A_155 : memref<1x10240x64xf32, #tpu.memory_space<hbm>> -> memref<10240x64xf32, #tpu.memory_space<hbm>>
      %dma_start3A_157 = arith.constant 0 : i32
      %dma_start3A_158 = tpu.memref_slice %dma_start3A_156[%add3A_134, %dma_start3A_157] : memref<10240x64xf32, #tpu.memory_space<hbm>> -> memref<128x64xf32, #tpu.memory_space<hbm>>
      tpu.enqueue_dma source(%arg10 : memref<128x64xf32, #tpu.memory_space<vmem>>) target(%dma_start3A_158 : memref<128x64xf32, #tpu.memory_space<hbm>>) target_semaphore(%run_scoped3A : memref<!tpu.dma_semaphore, #tpu.memory_space<semaphore_mem>>)
      %dma_wait3A = arith.constant 0 : i32
      %dma_wait3A_159 = arith.constant 0 : i32
      %dma_wait3A_160 = tpu.memref_slice %arg6[%arg0, %dma_wait3A, %dma_wait3A_159] : memref<2x10240x64xf32, #tpu.memory_space<hbm>> -> memref<1x10240x64xf32, #tpu.memory_space<hbm>>
      %dma_wait3A_161 = tpu.memref_squeeze %dma_wait3A_160 : memref<1x10240x64xf32, #tpu.memory_space<hbm>> -> memref<10240x64xf32, #tpu.memory_space<hbm>>
      %dma_wait3A_162 = arith.constant 0 : i32
      %dma_wait3A_163 = tpu.memref_slice %dma_wait3A_161[%add3A_134, %dma_wait3A_162] : memref<10240x64xf32, #tpu.memory_space<hbm>> -> memref<128x64xf32, #tpu.memory_space<hbm>>
      %dma_wait3A_164 = arith.constant 0 : i32
      %dma_wait3A_165 = arith.constant 0 : i32
      %dma_wait3A_166 = tpu.memref_slice %arg6[%arg0, %dma_wait3A_164, %dma_wait3A_165] : memref<2x10240x64xf32, #tpu.memory_space<hbm>> -> memref<1x10240x64xf32, #tpu.memory_space<hbm>>
      %dma_wait3A_167 = tpu.memref_squeeze %dma_wait3A_166 : memref<1x10240x64xf32, #tpu.memory_space<hbm>> -> memref<10240x64xf32, #tpu.memory_space<hbm>>
      %dma_wait3A_168 = arith.constant 0 : i32
      %dma_wait3A_169 = tpu.memref_slice %dma_wait3A_167[%add3A_134, %dma_wait3A_168] : memref<10240x64xf32, #tpu.memory_space<hbm>> -> memref<128x64xf32, #tpu.memory_space<hbm>>
      tpu.wait_dma2 semaphore(%run_scoped3A : memref<!tpu.dma_semaphore, #tpu.memory_space<semaphore_mem>>) src(%arg10 : memref<128x64xf32, #tpu.memory_space<vmem>>) dst(%dma_wait3A_169 : memref<128x64xf32, #tpu.memory_space<hbm>>)
      tpu.yield
    }) : () -> ()
    %mul3A_135 = arith.constant 640 : i32
    %mul3A_136 = arith.muli %arg1, %mul3A_135 : i32
    %add3A_137 = arith.constant 256 : i32
    %add3A_138 = arith.addi %mul3A_136, %add3A_137 : i32
    "tpu.region"() ({
      %run_scoped3A = tpu.sem_alloc : memref<!tpu.dma_semaphore, #tpu.memory_space<semaphore_mem>>
      %dma_start3A_147 = arith.constant 0 : i32
      %dma_start3A_148 = tpu.memref_slice %arg11[%add3A_138, %dma_start3A_147] : memref<10240x64xf32, #tpu.memory_space<vmem_shared>> -> memref<128x64xf32, #tpu.memory_space<vmem_shared>>
      %dma_start3A_149 = arith.constant 0 : i32
      %dma_start3A_150 = tpu.memref_slice %arg11[%add3A_138, %dma_start3A_149] : memref<10240x64xf32, #tpu.memory_space<vmem_shared>> -> memref<128x64xf32, #tpu.memory_space<vmem_shared>>
      tpu.enqueue_dma source(%dma_start3A_150 : memref<128x64xf32, #tpu.memory_space<vmem_shared>>) target(%arg10 : memref<128x64xf32, #tpu.memory_space<vmem>>) target_semaphore(%run_scoped3A : memref<!tpu.dma_semaphore, #tpu.memory_space<semaphore_mem>>)
      %dma_wait3A = arith.constant 0 : i32
      %dma_wait3A_151 = tpu.memref_slice %arg11[%add3A_138, %dma_wait3A] : memref<10240x64xf32, #tpu.memory_space<vmem_shared>> -> memref<128x64xf32, #tpu.memory_space<vmem_shared>>
      %dma_wait3A_152 = arith.constant 0 : i32
      %dma_wait3A_153 = tpu.memref_slice %arg11[%add3A_138, %dma_wait3A_152] : memref<10240x64xf32, #tpu.memory_space<vmem_shared>> -> memref<128x64xf32, #tpu.memory_space<vmem_shared>>
      tpu.wait_dma2 semaphore(%run_scoped3A : memref<!tpu.dma_semaphore, #tpu.memory_space<semaphore_mem>>) src(%dma_wait3A_153 : memref<128x64xf32, #tpu.memory_space<vmem_shared>>) dst(%arg10 : memref<128x64xf32, #tpu.memory_space<vmem>>)
      tpu.yield
    }) : () -> ()
    "tpu.region"() ({
      %run_scoped3A = tpu.sem_alloc : memref<!tpu.dma_semaphore, #tpu.memory_space<semaphore_mem>>
      %dma_start3A_147 = arith.constant 0 : i32
      %dma_start3A_148 = arith.constant 0 : i32
      %dma_start3A_149 = tpu.memref_slice %arg6[%arg0, %dma_start3A_147, %dma_start3A_148] : memref<2x10240x64xf32, #tpu.memory_space<hbm>> -> memref<1x10240x64xf32, #tpu.memory_space<hbm>>
      %dma_start3A_150 = tpu.memref_squeeze %dma_start3A_149 : memref<1x10240x64xf32, #tpu.memory_space<hbm>> -> memref<10240x64xf32, #tpu.memory_space<hbm>>
      %dma_start3A_151 = arith.constant 0 : i32
      %dma_start3A_152 = tpu.memref_slice %dma_start3A_150[%add3A_138, %dma_start3A_151] : memref<10240x64xf32, #tpu.memory_space<hbm>> -> memref<128x64xf32, #tpu.memory_space<hbm>>
      %dma_start3A_153 = arith.constant 0 : i32
      %dma_start3A_154 = arith.constant 0 : i32
      %dma_start3A_155 = tpu.memref_slice %arg6[%arg0, %dma_start3A_153, %dma_start3A_154] : memref<2x10240x64xf32, #tpu.memory_space<hbm>> -> memref<1x10240x64xf32, #tpu.memory_space<hbm>>
      %dma_start3A_156 = tpu.memref_squeeze %dma_start3A_155 : memref<1x10240x64xf32, #tpu.memory_space<hbm>> -> memref<10240x64xf32, #tpu.memory_space<hbm>>
      %dma_start3A_157 = arith.constant 0 : i32
      %dma_start3A_158 = tpu.memref_slice %dma_start3A_156[%add3A_138, %dma_start3A_157] : memref<10240x64xf32, #tpu.memory_space<hbm>> -> memref<128x64xf32, #tpu.memory_space<hbm>>
      tpu.enqueue_dma source(%arg10 : memref<128x64xf32, #tpu.memory_space<vmem>>) target(%dma_start3A_158 : memref<128x64xf32, #tpu.memory_space<hbm>>) target_semaphore(%run_scoped3A : memref<!tpu.dma_semaphore, #tpu.memory_space<semaphore_mem>>)
      %dma_wait3A = arith.constant 0 : i32
      %dma_wait3A_159 = arith.constant 0 : i32
      %dma_wait3A_160 = tpu.memref_slice %arg6[%arg0, %dma_wait3A, %dma_wait3A_159] : memref<2x10240x64xf32, #tpu.memory_space<hbm>> -> memref<1x10240x64xf32, #tpu.memory_space<hbm>>
      %dma_wait3A_161 = tpu.memref_squeeze %dma_wait3A_160 : memref<1x10240x64xf32, #tpu.memory_space<hbm>> -> memref<10240x64xf32, #tpu.memory_space<hbm>>
      %dma_wait3A_162 = arith.constant 0 : i32
      %dma_wait3A_163 = tpu.memref_slice %dma_wait3A_161[%add3A_138, %dma_wait3A_162] : memref<10240x64xf32, #tpu.memory_space<hbm>> -> memref<128x64xf32, #tpu.memory_space<hbm>>
      %dma_wait3A_164 = arith.constant 0 : i32
      %dma_wait3A_165 = arith.constant 0 : i32
      %dma_wait3A_166 = tpu.memref_slice %arg6[%arg0, %dma_wait3A_164, %dma_wait3A_165] : memref<2x10240x64xf32, #tpu.memory_space<hbm>> -> memref<1x10240x64xf32, #tpu.memory_space<hbm>>
      %dma_wait3A_167 = tpu.memref_squeeze %dma_wait3A_166 : memref<1x10240x64xf32, #tpu.memory_space<hbm>> -> memref<10240x64xf32, #tpu.memory_space<hbm>>
      %dma_wait3A_168 = arith.constant 0 : i32
      %dma_wait3A_169 = tpu.memref_slice %dma_wait3A_167[%add3A_138, %dma_wait3A_168] : memref<10240x64xf32, #tpu.memory_space<hbm>> -> memref<128x64xf32, #tpu.memory_space<hbm>>
      tpu.wait_dma2 semaphore(%run_scoped3A : memref<!tpu.dma_semaphore, #tpu.memory_space<semaphore_mem>>) src(%arg10 : memref<128x64xf32, #tpu.memory_space<vmem>>) dst(%dma_wait3A_169 : memref<128x64xf32, #tpu.memory_space<hbm>>)
      tpu.yield
    }) : () -> ()
    %mul3A_139 = arith.constant 640 : i32
    %mul3A_140 = arith.muli %arg1, %mul3A_139 : i32
    %add3A_141 = arith.constant 384 : i32
    %add3A_142 = arith.addi %mul3A_140, %add3A_141 : i32
    "tpu.region"() ({
      %run_scoped3A = tpu.sem_alloc : memref<!tpu.dma_semaphore, #tpu.memory_space<semaphore_mem>>
      %dma_start3A_147 = arith.constant 0 : i32
      %dma_start3A_148 = tpu.memref_slice %arg11[%add3A_142, %dma_start3A_147] : memref<10240x64xf32, #tpu.memory_space<vmem_shared>> -> memref<128x64xf32, #tpu.memory_space<vmem_shared>>
      %dma_start3A_149 = arith.constant 0 : i32
      %dma_start3A_150 = tpu.memref_slice %arg11[%add3A_142, %dma_start3A_149] : memref<10240x64xf32, #tpu.memory_space<vmem_shared>> -> memref<128x64xf32, #tpu.memory_space<vmem_shared>>
      tpu.enqueue_dma source(%dma_start3A_150 : memref<128x64xf32, #tpu.memory_space<vmem_shared>>) target(%arg10 : memref<128x64xf32, #tpu.memory_space<vmem>>) target_semaphore(%run_scoped3A : memref<!tpu.dma_semaphore, #tpu.memory_space<semaphore_mem>>)
      %dma_wait3A = arith.constant 0 : i32
      %dma_wait3A_151 = tpu.memref_slice %arg11[%add3A_142, %dma_wait3A] : memref<10240x64xf32, #tpu.memory_space<vmem_shared>> -> memref<128x64xf32, #tpu.memory_space<vmem_shared>>
      %dma_wait3A_152 = arith.constant 0 : i32
      %dma_wait3A_153 = tpu.memref_slice %arg11[%add3A_142, %dma_wait3A_152] : memref<10240x64xf32, #tpu.memory_space<vmem_shared>> -> memref<128x64xf32, #tpu.memory_space<vmem_shared>>
      tpu.wait_dma2 semaphore(%run_scoped3A : memref<!tpu.dma_semaphore, #tpu.memory_space<semaphore_mem>>) src(%dma_wait3A_153 : memref<128x64xf32, #tpu.memory_space<vmem_shared>>) dst(%arg10 : memref<128x64xf32, #tpu.memory_space<vmem>>)
      tpu.yield
    }) : () -> ()
    "tpu.region"() ({
      %run_scoped3A = tpu.sem_alloc : memref<!tpu.dma_semaphore, #tpu.memory_space<semaphore_mem>>
      %dma_start3A_147 = arith.constant 0 : i32
      %dma_start3A_148 = arith.constant 0 : i32
      %dma_start3A_149 = tpu.memref_slice %arg6[%arg0, %dma_start3A_147, %dma_start3A_148] : memref<2x10240x64xf32, #tpu.memory_space<hbm>> -> memref<1x10240x64xf32, #tpu.memory_space<hbm>>
      %dma_start3A_150 = tpu.memref_squeeze %dma_start3A_149 : memref<1x10240x64xf32, #tpu.memory_space<hbm>> -> memref<10240x64xf32, #tpu.memory_space<hbm>>
      %dma_start3A_151 = arith.constant 0 : i32
      %dma_start3A_152 = tpu.memref_slice %dma_start3A_150[%add3A_142, %dma_start3A_151] : memref<10240x64xf32, #tpu.memory_space<hbm>> -> memref<128x64xf32, #tpu.memory_space<hbm>>
      %dma_start3A_153 = arith.constant 0 : i32
      %dma_start3A_154 = arith.constant 0 : i32
      %dma_start3A_155 = tpu.memref_slice %arg6[%arg0, %dma_start3A_153, %dma_start3A_154] : memref<2x10240x64xf32, #tpu.memory_space<hbm>> -> memref<1x10240x64xf32, #tpu.memory_space<hbm>>
      %dma_start3A_156 = tpu.memref_squeeze %dma_start3A_155 : memref<1x10240x64xf32, #tpu.memory_space<hbm>> -> memref<10240x64xf32, #tpu.memory_space<hbm>>
      %dma_start3A_157 = arith.constant 0 : i32
      %dma_start3A_158 = tpu.memref_slice %dma_start3A_156[%add3A_142, %dma_start3A_157] : memref<10240x64xf32, #tpu.memory_space<hbm>> -> memref<128x64xf32, #tpu.memory_space<hbm>>
      tpu.enqueue_dma source(%arg10 : memref<128x64xf32, #tpu.memory_space<vmem>>) target(%dma_start3A_158 : memref<128x64xf32, #tpu.memory_space<hbm>>) target_semaphore(%run_scoped3A : memref<!tpu.dma_semaphore, #tpu.memory_space<semaphore_mem>>)
      %dma_wait3A = arith.constant 0 : i32
      %dma_wait3A_159 = arith.constant 0 : i32
      %dma_wait3A_160 = tpu.memref_slice %arg6[%arg0, %dma_wait3A, %dma_wait3A_159] : memref<2x10240x64xf32, #tpu.memory_space<hbm>> -> memref<1x10240x64xf32, #tpu.memory_space<hbm>>
      %dma_wait3A_161 = tpu.memref_squeeze %dma_wait3A_160 : memref<1x10240x64xf32, #tpu.memory_space<hbm>> -> memref<10240x64xf32, #tpu.memory_space<hbm>>
      %dma_wait3A_162 = arith.constant 0 : i32
      %dma_wait3A_163 = tpu.memref_slice %dma_wait3A_161[%add3A_142, %dma_wait3A_162] : memref<10240x64xf32, #tpu.memory_space<hbm>> -> memref<128x64xf32, #tpu.memory_space<hbm>>
      %dma_wait3A_164 = arith.constant 0 : i32
      %dma_wait3A_165 = arith.constant 0 : i32
      %dma_wait3A_166 = tpu.memref_slice %arg6[%arg0, %dma_wait3A_164, %dma_wait3A_165] : memref<2x10240x64xf32, #tpu.memory_space<hbm>> -> memref<1x10240x64xf32, #tpu.memory_space<hbm>>
      %dma_wait3A_167 = tpu.memref_squeeze %dma_wait3A_166 : memref<1x10240x64xf32, #tpu.memory_space<hbm>> -> memref<10240x64xf32, #tpu.memory_space<hbm>>
      %dma_wait3A_168 = arith.constant 0 : i32
      %dma_wait3A_169 = tpu.memref_slice %dma_wait3A_167[%add3A_142, %dma_wait3A_168] : memref<10240x64xf32, #tpu.memory_space<hbm>> -> memref<128x64xf32, #tpu.memory_space<hbm>>
      tpu.wait_dma2 semaphore(%run_scoped3A : memref<!tpu.dma_semaphore, #tpu.memory_space<semaphore_mem>>) src(%arg10 : memref<128x64xf32, #tpu.memory_space<vmem>>) dst(%dma_wait3A_169 : memref<128x64xf32, #tpu.memory_space<hbm>>)
      tpu.yield
    }) : () -> ()
    %mul3A_143 = arith.constant 640 : i32
    %mul3A_144 = arith.muli %arg1, %mul3A_143 : i32
    %add3A_145 = arith.constant 512 : i32
    %add3A_146 = arith.addi %mul3A_144, %add3A_145 : i32
    "tpu.region"() ({
      %run_scoped3A = tpu.sem_alloc : memref<!tpu.dma_semaphore, #tpu.memory_space<semaphore_mem>>
      %dma_start3A_147 = arith.constant 0 : i32
      %dma_start3A_148 = tpu.memref_slice %arg11[%add3A_146, %dma_start3A_147] : memref<10240x64xf32, #tpu.memory_space<vmem_shared>> -> memref<128x64xf32, #tpu.memory_space<vmem_shared>>
      %dma_start3A_149 = arith.constant 0 : i32
      %dma_start3A_150 = tpu.memref_slice %arg11[%add3A_146, %dma_start3A_149] : memref<10240x64xf32, #tpu.memory_space<vmem_shared>> -> memref<128x64xf32, #tpu.memory_space<vmem_shared>>
      tpu.enqueue_dma source(%dma_start3A_150 : memref<128x64xf32, #tpu.memory_space<vmem_shared>>) target(%arg10 : memref<128x64xf32, #tpu.memory_space<vmem>>) target_semaphore(%run_scoped3A : memref<!tpu.dma_semaphore, #tpu.memory_space<semaphore_mem>>)
      %dma_wait3A = arith.constant 0 : i32
      %dma_wait3A_151 = tpu.memref_slice %arg11[%add3A_146, %dma_wait3A] : memref<10240x64xf32, #tpu.memory_space<vmem_shared>> -> memref<128x64xf32, #tpu.memory_space<vmem_shared>>
      %dma_wait3A_152 = arith.constant 0 : i32
      %dma_wait3A_153 = tpu.memref_slice %arg11[%add3A_146, %dma_wait3A_152] : memref<10240x64xf32, #tpu.memory_space<vmem_shared>> -> memref<128x64xf32, #tpu.memory_space<vmem_shared>>
      tpu.wait_dma2 semaphore(%run_scoped3A : memref<!tpu.dma_semaphore, #tpu.memory_space<semaphore_mem>>) src(%dma_wait3A_153 : memref<128x64xf32, #tpu.memory_space<vmem_shared>>) dst(%arg10 : memref<128x64xf32, #tpu.memory_space<vmem>>)
      tpu.yield
    }) : () -> ()
    "tpu.region"() ({
      %run_scoped3A = tpu.sem_alloc : memref<!tpu.dma_semaphore, #tpu.memory_space<semaphore_mem>>
      %dma_start3A_147 = arith.constant 0 : i32
      %dma_start3A_148 = arith.constant 0 : i32
      %dma_start3A_149 = tpu.memref_slice %arg6[%arg0, %dma_start3A_147, %dma_start3A_148] : memref<2x10240x64xf32, #tpu.memory_space<hbm>> -> memref<1x10240x64xf32, #tpu.memory_space<hbm>>
      %dma_start3A_150 = tpu.memref_squeeze %dma_start3A_149 : memref<1x10240x64xf32, #tpu.memory_space<hbm>> -> memref<10240x64xf32, #tpu.memory_space<hbm>>
      %dma_start3A_151 = arith.constant 0 : i32
      %dma_start3A_152 = tpu.memref_slice %dma_start3A_150[%add3A_146, %dma_start3A_151] : memref<10240x64xf32, #tpu.memory_space<hbm>> -> memref<128x64xf32, #tpu.memory_space<hbm>>
      %dma_start3A_153 = arith.constant 0 : i32
      %dma_start3A_154 = arith.constant 0 : i32
      %dma_start3A_155 = tpu.memref_slice %arg6[%arg0, %dma_start3A_153, %dma_start3A_154] : memref<2x10240x64xf32, #tpu.memory_space<hbm>> -> memref<1x10240x64xf32, #tpu.memory_space<hbm>>
      %dma_start3A_156 = tpu.memref_squeeze %dma_start3A_155 : memref<1x10240x64xf32, #tpu.memory_space<hbm>> -> memref<10240x64xf32, #tpu.memory_space<hbm>>
      %dma_start3A_157 = arith.constant 0 : i32
      %dma_start3A_158 = tpu.memref_slice %dma_start3A_156[%add3A_146, %dma_start3A_157] : memref<10240x64xf32, #tpu.memory_space<hbm>> -> memref<128x64xf32, #tpu.memory_space<hbm>>
      tpu.enqueue_dma source(%arg10 : memref<128x64xf32, #tpu.memory_space<vmem>>) target(%dma_start3A_158 : memref<128x64xf32, #tpu.memory_space<hbm>>) target_semaphore(%run_scoped3A : memref<!tpu.dma_semaphore, #tpu.memory_space<semaphore_mem>>)
      %dma_wait3A = arith.constant 0 : i32
      %dma_wait3A_159 = arith.constant 0 : i32
      %dma_wait3A_160 = tpu.memref_slice %arg6[%arg0, %dma_wait3A, %dma_wait3A_159] : memref<2x10240x64xf32, #tpu.memory_space<hbm>> -> memref<1x10240x64xf32, #tpu.memory_space<hbm>>
      %dma_wait3A_161 = tpu.memref_squeeze %dma_wait3A_160 : memref<1x10240x64xf32, #tpu.memory_space<hbm>> -> memref<10240x64xf32, #tpu.memory_space<hbm>>
      %dma_wait3A_162 = arith.constant 0 : i32
      %dma_wait3A_163 = tpu.memref_slice %dma_wait3A_161[%add3A_146, %dma_wait3A_162] : memref<10240x64xf32, #tpu.memory_space<hbm>> -> memref<128x64xf32, #tpu.memory_space<hbm>>
      %dma_wait3A_164 = arith.constant 0 : i32
      %dma_wait3A_165 = arith.constant 0 : i32
      %dma_wait3A_166 = tpu.memref_slice %arg6[%arg0, %dma_wait3A_164, %dma_wait3A_165] : memref<2x10240x64xf32, #tpu.memory_space<hbm>> -> memref<1x10240x64xf32, #tpu.memory_space<hbm>>
      %dma_wait3A_167 = tpu.memref_squeeze %dma_wait3A_166 : memref<1x10240x64xf32, #tpu.memory_space<hbm>> -> memref<10240x64xf32, #tpu.memory_space<hbm>>
      %dma_wait3A_168 = arith.constant 0 : i32
      %dma_wait3A_169 = tpu.memref_slice %dma_wait3A_167[%add3A_146, %dma_wait3A_168] : memref<10240x64xf32, #tpu.memory_space<hbm>> -> memref<128x64xf32, #tpu.memory_space<hbm>>
      tpu.wait_dma2 semaphore(%run_scoped3A : memref<!tpu.dma_semaphore, #tpu.memory_space<semaphore_mem>>) src(%arg10 : memref<128x64xf32, #tpu.memory_space<vmem>>) dst(%dma_wait3A_169 : memref<128x64xf32, #tpu.memory_space<hbm>>)
      tpu.yield
    }) : () -> ()
    return
  }
}

module attributes {stable_mosaic.version = 14 : i64} {
  func.func @_tc_mm_body(%arg0: i32, %arg1: memref<2000x128xf32, #tpu.memory_space<vmem>>, %arg2: memref<128x64xf32, #tpu.memory_space<vmem>>, %arg3: memref<2000x64xf32, #tpu.memory_space<vmem>>) attributes {dimension_semantics = [#tpu.dimension_semantics<arbitrary>], iteration_bounds = array<i64: 5>, scalar_prefetch = 0 : i64, scratch_operands = 0 : i64, tpu.core_type = #tpu.core_type<tc>, window_params = [{transform_indices = @transform_0, window_bounds = array<i64: 2000, 128>}, {pipeline_mode = #tpu.pipeline_mode<synchronous>, transform_indices = @transform_1, window_bounds = array<i64: 128, 64>}, {transform_indices = @transform_2, window_bounds = array<i64: 2000, 64>}]} {
    %get3A = arith.constant 0 : index
    %get3A_0 = arith.constant 0 : index
    %get3A_1 = vector.load %arg1[%get3A, %get3A_0] : memref<2000x128xf32, #tpu.memory_space<vmem>>, vector<2000x128xf32>
    %get3A_2 = arith.constant 0 : index
    %get3A_3 = arith.constant 0 : index
    %get3A_4 = vector.load %arg2[%get3A_2, %get3A_3] : memref<128x64xf32, #tpu.memory_space<vmem>>, vector<128x64xf32>
    %dot_general3A = arith.constant dense<0.000000e+00> : vector<2000x64xf32>
    %dot_general3A_5 = tpu.matmul %get3A_1, %get3A_4, %dot_general3A {dimension_numbers = #tpu.dot_dimension_numbers<[1], [0], [0], [1], [0, 0, 1, 1], [], []>, transpose_lhs_hint = false} : vector<2000x128xf32>, vector<128x64xf32>, vector<2000x64xf32> -> vector<2000x64xf32>
    %swap3A = arith.constant 0 : index
    %swap3A_6 = arith.constant 0 : index
    %swap3A_7 = vector.load %arg3[%swap3A, %swap3A_6] : memref<2000x64xf32, #tpu.memory_space<vmem>>, vector<2000x64xf32>
    tpu.vector_store %arg3[%swap3A, %swap3A_6], %dot_general3A_5 {strides = array<i32>} : memref<2000x64xf32, #tpu.memory_space<vmem>>, vector<2000x64xf32>,
    return
  }
  func.func @transform_0(%arg0: i32) -> (i32, i32) {
    %c0_i32 = arith.constant 0 : i32
    %c0_i32_0 = arith.constant 0 : i32
    return %arg0, %c0_i32 : i32, i32
  }
  func.func @transform_1(%arg0: i32) -> (i32, i32) {
    %c0_i32 = arith.constant 0 : i32
    %c0_i32_0 = arith.constant 0 : i32
    %c0_i32_1 = arith.constant 0 : i32
    return %c0_i32, %c0_i32_0 : i32, i32
  }
  func.func @transform_2(%arg0: i32) -> (i32, i32) {
    %c0_i32 = arith.constant 0 : i32
    %c0_i32_0 = arith.constant 0 : i32
    return %arg0, %c0_i32 : i32, i32
  }
}

module attributes {stable_mosaic.version = 14 : i64} {
  func.func @_tc_scale_body(%arg0: i32, %arg1: memref<2000x64xf32, #tpu.memory_space<vmem>>, %arg2: memref<1x2000x16xf32, #tpu.memory_space<vmem>>, %arg3: memref<1x2000x16xf32, #tpu.memory_space<vmem>>, %arg4: memref<2000x64xf32, #tpu.memory_space<vmem>>, %arg5: memref<2000x64xf32, #tpu.memory_space<vmem>>) attributes {dimension_semantics = [#tpu.dimension_semantics<arbitrary>], iteration_bounds = array<i64: 5>, scalar_prefetch = 0 : i64, scratch_operands = 0 : i64, tpu.core_type = #tpu.core_type<tc>, window_params = [{transform_indices = @transform_0, window_bounds = array<i64: 2000, 64>}, {transform_indices = @transform_1, window_bounds = array<i64: 1, 2000, 16>}, {transform_indices = @transform_2, window_bounds = array<i64: 1, 2000, 16>}, {transform_indices = @transform_3, window_bounds = array<i64: 2000, 64>}, {transform_indices = @transform_4, window_bounds = array<i64: 2000, 64>}]} {
    %get3A = arith.constant 0 : index
    %get3A_0 = arith.constant 0 : index
    %get3A_1 = arith.constant 0 : index
    %get3A_2 = vector.load %arg2[%get3A, %get3A_0, %get3A_1] : memref<1x2000x16xf32, #tpu.memory_space<vmem>>, vector<1x2000x1xf32>
    %get3A_3 = vector.shape_cast %get3A_2 : vector<1x2000x1xf32> to vector<2000x1xf32>
    %get3A_4 = arith.constant 0 : index
    %get3A_5 = arith.constant 0 : index
    %get3A_6 = arith.constant 0 : index
    %get3A_7 = vector.load %arg3[%get3A_4, %get3A_5, %get3A_6] : memref<1x2000x16xf32, #tpu.memory_space<vmem>>, vector<1x2000x1xf32>
    %get3A_8 = vector.shape_cast %get3A_7 : vector<1x2000x1xf32> to vector<2000x1xf32>
    %add3A = arith.addf %get3A_3, %get3A_8 : vector<2000x1xf32>
    %add3A_9 = arith.constant 1.000000e+00 : f32
    %add3A_10 = vector.broadcast %add3A_9 : f32 to vector<2000x1xf32>
    %add3A_11 = arith.addf %add3A, %add3A_10 : vector<2000x1xf32>
    %rsqrt3A = math.rsqrt %add3A_11 : vector<2000x1xf32>
    %div3A = arith.constant 1.000000e+00 : f32
    %div3A_12 = vector.broadcast %div3A : f32 to vector<2000x1xf32>
    %div3A_13 = arith.divf %div3A_12, %add3A_11 : vector<2000x1xf32>
    %get3A_14 = arith.constant 0 : index
    %get3A_15 = arith.constant 0 : index
    %get3A_16 = vector.load %arg1[%get3A_14, %get3A_15] : memref<2000x64xf32, #tpu.memory_space<vmem>>, vector<2000x64xf32>
    %mul3A = vector.broadcast %rsqrt3A : vector<2000x1xf32> to vector<2000x64xf32>
    %mul3A_17 = arith.mulf %get3A_16, %mul3A : vector<2000x64xf32>
    %swap3A = arith.constant 0 : index
    %swap3A_18 = arith.constant 0 : index
    %swap3A_19 = vector.load %arg4[%swap3A, %swap3A_18] : memref<2000x64xf32, #tpu.memory_space<vmem>>, vector<2000x64xf32>
    tpu.vector_store %arg4[%swap3A, %swap3A_18], %mul3A_17 {strides = array<i32>} : memref<2000x64xf32, #tpu.memory_space<vmem>>, vector<2000x64xf32>,
    %mul3A_20 = vector.broadcast %div3A_13 : vector<2000x1xf32> to vector<2000x64xf32>
    %mul3A_21 = arith.mulf %get3A_16, %mul3A_20 : vector<2000x64xf32>
    %swap3A_22 = arith.constant 0 : index
    %swap3A_23 = arith.constant 0 : index
    %swap3A_24 = vector.load %arg5[%swap3A_22, %swap3A_23] : memref<2000x64xf32, #tpu.memory_space<vmem>>, vector<2000x64xf32>
    tpu.vector_store %arg5[%swap3A_22, %swap3A_23], %mul3A_21 {strides = array<i32>} : memref<2000x64xf32, #tpu.memory_space<vmem>>, vector<2000x64xf32>,
    return
  }
  func.func @transform_0(%arg0: i32) -> (i32, i32) {
    %c0_i32 = arith.constant 0 : i32
    %c0_i32_0 = arith.constant 0 : i32
    return %arg0, %c0_i32 : i32, i32
  }
  func.func @transform_1(%arg0: i32) -> (i32, i32, i32) {
    %c0_i32 = arith.constant 0 : i32
    %c0_i32_0 = arith.constant 0 : i32
    %c0_i32_1 = arith.constant 0 : i32
    return %c0_i32, %arg0, %c0_i32_0 : i32, i32, i32
  }
  func.func @transform_2(%arg0: i32) -> (i32, i32, i32) {
    %c1_i32 = arith.constant 1 : i32
    %c0_i32 = arith.constant 0 : i32
    %c0_i32_0 = arith.constant 0 : i32
    return %c1_i32, %arg0, %c0_i32 : i32, i32, i32
  }
  func.func @transform_3(%arg0: i32) -> (i32, i32) {
    %c0_i32 = arith.constant 0 : i32
    %c0_i32_0 = arith.constant 0 : i32
    return %arg0, %c0_i32 : i32, i32
  }
  func.func @transform_4(%arg0: i32) -> (i32, i32) {
    %c0_i32 = arith.constant 0 : i32
    %c0_i32_0 = arith.constant 0 : i32
    return %arg0, %c0_i32 : i32, i32
  }
}

module attributes {stable_mosaic.version = 14 : i64} {
  func.func @_tc_b_body(%arg0: i32, %arg1: memref<1x2000x64xf32, #tpu.memory_space<vmem>>, %arg2: memref<1x2000x64xf32, #tpu.memory_space<vmem>>, %arg3: memref<1x2000x16xf32, #tpu.memory_space<vmem>>, %arg4: memref<1x2000x16xf32, #tpu.memory_space<vmem>>, %arg5: memref<2000x64xf32, #tpu.memory_space<vmem>>, %arg6: memref<1x64xf32, #tpu.memory_space<vmem>>, %arg7: memref<2000x64xf32, #tpu.memory_space<vmem>>, %arg8: memref<2000x64xf32, #tpu.memory_space<vmem>>) attributes {dimension_semantics = [#tpu.dimension_semantics<arbitrary>], iteration_bounds = array<i64: 5>, scalar_prefetch = 0 : i64, scratch_operands = 0 : i64, tpu.core_type = #tpu.core_type<tc>, window_params = [{transform_indices = @transform_0, window_bounds = array<i64: 1, 2000, 64>}, {transform_indices = @transform_1, window_bounds = array<i64: 1, 2000, 64>}, {transform_indices = @transform_2, window_bounds = array<i64: 1, 2000, 16>}, {transform_indices = @transform_3, window_bounds = array<i64: 1, 2000, 16>}, {transform_indices = @transform_4, window_bounds = array<i64: 2000, 64>}, {pipeline_mode = #tpu.pipeline_mode<synchronous>, transform_indices = @transform_5, window_bounds = array<i64: 1, 64>}, {transform_indices = @transform_6, window_bounds = array<i64: 2000, 64>}, {transform_indices = @transform_7, window_bounds = array<i64: 2000, 64>}]} {
    %get3A = arith.constant 0 : index
    %get3A_0 = arith.constant 0 : index
    %get3A_1 = arith.constant 0 : index
    %get3A_2 = vector.load %arg3[%get3A, %get3A_0, %get3A_1] : memref<1x2000x16xf32, #tpu.memory_space<vmem>>, vector<1x2000x1xf32>
    %get3A_3 = vector.shape_cast %get3A_2 : vector<1x2000x1xf32> to vector<2000x1xf32>
    %get3A_4 = arith.constant 0 : index
    %get3A_5 = arith.constant 0 : index
    %get3A_6 = arith.constant 0 : index
    %get3A_7 = vector.load %arg4[%get3A_4, %get3A_5, %get3A_6] : memref<1x2000x16xf32, #tpu.memory_space<vmem>>, vector<1x2000x1xf32>
    %get3A_8 = vector.shape_cast %get3A_7 : vector<1x2000x1xf32> to vector<2000x1xf32>
    %add3A = arith.addf %get3A_3, %get3A_8 : vector<2000x1xf32>
    %add3A_9 = arith.constant 1.000000e+00 : f32
    %add3A_10 = vector.broadcast %add3A_9 : f32 to vector<2000x1xf32>
    %add3A_11 = arith.addf %add3A, %add3A_10 : vector<2000x1xf32>
    %rsqrt3A = math.rsqrt %add3A_11 : vector<2000x1xf32>
    %div3A = arith.constant 1.000000e+00 : f32
    %div3A_12 = vector.broadcast %div3A : f32 to vector<2000x1xf32>
    %div3A_13 = arith.divf %div3A_12, %add3A_11 : vector<2000x1xf32>
    %get3A_14 = arith.constant 0 : index
    %get3A_15 = arith.constant 0 : index
    %get3A_16 = arith.constant 0 : index
    %get3A_17 = vector.load %arg1[%get3A_14, %get3A_15, %get3A_16] : memref<1x2000x64xf32, #tpu.memory_space<vmem>>, vector<1x2000x64xf32>
    %get3A_18 = vector.shape_cast %get3A_17 : vector<1x2000x64xf32> to vector<2000x64xf32>
    %get3A_19 = arith.constant 0 : index
    %get3A_20 = arith.constant 0 : index
    %get3A_21 = arith.constant 0 : index
    %get3A_22 = vector.load %arg2[%get3A_19, %get3A_20, %get3A_21] : memref<1x2000x64xf32, #tpu.memory_space<vmem>>, vector<1x2000x64xf32>
    %get3A_23 = vector.shape_cast %get3A_22 : vector<1x2000x64xf32> to vector<2000x64xf32>
    %add3A_24 = arith.addf %get3A_18, %get3A_23 : vector<2000x64xf32>
    %mul3A = vector.broadcast %rsqrt3A : vector<2000x1xf32> to vector<2000x64xf32>
    %mul3A_25 = arith.mulf %mul3A, %add3A_24 : vector<2000x64xf32>
    %get3A_26 = arith.constant 0 : index
    %get3A_27 = arith.constant 0 : index
    %get3A_28 = vector.load %arg5[%get3A_26, %get3A_27] : memref<2000x64xf32, #tpu.memory_space<vmem>>, vector<2000x64xf32>
    %add3A_29 = arith.addf %mul3A_25, %get3A_28 : vector<2000x64xf32>
    %get3A_30 = arith.constant 0 : index
    %get3A_31 = arith.constant 0 : index
    %get3A_32 = vector.load %arg6[%get3A_30, %get3A_31] : memref<1x64xf32, #tpu.memory_space<vmem>>, vector<1x64xf32>
    %add3A_33 = vector.broadcast %get3A_32 : vector<1x64xf32> to vector<2000x64xf32>
    %add3A_34 = arith.addf %add3A_29, %add3A_33 : vector<2000x64xf32>
    %max3A = arith.constant 0.000000e+00 : f32
    %max3A_35 = vector.broadcast %max3A : f32 to vector<2000x64xf32>
    %max3A_36 = arith.maximumf %add3A_34, %max3A_35 : vector<2000x64xf32>
    %mul3A_37 = vector.broadcast %rsqrt3A : vector<2000x1xf32> to vector<2000x64xf32>
    %mul3A_38 = arith.mulf %max3A_36, %mul3A_37 : vector<2000x64xf32>
    %swap3A = arith.constant 0 : index
    %swap3A_39 = arith.constant 0 : index
    %swap3A_40 = vector.load %arg7[%swap3A, %swap3A_39] : memref<2000x64xf32, #tpu.memory_space<vmem>>, vector<2000x64xf32>
    tpu.vector_store %arg7[%swap3A, %swap3A_39], %mul3A_38 {strides = array<i32>} : memref<2000x64xf32, #tpu.memory_space<vmem>>, vector<2000x64xf32>,
    %mul3A_41 = vector.broadcast %div3A_13 : vector<2000x1xf32> to vector<2000x64xf32>
    %mul3A_42 = arith.mulf %max3A_36, %mul3A_41 : vector<2000x64xf32>
    %swap3A_43 = arith.constant 0 : index
    %swap3A_44 = arith.constant 0 : index
    %swap3A_45 = vector.load %arg8[%swap3A_43, %swap3A_44] : memref<2000x64xf32, #tpu.memory_space<vmem>>, vector<2000x64xf32>
    tpu.vector_store %arg8[%swap3A_43, %swap3A_44], %mul3A_42 {strides = array<i32>} : memref<2000x64xf32, #tpu.memory_space<vmem>>, vector<2000x64xf32>,
    return
  }
  func.func @transform_0(%arg0: i32) -> (i32, i32, i32) {
    %c0_i32 = arith.constant 0 : i32
    %c0_i32_0 = arith.constant 0 : i32
    %c0_i32_1 = arith.constant 0 : i32
    return %c0_i32, %arg0, %c0_i32_0 : i32, i32, i32
  }
  func.func @transform_1(%arg0: i32) -> (i32, i32, i32) {
    %c1_i32 = arith.constant 1 : i32
    %c0_i32 = arith.constant 0 : i32
    %c0_i32_0 = arith.constant 0 : i32
    return %c1_i32, %arg0, %c0_i32 : i32, i32, i32
  }
  func.func @transform_2(%arg0: i32) -> (i32, i32, i32) {
    %c0_i32 = arith.constant 0 : i32
    %c0_i32_0 = arith.constant 0 : i32
    %c0_i32_1 = arith.constant 0 : i32
    return %c0_i32, %arg0, %c0_i32_0 : i32, i32, i32
  }
  func.func @transform_3(%arg0: i32) -> (i32, i32, i32) {
    %c1_i32 = arith.constant 1 : i32
    %c0_i32 = arith.constant 0 : i32
    %c0_i32_0 = arith.constant 0 : i32
    return %c1_i32, %arg0, %c0_i32 : i32, i32, i32
  }
  func.func @transform_4(%arg0: i32) -> (i32, i32) {
    %c0_i32 = arith.constant 0 : i32
    %c0_i32_0 = arith.constant 0 : i32
    return %arg0, %c0_i32 : i32, i32
  }
  func.func @transform_5(%arg0: i32) -> (i32, i32) {
    %c0_i32 = arith.constant 0 : i32
    %c0_i32_0 = arith.constant 0 : i32
    %c0_i32_1 = arith.constant 0 : i32
    return %c0_i32, %c0_i32_0 : i32, i32
  }
  func.func @transform_6(%arg0: i32) -> (i32, i32) {
    %c0_i32 = arith.constant 0 : i32
    %c0_i32_0 = arith.constant 0 : i32
    return %arg0, %c0_i32 : i32, i32
  }
  func.func @transform_7(%arg0: i32) -> (i32, i32) {
    %c0_i32 = arith.constant 0 : i32
    %c0_i32_0 = arith.constant 0 : i32
    return %arg0, %c0_i32 : i32, i32
  }
}

module attributes {stable_mosaic.version = 14 : i64} {
  func.func @_tc_c_body(%arg0: i32, %arg1: memref<1x2000x64xf32, #tpu.memory_space<vmem>>, %arg2: memref<1x2000x64xf32, #tpu.memory_space<vmem>>, %arg3: memref<1x2000x16xf32, #tpu.memory_space<vmem>>, %arg4: memref<1x2000x16xf32, #tpu.memory_space<vmem>>, %arg5: memref<2000x64xf32, #tpu.memory_space<vmem>>, %arg6: memref<64x128xf32, #tpu.memory_space<vmem>>, %arg7: memref<1x128xf32, #tpu.memory_space<vmem>>, %arg8: memref<2000x128xf32, #tpu.memory_space<vmem>>) attributes {dimension_semantics = [#tpu.dimension_semantics<arbitrary>], iteration_bounds = array<i64: 5>, scalar_prefetch = 0 : i64, scratch_operands = 0 : i64, tpu.core_type = #tpu.core_type<tc>, window_params = [{transform_indices = @transform_0, window_bounds = array<i64: 1, 2000, 64>}, {transform_indices = @transform_1, window_bounds = array<i64: 1, 2000, 64>}, {transform_indices = @transform_2, window_bounds = array<i64: 1, 2000, 16>}, {transform_indices = @transform_3, window_bounds = array<i64: 1, 2000, 16>}, {transform_indices = @transform_4, window_bounds = array<i64: 2000, 64>}, {pipeline_mode = #tpu.pipeline_mode<synchronous>, transform_indices = @transform_5, window_bounds = array<i64: 64, 128>}, {pipeline_mode = #tpu.pipeline_mode<synchronous>, transform_indices = @transform_6, window_bounds = array<i64: 1, 128>}, {transform_indices = @transform_7, window_bounds = array<i64: 2000, 128>}]} {
    %get3A = arith.constant 0 : index
    %get3A_0 = arith.constant 0 : index
    %get3A_1 = arith.constant 0 : index
    %get3A_2 = vector.load %arg3[%get3A, %get3A_0, %get3A_1] : memref<1x2000x16xf32, #tpu.memory_space<vmem>>, vector<1x2000x1xf32>
    %get3A_3 = vector.shape_cast %get3A_2 : vector<1x2000x1xf32> to vector<2000x1xf32>
    %get3A_4 = arith.constant 0 : index
    %get3A_5 = arith.constant 0 : index
    %get3A_6 = arith.constant 0 : index
    %get3A_7 = vector.load %arg4[%get3A_4, %get3A_5, %get3A_6] : memref<1x2000x16xf32, #tpu.memory_space<vmem>>, vector<1x2000x1xf32>
    %get3A_8 = vector.shape_cast %get3A_7 : vector<1x2000x1xf32> to vector<2000x1xf32>
    %add3A = arith.addf %get3A_3, %get3A_8 : vector<2000x1xf32>
    %add3A_9 = arith.constant 1.000000e+00 : f32
    %add3A_10 = vector.broadcast %add3A_9 : f32 to vector<2000x1xf32>
    %add3A_11 = arith.addf %add3A, %add3A_10 : vector<2000x1xf32>
    %rsqrt3A = math.rsqrt %add3A_11 : vector<2000x1xf32>
    %get3A_12 = arith.constant 0 : index
    %get3A_13 = arith.constant 0 : index
    %get3A_14 = arith.constant 0 : index
    %get3A_15 = vector.load %arg1[%get3A_12, %get3A_13, %get3A_14] : memref<1x2000x64xf32, #tpu.memory_space<vmem>>, vector<1x2000x64xf32>
    %get3A_16 = vector.shape_cast %get3A_15 : vector<1x2000x64xf32> to vector<2000x64xf32>
    %get3A_17 = arith.constant 0 : index
    %get3A_18 = arith.constant 0 : index
    %get3A_19 = arith.constant 0 : index
    %get3A_20 = vector.load %arg2[%get3A_17, %get3A_18, %get3A_19] : memref<1x2000x64xf32, #tpu.memory_space<vmem>>, vector<1x2000x64xf32>
    %get3A_21 = vector.shape_cast %get3A_20 : vector<1x2000x64xf32> to vector<2000x64xf32>
    %add3A_22 = arith.addf %get3A_16, %get3A_21 : vector<2000x64xf32>
    %mul3A = vector.broadcast %rsqrt3A : vector<2000x1xf32> to vector<2000x64xf32>
    %mul3A_23 = arith.mulf %mul3A, %add3A_22 : vector<2000x64xf32>
    %get3A_24 = arith.constant 0 : index
    %get3A_25 = arith.constant 0 : index
    %get3A_26 = vector.load %arg5[%get3A_24, %get3A_25] : memref<2000x64xf32, #tpu.memory_space<vmem>>, vector<2000x64xf32>
    %add3A_27 = arith.addf %mul3A_23, %get3A_26 : vector<2000x64xf32>
    %get3A_28 = arith.constant 0 : index
    %get3A_29 = arith.constant 0 : index
    %get3A_30 = vector.load %arg6[%get3A_28, %get3A_29] : memref<64x128xf32, #tpu.memory_space<vmem>>, vector<64x128xf32>
    %dot_general3A = arith.constant dense<0.000000e+00> : vector<2000x128xf32>
    %dot_general3A_31 = tpu.matmul %add3A_27, %get3A_30, %dot_general3A {dimension_numbers = #tpu.dot_dimension_numbers<[1], [0], [0], [1], [0, 0, 1, 1], [], []>, transpose_lhs_hint = false} : vector<2000x64xf32>, vector<64x128xf32>, vector<2000x128xf32> -> vector<2000x128xf32>
    %get3A_32 = arith.constant 0 : index
    %get3A_33 = arith.constant 0 : index
    %get3A_34 = vector.load %arg7[%get3A_32, %get3A_33] : memref<1x128xf32, #tpu.memory_space<vmem>>, vector<1x128xf32>
    %add3A_35 = vector.broadcast %get3A_34 : vector<1x128xf32> to vector<2000x128xf32>
    %add3A_36 = arith.addf %dot_general3A_31, %add3A_35 : vector<2000x128xf32>
    %swap3A = arith.constant 0 : index
    %swap3A_37 = arith.constant 0 : index
    %swap3A_38 = vector.load %arg8[%swap3A, %swap3A_37] : memref<2000x128xf32, #tpu.memory_space<vmem>>, vector<2000x128xf32>
    tpu.vector_store %arg8[%swap3A, %swap3A_37], %add3A_36 {strides = array<i32>} : memref<2000x128xf32, #tpu.memory_space<vmem>>, vector<2000x128xf32>,
    return
  }
  func.func @transform_0(%arg0: i32) -> (i32, i32, i32) {
    %c0_i32 = arith.constant 0 : i32
    %c0_i32_0 = arith.constant 0 : i32
    %c0_i32_1 = arith.constant 0 : i32
    return %c0_i32, %arg0, %c0_i32_0 : i32, i32, i32
  }
  func.func @transform_1(%arg0: i32) -> (i32, i32, i32) {
    %c1_i32 = arith.constant 1 : i32
    %c0_i32 = arith.constant 0 : i32
    %c0_i32_0 = arith.constant 0 : i32
    return %c1_i32, %arg0, %c0_i32 : i32, i32, i32
  }
  func.func @transform_2(%arg0: i32) -> (i32, i32, i32) {
    %c0_i32 = arith.constant 0 : i32
    %c0_i32_0 = arith.constant 0 : i32
    %c0_i32_1 = arith.constant 0 : i32
    return %c0_i32, %arg0, %c0_i32_0 : i32, i32, i32
  }
  func.func @transform_3(%arg0: i32) -> (i32, i32, i32) {
    %c1_i32 = arith.constant 1 : i32
    %c0_i32 = arith.constant 0 : i32
    %c0_i32_0 = arith.constant 0 : i32
    return %c1_i32, %arg0, %c0_i32 : i32, i32, i32
  }
  func.func @transform_4(%arg0: i32) -> (i32, i32) {
    %c0_i32 = arith.constant 0 : i32
    %c0_i32_0 = arith.constant 0 : i32
    return %arg0, %c0_i32 : i32, i32
  }
  func.func @transform_5(%arg0: i32) -> (i32, i32) {
    %c0_i32 = arith.constant 0 : i32
    %c0_i32_0 = arith.constant 0 : i32
    %c0_i32_1 = arith.constant 0 : i32
    return %c0_i32, %c0_i32_0 : i32, i32
  }
  func.func @transform_6(%arg0: i32) -> (i32, i32) {
    %c0_i32 = arith.constant 0 : i32
    %c0_i32_0 = arith.constant 0 : i32
    %c0_i32_1 = arith.constant 0 : i32
    return %c0_i32, %c0_i32_0 : i32, i32
  }
  func.func @transform_7(%arg0: i32) -> (i32, i32) {
    %c0_i32 = arith.constant 0 : i32
    %c0_i32_0 = arith.constant 0 : i32
    return %arg0, %c0_i32 : i32, i32
  }
}

</mosaic_0001>

<sc_bundles>
// kernel: kernel.12.cloned.1.call-start
scs
__scs_entry_jumppad:
0x0: {  	(pc) =	sbr.rel $0x88, $3  }
0x1: {  	(tag) =	ssettag $0x0;
	lr =	simm.s32 $0x1  }
0x2: {  	[smem:$0x3F9B] =	sst lr;
	_ =	strace $0xD0000000  }
0x3: {  	_ = 	snop  }
0x4: {  	_ = 	snop  }
0x5: {  	_ = 	snop  }
0x6: {  	_ = 	snop  }
0x7: {  	_ = 	snop  }
__scs_overlays_trampoline_lowered:
0x8: {  	[smem:$0x3FAA] =	sst s0  }
0x9: {  	[smem:$0x3FAB] =	sst s1  }
0xa: {  	[smem:$0x3FAC] =	sst s2  }
0xb: {  	[smem:$0x3FAD] =	sst s3  }
0xc: {  	[smem:$0x3FAE] =	sst s4  }
0xd: {  	[smem:$0x3FAF] =	sst s5  }
0xe: {  	[smem:$0x3FB0] =	sst s6  }
0xf: {  	[smem:$0x3FB1] =	sst s7  }
0x10: {  	[smem:$0x3FB2] =	sst s8  }
0x11: {  	[smem:$0x3FB3] =	sst s9;
	s0 =	simm.s32 @!p0 $0x0  }
0x12: {  	s1 =	sld [smem:$0x3F99];
	s0 =	simm.s32 @p0 $0x1  }
0x13: {  	[smem:$0x3FB4] =	sst s0;
	s0 =	simm.s32 @!p1 $0x0  }
0x14: {  	s2 =	sld [smem:$0x3F98];
	s0 =	simm.s32 @p1 $0x1  }
0x15: {  	[smem:$0x3FB5] =	sst s0;
	s0 =	simm.s32 @!p2 $0x0  }
0x16: {  	s3 =	sld [smem:$0x3FDB];
	s0 =	simm.s32 @p2 $0x1  }
0x17: {  	s4 =	simm.s32 $0x1BF5;
	[smem:$0x3FB7] =	sst s0  }
0x18: {  	s0 =	sld [smem:$0x3F9A];
	_ =	swait.ge [sflag:s4], $0x0  }
0x19: {  	s7 =	sld [smem:$0x3F9B]  }
0x1a: {  	s8 =	sadd.s32 $0xFFFFE003, lr  }
0x1b: {  	s9 =	sadd.s32 $0xFFFFFEF7, lr;
	s5 =	simm.s32 $0xFFFFFFFF;
	p2 =	slt.u32 s8, $0xFFFFF086  }
0x1c: {  	p1 =	slt.u32 s9, $0xF7A;
	s5 =	simm.s32 @!p2 $0x0  }
0x1d: {  	s5 =	simm.s32 @p1 $0x1;
	p0 =	seq.s32 s7, s2  }
0x1e: {  	s7 =	smul.u32 @!p0 $0xF7A, s2;
	p2 =	seq.s32 @!p0 s5, $0x0  }
0x1f: {  	s9 =	smul.u32 $0xF7A, s1;
	s8 =	simm.s32 @!p0 $0x1BF5;
	p2 =	por !p2, p0  }
0x20: {  	[sflag:s8] =	ssyncset.s32 @!p0 $0xFFFFF086;
	s6 =	sadd.s32 @!p0 s3, s7;
	s7 =	simm.s32 @!p0 $0x108  }
0x21: {  	s3 =	sadd.s32 s3, s9;
	s6 =	sadd.s32 @!p0 $0x88, s6;
	s7 =	simm.s32 @p2 $0x1082  }
0x22: {  	[simem:s7], [sflag:s8] =	dma.local @!p0 [hbm:s6], $0xF7A  }
0x23: {  	s9 =	sor.u32 $0xD0000000, s2;
	s6 =	simm.s32 $0x108;
	_ =	swait.ge @!p0 [sflag:s8], $0x0  }
0x24: {  	s3 =	sadd.s32 $0x88, s3;
	s6 =	simm.s32 @!p1 $0x1082;
	[sflag:s4] =	ssyncset.s32 $0xFFFFF086  }
0x25: {  	[simem:s6], [sflag:s4] =	dma.local [hbm:s3], $0xF7A  }
0x26: {  	[smem:$0x3F9B] =	sst s1;
	(tag) =	ssettag s2;
	_ =	strace s9  }
0x27: {  	s1 =	sld [smem:$0x3FAB]  }
0x28: {  	s2 =	sld [smem:$0x3FAC]  }
0x29: {  	s4 =	sld [smem:$0x3FAE]  }
0x2a: {  	p0 =	seq.s32 s5, $0x0;
	s5 =	sld [smem:$0x3FAF]  }
0x2b: {  	s6 =	sld [smem:$0x3FB0]  }
0x2c: {  	s7 =	sld [smem:$0x3FB1]  }
0x2d: {  	s3 =	simm.s32 $0x108;
	s8 =	sld [smem:$0x3FB2]  }
0x2e: {  	s3 =	simm.s32 @!p0 $0x1082;
	s9 =	sld [smem:$0x3FB3]  }
0x2f: {  	lr =	sadd.s32 s0, s3;
	s0 =	sld [smem:$0x3FAA]  }
0x30: {  	s3 =	sld [smem:$0x3FAD]  }
0x31: {  	[smem:$0x3FB6] =	sst s10  }
0x32: {  	s10 =	sld [smem:$0x3FB4];
	_ =	sdelay $0x3  }
0x33: {  	p0 =	seq.s32 s10, $0x1;
	s10 =	sld [smem:$0x3FB6];
	_ =	sdelay $0x3  }
0x34: {  	[smem:$0x3FB6] =	sst s10  }
0x35: {  	s10 =	sld [smem:$0x3FB5];
	_ =	sdelay $0x3  }
0x36: {  	p1 =	seq.s32 s10, $0x1;
	s10 =	sld [smem:$0x3FB6];
	_ =	sdelay $0x3  }
0x37: {  	[smem:$0x3FB6] =	sst s10  }
0x38: {  	s10 =	sld [smem:$0x3FB7]  }
0x39: {  	_ = 	snop;
	(pc) =	sbr.ind lr, $3  }
0x3a: {  	_ = 	snop  }
0x3b: {  	_ = 	snop  }
0x3c: {  	p2 =	seq.s32 s10, $0x1;
	s10 =	sld [smem:$0x3FB6]  }
0x3d: {  	_ =	shalt  }
0x3e: {  	_ =	shalt  }
0x3f: {  	_ =	shalt  }
0x40: {  	_ =	shalt  }
0x41: {  	_ =	shalt  }
0x42: {  	_ =	shalt  }
0x43: {  	_ =	shalt  }
0x44: {  	_ =	shalt  }
0x45: {  	_ =	shalt  }
0x46: {  	_ =	shalt  }
0x47: {  	_ =	shalt  }
0x48: {  	_ =	shalt  }
0x49: {  	_ =	shalt  }
0x4a: {  	_ =	shalt  }
0x4b: {  	_ =	shalt  }
0x4c: {  	_ =	shalt  }
0x4d: {  	_ =	shalt  }
0x4e: {  	_ =	shalt  }
0x4f: {  	_ =	shalt  }
0x50: {  	_ =	shalt  }
0x51: {  	_ =	shalt  }
0x52: {  	_ =	shalt  }
0x53: {  	_ =	shalt  }
0x54: {  	_ =	shalt  }
0x55: {  	_ =	shalt  }
0x56: {  	_ =	shalt  }
0x57: {  	_ =	shalt  }
0x58: {  	_ =	shalt  }
0x59: {  	_ =	shalt  }
0x5a: {  	_ =	shalt  }
0x5b: {  	_ =	shalt  }
0x5c: {  	_ =	shalt  }
0x5d: {  	_ =	shalt  }
0x5e: {  	_ =	shalt  }
0x5f: {  	_ =	shalt  }
0x60: {  	_ =	shalt  }
0x61: {  	_ =	shalt  }
0x62: {  	_ =	shalt  }
0x63: {  	_ =	shalt  }
0x64: {  	_ =	shalt  }
0x65: {  	_ =	shalt  }
0x66: {  	_ =	shalt  }
0x67: {  	_ =	shalt  }
0x68: {  	_ =	shalt  }
0x69: {  	_ =	shalt  }
0x6a: {  	_ =	shalt  }
0x6b: {  	_ =	shalt  }
0x6c: {  	_ =	shalt  }
0x6d: {  	_ =	shalt  }
0x6e: {  	_ =	shalt  }
0x6f: {  	_ =	shalt  }
0x70: {  	_ =	shalt  }
0x71: {  	_ =	shalt  }
0x72: {  	_ =	shalt  }
0x73: {  	_ =	shalt  }
0x74: {  	_ =	shalt  }
0x75: {  	_ =	shalt  }
0x76: {  	_ =	shalt  }
0x77: {  	_ =	shalt  }
0x78: {  	_ =	shalt  }
0x79: {  	_ =	shalt  }
0x7a: {  	_ =	shalt  }
0x7b: {  	_ =	shalt  }
0x7c: {  	_ =	shalt  }
0x7d: {  	_ =	shalt  }
0x7e: {  	_ =	shalt  }
0x7f: {  	_ =	shalt  }
0x80: {  	_ =	shalt  }
0x81: {  	_ =	shalt  }
0x82: {  	_ =	shalt  }
0x83: {  	_ =	shalt  }
0x84: {  	_ =	shalt  }
0x85: {  	_ =	shalt  }
0x86: {  	_ =	shalt  }
0x87: {  	_ =	shalt  }
.Lfunc_end0:
.L_simem_size_0:
called_computation.1_lowered:
.L_overlay_start_0:
0x88: {  	s2 =	sld [smem:$0x3FD9]  }
0x89: {  	s3 =	sld [smem:$0x3FFE];
	_ =	sdelay $0x1  }
0x8a: {  	s1 =	srdreg.scid  }
0x8b: {  	s0 =	sand.u32 $0x1, s1  }
0x8c: {  	s17 =	sshll.u32 s0, $0xA;
	s2 =	sadd.s32 s3, s2  }
0x8d: {  	s2 =	sadd.s32 s2, s17  }
0x8e: {  	[smem:$0x3FC2] =	sst s2  }
0x8f: {  	_ = 	snop  }
0x90: {  	s2 =	sld [smem:$0x3FD0];
	(tm) =	ssettm $0x1  }
0x91: {  	s18 =	sld [smem:$0x3FFB];
	_ =	sdelay $0x3  }
0x92: {  	_ =	strace s18  }
0x93: {  	s3 =	sld [smem:$0x3FFC];
	_ =	sdelay $0x3  }
0x94: {  	_ =	strace s3  }
0x95: {  	s3 =	sld [smem:$0x3FFD];
	_ =	sdelay $0x3  }
0x96: {  	_ =	strace s3  }
0x97: {  	_ =	strace $0x8FFFFFFF  }
0x98: {  	s19 =	sld [smem:$0x3FDB];
	_ =	sdelay $0x1  }
0x99: {  	s4 =	simm.s32 $_scs_section_size  }
0x9a: {  	s5 =	simm.s32 $_size__tile_overlayer_lowered;
	s6 =	simm.s32 $_tile_overlayer_lowered  }
0x9b: {  	s22 =	simm.s32 $0x1BFF;
	s21 =	sshll.u32 s6, $0x1;
	s3 =	sadd.s32 s4, s19  }
0x9c: {  	s7 =	simm.s32 $0x0;
	s20 =	sshll.u32 s5, $0x1;
	s5 =	sadd.s32 s21, s3  }
0x9d: {  	[timem:s7], [sflag:s22] =	dma.local [hbm:s5], s20  }
0x9e: {  	_ =	swait.ge [sflag:s22], s20  }
0x9f: {  	s4 =	ssub.s32 $0x0, s20;
	[sflag:s22] =	ssyncset.done $0x0  }
0xa0: {  	[sflag:s22] =	ssyncadd.s32 s4;
	_ =	sdelay $0x1  }
0xa1: {  	s23 =	simm.s32 $0x1B8B  }
0xa2: {  	_ =	swait.ge [sflag:s23], $0x1  }
0xa3: {  	[sflag:s23] =	ssyncset.done $0x0  }
0xa4: {  	s25 =	simm.s32 $0x1B8E;
	s24 =	sld [smem:$0x3FFE];
	[sflag:s23] =	ssyncadd.s32 $0xFFFFFFFF  }
0xa5: {  	s26 =	simm.s32 $execute0_lowered;
	[smem:$0x3FD2] =	sst s25  }
0xa6: {  	s5 =	sshll.u32 s26, $0x1;
	_ =	strace $0x80000049;
	[dreg:$0x1] =	wrdreg $0xFFFFFFFF  }
0xa7: {  	s28 =	simm.s32 $_size_execute0_lowered;
	s3 =	sadd.s32 s3, s5;
	[dreg:$0x0] =	wrdreg $0x0  }
0xa8: {  	s5 =	sshll.u32 s28, $0x1;
	[dreg:$0x2] =	wrdreg s3  }
0xa9: {  	[dreg:$0x3] =	wrdreg s5  }
0xaa: {  	[dreg:$0x4] =	wrdreg $0xC0  }
0xab: {  	_ =	task [dreg:s7], $0x5FFFF  }
0xac: {  	[dreg:$0x1] =	wrdreg $0xFFFFFFFF  }
0xad: {  	[dreg:$0x0] =	wrdreg $0x60  }
0xae: {  	[dreg:$0x2] =	wrdreg s2  }
0xaf: {  	[dreg:$0x3] =	wrdreg s24  }
0xb0: {  	[dreg:$0x4] =	wrdreg $0x12F000  }
0xb1: {  	[dreg:$0x5] =	wrdreg $0x9  }
0xb2: {  	_ =	task.clear_ibuf [dreg:s7], $0x6FFFF;
	_ =	strace $0x90000049  }
0xb3: {  	s29 =	simm.s32 $0x9;
	_ =	strace $0x8000004B  }
0xb4: {  	_ =	swait.ge [sflag:s29], $0x1  }
0xb5: {  	[sflag:s29] =	ssyncadd.s32 $0xFFFFFFFF  }
0xb6: {  	_ =	strace $0x9000004B  }
0xb7: {  	_ =	sfence  }
0xb8: {  	s30 =	sld [smem:$0x0];
	_ =	sdelay $0x2  }
0xb9: {  	s31 =	sshll.u32 s1, $0xD;
	s1 =	sshrl.u32 s1, $0x2  }
0xba: {  	s3 =	sand.u32 $0x4000, s31;
	s1 =	sadd.s32 s1, s30  }
0xbb: {  	s0 =	sor.u32 s3, s0;
	s1 =	sshll.u32 s1, $0x11  }
0xbc: {  	s0 =	sor.u32 s1, s0  }
0xbd: {  	s0 =	sadd.s32 $0x8F2B, s0  }
0xbe: {  	[sflag:s0] =	ssyncadd.remote.s32 $0x1  }
0xbf: {  	_ =	sfence.sel $0xFFFF  }
0xc0: {  	[dreg:$0x0] =	wrdreg $0xFFFFFFFF;
	(pc) =	sbr.abs _section_cstart, $3  }
0xc1: {  	[dreg:$0x1] =	wrdreg $0xFFFFFFFF  }
0xc2: {  	_ =	task.clear_ibuf [dreg:s7], $0x2FFFF;
	_ =	strace $0x9FFFFFFF  }
0xc3: {  	(tm) =	ssettm $0x7FFFFFFF  }
tec
execute0_lowered:
.L_overlay_start_1:
0x0: {  	(tag) =	ssettag $0x1  }
0x1: {  	s2 =	rddreg [dreg:$0x0]  }
0x2: {  	s0 =	rddreg [dreg:$0x1]  }
0x3: {  	s3 =	rddreg [dreg:$0x2];
	s9 =	stileid.u32  }
0x4: {  	s1 =	srdreg.scid;
	s4 =	simm.s32 $0x0;
	s29 =	simm.s32 $0x200  }
0x5: {  	s30 =	simm.s32 $0xCF00;
	s31 =	simm.s32 $0x7;
	s5 =	smul.u32 $0x2780, s9  }
0x6: {  	s1 =	sand.u32 $0x1, s1;
	[smem:$0x7FF] =	sst s4;
	s13 =	smul.u32 $0xA000, s9  }
0x7: {  	p0 =	seq.s32 s1, $0x0;
	s28 =	smul.u32 $0x14000, s1;
	s1 =	ssub.s32 $0x2, s1  }
0x8: {  	_ =	strace $0x8000004A;
	s6 =	sadd.s32 $0x27800, s5;
	s8 =	sshrl.u32 s1, $0x1  }
0x9: {  	s14 =	sadd.s32 $0x2000, s13;
	s15 =	sadd.s32 $0x4000, s13;
	s16 =	sadd.s32 $0x6000, s13  }
0xa: {  	s17 =	sadd.s32 $0x8000, s13;
	s18 =	sshrl.u32 s13, $0x3;
	s6 =	smov.u32 @p0 s5  }
0xb: {  	s1 =	ssub.s32 s1, s8;
	s8 =	sadd.s32 s13, s3;
	s9 =	sadd.s32 s14, s3  }
0xc: {  	s10 =	sadd.s32 s15, s3;
	s11 =	sadd.s32 s16, s3;
	s12 =	sadd.s32 s17, s3  }
0xd: {  	s21 =	sshrl.u32 s14, $0x3;
	s22 =	sshrl.u32 s15, $0x3;
	s23 =	sshrl.u32 s16, $0x3  }
0xe: {  	s17 =	sshrl.u32 s17, $0x3;
	s14 =	simm.s32 $0xD;
	s15 =	simm.s32 $0x10F00  }
0xf: {  	s16 =	simm.s32 $0x80;
	s5 =	sshrl.u32 s6, $0x3;
	s13 =	smax.u32 s1, $0x1  }
0x10: {  	s7 =	sadd.s32 s5, s0;
	s5 =	sadd.s32 $0x65600, s0;
	s0 =	sadd.s32 s28, s0  }
0x11: {  	s1 =	simm.s32 $0x0;
	s6 =	sadd.s32 $0xB800, s7;
	s0 =	sadd.s32 $0x65A00, s0  }
0x12: {  	s7 =	sadd.s32 $0x1A00, s7;
	s20 =	sadd.s32 s18, s0;
	s21 =	sadd.s32 s21, s0  }
0x13: {  	s22 =	sadd.s32 s22, s0;
	s23 =	sadd.s32 s23, s0;
	s24 =	sadd.s32 s17, s0  }
.LBB2_1:
0x14: {  	[tilespmem:s4], [sflag:$0xD] =	stream.linear.gather [hbm4b:s6+s4], $0x2780, $0x38;
	[tilespmem:$0x1CF00] =	vst v63  }
0x15: {  	_ =	swait.ge [sflag:s14], $0x2780  }
0x16: {  	[sflag:s14] =	ssyncset.done $0x0  }
0x17: {  	s0 =	simm.s32 $0x2780;
	[sflag:s14] =	ssyncadd.s32 $0xFFFFD880  }
0x18: {  	[tilespmem:s0], [sflag:$0xD] =	stream.linear.gather [hbm4b:s7+s4], $0x2780, $0x38;
	[tilespmem:$0x1CF00] =	vst v63  }
0x19: {  	_ =	swait.ge [sflag:s14], $0x2780  }
0x1a: {  	[sflag:s14] =	ssyncset.done $0x0  }
0x1b: {  	[sflag:s14] =	ssyncadd.s32 $0xFFFFD880  }
0x1c: {  	[tilespmem:s15], [sflag:$0xD] =	stream.linear.gather [hbm4b:s5+s4], $0x2000, $0x38;
	[tilespmem:$0x1CF00] =	vst v63  }
0x1d: {  	_ =	swait.ge [sflag:s14], $0x2000  }
0x1e: {  	[sflag:s14] =	ssyncset.done $0x0  }
0x1f: {  	[sflag:s14] =	ssyncadd.s32 $0xFFFFE000  }
0x20: {  	[spmem:s8] =	stream.linear.scatter [tilespmem:s15], [sflag:$0xD], $0x2000, $0x38;
	[tilespmem:$0x1CF00] =	vst v63  }
0x21: {  	_ =	swait.ge [sflag:s14], $0x2000  }
0x22: {  	[sflag:s14] =	ssyncset.done $0x0  }
0x23: {  	[sflag:s14] =	ssyncadd.s32 $0xFFFFE000  }
0x24: {  	[spmem:s9] =	stream.linear.scatter [tilespmem:s15], [sflag:$0xD], $0x2000, $0x38;
	[tilespmem:$0x1CF00] =	vst v63  }
0x25: {  	_ =	swait.ge [sflag:s14], $0x2000  }
0x26: {  	[sflag:s14] =	ssyncset.done $0x0  }
0x27: {  	[sflag:s14] =	ssyncadd.s32 $0xFFFFE000  }
0x28: {  	[spmem:s10] =	stream.linear.scatter [tilespmem:s15], [sflag:$0xD], $0x2000, $0x38;
	[tilespmem:$0x1CF00] =	vst v63  }
0x29: {  	_ =	swait.ge [sflag:s14], $0x2000  }
0x2a: {  	[sflag:s14] =	ssyncset.done $0x0  }
0x2b: {  	[sflag:s14] =	ssyncadd.s32 $0xFFFFE000  }
0x2c: {  	[spmem:s11] =	stream.linear.scatter [tilespmem:s15], [sflag:$0xD], $0x2000, $0x38;
	[tilespmem:$0x1CF00] =	vst v63  }
0x2d: {  	_ =	swait.ge [sflag:s14], $0x2000  }
0x2e: {  	[sflag:s14] =	ssyncset.done $0x0  }
0x2f: {  	[sflag:s14] =	ssyncadd.s32 $0xFFFFE000  }
0x30: {  	[spmem:s12] =	stream.linear.scatter [tilespmem:s15], [sflag:$0xD], $0x2000, $0x38;
	[tilespmem:$0x1CF00] =	vst v63  }
0x31: {  	_ =	swait.ge [sflag:s14], $0x2000  }
0x32: {  	[sflag:s14] =	ssyncset.done $0x0  }
0x33: {  	[sflag:s14] =	ssyncadd.s32 $0xFFFFE000  }
0x34: {  	s17 =	simm.s32 $0x4F00;
	[bflag:$0x0] =	sbarrier.arrive $0xFFFF  }
0x35: {  	[tilespmem:s17], [sflag:$0x1] =	stream.indirect.gather [hbm4b:s2+s16], $0x40, s4, s16, $0xb8;
	[tilespmem:$0x1CF00] =	vst v63  }
0x36: {  	s19 =	simm.s32 $0x6F00  }
0x37: {  	[tilespmem:s19], [sflag:$0x2] =	stream.indirect.gather [hbm4b:s2+s16], $0x40, s16, s16, $0xb8;
	[tilespmem:$0x1CF00] =	vst v63  }
0x38: {  	s25 =	simm.s32 $0x100;
	s18 =	simm.s32 $0x8F00  }
0x39: {  	[tilespmem:s18], [sflag:$0x3] =	stream.indirect.gather [hbm4b:s2+s16], $0x40, s25, s16, $0xb8;
	[tilespmem:$0x1CF00] =	vst v63  }
0x3a: {  	s26 =	simm.s32 $0x180;
	s28 =	simm.s32 $0xAF00  }
0x3b: {  	[tilespmem:s28], [sflag:$0x4] =	stream.indirect.gather [hbm4b:s2+s16], $0x40, s26, s16, $0xb8;
	[tilespmem:$0x1CF00] =	vst v63  }
0x3c: {  	s17 =	simm.s32 $0x280;
	s18 =	simm.s32 $0x0  }
0x3d: {  	[tilespmem:s30], [sflag:$0x5] =	stream.indirect.gather [hbm4b:s2+s16], $0x40, s29, s16, $0xb8;
	[tilespmem:$0x1CF00] =	vst v63  }
.LBB2_2:
0x3e: {  	s19 =	smul.u32 $0xAB, s18;
	_ =	sdelay $0x1  }
0x3f: {  	s19 =	sshrl.u32 s19, $0xA  }
0x40: {  	s19 =	sand.u32 $0x3F, s19  }
0x41: {  	s19 =	smul.u32 $0x6, s19;
	_ =	sdelay $0x1  }
0x42: {  	p0 =	seq.s32 s18, $0x0;
	s19 =	ssub.s32 s18, s19  }
0x43: {  	s25 =	sadd.s32 @!p0 $0xFFFFFFFF, s18;
	s19 =	sand.u32 $0xFF, s19  }
0x44: {  	s28 =	sand.u32 @!p0 $0xFF, s25;
	s26 =	sadd.s32 $0x1, s19  }
0x45: {  	s28 =	smul.u32 @!p0 $0xAB, s28;
	_ =	swait.ge [sflag:s26], $0x2000  }
0x46: {  	[sflag:s26] =	ssyncset.done $0x0  }
0x47: {  	s28 =	sshrl.u32 @!p0 s28, $0xA;
	[sflag:s26] =	ssyncadd.s32 $0xFFFFE000;
	s26 =	sshll.u32 s19, $0xD  }
0x48: {  	s28 =	smul.u32 @!p0 $0x6, s28;
	s19 =	sadd.s32 $0x7, s19;
	s26 =	sadd.s32 $0x4F00, s26  }
0x49: {  	[spmem:s3] =	stream.indirect.scatter.add.f32 [tilespmem:s26], [sflag:s19], $0x40, s0, s16, $0xb8;
	[tilespmem:$0x1CF00] =	vst v63  }
0x4a: {  	s19 =	ssub.s32 @!p0 s25, s28  }
0x4b: {  	s19 =	sand.u32 @!p0 $0xFF, s19  }
0x4c: {  	s19 =	sadd.s32 @!p0 $0x7, s19  }
0x4d: {  	p1 =	sgt.u32 @!p0 s18, $0x49;
	_ =	swait.ge @!p0 [sflag:s19], $0x2000  }
0x4e: {  	p1 =	por p0, !p1;
	[sflag:s19] =	ssyncset.done @!p0 $0x0  }
0x4f: {  	[sflag:s19] =	ssyncadd.s32 @!p0 $0xFFFFE000;
	s19 =	sadd.s32 @p1 $0x5, s18  }
0x50: {  	s25 =	smul.u32 @p1 $0xAB, s19;
	_ =	sdelay $0x1  }
0x51: {  	s25 =	sshrl.u32 @p1 s25, $0xA  }
0x52: {  	s25 =	sand.u32 @p1 $0x3F, s25  }
0x53: {  	s25 =	smul.u32 @p1 $0x6, s25  }
0x54: {  	s18 =	sadd.s32 $0x1, s18  }
0x55: {  	p0 =	sne.s32 s18, $0x4F;
	s19 =	ssub.s32 @p1 s19, s25  }
.Ltmp0:
0x56: {  	s19 =	sand.u32 @p1 $0xFF, s19;
	(pc) =	sbr.rel @p0 .LBB2_2-.Ltmp0, $4  }
0x57: {  	s25 =	sshll.u32 @p1 s19, $0xD  }
0x58: {  	s19 =	sadd.s32 @p1 $0x1, s19;
	s25 =	sadd.s32 @p1 $0x4F00, s25  }
0x59: {  	[tilespmem:s25], [sflag:s19] =	stream.indirect.gather @p1 [hbm4b:s2+s16], $0x40, s17, s16, $0xb8;
	[tilespmem:$0x1CF00] =	vst v63  }
0x5a: {  	s0 =	sadd.s32 $0x80, s0;
	s17 =	sadd.s32 $0x80, s17  }
0x5b: {  	_ =	swait.ge [sflag:s31], $0x2000  }
0x5c: {  	[sflag:s31] =	ssyncset.done $0x0  }
0x5d: {  	[sflag:s31] =	ssyncadd.s32 $0xFFFFE000  }
0x5e: {  	[bflag:$0x0] =	sbarrier.arrive $0xFFFF  }
0x5f: {  	[tilespmem:s15], [sflag:$0xD] =	stream.linear.gather [spmem:s8], $0x2000, $0x38;
	[tilespmem:$0x1CF00] =	vst v63  }
0x60: {  	_ =	swait.ge [sflag:s14], $0x2000  }
0x61: {  	[sflag:s14] =	ssyncset.done $0x0  }
0x62: {  	[sflag:s14] =	ssyncadd.s32 $0xFFFFE000  }
0x63: {  	[hbm4b:s20+s4] =	stream.linear.scatter [tilespmem:s15], [sflag:$0xD], $0x2000, $0x38;
	[tilespmem:$0x1CF00] =	vst v63  }
0x64: {  	_ =	swait.ge [sflag:s14], $0x2000  }
0x65: {  	[sflag:s14] =	ssyncset.done $0x0  }
0x66: {  	[sflag:s14] =	ssyncadd.s32 $0xFFFFE000  }
0x67: {  	[tilespmem:s15], [sflag:$0xD] =	stream.linear.gather [spmem:s9], $0x2000, $0x38;
	[tilespmem:$0x1CF00] =	vst v63  }
0x68: {  	_ =	swait.ge [sflag:s14], $0x2000  }
0x69: {  	[sflag:s14] =	ssyncset.done $0x0  }
0x6a: {  	[sflag:s14] =	ssyncadd.s32 $0xFFFFE000  }
0x6b: {  	[hbm4b:s21+s4] =	stream.linear.scatter [tilespmem:s15], [sflag:$0xD], $0x2000, $0x38;
	[tilespmem:$0x1CF00] =	vst v63  }
0x6c: {  	_ =	swait.ge [sflag:s14], $0x2000  }
0x6d: {  	[sflag:s14] =	ssyncset.done $0x0  }
0x6e: {  	[sflag:s14] =	ssyncadd.s32 $0xFFFFE000  }
0x6f: {  	[tilespmem:s15], [sflag:$0xD] =	stream.linear.gather [spmem:s10], $0x2000, $0x38;
	[tilespmem:$0x1CF00] =	vst v63  }
0x70: {  	_ =	swait.ge [sflag:s14], $0x2000  }
0x71: {  	[sflag:s14] =	ssyncset.done $0x0  }
0x72: {  	[sflag:s14] =	ssyncadd.s32 $0xFFFFE000  }
0x73: {  	[hbm4b:s22+s4] =	stream.linear.scatter [tilespmem:s15], [sflag:$0xD], $0x2000, $0x38;
	[tilespmem:$0x1CF00] =	vst v63  }
0x74: {  	_ =	swait.ge [sflag:s14], $0x2000  }
0x75: {  	[sflag:s14] =	ssyncset.done $0x0  }
0x76: {  	[sflag:s14] =	ssyncadd.s32 $0xFFFFE000  }
0x77: {  	[tilespmem:s15], [sflag:$0xD] =	stream.linear.gather [spmem:s11], $0x2000, $0x38;
	[tilespmem:$0x1CF00] =	vst v63  }
0x78: {  	_ =	swait.ge [sflag:s14], $0x2000  }
0x79: {  	[sflag:s14] =	ssyncset.done $0x0  }
0x7a: {  	[sflag:s14] =	ssyncadd.s32 $0xFFFFE000  }
0x7b: {  	[hbm4b:s23+s4] =	stream.linear.scatter [tilespmem:s15], [sflag:$0xD], $0x2000, $0x38;
	[tilespmem:$0x1CF00] =	vst v63  }
0x7c: {  	_ =	swait.ge [sflag:s14], $0x2000  }
0x7d: {  	[sflag:s14] =	ssyncset.done $0x0  }
0x7e: {  	[sflag:s14] =	ssyncadd.s32 $0xFFFFE000  }
0x7f: {  	[tilespmem:s15], [sflag:$0xD] =	stream.linear.gather [spmem:s12], $0x2000, $0x38;
	[tilespmem:$0x1CF00] =	vst v63  }
0x80: {  	s1 =	sadd.s32 $0x1, s1;
	_ =	swait.ge [sflag:s14], $0x2000  }
0x81: {  	p0 =	sne.s32 s1, s13;
	[sflag:s14] =	ssyncset.done $0x0  }
.Ltmp1:
0x82: {  	[sflag:s14] =	ssyncadd.s32 $0xFFFFE000;
	(pc) =	sbr.rel @p0 .LBB2_1-.Ltmp1, $4  }
0x83: {  	[hbm4b:s24+s4] =	stream.linear.scatter [tilespmem:s15], [sflag:$0xD], $0x2000, $0x38;
	[tilespmem:$0x1CF00] =	vst v63  }
0x84: {  	_ =	swait.ge [sflag:s14], $0x2000  }
0x85: {  	[sflag:s14] =	ssyncset.done $0x0  }
0x86: {  	[sflag:s14] =	ssyncadd.s32 $0xFFFFE000  }
0x87: {  	_ =	sfence.sel $0x180000  }
0x88: {  	[bflag:$0x0] =	sbarrier.arrive $0xFFFF  }
0x89: {  	_ =	strace $0x9000004A  }
0x8a: {  	s0 =	stileid.u32;
	[bflag:$0x2] =	sbarrier.arrive $0xFFFF  }
0x8b: {  	p0 =	sne.s32 s0, $0x0;
	s0 =	rddreg [dreg:$0x3]  }
0x8c: {  	s0 =	sadd.s32 @!p0 $0x100000, s0  }
0x8d: {  	[sflag:s0] =	ssyncadd.tile.s32 @!p0 $0x1;
	_ =	shalt  }
.Lfunc_end2:
_tile_overlayer_lowered:
.L_overlay_start_2:
0x8e: {  	(tag) =	ssettag $0x2  }
0x8f: {  	s0 =	rddreg [dreg:$0x0];
	s2 =	stileid.u32  }
0x90: {  	s1 =	rddreg [dreg:$0x1];
	p0 =	sne.s32 s2, $0x0  }
0x91: {  	s3 =	rddreg [dreg:$0x2];
	[bflag:$0x3] =	sbarrier.arrive $0xFFFF;
	s2 =	simm.s32 @!p0 $0x1C0D  }
0x92: {  	[timem:s3], [sflag:s2] =	dma.local @!p0 [hbm:s0], s1  }
0x93: {  	s0 =	simm.s32 @!p0 $0xD  }
0x94: {  	_ =	swait.ge @!p0 [sflag:s0], s1  }
0x95: {  	s1 =	ssub.s32 @!p0 $0x0, s1;
	[sflag:s0] =	ssyncset.done @!p0 $0x0  }
0x96: {  	[sflag:s0] =	ssyncadd.s32 @!p0 s1  }
0x97: {  	[bflag:$0x3] =	sbarrier.arrive $0xFFFF  }
0x98: {  	_ =	shalt  }

// kernel: kernel.15.cloned.1.call-start
scs
__scs_entry_jumppad:
0x0: {  	(pc) =	sbr.rel $0x88, $3  }
0x1: {  	(tag) =	ssettag $0x0;
	lr =	simm.s32 $0x1  }
0x2: {  	[smem:$0x3F9B] =	sst lr;
	_ =	strace $0xD0000000  }
0x3: {  	_ = 	snop  }
0x4: {  	_ = 	snop  }
0x5: {  	_ = 	snop  }
0x6: {  	_ = 	snop  }
0x7: {  	_ = 	snop  }
__scs_overlays_trampoline_lowered:
0x8: {  	[smem:$0x3FAA] =	sst s0  }
0x9: {  	[smem:$0x3FAB] =	sst s1  }
0xa: {  	[smem:$0x3FAC] =	sst s2  }
0xb: {  	[smem:$0x3FAD] =	sst s3  }
0xc: {  	[smem:$0x3FAE] =	sst s4  }
0xd: {  	[smem:$0x3FAF] =	sst s5  }
0xe: {  	[smem:$0x3FB0] =	sst s6  }
0xf: {  	[smem:$0x3FB1] =	sst s7  }
0x10: {  	[smem:$0x3FB2] =	sst s8  }
0x11: {  	[smem:$0x3FB3] =	sst s9;
	s0 =	simm.s32 @!p0 $0x0  }
0x12: {  	s1 =	sld [smem:$0x3F99];
	s0 =	simm.s32 @p0 $0x1  }
0x13: {  	[smem:$0x3FB4] =	sst s0;
	s0 =	simm.s32 @!p1 $0x0  }
0x14: {  	s2 =	sld [smem:$0x3F98];
	s0 =	simm.s32 @p1 $0x1  }
0x15: {  	[smem:$0x3FB5] =	sst s0;
	s0 =	simm.s32 @!p2 $0x0  }
0x16: {  	s3 =	sld [smem:$0x3FDB];
	s0 =	simm.s32 @p2 $0x1  }
0x17: {  	s4 =	simm.s32 $0x1BF5;
	[smem:$0x3FB7] =	sst s0  }
0x18: {  	s0 =	sld [smem:$0x3F9A];
	_ =	swait.ge [sflag:s4], $0x0  }
0x19: {  	s7 =	sld [smem:$0x3F9B]  }
0x1a: {  	s8 =	sadd.s32 $0xFFFFE003, lr  }
0x1b: {  	s9 =	sadd.s32 $0xFFFFFEF7, lr;
	s5 =	simm.s32 $0xFFFFFFFF;
	p2 =	slt.u32 s8, $0xFFFFF086  }
0x1c: {  	p1 =	slt.u32 s9, $0xF7A;
	s5 =	simm.s32 @!p2 $0x0  }
0x1d: {  	s5 =	simm.s32 @p1 $0x1;
	p0 =	seq.s32 s7, s2  }
0x1e: {  	s7 =	smul.u32 @!p0 $0xF7A, s2;
	p2 =	seq.s32 @!p0 s5, $0x0  }
0x1f: {  	s9 =	smul.u32 $0xF7A, s1;
	s8 =	simm.s32 @!p0 $0x1BF5;
	p2 =	por !p2, p0  }
0x20: {  	[sflag:s8] =	ssyncset.s32 @!p0 $0xFFFFF086;
	s6 =	sadd.s32 @!p0 s3, s7;
	s7 =	simm.s32 @!p0 $0x108  }
0x21: {  	s3 =	sadd.s32 s3, s9;
	s6 =	sadd.s32 @!p0 $0x88, s6;
	s7 =	simm.s32 @p2 $0x1082  }
0x22: {  	[simem:s7], [sflag:s8] =	dma.local @!p0 [hbm:s6], $0xF7A  }
0x23: {  	s9 =	sor.u32 $0xD0000000, s2;
	s6 =	simm.s32 $0x108;
	_ =	swait.ge @!p0 [sflag:s8], $0x0  }
0x24: {  	s3 =	sadd.s32 $0x88, s3;
	s6 =	simm.s32 @!p1 $0x1082;
	[sflag:s4] =	ssyncset.s32 $0xFFFFF086  }
0x25: {  	[simem:s6], [sflag:s4] =	dma.local [hbm:s3], $0xF7A  }
0x26: {  	[smem:$0x3F9B] =	sst s1;
	(tag) =	ssettag s2;
	_ =	strace s9  }
0x27: {  	s1 =	sld [smem:$0x3FAB]  }
0x28: {  	s2 =	sld [smem:$0x3FAC]  }
0x29: {  	s4 =	sld [smem:$0x3FAE]  }
0x2a: {  	p0 =	seq.s32 s5, $0x0;
	s5 =	sld [smem:$0x3FAF]  }
0x2b: {  	s6 =	sld [smem:$0x3FB0]  }
0x2c: {  	s7 =	sld [smem:$0x3FB1]  }
0x2d: {  	s3 =	simm.s32 $0x108;
	s8 =	sld [smem:$0x3FB2]  }
0x2e: {  	s3 =	simm.s32 @!p0 $0x1082;
	s9 =	sld [smem:$0x3FB3]  }
0x2f: {  	lr =	sadd.s32 s0, s3;
	s0 =	sld [smem:$0x3FAA]  }
0x30: {  	s3 =	sld [smem:$0x3FAD]  }
0x31: {  	[smem:$0x3FB6] =	sst s10  }
0x32: {  	s10 =	sld [smem:$0x3FB4];
	_ =	sdelay $0x3  }
0x33: {  	p0 =	seq.s32 s10, $0x1;
	s10 =	sld [smem:$0x3FB6];
	_ =	sdelay $0x3  }
0x34: {  	[smem:$0x3FB6] =	sst s10  }
0x35: {  	s10 =	sld [smem:$0x3FB5];
	_ =	sdelay $0x3  }
0x36: {  	p1 =	seq.s32 s10, $0x1;
	s10 =	sld [smem:$0x3FB6];
	_ =	sdelay $0x3  }
0x37: {  	[smem:$0x3FB6] =	sst s10  }
0x38: {  	s10 =	sld [smem:$0x3FB7]  }
0x39: {  	_ = 	snop;
	(pc) =	sbr.ind lr, $3  }
0x3a: {  	_ = 	snop  }
0x3b: {  	_ = 	snop  }
0x3c: {  	p2 =	seq.s32 s10, $0x1;
	s10 =	sld [smem:$0x3FB6]  }
0x3d: {  	_ =	shalt  }
0x3e: {  	_ =	shalt  }
0x3f: {  	_ =	shalt  }
0x40: {  	_ =	shalt  }
0x41: {  	_ =	shalt  }
0x42: {  	_ =	shalt  }
0x43: {  	_ =	shalt  }
0x44: {  	_ =	shalt  }
0x45: {  	_ =	shalt  }
0x46: {  	_ =	shalt  }
0x47: {  	_ =	shalt  }
0x48: {  	_ =	shalt  }
0x49: {  	_ =	shalt  }
0x4a: {  	_ =	shalt  }
0x4b: {  	_ =	shalt  }
0x4c: {  	_ =	shalt  }
0x4d: {  	_ =	shalt  }
0x4e: {  	_ =	shalt  }
0x4f: {  	_ =	shalt  }
0x50: {  	_ =	shalt  }
0x51: {  	_ =	shalt  }
0x52: {  	_ =	shalt  }
0x53: {  	_ =	shalt  }
0x54: {  	_ =	shalt  }
0x55: {  	_ =	shalt  }
0x56: {  	_ =	shalt  }
0x57: {  	_ =	shalt  }
0x58: {  	_ =	shalt  }
0x59: {  	_ =	shalt  }
0x5a: {  	_ =	shalt  }
0x5b: {  	_ =	shalt  }
0x5c: {  	_ =	shalt  }
0x5d: {  	_ =	shalt  }
0x5e: {  	_ =	shalt  }
0x5f: {  	_ =	shalt  }
0x60: {  	_ =	shalt  }
0x61: {  	_ =	shalt  }
0x62: {  	_ =	shalt  }
0x63: {  	_ =	shalt  }
0x64: {  	_ =	shalt  }
0x65: {  	_ =	shalt  }
0x66: {  	_ =	shalt  }
0x67: {  	_ =	shalt  }
0x68: {  	_ =	shalt  }
0x69: {  	_ =	shalt  }
0x6a: {  	_ =	shalt  }
0x6b: {  	_ =	shalt  }
0x6c: {  	_ =	shalt  }
0x6d: {  	_ =	shalt  }
0x6e: {  	_ =	shalt  }
0x6f: {  	_ =	shalt  }
0x70: {  	_ =	shalt  }
0x71: {  	_ =	shalt  }
0x72: {  	_ =	shalt  }
0x73: {  	_ =	shalt  }
0x74: {  	_ =	shalt  }
0x75: {  	_ =	shalt  }
0x76: {  	_ =	shalt  }
0x77: {  	_ =	shalt  }
0x78: {  	_ =	shalt  }
0x79: {  	_ =	shalt  }
0x7a: {  	_ =	shalt  }
0x7b: {  	_ =	shalt  }
0x7c: {  	_ =	shalt  }
0x7d: {  	_ =	shalt  }
0x7e: {  	_ =	shalt  }
0x7f: {  	_ =	shalt  }
0x80: {  	_ =	shalt  }
0x81: {  	_ =	shalt  }
0x82: {  	_ =	shalt  }
0x83: {  	_ =	shalt  }
0x84: {  	_ =	shalt  }
0x85: {  	_ =	shalt  }
0x86: {  	_ =	shalt  }
0x87: {  	_ =	shalt  }
.Lfunc_end0:
.L_simem_size_0:
called_computation.2_lowered:
.L_overlay_start_0:
0x88: {  	s2 =	sld [smem:$0x3FD9]  }
0x89: {  	s3 =	sld [smem:$0x3FFE];
	_ =	sdelay $0x1  }
0x8a: {  	s1 =	srdreg.scid  }
0x8b: {  	s0 =	sand.u32 $0x1, s1  }
0x8c: {  	s17 =	sshll.u32 s0, $0xA;
	s2 =	sadd.s32 s3, s2  }
0x8d: {  	s2 =	sadd.s32 s2, s17  }
0x8e: {  	[smem:$0x3FC2] =	sst s2  }
0x8f: {  	_ = 	snop  }
0x90: {  	s2 =	sld [smem:$0x3FD0];
	(tm) =	ssettm $0x1  }
0x91: {  	s18 =	sld [smem:$0x3FFB];
	_ =	sdelay $0x3  }
0x92: {  	_ =	strace s18  }
0x93: {  	s3 =	sld [smem:$0x3FFC];
	_ =	sdelay $0x3  }
0x94: {  	_ =	strace s3  }
0x95: {  	s3 =	sld [smem:$0x3FFD];
	_ =	sdelay $0x3  }
0x96: {  	_ =	strace s3  }
0x97: {  	_ =	strace $0x8FFFFFFF  }
0x98: {  	s19 =	sld [smem:$0x3FDB];
	_ =	sdelay $0x1  }
0x99: {  	s4 =	simm.s32 $_scs_section_size  }
0x9a: {  	s5 =	simm.s32 $_size__tile_overlayer_lowered;
	s6 =	simm.s32 $_tile_overlayer_lowered  }
0x9b: {  	s22 =	simm.s32 $0x1BFF;
	s21 =	sshll.u32 s6, $0x1;
	s3 =	sadd.s32 s4, s19  }
0x9c: {  	s7 =	simm.s32 $0x0;
	s20 =	sshll.u32 s5, $0x1;
	s5 =	sadd.s32 s21, s3  }
0x9d: {  	[timem:s7], [sflag:s22] =	dma.local [hbm:s5], s20  }
0x9e: {  	_ =	swait.ge [sflag:s22], s20  }
0x9f: {  	s4 =	ssub.s32 $0x0, s20;
	[sflag:s22] =	ssyncset.done $0x0  }
0xa0: {  	[sflag:s22] =	ssyncadd.s32 s4;
	_ =	sdelay $0x1  }
0xa1: {  	s23 =	simm.s32 $0x1B8B  }
0xa2: {  	_ =	swait.ge [sflag:s23], $0x1  }
0xa3: {  	[sflag:s23] =	ssyncset.done $0x0  }
0xa4: {  	s25 =	simm.s32 $0x1B8E;
	s24 =	sld [smem:$0x3FFE];
	[sflag:s23] =	ssyncadd.s32 $0xFFFFFFFF  }
0xa5: {  	s26 =	simm.s32 $execute0_lowered;
	[smem:$0x3FD2] =	sst s25  }
0xa6: {  	s5 =	sshll.u32 s26, $0x1;
	_ =	strace $0x8000004C;
	[dreg:$0x1] =	wrdreg $0xFFFFFFFF  }
0xa7: {  	s28 =	simm.s32 $_size_execute0_lowered;
	s3 =	sadd.s32 s3, s5;
	[dreg:$0x0] =	wrdreg $0x0  }
0xa8: {  	s5 =	sshll.u32 s28, $0x1;
	[dreg:$0x2] =	wrdreg s3  }
0xa9: {  	[dreg:$0x3] =	wrdreg s5  }
0xaa: {  	[dreg:$0x4] =	wrdreg $0xC0  }
0xab: {  	_ =	task [dreg:s7], $0x5FFFF  }
0xac: {  	[dreg:$0x1] =	wrdreg $0xFFFFFFFF  }
0xad: {  	[dreg:$0x0] =	wrdreg $0x60  }
0xae: {  	[dreg:$0x2] =	wrdreg s2  }
0xaf: {  	[dreg:$0x3] =	wrdreg s24  }
0xb0: {  	[dreg:$0x4] =	wrdreg $0x12F000  }
0xb1: {  	[dreg:$0x5] =	wrdreg $0x9  }
0xb2: {  	_ =	task.clear_ibuf [dreg:s7], $0x6FFFF;
	_ =	strace $0x9000004C  }
0xb3: {  	s29 =	simm.s32 $0x9;
	_ =	strace $0x8000004E  }
0xb4: {  	_ =	swait.ge [sflag:s29], $0x1  }
0xb5: {  	[sflag:s29] =	ssyncadd.s32 $0xFFFFFFFF  }
0xb6: {  	_ =	strace $0x9000004E  }
0xb7: {  	_ =	sfence  }
0xb8: {  	s30 =	sld [smem:$0x0];
	_ =	sdelay $0x2  }
0xb9: {  	s31 =	sshll.u32 s1, $0xD;
	s1 =	sshrl.u32 s1, $0x2  }
0xba: {  	s3 =	sand.u32 $0x4000, s31;
	s1 =	sadd.s32 s1, s30  }
0xbb: {  	s0 =	sor.u32 s3, s0;
	s1 =	sshll.u32 s1, $0x11  }
0xbc: {  	s0 =	sor.u32 s1, s0  }
0xbd: {  	s0 =	sadd.s32 $0x8F2B, s0  }
0xbe: {  	[sflag:s0] =	ssyncadd.remote.s32 $0x1  }
0xbf: {  	_ =	sfence.sel $0xFFFF  }
0xc0: {  	[dreg:$0x0] =	wrdreg $0xFFFFFFFF;
	(pc) =	sbr.abs _section_cstart, $3  }
0xc1: {  	[dreg:$0x1] =	wrdreg $0xFFFFFFFF  }
0xc2: {  	_ =	task.clear_ibuf [dreg:s7], $0x2FFFF;
	_ =	strace $0x9FFFFFFF  }
0xc3: {  	(tm) =	ssettm $0x7FFFFFFF  }
tec
execute0_lowered:
.L_overlay_start_1:
0x0: {  	(tag) =	ssettag $0x1  }
0x1: {  	s2 =	rddreg [dreg:$0x0]  }
0x2: {  	s0 =	rddreg [dreg:$0x1]  }
0x3: {  	s3 =	rddreg [dreg:$0x2];
	s9 =	stileid.u32  }
0x4: {  	s1 =	srdreg.scid;
	s4 =	simm.s32 $0x0;
	s29 =	simm.s32 $0x200  }
0x5: {  	s30 =	simm.s32 $0xCF00;
	s31 =	simm.s32 $0x7;
	s5 =	smul.u32 $0x2780, s9  }
0x6: {  	s1 =	sand.u32 $0x1, s1;
	[smem:$0x7FF] =	sst s4;
	s13 =	smul.u32 $0xA000, s9  }
0x7: {  	p0 =	seq.s32 s1, $0x0;
	s28 =	smul.u32 $0x14000, s1;
	s1 =	ssub.s32 $0x2, s1  }
0x8: {  	_ =	strace $0x8000004D;
	s6 =	sadd.s32 $0x27800, s5;
	s8 =	sshrl.u32 s1, $0x1  }
0x9: {  	s14 =	sadd.s32 $0x2000, s13;
	s15 =	sadd.s32 $0x4000, s13;
	s16 =	sadd.s32 $0x6000, s13  }
0xa: {  	s17 =	sadd.s32 $0x8000, s13;
	s18 =	sshrl.u32 s13, $0x3;
	s6 =	smov.u32 @p0 s5  }
0xb: {  	s1 =	ssub.s32 s1, s8;
	s8 =	sadd.s32 s13, s3;
	s9 =	sadd.s32 s14, s3  }
0xc: {  	s10 =	sadd.s32 s15, s3;
	s11 =	sadd.s32 s16, s3;
	s12 =	sadd.s32 s17, s3  }
0xd: {  	s21 =	sshrl.u32 s14, $0x3;
	s22 =	sshrl.u32 s15, $0x3;
	s23 =	sshrl.u32 s16, $0x3  }
0xe: {  	s17 =	sshrl.u32 s17, $0x3;
	s14 =	simm.s32 $0xD;
	s15 =	simm.s32 $0x10F00  }
0xf: {  	s16 =	simm.s32 $0x80;
	s5 =	sshrl.u32 s6, $0x3;
	s13 =	smax.u32 s1, $0x1  }
0x10: {  	s7 =	sadd.s32 s5, s0;
	s5 =	sadd.s32 $0x65600, s0;
	s0 =	sadd.s32 s28, s0  }
0x11: {  	s1 =	simm.s32 $0x0;
	s6 =	sadd.s32 $0xB800, s7;
	s0 =	sadd.s32 $0x65A00, s0  }
0x12: {  	s7 =	sadd.s32 $0x1A00, s7;
	s20 =	sadd.s32 s18, s0;
	s21 =	sadd.s32 s21, s0  }
0x13: {  	s22 =	sadd.s32 s22, s0;
	s23 =	sadd.s32 s23, s0;
	s24 =	sadd.s32 s17, s0  }
.LBB2_1:
0x14: {  	[tilespmem:s4], [sflag:$0xD] =	stream.linear.gather [hbm4b:s6+s4], $0x2780, $0x38;
	[tilespmem:$0x1CF00] =	vst v63  }
0x15: {  	_ =	swait.ge [sflag:s14], $0x2780  }
0x16: {  	[sflag:s14] =	ssyncset.done $0x0  }
0x17: {  	s0 =	simm.s32 $0x2780;
	[sflag:s14] =	ssyncadd.s32 $0xFFFFD880  }
0x18: {  	[tilespmem:s0], [sflag:$0xD] =	stream.linear.gather [hbm4b:s7+s4], $0x2780, $0x38;
	[tilespmem:$0x1CF00] =	vst v63  }
0x19: {  	_ =	swait.ge [sflag:s14], $0x2780  }
0x1a: {  	[sflag:s14] =	ssyncset.done $0x0  }
0x1b: {  	[sflag:s14] =	ssyncadd.s32 $0xFFFFD880  }
0x1c: {  	[tilespmem:s15], [sflag:$0xD] =	stream.linear.gather [hbm4b:s5+s4], $0x2000, $0x38;
	[tilespmem:$0x1CF00] =	vst v63  }
0x1d: {  	_ =	swait.ge [sflag:s14], $0x2000  }
0x1e: {  	[sflag:s14] =	ssyncset.done $0x0  }
0x1f: {  	[sflag:s14] =	ssyncadd.s32 $0xFFFFE000  }
0x20: {  	[spmem:s8] =	stream.linear.scatter [tilespmem:s15], [sflag:$0xD], $0x2000, $0x38;
	[tilespmem:$0x1CF00] =	vst v63  }
0x21: {  	_ =	swait.ge [sflag:s14], $0x2000  }
0x22: {  	[sflag:s14] =	ssyncset.done $0x0  }
0x23: {  	[sflag:s14] =	ssyncadd.s32 $0xFFFFE000  }
0x24: {  	[spmem:s9] =	stream.linear.scatter [tilespmem:s15], [sflag:$0xD], $0x2000, $0x38;
	[tilespmem:$0x1CF00] =	vst v63  }
0x25: {  	_ =	swait.ge [sflag:s14], $0x2000  }
0x26: {  	[sflag:s14] =	ssyncset.done $0x0  }
0x27: {  	[sflag:s14] =	ssyncadd.s32 $0xFFFFE000  }
0x28: {  	[spmem:s10] =	stream.linear.scatter [tilespmem:s15], [sflag:$0xD], $0x2000, $0x38;
	[tilespmem:$0x1CF00] =	vst v63  }
0x29: {  	_ =	swait.ge [sflag:s14], $0x2000  }
0x2a: {  	[sflag:s14] =	ssyncset.done $0x0  }
0x2b: {  	[sflag:s14] =	ssyncadd.s32 $0xFFFFE000  }
0x2c: {  	[spmem:s11] =	stream.linear.scatter [tilespmem:s15], [sflag:$0xD], $0x2000, $0x38;
	[tilespmem:$0x1CF00] =	vst v63  }
0x2d: {  	_ =	swait.ge [sflag:s14], $0x2000  }
0x2e: {  	[sflag:s14] =	ssyncset.done $0x0  }
0x2f: {  	[sflag:s14] =	ssyncadd.s32 $0xFFFFE000  }
0x30: {  	[spmem:s12] =	stream.linear.scatter [tilespmem:s15], [sflag:$0xD], $0x2000, $0x38;
	[tilespmem:$0x1CF00] =	vst v63  }
0x31: {  	_ =	swait.ge [sflag:s14], $0x2000  }
0x32: {  	[sflag:s14] =	ssyncset.done $0x0  }
0x33: {  	[sflag:s14] =	ssyncadd.s32 $0xFFFFE000  }
0x34: {  	s17 =	simm.s32 $0x4F00;
	[bflag:$0x0] =	sbarrier.arrive $0xFFFF  }
0x35: {  	[tilespmem:s17], [sflag:$0x1] =	stream.indirect.gather [hbm4b:s2+s16], $0x40, s4, s16, $0xb8;
	[tilespmem:$0x1CF00] =	vst v63  }
0x36: {  	s19 =	simm.s32 $0x6F00  }
0x37: {  	[tilespmem:s19], [sflag:$0x2] =	stream.indirect.gather [hbm4b:s2+s16], $0x40, s16, s16, $0xb8;
	[tilespmem:$0x1CF00] =	vst v63  }
0x38: {  	s25 =	simm.s32 $0x100;
	s18 =	simm.s32 $0x8F00  }
0x39: {  	[tilespmem:s18], [sflag:$0x3] =	stream.indirect.gather [hbm4b:s2+s16], $0x40, s25, s16, $0xb8;
	[tilespmem:$0x1CF00] =	vst v63  }
0x3a: {  	s26 =	simm.s32 $0x180;
	s28 =	simm.s32 $0xAF00  }
0x3b: {  	[tilespmem:s28], [sflag:$0x4] =	stream.indirect.gather [hbm4b:s2+s16], $0x40, s26, s16, $0xb8;
	[tilespmem:$0x1CF00] =	vst v63  }
0x3c: {  	s17 =	simm.s32 $0x280;
	s18 =	simm.s32 $0x0  }
0x3d: {  	[tilespmem:s30], [sflag:$0x5] =	stream.indirect.gather [hbm4b:s2+s16], $0x40, s29, s16, $0xb8;
	[tilespmem:$0x1CF00] =	vst v63  }
.LBB2_2:
0x3e: {  	s19 =	smul.u32 $0xAB, s18;
	_ =	sdelay $0x1  }
0x3f: {  	s19 =	sshrl.u32 s19, $0xA  }
0x40: {  	s19 =	sand.u32 $0x3F, s19  }
0x41: {  	s19 =	smul.u32 $0x6, s19;
	_ =	sdelay $0x1  }
0x42: {  	p0 =	seq.s32 s18, $0x0;
	s19 =	ssub.s32 s18, s19  }
0x43: {  	s25 =	sadd.s32 @!p0 $0xFFFFFFFF, s18;
	s19 =	sand.u32 $0xFF, s19  }
0x44: {  	s28 =	sand.u32 @!p0 $0xFF, s25;
	s26 =	sadd.s32 $0x1, s19  }
0x45: {  	s28 =	smul.u32 @!p0 $0xAB, s28;
	_ =	swait.ge [sflag:s26], $0x2000  }
0x46: {  	[sflag:s26] =	ssyncset.done $0x0  }
0x47: {  	s28 =	sshrl.u32 @!p0 s28, $0xA;
	[sflag:s26] =	ssyncadd.s32 $0xFFFFE000;
	s26 =	sshll.u32 s19, $0xD  }
0x48: {  	s28 =	smul.u32 @!p0 $0x6, s28;
	s19 =	sadd.s32 $0x7, s19;
	s26 =	sadd.s32 $0x4F00, s26  }
0x49: {  	[spmem:s3] =	stream.indirect.scatter.add.f32 [tilespmem:s26], [sflag:s19], $0x40, s0, s16, $0xb8;
	[tilespmem:$0x1CF00] =	vst v63  }
0x4a: {  	s19 =	ssub.s32 @!p0 s25, s28  }
0x4b: {  	s19 =	sand.u32 @!p0 $0xFF, s19  }
0x4c: {  	s19 =	sadd.s32 @!p0 $0x7, s19  }
0x4d: {  	p1 =	sgt.u32 @!p0 s18, $0x49;
	_ =	swait.ge @!p0 [sflag:s19], $0x2000  }
0x4e: {  	p1 =	por p0, !p1;
	[sflag:s19] =	ssyncset.done @!p0 $0x0  }
0x4f: {  	[sflag:s19] =	ssyncadd.s32 @!p0 $0xFFFFE000;
	s19 =	sadd.s32 @p1 $0x5, s18  }
0x50: {  	s25 =	smul.u32 @p1 $0xAB, s19;
	_ =	sdelay $0x1  }
0x51: {  	s25 =	sshrl.u32 @p1 s25, $0xA  }
0x52: {  	s25 =	sand.u32 @p1 $0x3F, s25  }
0x53: {  	s25 =	smul.u32 @p1 $0x6, s25  }
0x54: {  	s18 =	sadd.s32 $0x1, s18  }
0x55: {  	p0 =	sne.s32 s18, $0x4F;
	s19 =	ssub.s32 @p1 s19, s25  }
.Ltmp0:
0x56: {  	s19 =	sand.u32 @p1 $0xFF, s19;
	(pc) =	sbr.rel @p0 .LBB2_2-.Ltmp0, $4  }
0x57: {  	s25 =	sshll.u32 @p1 s19, $0xD  }
0x58: {  	s19 =	sadd.s32 @p1 $0x1, s19;
	s25 =	sadd.s32 @p1 $0x4F00, s25  }
0x59: {  	[tilespmem:s25], [sflag:s19] =	stream.indirect.gather @p1 [hbm4b:s2+s16], $0x40, s17, s16, $0xb8;
	[tilespmem:$0x1CF00] =	vst v63  }
0x5a: {  	s0 =	sadd.s32 $0x80, s0;
	s17 =	sadd.s32 $0x80, s17  }
0x5b: {  	_ =	swait.ge [sflag:s31], $0x2000  }
0x5c: {  	[sflag:s31] =	ssyncset.done $0x0  }
0x5d: {  	[sflag:s31] =	ssyncadd.s32 $0xFFFFE000  }
0x5e: {  	[bflag:$0x0] =	sbarrier.arrive $0xFFFF  }
0x5f: {  	[tilespmem:s15], [sflag:$0xD] =	stream.linear.gather [spmem:s8], $0x2000, $0x38;
	[tilespmem:$0x1CF00] =	vst v63  }
0x60: {  	_ =	swait.ge [sflag:s14], $0x2000  }
0x61: {  	[sflag:s14] =	ssyncset.done $0x0  }
0x62: {  	[sflag:s14] =	ssyncadd.s32 $0xFFFFE000  }
0x63: {  	[hbm4b:s20+s4] =	stream.linear.scatter [tilespmem:s15], [sflag:$0xD], $0x2000, $0x38;
	[tilespmem:$0x1CF00] =	vst v63  }
0x64: {  	_ =	swait.ge [sflag:s14], $0x2000  }
0x65: {  	[sflag:s14] =	ssyncset.done $0x0  }
0x66: {  	[sflag:s14] =	ssyncadd.s32 $0xFFFFE000  }
0x67: {  	[tilespmem:s15], [sflag:$0xD] =	stream.linear.gather [spmem:s9], $0x2000, $0x38;
	[tilespmem:$0x1CF00] =	vst v63  }
0x68: {  	_ =	swait.ge [sflag:s14], $0x2000  }
0x69: {  	[sflag:s14] =	ssyncset.done $0x0  }
0x6a: {  	[sflag:s14] =	ssyncadd.s32 $0xFFFFE000  }
0x6b: {  	[hbm4b:s21+s4] =	stream.linear.scatter [tilespmem:s15], [sflag:$0xD], $0x2000, $0x38;
	[tilespmem:$0x1CF00] =	vst v63  }
0x6c: {  	_ =	swait.ge [sflag:s14], $0x2000  }
0x6d: {  	[sflag:s14] =	ssyncset.done $0x0  }
0x6e: {  	[sflag:s14] =	ssyncadd.s32 $0xFFFFE000  }
0x6f: {  	[tilespmem:s15], [sflag:$0xD] =	stream.linear.gather [spmem:s10], $0x2000, $0x38;
	[tilespmem:$0x1CF00] =	vst v63  }
0x70: {  	_ =	swait.ge [sflag:s14], $0x2000  }
0x71: {  	[sflag:s14] =	ssyncset.done $0x0  }
0x72: {  	[sflag:s14] =	ssyncadd.s32 $0xFFFFE000  }
0x73: {  	[hbm4b:s22+s4] =	stream.linear.scatter [tilespmem:s15], [sflag:$0xD], $0x2000, $0x38;
	[tilespmem:$0x1CF00] =	vst v63  }
0x74: {  	_ =	swait.ge [sflag:s14], $0x2000  }
0x75: {  	[sflag:s14] =	ssyncset.done $0x0  }
0x76: {  	[sflag:s14] =	ssyncadd.s32 $0xFFFFE000  }
0x77: {  	[tilespmem:s15], [sflag:$0xD] =	stream.linear.gather [spmem:s11], $0x2000, $0x38;
	[tilespmem:$0x1CF00] =	vst v63  }
0x78: {  	_ =	swait.ge [sflag:s14], $0x2000  }
0x79: {  	[sflag:s14] =	ssyncset.done $0x0  }
0x7a: {  	[sflag:s14] =	ssyncadd.s32 $0xFFFFE000  }
0x7b: {  	[hbm4b:s23+s4] =	stream.linear.scatter [tilespmem:s15], [sflag:$0xD], $0x2000, $0x38;
	[tilespmem:$0x1CF00] =	vst v63  }
0x7c: {  	_ =	swait.ge [sflag:s14], $0x2000  }
0x7d: {  	[sflag:s14] =	ssyncset.done $0x0  }
0x7e: {  	[sflag:s14] =	ssyncadd.s32 $0xFFFFE000  }
0x7f: {  	[tilespmem:s15], [sflag:$0xD] =	stream.linear.gather [spmem:s12], $0x2000, $0x38;
	[tilespmem:$0x1CF00] =	vst v63  }
0x80: {  	s1 =	sadd.s32 $0x1, s1;
	_ =	swait.ge [sflag:s14], $0x2000  }
0x81: {  	p0 =	sne.s32 s1, s13;
	[sflag:s14] =	ssyncset.done $0x0  }
.Ltmp1:
0x82: {  	[sflag:s14] =	ssyncadd.s32 $0xFFFFE000;
	(pc) =	sbr.rel @p0 .LBB2_1-.Ltmp1, $4  }
0x83: {  	[hbm4b:s24+s4] =	stream.linear.scatter [tilespmem:s15], [sflag:$0xD], $0x2000, $0x38;
	[tilespmem:$0x1CF00] =	vst v63  }
0x84: {  	_ =	swait.ge [sflag:s14], $0x2000  }
0x85: {  	[sflag:s14] =	ssyncset.done $0x0  }
0x86: {  	[sflag:s14] =	ssyncadd.s32 $0xFFFFE000  }
0x87: {  	_ =	sfence.sel $0x180000  }
0x88: {  	[bflag:$0x0] =	sbarrier.arrive $0xFFFF  }
0x89: {  	_ =	strace $0x9000004D  }
0x8a: {  	s0 =	stileid.u32;
	[bflag:$0x2] =	sbarrier.arrive $0xFFFF  }
0x8b: {  	p0 =	sne.s32 s0, $0x0;
	s0 =	rddreg [dreg:$0x3]  }
0x8c: {  	s0 =	sadd.s32 @!p0 $0x100000, s0  }
0x8d: {  	[sflag:s0] =	ssyncadd.tile.s32 @!p0 $0x1;
	_ =	shalt  }
.Lfunc_end2:
_tile_overlayer_lowered:
.L_overlay_start_2:
0x8e: {  	(tag) =	ssettag $0x2  }
0x8f: {  	s0 =	rddreg [dreg:$0x0];
	s2 =	stileid.u32  }
0x90: {  	s1 =	rddreg [dreg:$0x1];
	p0 =	sne.s32 s2, $0x0  }
0x91: {  	s3 =	rddreg [dreg:$0x2];
	[bflag:$0x3] =	sbarrier.arrive $0xFFFF;
	s2 =	simm.s32 @!p0 $0x1C0D  }
0x92: {  	[timem:s3], [sflag:s2] =	dma.local @!p0 [hbm:s0], s1  }
0x93: {  	s0 =	simm.s32 @!p0 $0xD  }
0x94: {  	_ =	swait.ge @!p0 [sflag:s0], s1  }
0x95: {  	s1 =	ssub.s32 @!p0 $0x0, s1;
	[sflag:s0] =	ssyncset.done @!p0 $0x0  }
0x96: {  	[sflag:s0] =	ssyncadd.s32 @!p0 s1  }
0x97: {  	[bflag:$0x3] =	sbarrier.arrive $0xFFFF  }
0x98: {  	_ =	shalt  }

// kernel: kernel.9.cloned.1.call-start
scs
__scs_entry_jumppad:
0x0: {  	(pc) =	sbr.rel $0x88, $3  }
0x1: {  	(tag) =	ssettag $0x0;
	lr =	simm.s32 $0x1  }
0x2: {  	[smem:$0x3F9B] =	sst lr;
	_ =	strace $0xD0000000  }
0x3: {  	_ = 	snop  }
0x4: {  	_ = 	snop  }
0x5: {  	_ = 	snop  }
0x6: {  	_ = 	snop  }
0x7: {  	_ = 	snop  }
__scs_overlays_trampoline_lowered:
0x8: {  	[smem:$0x3FAA] =	sst s0  }
0x9: {  	[smem:$0x3FAB] =	sst s1  }
0xa: {  	[smem:$0x3FAC] =	sst s2  }
0xb: {  	[smem:$0x3FAD] =	sst s3  }
0xc: {  	[smem:$0x3FAE] =	sst s4  }
0xd: {  	[smem:$0x3FAF] =	sst s5  }
0xe: {  	[smem:$0x3FB0] =	sst s6  }
0xf: {  	[smem:$0x3FB1] =	sst s7  }
0x10: {  	[smem:$0x3FB2] =	sst s8  }
0x11: {  	[smem:$0x3FB3] =	sst s9;
	s0 =	simm.s32 @!p0 $0x0  }
0x12: {  	s1 =	sld [smem:$0x3F99];
	s0 =	simm.s32 @p0 $0x1  }
0x13: {  	[smem:$0x3FB4] =	sst s0;
	s0 =	simm.s32 @!p1 $0x0  }
0x14: {  	s2 =	sld [smem:$0x3F98];
	s0 =	simm.s32 @p1 $0x1  }
0x15: {  	[smem:$0x3FB5] =	sst s0;
	s0 =	simm.s32 @!p2 $0x0  }
0x16: {  	s3 =	sld [smem:$0x3FDB];
	s0 =	simm.s32 @p2 $0x1  }
0x17: {  	s4 =	simm.s32 $0x1BF5;
	[smem:$0x3FB7] =	sst s0  }
0x18: {  	s0 =	sld [smem:$0x3F9A];
	_ =	swait.ge [sflag:s4], $0x0  }
0x19: {  	s7 =	sld [smem:$0x3F9B]  }
0x1a: {  	s8 =	sadd.s32 $0xFFFFE003, lr  }
0x1b: {  	s9 =	sadd.s32 $0xFFFFFEF7, lr;
	s5 =	simm.s32 $0xFFFFFFFF;
	p2 =	slt.u32 s8, $0xFFFFF086  }
0x1c: {  	p1 =	slt.u32 s9, $0xF7A;
	s5 =	simm.s32 @!p2 $0x0  }
0x1d: {  	s5 =	simm.s32 @p1 $0x1;
	p0 =	seq.s32 s7, s2  }
0x1e: {  	s7 =	smul.u32 @!p0 $0xF7A, s2;
	p2 =	seq.s32 @!p0 s5, $0x0  }
0x1f: {  	s9 =	smul.u32 $0xF7A, s1;
	s8 =	simm.s32 @!p0 $0x1BF5;
	p2 =	por !p2, p0  }
0x20: {  	[sflag:s8] =	ssyncset.s32 @!p0 $0xFFFFF086;
	s6 =	sadd.s32 @!p0 s3, s7;
	s7 =	simm.s32 @!p0 $0x108  }
0x21: {  	s3 =	sadd.s32 s3, s9;
	s6 =	sadd.s32 @!p0 $0x88, s6;
	s7 =	simm.s32 @p2 $0x1082  }
0x22: {  	[simem:s7], [sflag:s8] =	dma.local @!p0 [hbm:s6], $0xF7A  }
0x23: {  	s9 =	sor.u32 $0xD0000000, s2;
	s6 =	simm.s32 $0x108;
	_ =	swait.ge @!p0 [sflag:s8], $0x0  }
0x24: {  	s3 =	sadd.s32 $0x88, s3;
	s6 =	simm.s32 @!p1 $0x1082;
	[sflag:s4] =	ssyncset.s32 $0xFFFFF086  }
0x25: {  	[simem:s6], [sflag:s4] =	dma.local [hbm:s3], $0xF7A  }
0x26: {  	[smem:$0x3F9B] =	sst s1;
	(tag) =	ssettag s2;
	_ =	strace s9  }
0x27: {  	s1 =	sld [smem:$0x3FAB]  }
0x28: {  	s2 =	sld [smem:$0x3FAC]  }
0x29: {  	s4 =	sld [smem:$0x3FAE]  }
0x2a: {  	p0 =	seq.s32 s5, $0x0;
	s5 =	sld [smem:$0x3FAF]  }
0x2b: {  	s6 =	sld [smem:$0x3FB0]  }
0x2c: {  	s7 =	sld [smem:$0x3FB1]  }
0x2d: {  	s3 =	simm.s32 $0x108;
	s8 =	sld [smem:$0x3FB2]  }
0x2e: {  	s3 =	simm.s32 @!p0 $0x1082;
	s9 =	sld [smem:$0x3FB3]  }
0x2f: {  	lr =	sadd.s32 s0, s3;
	s0 =	sld [smem:$0x3FAA]  }
0x30: {  	s3 =	sld [smem:$0x3FAD]  }
0x31: {  	[smem:$0x3FB6] =	sst s10  }
0x32: {  	s10 =	sld [smem:$0x3FB4];
	_ =	sdelay $0x3  }
0x33: {  	p0 =	seq.s32 s10, $0x1;
	s10 =	sld [smem:$0x3FB6];
	_ =	sdelay $0x3  }
0x34: {  	[smem:$0x3FB6] =	sst s10  }
0x35: {  	s10 =	sld [smem:$0x3FB5];
	_ =	sdelay $0x3  }
0x36: {  	p1 =	seq.s32 s10, $0x1;
	s10 =	sld [smem:$0x3FB6];
	_ =	sdelay $0x3  }
0x37: {  	[smem:$0x3FB6] =	sst s10  }
0x38: {  	s10 =	sld [smem:$0x3FB7]  }
0x39: {  	_ = 	snop;
	(pc) =	sbr.ind lr, $3  }
0x3a: {  	_ = 	snop  }
0x3b: {  	_ = 	snop  }
0x3c: {  	p2 =	seq.s32 s10, $0x1;
	s10 =	sld [smem:$0x3FB6]  }
0x3d: {  	_ =	shalt  }
0x3e: {  	_ =	shalt  }
0x3f: {  	_ =	shalt  }
0x40: {  	_ =	shalt  }
0x41: {  	_ =	shalt  }
0x42: {  	_ =	shalt  }
0x43: {  	_ =	shalt  }
0x44: {  	_ =	shalt  }
0x45: {  	_ =	shalt  }
0x46: {  	_ =	shalt  }
0x47: {  	_ =	shalt  }
0x48: {  	_ =	shalt  }
0x49: {  	_ =	shalt  }
0x4a: {  	_ =	shalt  }
0x4b: {  	_ =	shalt  }
0x4c: {  	_ =	shalt  }
0x4d: {  	_ =	shalt  }
0x4e: {  	_ =	shalt  }
0x4f: {  	_ =	shalt  }
0x50: {  	_ =	shalt  }
0x51: {  	_ =	shalt  }
0x52: {  	_ =	shalt  }
0x53: {  	_ =	shalt  }
0x54: {  	_ =	shalt  }
0x55: {  	_ =	shalt  }
0x56: {  	_ =	shalt  }
0x57: {  	_ =	shalt  }
0x58: {  	_ =	shalt  }
0x59: {  	_ =	shalt  }
0x5a: {  	_ =	shalt  }
0x5b: {  	_ =	shalt  }
0x5c: {  	_ =	shalt  }
0x5d: {  	_ =	shalt  }
0x5e: {  	_ =	shalt  }
0x5f: {  	_ =	shalt  }
0x60: {  	_ =	shalt  }
0x61: {  	_ =	shalt  }
0x62: {  	_ =	shalt  }
0x63: {  	_ =	shalt  }
0x64: {  	_ =	shalt  }
0x65: {  	_ =	shalt  }
0x66: {  	_ =	shalt  }
0x67: {  	_ =	shalt  }
0x68: {  	_ =	shalt  }
0x69: {  	_ =	shalt  }
0x6a: {  	_ =	shalt  }
0x6b: {  	_ =	shalt  }
0x6c: {  	_ =	shalt  }
0x6d: {  	_ =	shalt  }
0x6e: {  	_ =	shalt  }
0x6f: {  	_ =	shalt  }
0x70: {  	_ =	shalt  }
0x71: {  	_ =	shalt  }
0x72: {  	_ =	shalt  }
0x73: {  	_ =	shalt  }
0x74: {  	_ =	shalt  }
0x75: {  	_ =	shalt  }
0x76: {  	_ =	shalt  }
0x77: {  	_ =	shalt  }
0x78: {  	_ =	shalt  }
0x79: {  	_ =	shalt  }
0x7a: {  	_ =	shalt  }
0x7b: {  	_ =	shalt  }
0x7c: {  	_ =	shalt  }
0x7d: {  	_ =	shalt  }
0x7e: {  	_ =	shalt  }
0x7f: {  	_ =	shalt  }
0x80: {  	_ =	shalt  }
0x81: {  	_ =	shalt  }
0x82: {  	_ =	shalt  }
0x83: {  	_ =	shalt  }
0x84: {  	_ =	shalt  }
0x85: {  	_ =	shalt  }
0x86: {  	_ =	shalt  }
0x87: {  	_ =	shalt  }
.Lfunc_end0:
.L_simem_size_0:
called_computation_lowered:
.L_overlay_start_0:
0x88: {  	s2 =	sld [smem:$0x3FD9]  }
0x89: {  	s3 =	sld [smem:$0x3FFE];
	_ =	sdelay $0x1  }
0x8a: {  	s1 =	srdreg.scid  }
0x8b: {  	s0 =	sand.u32 $0x1, s1  }
0x8c: {  	s17 =	sshll.u32 s0, $0xA;
	s2 =	sadd.s32 s3, s2  }
0x8d: {  	s2 =	sadd.s32 s2, s17  }
0x8e: {  	[smem:$0x3FC2] =	sst s2  }
0x8f: {  	_ = 	snop  }
0x90: {  	s2 =	sld [smem:$0x3FD0];
	(tm) =	ssettm $0x1  }
0x91: {  	s18 =	sld [smem:$0x3FFB];
	_ =	sdelay $0x3  }
0x92: {  	_ =	strace s18  }
0x93: {  	s3 =	sld [smem:$0x3FFC];
	_ =	sdelay $0x3  }
0x94: {  	_ =	strace s3  }
0x95: {  	s3 =	sld [smem:$0x3FFD];
	_ =	sdelay $0x3  }
0x96: {  	_ =	strace s3  }
0x97: {  	_ =	strace $0x8FFFFFFF  }
0x98: {  	s19 =	sld [smem:$0x3FDB];
	_ =	sdelay $0x1  }
0x99: {  	s4 =	simm.s32 $_scs_section_size  }
0x9a: {  	s5 =	simm.s32 $_size__tile_overlayer_lowered;
	s6 =	simm.s32 $_tile_overlayer_lowered  }
0x9b: {  	s22 =	simm.s32 $0x1BFF;
	s21 =	sshll.u32 s6, $0x1;
	s3 =	sadd.s32 s4, s19  }
0x9c: {  	s7 =	simm.s32 $0x0;
	s20 =	sshll.u32 s5, $0x1;
	s5 =	sadd.s32 s21, s3  }
0x9d: {  	[timem:s7], [sflag:s22] =	dma.local [hbm:s5], s20  }
0x9e: {  	_ =	swait.ge [sflag:s22], s20  }
0x9f: {  	s4 =	ssub.s32 $0x0, s20;
	[sflag:s22] =	ssyncset.done $0x0  }
0xa0: {  	[sflag:s22] =	ssyncadd.s32 s4;
	_ =	sdelay $0x1  }
0xa1: {  	s23 =	simm.s32 $0x1B8B  }
0xa2: {  	_ =	swait.ge [sflag:s23], $0x1  }
0xa3: {  	[sflag:s23] =	ssyncset.done $0x0  }
0xa4: {  	s25 =	simm.s32 $0x1B8E;
	s24 =	sld [smem:$0x3FFE];
	[sflag:s23] =	ssyncadd.s32 $0xFFFFFFFF  }
0xa5: {  	s26 =	simm.s32 $execute0_lowered;
	[smem:$0x3FD2] =	sst s25  }
0xa6: {  	s5 =	sshll.u32 s26, $0x1;
	_ =	strace $0x80000046;
	[dreg:$0x1] =	wrdreg $0xFFFFFFFF  }
0xa7: {  	s28 =	simm.s32 $_size_execute0_lowered;
	s3 =	sadd.s32 s3, s5;
	[dreg:$0x0] =	wrdreg $0x0  }
0xa8: {  	s5 =	sshll.u32 s28, $0x1;
	[dreg:$0x2] =	wrdreg s3  }
0xa9: {  	[dreg:$0x3] =	wrdreg s5  }
0xaa: {  	[dreg:$0x4] =	wrdreg $0xC0  }
0xab: {  	_ =	task [dreg:s7], $0x5FFFF  }
0xac: {  	[dreg:$0x1] =	wrdreg $0xFFFFFFFF  }
0xad: {  	[dreg:$0x0] =	wrdreg $0x60  }
0xae: {  	[dreg:$0x2] =	wrdreg s24  }
0xaf: {  	[dreg:$0x3] =	wrdreg s2  }
0xb0: {  	[dreg:$0x4] =	wrdreg $0x3F800  }
0xb1: {  	[dreg:$0x5] =	wrdreg $0x9  }
0xb2: {  	_ =	task.clear_ibuf [dreg:s7], $0x6FFFF;
	_ =	strace $0x90000046  }
0xb3: {  	s29 =	simm.s32 $0x9;
	_ =	strace $0x80000048  }
0xb4: {  	_ =	swait.ge [sflag:s29], $0x1  }
0xb5: {  	[sflag:s29] =	ssyncadd.s32 $0xFFFFFFFF  }
0xb6: {  	_ =	strace $0x90000048  }
0xb7: {  	_ =	sfence  }
0xb8: {  	s30 =	sld [smem:$0x0];
	_ =	sdelay $0x2  }
0xb9: {  	s31 =	sshll.u32 s1, $0xD;
	s1 =	sshrl.u32 s1, $0x2  }
0xba: {  	s3 =	sand.u32 $0x4000, s31;
	s1 =	sadd.s32 s1, s30  }
0xbb: {  	s0 =	sor.u32 s3, s0;
	s1 =	sshll.u32 s1, $0x11  }
0xbc: {  	s0 =	sor.u32 s1, s0  }
0xbd: {  	s0 =	sadd.s32 $0x8F2B, s0  }
0xbe: {  	[sflag:s0] =	ssyncadd.remote.s32 $0x1  }
0xbf: {  	_ =	sfence.sel $0xFFFF  }
0xc0: {  	[dreg:$0x0] =	wrdreg $0xFFFFFFFF;
	(pc) =	sbr.abs _section_cstart, $3  }
0xc1: {  	[dreg:$0x1] =	wrdreg $0xFFFFFFFF  }
0xc2: {  	_ =	task.clear_ibuf [dreg:s7], $0x2FFFF;
	_ =	strace $0x9FFFFFFF  }
0xc3: {  	(tm) =	ssettm $0x7FFFFFFF  }
tec
execute0_lowered:
.L_overlay_start_1:
0x0: {  	(tag) =	ssettag $0x1  }
0x1: {  	s1 =	rddreg [dreg:$0x0]  }
0x2: {  	s0 =	rddreg [dreg:$0x1]  }
0x3: {  	s2 =	srdreg.scid;
	s3 =	rddreg [dreg:$0x2]  }
0x4: {  	s19 =	rddreg [dreg:$0x3];
	s5 =	sand.u32 $0x1, s2;
	s2 =	simm.s32 $0x0  }
0x5: {  	s6 =	sadd.s32 $0x15800, s1;
	[smem:$0x7FF] =	sst s2  }
0x6: {  	s8 =	simm.s32 $0x200;
	_ =	strace $0x80000047;
	[dreg:$0x4] =	wrdreg s6  }
0x7: {  	s9 =	simm.s32 $0x280;
	[dreg:$0x9] =	wrdreg s8  }
0x8: {  	s10 =	simm.s32 $0x300;
	[dreg:$0xa] =	wrdreg s9  }
0x9: {  	s11 =	simm.s32 $0x380;
	[dreg:$0xb] =	wrdreg s10  }
0xa: {  	s12 =	simm.s32 $0x400;
	[dreg:$0xc] =	wrdreg s11  }
0xb: {  	s13 =	simm.s32 $0x480;
	[dreg:$0xd] =	wrdreg s12  }
0xc: {  	s14 =	simm.s32 $0x500;
	[dreg:$0xe] =	wrdreg s13  }
0xd: {  	s15 =	simm.s32 $0x580;
	[dreg:$0xf] =	wrdreg s14  }
0xe: {  	s16 =	simm.s32 $0x600;
	[dreg:$0x10] =	wrdreg s15  }
0xf: {  	s17 =	simm.s32 $0x680;
	[dreg:$0x11] =	wrdreg s16  }
0x10: {  	s18 =	simm.s32 $0x700;
	[dreg:$0x12] =	wrdreg s17  }
0x11: {  	s20 =	simm.s32 $0x780;
	[dreg:$0x13] =	wrdreg s18  }
0x12: {  	s21 =	simm.s32 $0x800;
	[dreg:$0x14] =	wrdreg s20  }
0x13: {  	s22 =	simm.s32 $0x880;
	[dreg:$0x15] =	wrdreg s21  }
0x14: {  	s23 =	simm.s32 $0x900;
	[dreg:$0x16] =	wrdreg s22  }
0x15: {  	s24 =	simm.s32 $0x980;
	[dreg:$0x17] =	wrdreg s23  }
0x16: {  	s25 =	simm.s32 $0xA00;
	[dreg:$0x18] =	wrdreg s24  }
0x17: {  	s6 =	simm.s32 $0x180;
	[dreg:$0x19] =	wrdreg s25  }
0x18: {  	s8 =	simm.s32 $0xC00;
	[dreg:$0x8] =	wrdreg s6  }
0x19: {  	s9 =	simm.s32 $0xC80;
	[dreg:$0x1d] =	wrdreg s8  }
0x1a: {  	s10 =	simm.s32 $0xD00;
	[dreg:$0x1e] =	wrdreg s9  }
0x1b: {  	s11 =	simm.s32 $0xD80;
	[dreg:$0x1f] =	wrdreg s10  }
0x1c: {  	s12 =	simm.s32 $0xE00;
	[smem:$0x7D5] =	sst s11  }
0x1d: {  	s13 =	simm.s32 $0xE80;
	[smem:$0x7D6] =	sst s12  }
0x1e: {  	s14 =	simm.s32 $0xF00;
	[smem:$0x7D7] =	sst s13  }
0x1f: {  	s15 =	simm.s32 $0xF80;
	[smem:$0x7D8] =	sst s14  }
0x20: {  	s16 =	simm.s32 $0x1000;
	[smem:$0x7D9] =	sst s15  }
0x21: {  	s17 =	simm.s32 $0x1080;
	[smem:$0x7DA] =	sst s16  }
0x22: {  	s18 =	simm.s32 $0x1100;
	[smem:$0x7DB] =	sst s17  }
0x23: {  	s20 =	simm.s32 $0x1180;
	[smem:$0x7DC] =	sst s18  }
0x24: {  	s21 =	simm.s32 $0x1200;
	[smem:$0x7DD] =	sst s20  }
0x25: {  	s22 =	simm.s32 $0x1280;
	[smem:$0x7DE] =	sst s21  }
0x26: {  	s23 =	simm.s32 $0x1300;
	[smem:$0x7DF] =	sst s22  }
0x27: {  	s24 =	simm.s32 $0x1380;
	[smem:$0x7E0] =	sst s23  }
0x28: {  	s25 =	simm.s32 $0x1400;
	[smem:$0x7E1] =	sst s24  }
0x29: {  	s6 =	simm.s32 $0xB80;
	[smem:$0x7E2] =	sst s25  }
0x2a: {  	s9 =	simm.s32 $0x1600;
	[dreg:$0x1c] =	wrdreg s6  }
0x2b: {  	s11 =	simm.s32 $0x1680;
	[smem:$0x7E6] =	sst s9  }
0x2c: {  	s12 =	simm.s32 $0x1700;
	[smem:$0x7E7] =	sst s11  }
0x2d: {  	s13 =	simm.s32 $0x1780;
	[smem:$0x7E8] =	sst s12  }
0x2e: {  	s14 =	simm.s32 $0x1800;
	[smem:$0x7E9] =	sst s13  }
0x2f: {  	s15 =	simm.s32 $0x1880;
	[smem:$0x7EA] =	sst s14  }
0x30: {  	s7 =	stileid.u32;
	s16 =	simm.s32 $0x1900;
	[smem:$0x7EB] =	sst s15  }
0x31: {  	s31 =	simm.s32 $0x2F80;
	s17 =	simm.s32 $0x1980;
	[smem:$0x7EC] =	sst s16  }
0x32: {  	s28 =	simm.s32 $0x2200;
	s18 =	simm.s32 $0x1A00;
	[smem:$0x7ED] =	sst s17  }
0x33: {  	s29 =	simm.s32 $0x2280;
	s20 =	simm.s32 $0x1A80;
	[smem:$0x7EE] =	sst s18  }
0x34: {  	s30 =	simm.s32 $0x2300;
	s21 =	simm.s32 $0x1B00;
	[smem:$0x7EF] =	sst s20  }
0x35: {  	p0 =	por $0x0, $0x0;
	s22 =	simm.s32 $0x1B80;
	[smem:$0x7F0] =	sst s21  }
0x36: {  	s4 =	sshll.u32 s5, $0x4;
	s23 =	simm.s32 $0x1C00;
	[smem:$0x7F1] =	sst s22  }
0x37: {  	s4 =	sor.u32 s7, s4;
	s24 =	simm.s32 $0x1C80;
	[smem:$0x7F2] =	sst s23  }
0x38: {  	s4 =	smul.u32 $0x4F0, s4;
	s25 =	simm.s32 $0x1D00;
	[smem:$0x7F3] =	sst s24  }
0x39: {  	s8 =	ssub.s32 $0x2, s5;
	s6 =	simm.s32 $0x1580;
	[smem:$0x7F4] =	sst s25  }
0x3a: {  	s10 =	sshrl.u32 s8, $0x1;
	s17 =	simm.s32 $0x1F00;
	[smem:$0x7E5] =	sst s6  }
0x3b: {  	s9 =	smul.u32 $0x2800, s7;
	s18 =	simm.s32 $0x1F80;
	[smem:$0x7F8] =	sst s17  }
0x3c: {  	s15 =	smul.u32 $0x5000, s5;
	s20 =	simm.s32 $0x2000;
	[smem:$0x7F9] =	sst s18  }
0x3d: {  	s24 =	simm.s32 $0x2080;
	s25 =	simm.s32 $0x2100;
	[smem:$0x7FA] =	sst s20  }
0x3e: {  	s4 =	sadd.s32 s4, s1;
	s1 =	sadd.s32 $0x15600, s1;
	[smem:$0x7FB] =	sst s24  }
0x3f: {  	s10 =	ssub.s32 s8, s10;
	s17 =	simm.s32 $0x2780;
	[smem:$0x7FC] =	sst s25  }
0x40: {  	s18 =	simm.s32 $0x80;
	s20 =	simm.s32 $0x2380;
	s24 =	simm.s32 $0x2600  }
0x41: {  	s25 =	simm.s32 $0x2680;
	[dreg:$0x5] =	wrdreg s1;
	s26 =	sadd.s32 $0x1A00, s4  }
0x42: {  	s4 =	simm.s32 $0x100;
	s8 =	sadd.s32 s9, s3;
	s11 =	sadd.s32 $0x800, s9  }
0x43: {  	s12 =	sadd.s32 $0x1000, s9;
	s13 =	sadd.s32 $0x1800, s9;
	s14 =	sadd.s32 $0x2000, s9  }
0x44: {  	s0 =	sadd.s32 s0, s15;
	s16 =	sshrl.u32 s9, $0x3;
	s9 =	simm.s32 $0x1E00  }
0x45: {  	s15 =	simm.s32 $0x1E80;
	s22 =	smax.u32 s10, $0x1;
	[dreg:$0x6] =	wrdreg s26  }
0x46: {  	[dreg:$0x7] =	wrdreg s4;
	s26 =	simm.s32 $0xA80;
	s4 =	simm.s32 $0xB00  }
0x47: {  	s7 =	sadd.s32 s11, s3;
	s6 =	sadd.s32 s12, s3;
	s5 =	sadd.s32 s14, s3  }
0x48: {  	s11 =	sshrl.u32 s11, $0x3;
	s12 =	sshrl.u32 s12, $0x3;
	[smem:$0x7F6] =	sst s9  }
0x49: {  	s23 =	sshrl.u32 s13, $0x3;
	[smem:$0x7F7] =	sst s15;
	s21 =	sshrl.u32 s14, $0x3  }
0x4a: {  	s9 =	simm.s32 $0x2;
	s15 =	simm.s32 $0x1;
	[dreg:$0x1a] =	wrdreg s26  }
0x4b: {  	s16 =	sadd.s32 s16, s0;
	p1 =	sne.s32 s22, $0x1;
	[dreg:$0x1b] =	wrdreg s4  }
0x4c: {  	s26 =	simm.s32 $0x1480;
	s4 =	simm.s32 $0x1500;
	s14 =	sadd.s32 s11, s0  }
0x4d: {  	s11 =	sadd.s32 s23, s0;
	s10 =	sadd.s32 s21, s0;
	s1 =	rddreg [dreg:$0x6]  }
.Ltmp0:
0x4e: {  	s21 =	simm.s32 $0x2480;
	[smem:$0x7E3] =	sst s26;
	(pc) =	sbr.rel @!p1 .LBB2_1-.Ltmp0, $4  }
0x4f: {  	s23 =	simm.s32 $0x2580;
	[smem:$0x7E4] =	sst s4;
	s4 =	sadd.s32 s13, s3  }
0x50: {  	s26 =	simm.s32 $0x1D80;
	s13 =	sadd.s32 s12, s0;
	s0 =	sadd.s32 $0xFFFFFFFF, s22  }
0x51: {  	s22 =	simm.s32 $0x2500;
	[smem:$0x7F5] =	sst s26;
	s26 =	simm.s32 $0x2180  }
0x52: {  	s12 =	simm.s32 $0x3780;
	[smem:$0x7FD] =	sst s26;
	s26 =	simm.s32 $0x2700  }
0x53: {  	[tilespmem:s2], [sflag:$0x2] =	stream.linear.gather [hbm4b:s1+s2], $0x2780, $0x38;
	[tilespmem:$0x6780] =	vst v63  }
0x54: {  	_ =	swait.ge [sflag:s9], $0x2780  }
0x55: {  	[sflag:s9] =	ssyncset.done $0x0  }
0x56: {  	s19 =	rddreg [dreg:$0x4];
	[sflag:s9] =	ssyncadd.s32 $0xFFFFD880  }
0x57: {  	[tilespmem:s17], [sflag:$0x2] =	stream.linear.gather [hbm4b:s19+s2], $0x800, $0x38;
	[tilespmem:$0x6780] =	vst v63  }
0x58: {  	_ =	swait.ge [sflag:s9], $0x800  }
0x59: {  	[sflag:s9] =	ssyncset.done $0x0  }
0x5a: {  	s19 =	rddreg [dreg:$0x5];
	[sflag:s9] =	ssyncadd.s32 $0xFFFFF800  }
0x5b: {  	[tilespmem:s31], [sflag:$0x2] =	stream.linear.gather [hbm4b:s19+s2], $0x800, $0x38;
	[tilespmem:$0x6780] =	vst v63  }
0x5c: {  	_ =	swait.ge [sflag:s9], $0x800  }
0x5d: {  	[sflag:s9] =	ssyncset.done $0x0  }
0x5e: {  	[sflag:s9] =	ssyncadd.s32 $0xFFFFF800  }
0x5f: {  	[spmem:s8] =	stream.linear.scatter [tilespmem:s31], [sflag:$0x2], $0x800, $0x38;
	[tilespmem:$0x6780] =	vst v63  }
0x60: {  	_ =	swait.ge [sflag:s9], $0x800  }
0x61: {  	[sflag:s9] =	ssyncset.done $0x0  }
0x62: {  	[sflag:s9] =	ssyncadd.s32 $0xFFFFF800  }
0x63: {  	[spmem:s7] =	stream.linear.scatter [tilespmem:s31], [sflag:$0x2], $0x800, $0x38;
	[tilespmem:$0x6780] =	vst v63  }
0x64: {  	_ =	swait.ge [sflag:s9], $0x800  }
0x65: {  	[sflag:s9] =	ssyncset.done $0x0  }
0x66: {  	[sflag:s9] =	ssyncadd.s32 $0xFFFFF800  }
0x67: {  	[spmem:s6] =	stream.linear.scatter [tilespmem:s31], [sflag:$0x2], $0x800, $0x38;
	[tilespmem:$0x6780] =	vst v63  }
0x68: {  	_ =	swait.ge [sflag:s9], $0x800  }
0x69: {  	[sflag:s9] =	ssyncset.done $0x0  }
0x6a: {  	[sflag:s9] =	ssyncadd.s32 $0xFFFFF800  }
0x6b: {  	[spmem:s4] =	stream.linear.scatter [tilespmem:s31], [sflag:$0x2], $0x800, $0x38;
	[tilespmem:$0x6780] =	vst v63  }
0x6c: {  	_ =	swait.ge [sflag:s9], $0x800  }
0x6d: {  	[sflag:s9] =	ssyncset.done $0x0  }
0x6e: {  	[sflag:s9] =	ssyncadd.s32 $0xFFFFF800  }
0x6f: {  	[spmem:s5] =	stream.linear.scatter [tilespmem:s31], [sflag:$0x2], $0x800, $0x38;
	[tilespmem:$0x6780] =	vst v63  }
0x70: {  	_ =	swait.ge [sflag:s9], $0x800  }
0x71: {  	[sflag:s9] =	ssyncset.done $0x0  }
0x72: {  	[sflag:s9] =	ssyncadd.s32 $0xFFFFF800  }
0x73: {  	[bflag:$0x0] =	sbarrier.arrive $0xFFFF  }
0x74: {  	[spmem:s3] =	stream.indirect.scatter.add.f32 [tilespmem:s17], [sflag:$0x1], $0x10, s2, s18, $0xb8;
	[tilespmem:$0x6780] =	vst v63  }
0x75: {  	_ = 	snop  }
0x76: {  	[spmem:s3] =	stream.indirect.scatter.add.f32 [tilespmem:s17], [sflag:$0x1], $0x10, s18, s18, $0xb8;
	[tilespmem:$0x6780] =	vst v63  }
0x77: {  	s1 =	rddreg [dreg:$0x7]  }
0x78: {  	[spmem:s3] =	stream.indirect.scatter.add.f32 [tilespmem:s17], [sflag:$0x1], $0x10, s1, s18, $0xb8;
	[tilespmem:$0x6780] =	vst v63  }
0x79: {  	s19 =	smov.u32 s0;
	s0 =	rddreg [dreg:$0x8]  }
0x7a: {  	[spmem:s3] =	stream.indirect.scatter.add.f32 [tilespmem:s17], [sflag:$0x1], $0x10, s0, s18, $0xb8;
	[tilespmem:$0x6780] =	vst v63  }
0x7b: {  	s1 =	rddreg [dreg:$0x9]  }
0x7c: {  	[spmem:s3] =	stream.indirect.scatter.add.f32 [tilespmem:s17], [sflag:$0x1], $0x10, s1, s18, $0xb8;
	[tilespmem:$0x6780] =	vst v63  }
0x7d: {  	s0 =	rddreg [dreg:$0xa]  }
0x7e: {  	[spmem:s3] =	stream.indirect.scatter.add.f32 [tilespmem:s17], [sflag:$0x1], $0x10, s0, s18, $0xb8;
	[tilespmem:$0x6780] =	vst v63  }
0x7f: {  	s1 =	rddreg [dreg:$0xb]  }
0x80: {  	[spmem:s3] =	stream.indirect.scatter.add.f32 [tilespmem:s17], [sflag:$0x1], $0x10, s1, s18, $0xb8;
	[tilespmem:$0x6780] =	vst v63  }
0x81: {  	s0 =	rddreg [dreg:$0xc]  }
0x82: {  	[spmem:s3] =	stream.indirect.scatter.add.f32 [tilespmem:s17], [sflag:$0x1], $0x10, s0, s18, $0xb8;
	[tilespmem:$0x6780] =	vst v63  }
0x83: {  	_ =	swait.ge [sflag:s15], $0x800  }
0x84: {  	[sflag:s15] =	ssyncset.done $0x0  }
0x85: {  	[sflag:s15] =	ssyncadd.s32 $0xFFFFF800  }
0x86: {  	_ =	swait.ge [sflag:s15], $0x800  }
0x87: {  	[sflag:s15] =	ssyncset.done $0x0  }
0x88: {  	[sflag:s15] =	ssyncadd.s32 $0xFFFFF800  }
0x89: {  	_ =	swait.ge [sflag:s15], $0x800  }
0x8a: {  	[sflag:s15] =	ssyncset.done $0x0  }
0x8b: {  	[sflag:s15] =	ssyncadd.s32 $0xFFFFF800  }
0x8c: {  	_ =	swait.ge [sflag:s15], $0x800  }
0x8d: {  	[sflag:s15] =	ssyncset.done $0x0  }
0x8e: {  	[sflag:s15] =	ssyncadd.s32 $0xFFFFF800  }
0x8f: {  	_ =	swait.ge [sflag:s15], $0x800  }
0x90: {  	[sflag:s15] =	ssyncset.done $0x0  }
0x91: {  	[sflag:s15] =	ssyncadd.s32 $0xFFFFF800  }
0x92: {  	_ =	swait.ge [sflag:s15], $0x800  }
0x93: {  	[sflag:s15] =	ssyncset.done $0x0  }
0x94: {  	[sflag:s15] =	ssyncadd.s32 $0xFFFFF800  }
0x95: {  	_ =	swait.ge [sflag:s15], $0x800  }
0x96: {  	[sflag:s15] =	ssyncset.done $0x0  }
0x97: {  	[sflag:s15] =	ssyncadd.s32 $0xFFFFF800  }
0x98: {  	_ =	swait.ge [sflag:s15], $0x800  }
0x99: {  	[sflag:s15] =	ssyncset.done $0x0  }
0x9a: {  	s0 =	rddreg [dreg:$0xd];
	[sflag:s15] =	ssyncadd.s32 $0xFFFFF800  }
0x9b: {  	[spmem:s3] =	stream.indirect.scatter.add.f32 [tilespmem:s17], [sflag:$0x1], $0x10, s0, s18, $0xb8;
	[tilespmem:$0x6780] =	vst v63  }
0x9c: {  	s1 =	rddreg [dreg:$0xe]  }
0x9d: {  	[spmem:s3] =	stream.indirect.scatter.add.f32 [tilespmem:s17], [sflag:$0x1], $0x10, s1, s18, $0xb8;
	[tilespmem:$0x6780] =	vst v63  }
0x9e: {  	s0 =	rddreg [dreg:$0xf]  }
0x9f: {  	[spmem:s3] =	stream.indirect.scatter.add.f32 [tilespmem:s17], [sflag:$0x1], $0x10, s0, s18, $0xb8;
	[tilespmem:$0x6780] =	vst v63  }
0xa0: {  	s1 =	rddreg [dreg:$0x10]  }
0xa1: {  	[spmem:s3] =	stream.indirect.scatter.add.f32 [tilespmem:s17], [sflag:$0x1], $0x10, s1, s18, $0xb8;
	[tilespmem:$0x6780] =	vst v63  }
0xa2: {  	s0 =	rddreg [dreg:$0x11]  }
0xa3: {  	[spmem:s3] =	stream.indirect.scatter.add.f32 [tilespmem:s17], [sflag:$0x1], $0x10, s0, s18, $0xb8;
	[tilespmem:$0x6780] =	vst v63  }
0xa4: {  	s1 =	rddreg [dreg:$0x12]  }
0xa5: {  	[spmem:s3] =	stream.indirect.scatter.add.f32 [tilespmem:s17], [sflag:$0x1], $0x10, s1, s18, $0xb8;
	[tilespmem:$0x6780] =	vst v63  }
0xa6: {  	s0 =	rddreg [dreg:$0x13]  }
0xa7: {  	[spmem:s3] =	stream.indirect.scatter.add.f32 [tilespmem:s17], [sflag:$0x1], $0x10, s0, s18, $0xb8;
	[tilespmem:$0x6780] =	vst v63  }
0xa8: {  	s1 =	rddreg [dreg:$0x14]  }
0xa9: {  	[spmem:s3] =	stream.indirect.scatter.add.f32 [tilespmem:s17], [sflag:$0x1], $0x10, s1, s18, $0xb8;
	[tilespmem:$0x6780] =	vst v63  }
0xaa: {  	_ =	swait.ge [sflag:s15], $0x800  }
0xab: {  	[sflag:s15] =	ssyncset.done $0x0  }
0xac: {  	[sflag:s15] =	ssyncadd.s32 $0xFFFFF800  }
0xad: {  	_ =	swait.ge [sflag:s15], $0x800  }
0xae: {  	[sflag:s15] =	ssyncset.done $0x0  }
0xaf: {  	[sflag:s15] =	ssyncadd.s32 $0xFFFFF800  }
0xb0: {  	_ =	swait.ge [sflag:s15], $0x800  }
0xb1: {  	[sflag:s15] =	ssyncset.done $0x0  }
0xb2: {  	[sflag:s15] =	ssyncadd.s32 $0xFFFFF800  }
0xb3: {  	_ =	swait.ge [sflag:s15], $0x800  }
0xb4: {  	[sflag:s15] =	ssyncset.done $0x0  }
0xb5: {  	[sflag:s15] =	ssyncadd.s32 $0xFFFFF800  }
0xb6: {  	_ =	swait.ge [sflag:s15], $0x800  }
0xb7: {  	[sflag:s15] =	ssyncset.done $0x0  }
0xb8: {  	[sflag:s15] =	ssyncadd.s32 $0xFFFFF800  }
0xb9: {  	_ =	swait.ge [sflag:s15], $0x800  }
0xba: {  	[sflag:s15] =	ssyncset.done $0x0  }
0xbb: {  	[sflag:s15] =	ssyncadd.s32 $0xFFFFF800  }
0xbc: {  	_ =	swait.ge [sflag:s15], $0x800  }
0xbd: {  	[sflag:s15] =	ssyncset.done $0x0  }
0xbe: {  	[sflag:s15] =	ssyncadd.s32 $0xFFFFF800  }
0xbf: {  	_ =	swait.ge [sflag:s15], $0x800  }
0xc0: {  	[sflag:s15] =	ssyncset.done $0x0  }
0xc1: {  	s0 =	rddreg [dreg:$0x15];
	[sflag:s15] =	ssyncadd.s32 $0xFFFFF800  }
0xc2: {  	[spmem:s3] =	stream.indirect.scatter.add.f32 [tilespmem:s17], [sflag:$0x1], $0x10, s0, s18, $0xb8;
	[tilespmem:$0x6780] =	vst v63  }
0xc3: {  	s1 =	rddreg [dreg:$0x16]  }
0xc4: {  	[spmem:s3] =	stream.indirect.scatter.add.f32 [tilespmem:s17], [sflag:$0x1], $0x10, s1, s18, $0xb8;
	[tilespmem:$0x6780] =	vst v63  }
0xc5: {  	s0 =	rddreg [dreg:$0x17]  }
0xc6: {  	[spmem:s3] =	stream.indirect.scatter.add.f32 [tilespmem:s17], [sflag:$0x1], $0x10, s0, s18, $0xb8;
	[tilespmem:$0x6780] =	vst v63  }
0xc7: {  	s1 =	rddreg [dreg:$0x18]  }
0xc8: {  	[spmem:s3] =	stream.indirect.scatter.add.f32 [tilespmem:s17], [sflag:$0x1], $0x10, s1, s18, $0xb8;
	[tilespmem:$0x6780] =	vst v63  }
0xc9: {  	s0 =	rddreg [dreg:$0x19]  }
0xca: {  	[spmem:s3] =	stream.indirect.scatter.add.f32 [tilespmem:s17], [sflag:$0x1], $0x10, s0, s18, $0xb8;
	[tilespmem:$0x6780] =	vst v63  }
0xcb: {  	s1 =	rddreg [dreg:$0x1a]  }
0xcc: {  	[spmem:s3] =	stream.indirect.scatter.add.f32 [tilespmem:s17], [sflag:$0x1], $0x10, s1, s18, $0xb8;
	[tilespmem:$0x6780] =	vst v63  }
0xcd: {  	s0 =	rddreg [dreg:$0x1b]  }
0xce: {  	[spmem:s3] =	stream.indirect.scatter.add.f32 [tilespmem:s17], [sflag:$0x1], $0x10, s0, s18, $0xb8;
	[tilespmem:$0x6780] =	vst v63  }
0xcf: {  	s1 =	rddreg [dreg:$0x1c]  }
0xd0: {  	[spmem:s3] =	stream.indirect.scatter.add.f32 [tilespmem:s17], [sflag:$0x1], $0x10, s1, s18, $0xb8;
	[tilespmem:$0x6780] =	vst v63  }
0xd1: {  	_ =	swait.ge [sflag:s15], $0x800  }
0xd2: {  	[sflag:s15] =	ssyncset.done $0x0  }
0xd3: {  	[sflag:s15] =	ssyncadd.s32 $0xFFFFF800  }
0xd4: {  	_ =	swait.ge [sflag:s15], $0x800  }
0xd5: {  	[sflag:s15] =	ssyncset.done $0x0  }
0xd6: {  	[sflag:s15] =	ssyncadd.s32 $0xFFFFF800  }
0xd7: {  	_ =	swait.ge [sflag:s15], $0x800  }
0xd8: {  	[sflag:s15] =	ssyncset.done $0x0  }
0xd9: {  	[sflag:s15] =	ssyncadd.s32 $0xFFFFF800  }
0xda: {  	_ =	swait.ge [sflag:s15], $0x800  }
0xdb: {  	[sflag:s15] =	ssyncset.done $0x0  }
0xdc: {  	[sflag:s15] =	ssyncadd.s32 $0xFFFFF800  }
0xdd: {  	_ =	swait.ge [sflag:s15], $0x800  }
0xde: {  	[sflag:s15] =	ssyncset.done $0x0  }
0xdf: {  	[sflag:s15] =	ssyncadd.s32 $0xFFFFF800  }
0xe0: {  	_ =	swait.ge [sflag:s15], $0x800  }
0xe1: {  	[sflag:s15] =	ssyncset.done $0x0  }
0xe2: {  	[sflag:s15] =	ssyncadd.s32 $0xFFFFF800  }
0xe3: {  	_ =	swait.ge [sflag:s15], $0x800  }
0xe4: {  	[sflag:s15] =	ssyncset.done $0x0  }
0xe5: {  	[sflag:s15] =	ssyncadd.s32 $0xFFFFF800  }
0xe6: {  	_ =	swait.ge [sflag:s15], $0x800  }
0xe7: {  	s0 =	rddreg [dreg:$0x1d];
	[sflag:s15] =	ssyncset.done $0x0  }
0xe8: {  	s1 =	rddreg [dreg:$0x1e];
	[sflag:s15] =	ssyncadd.s32 $0xFFFFF800  }
0xe9: {  	[spmem:s3] =	stream.indirect.scatter.add.f32 [tilespmem:s17], [sflag:$0x1], $0x10, s0, s18, $0xb8;
	[tilespmem:$0x6780] =	vst v63  }
0xea: {  	s0 =	rddreg [dreg:$0x1f]  }
0xeb: {  	[spmem:s3] =	stream.indirect.scatter.add.f32 [tilespmem:s17], [sflag:$0x1], $0x10, s1, s18, $0xb8;
	[tilespmem:$0x6780] =	vst v63  }
0xec: {  	s1 =	sld [smem:$0x7D5]  }
0xed: {  	[spmem:s3] =	stream.indirect.scatter.add.f32 [tilespmem:s17], [sflag:$0x1], $0x10, s0, s18, $0xb8;
	[tilespmem:$0x6780] =	vst v63  }
0xee: {  	s0 =	sld [smem:$0x7D6]  }
0xef: {  	[spmem:s3] =	stream.indirect.scatter.add.f32 [tilespmem:s17], [sflag:$0x1], $0x10, s1, s18, $0xb8;
	[tilespmem:$0x6780] =	vst v63  }
0xf0: {  	s1 =	sld [smem:$0x7D7]  }
0xf1: {  	[spmem:s3] =	stream.indirect.scatter.add.f32 [tilespmem:s17], [sflag:$0x1], $0x10, s0, s18, $0xb8;
	[tilespmem:$0x6780] =	vst v63  }
0xf2: {  	s0 =	sld [smem:$0x7D8]  }
0xf3: {  	[spmem:s3] =	stream.indirect.scatter.add.f32 [tilespmem:s17], [sflag:$0x1], $0x10, s1, s18, $0xb8;
	[tilespmem:$0x6780] =	vst v63  }
0xf4: {  	s1 =	sld [smem:$0x7D9]  }
0xf5: {  	[spmem:s3] =	stream.indirect.scatter.add.f32 [tilespmem:s17], [sflag:$0x1], $0x10, s0, s18, $0xb8;
	[tilespmem:$0x6780] =	vst v63  }
0xf6: {  	_ = 	snop  }
0xf7: {  	[spmem:s3] =	stream.indirect.scatter.add.f32 [tilespmem:s17], [sflag:$0x1], $0x10, s1, s18, $0xb8;
	[tilespmem:$0x6780] =	vst v63  }
0xf8: {  	_ =	swait.ge [sflag:s15], $0x800  }
0xf9: {  	[sflag:s15] =	ssyncset.done $0x0  }
0xfa: {  	[sflag:s15] =	ssyncadd.s32 $0xFFFFF800  }
0xfb: {  	_ =	swait.ge [sflag:s15], $0x800  }
0xfc: {  	[sflag:s15] =	ssyncset.done $0x0  }
0xfd: {  	[sflag:s15] =	ssyncadd.s32 $0xFFFFF800  }
0xfe: {  	_ =	swait.ge [sflag:s15], $0x800  }
0xff: {  	[sflag:s15] =	ssyncset.done $0x0  }
0x100: {  	[sflag:s15] =	ssyncadd.s32 $0xFFFFF800  }
0x101: {  	_ =	swait.ge [sflag:s15], $0x800  }
0x102: {  	[sflag:s15] =	ssyncset.done $0x0  }
0x103: {  	[sflag:s15] =	ssyncadd.s32 $0xFFFFF800  }
0x104: {  	_ =	swait.ge [sflag:s15], $0x800  }
0x105: {  	[sflag:s15] =	ssyncset.done $0x0  }
0x106: {  	[sflag:s15] =	ssyncadd.s32 $0xFFFFF800  }
0x107: {  	_ =	swait.ge [sflag:s15], $0x800  }
0x108: {  	[sflag:s15] =	ssyncset.done $0x0  }
0x109: {  	[sflag:s15] =	ssyncadd.s32 $0xFFFFF800  }
0x10a: {  	_ =	swait.ge [sflag:s15], $0x800  }
0x10b: {  	[sflag:s15] =	ssyncset.done $0x0  }
0x10c: {  	[sflag:s15] =	ssyncadd.s32 $0xFFFFF800  }
0x10d: {  	_ =	swait.ge [sflag:s15], $0x800  }
0x10e: {  	s0 =	sld [smem:$0x7DA]  }
0x10f: {  	[sflag:s15] =	ssyncset.done $0x0  }
0x110: {  	s1 =	sld [smem:$0x7DB];
	[sflag:s15] =	ssyncadd.s32 $0xFFFFF800  }
0x111: {  	[spmem:s3] =	stream.indirect.scatter.add.f32 [tilespmem:s17], [sflag:$0x1], $0x10, s0, s18, $0xb8;
	[tilespmem:$0x6780] =	vst v63  }
0x112: {  	s0 =	sld [smem:$0x7DC]  }
0x113: {  	[spmem:s3] =	stream.indirect.scatter.add.f32 [tilespmem:s17], [sflag:$0x1], $0x10, s1, s18, $0xb8;
	[tilespmem:$0x6780] =	vst v63  }
0x114: {  	s1 =	sld [smem:$0x7DD]  }
0x115: {  	[spmem:s3] =	stream.indirect.scatter.add.f32 [tilespmem:s17], [sflag:$0x1], $0x10, s0, s18, $0xb8;
	[tilespmem:$0x6780] =	vst v63  }
0x116: {  	s0 =	sld [smem:$0x7DE]  }
0x117: {  	[spmem:s3] =	stream.indirect.scatter.add.f32 [tilespmem:s17], [sflag:$0x1], $0x10, s1, s18, $0xb8;
	[tilespmem:$0x6780] =	vst v63  }
0x118: {  	s1 =	sld [smem:$0x7DF]  }
0x119: {  	[spmem:s3] =	stream.indirect.scatter.add.f32 [tilespmem:s17], [sflag:$0x1], $0x10, s0, s18, $0xb8;
	[tilespmem:$0x6780] =	vst v63  }
0x11a: {  	s0 =	sld [smem:$0x7E0]  }
0x11b: {  	[spmem:s3] =	stream.indirect.scatter.add.f32 [tilespmem:s17], [sflag:$0x1], $0x10, s1, s18, $0xb8;
	[tilespmem:$0x6780] =	vst v63  }
0x11c: {  	s1 =	sld [smem:$0x7E1]  }
0x11d: {  	[spmem:s3] =	stream.indirect.scatter.add.f32 [tilespmem:s17], [sflag:$0x1], $0x10, s0, s18, $0xb8;
	[tilespmem:$0x6780] =	vst v63  }
0x11e: {  	_ = 	snop  }
0x11f: {  	[spmem:s3] =	stream.indirect.scatter.add.f32 [tilespmem:s17], [sflag:$0x1], $0x10, s1, s18, $0xb8;
	[tilespmem:$0x6780] =	vst v63  }
0x120: {  	_ =	swait.ge [sflag:s15], $0x800  }
0x121: {  	[sflag:s15] =	ssyncset.done $0x0  }
0x122: {  	[sflag:s15] =	ssyncadd.s32 $0xFFFFF800  }
0x123: {  	_ =	swait.ge [sflag:s15], $0x800  }
0x124: {  	[sflag:s15] =	ssyncset.done $0x0  }
0x125: {  	[sflag:s15] =	ssyncadd.s32 $0xFFFFF800  }
0x126: {  	_ =	swait.ge [sflag:s15], $0x800  }
0x127: {  	[sflag:s15] =	ssyncset.done $0x0  }
0x128: {  	[sflag:s15] =	ssyncadd.s32 $0xFFFFF800  }
0x129: {  	_ =	swait.ge [sflag:s15], $0x800  }
0x12a: {  	[sflag:s15] =	ssyncset.done $0x0  }
0x12b: {  	[sflag:s15] =	ssyncadd.s32 $0xFFFFF800  }
0x12c: {  	_ =	swait.ge [sflag:s15], $0x800  }
0x12d: {  	[sflag:s15] =	ssyncset.done $0x0  }
0x12e: {  	[sflag:s15] =	ssyncadd.s32 $0xFFFFF800  }
0x12f: {  	_ =	swait.ge [sflag:s15], $0x800  }
0x130: {  	[sflag:s15] =	ssyncset.done $0x0  }
0x131: {  	[sflag:s15] =	ssyncadd.s32 $0xFFFFF800  }
0x132: {  	_ =	swait.ge [sflag:s15], $0x800  }
0x133: {  	[sflag:s15] =	ssyncset.done $0x0  }
0x134: {  	[sflag:s15] =	ssyncadd.s32 $0xFFFFF800  }
0x135: {  	_ =	swait.ge [sflag:s15], $0x800  }
0x136: {  	s0 =	sld [smem:$0x7E2]  }
0x137: {  	[sflag:s15] =	ssyncset.done $0x0  }
0x138: {  	s1 =	sld [smem:$0x7E3];
	[sflag:s15] =	ssyncadd.s32 $0xFFFFF800  }
0x139: {  	[spmem:s3] =	stream.indirect.scatter.add.f32 [tilespmem:s17], [sflag:$0x1], $0x10, s0, s18, $0xb8;
	[tilespmem:$0x6780] =	vst v63  }
0x13a: {  	s0 =	sld [smem:$0x7E4]  }
0x13b: {  	[spmem:s3] =	stream.indirect.scatter.add.f32 [tilespmem:s17], [sflag:$0x1], $0x10, s1, s18, $0xb8;
	[tilespmem:$0x6780] =	vst v63  }
0x13c: {  	s1 =	sld [smem:$0x7E5]  }
0x13d: {  	[spmem:s3] =	stream.indirect.scatter.add.f32 [tilespmem:s17], [sflag:$0x1], $0x10, s0, s18, $0xb8;
	[tilespmem:$0x6780] =	vst v63  }
0x13e: {  	s0 =	sld [smem:$0x7E6]  }
0x13f: {  	[spmem:s3] =	stream.indirect.scatter.add.f32 [tilespmem:s17], [sflag:$0x1], $0x10, s1, s18, $0xb8;
	[tilespmem:$0x6780] =	vst v63  }
0x140: {  	s1 =	sld [smem:$0x7E7]  }
0x141: {  	[spmem:s3] =	stream.indirect.scatter.add.f32 [tilespmem:s17], [sflag:$0x1], $0x10, s0, s18, $0xb8;
	[tilespmem:$0x6780] =	vst v63  }
0x142: {  	s0 =	sld [smem:$0x7E8]  }
0x143: {  	[spmem:s3] =	stream.indirect.scatter.add.f32 [tilespmem:s17], [sflag:$0x1], $0x10, s1, s18, $0xb8;
	[tilespmem:$0x6780] =	vst v63  }
0x144: {  	s1 =	sld [smem:$0x7E9]  }
0x145: {  	[spmem:s3] =	stream.indirect.scatter.add.f32 [tilespmem:s17], [sflag:$0x1], $0x10, s0, s18, $0xb8;
	[tilespmem:$0x6780] =	vst v63  }
0x146: {  	_ = 	snop  }
0x147: {  	[spmem:s3] =	stream.indirect.scatter.add.f32 [tilespmem:s17], [sflag:$0x1], $0x10, s1, s18, $0xb8;
	[tilespmem:$0x6780] =	vst v63  }
0x148: {  	_ =	swait.ge [sflag:s15], $0x800  }
0x149: {  	[sflag:s15] =	ssyncset.done $0x0  }
0x14a: {  	[sflag:s15] =	ssyncadd.s32 $0xFFFFF800  }
0x14b: {  	_ =	swait.ge [sflag:s15], $0x800  }
0x14c: {  	[sflag:s15] =	ssyncset.done $0x0  }
0x14d: {  	[sflag:s15] =	ssyncadd.s32 $0xFFFFF800  }
0x14e: {  	_ =	swait.ge [sflag:s15], $0x800  }
0x14f: {  	[sflag:s15] =	ssyncset.done $0x0  }
0x150: {  	[sflag:s15] =	ssyncadd.s32 $0xFFFFF800  }
0x151: {  	_ =	swait.ge [sflag:s15], $0x800  }
0x152: {  	[sflag:s15] =	ssyncset.done $0x0  }
0x153: {  	[sflag:s15] =	ssyncadd.s32 $0xFFFFF800  }
0x154: {  	_ =	swait.ge [sflag:s15], $0x800  }
0x155: {  	[sflag:s15] =	ssyncset.done $0x0  }
0x156: {  	[sflag:s15] =	ssyncadd.s32 $0xFFFFF800  }
0x157: {  	_ =	swait.ge [sflag:s15], $0x800  }
0x158: {  	[sflag:s15] =	ssyncset.done $0x0  }
0x159: {  	[sflag:s15] =	ssyncadd.s32 $0xFFFFF800  }
0x15a: {  	_ =	swait.ge [sflag:s15], $0x800  }
0x15b: {  	[sflag:s15] =	ssyncset.done $0x0  }
0x15c: {  	[sflag:s15] =	ssyncadd.s32 $0xFFFFF800  }
0x15d: {  	_ =	swait.ge [sflag:s15], $0x800  }
0x15e: {  	s0 =	sld [smem:$0x7EA]  }
0x15f: {  	[sflag:s15] =	ssyncset.done $0x0  }
0x160: {  	s1 =	sld [smem:$0x7EB];
	[sflag:s15] =	ssyncadd.s32 $0xFFFFF800  }
0x161: {  	[spmem:s3] =	stream.indirect.scatter.add.f32 [tilespmem:s17], [sflag:$0x1], $0x10, s0, s18, $0xb8;
	[tilespmem:$0x6780] =	vst v63  }
0x162: {  	s0 =	sld [smem:$0x7EC]  }
0x163: {  	[spmem:s3] =	stream.indirect.scatter.add.f32 [tilespmem:s17], [sflag:$0x1], $0x10, s1, s18, $0xb8;
	[tilespmem:$0x6780] =	vst v63  }
0x164: {  	s1 =	sld [smem:$0x7ED]  }
0x165: {  	[spmem:s3] =	stream.indirect.scatter.add.f32 [tilespmem:s17], [sflag:$0x1], $0x10, s0, s18, $0xb8;
	[tilespmem:$0x6780] =	vst v63  }
0x166: {  	s0 =	sld [smem:$0x7EE]  }
0x167: {  	[spmem:s3] =	stream.indirect.scatter.add.f32 [tilespmem:s17], [sflag:$0x1], $0x10, s1, s18, $0xb8;
	[tilespmem:$0x6780] =	vst v63  }
0x168: {  	s1 =	sld [smem:$0x7EF]  }
0x169: {  	[spmem:s3] =	stream.indirect.scatter.add.f32 [tilespmem:s17], [sflag:$0x1], $0x10, s0, s18, $0xb8;
	[tilespmem:$0x6780] =	vst v63  }
0x16a: {  	s0 =	sld [smem:$0x7F0]  }
0x16b: {  	[spmem:s3] =	stream.indirect.scatter.add.f32 [tilespmem:s17], [sflag:$0x1], $0x10, s1, s18, $0xb8;
	[tilespmem:$0x6780] =	vst v63  }
0x16c: {  	s1 =	sld [smem:$0x7F1]  }
0x16d: {  	[spmem:s3] =	stream.indirect.scatter.add.f32 [tilespmem:s17], [sflag:$0x1], $0x10, s0, s18, $0xb8;
	[tilespmem:$0x6780] =	vst v63  }
0x16e: {  	_ = 	snop  }
0x16f: {  	[spmem:s3] =	stream.indirect.scatter.add.f32 [tilespmem:s17], [sflag:$0x1], $0x10, s1, s18, $0xb8;
	[tilespmem:$0x6780] =	vst v63  }
0x170: {  	_ =	swait.ge [sflag:s15], $0x800  }
0x171: {  	[sflag:s15] =	ssyncset.done $0x0  }
0x172: {  	[sflag:s15] =	ssyncadd.s32 $0xFFFFF800  }
0x173: {  	_ =	swait.ge [sflag:s15], $0x800  }
0x174: {  	[sflag:s15] =	ssyncset.done $0x0  }
0x175: {  	[sflag:s15] =	ssyncadd.s32 $0xFFFFF800  }
0x176: {  	_ =	swait.ge [sflag:s15], $0x800  }
0x177: {  	[sflag:s15] =	ssyncset.done $0x0  }
0x178: {  	[sflag:s15] =	ssyncadd.s32 $0xFFFFF800  }
0x179: {  	_ =	swait.ge [sflag:s15], $0x800  }
0x17a: {  	[sflag:s15] =	ssyncset.done $0x0  }
0x17b: {  	[sflag:s15] =	ssyncadd.s32 $0xFFFFF800  }
0x17c: {  	_ =	swait.ge [sflag:s15], $0x800  }
0x17d: {  	[sflag:s15] =	ssyncset.done $0x0  }
0x17e: {  	[sflag:s15] =	ssyncadd.s32 $0xFFFFF800  }
0x17f: {  	_ =	swait.ge [sflag:s15], $0x800  }
0x180: {  	[sflag:s15] =	ssyncset.done $0x0  }
0x181: {  	[sflag:s15] =	ssyncadd.s32 $0xFFFFF800  }
0x182: {  	_ =	swait.ge [sflag:s15], $0x800  }
0x183: {  	[sflag:s15] =	ssyncset.done $0x0  }
0x184: {  	[sflag:s15] =	ssyncadd.s32 $0xFFFFF800  }
0x185: {  	_ =	swait.ge [sflag:s15], $0x800  }
0x186: {  	s0 =	sld [smem:$0x7F2]  }
0x187: {  	[sflag:s15] =	ssyncset.done $0x0  }
0x188: {  	s1 =	sld [smem:$0x7F3];
	[sflag:s15] =	ssyncadd.s32 $0xFFFFF800  }
0x189: {  	[spmem:s3] =	stream.indirect.scatter.add.f32 [tilespmem:s17], [sflag:$0x1], $0x10, s0, s18, $0xb8;
	[tilespmem:$0x6780] =	vst v63  }
0x18a: {  	s0 =	sld [smem:$0x7F4]  }
0x18b: {  	[spmem:s3] =	stream.indirect.scatter.add.f32 [tilespmem:s17], [sflag:$0x1], $0x10, s1, s18, $0xb8;
	[tilespmem:$0x6780] =	vst v63  }
0x18c: {  	s1 =	sld [smem:$0x7F5]  }
0x18d: {  	[spmem:s3] =	stream.indirect.scatter.add.f32 [tilespmem:s17], [sflag:$0x1], $0x10, s0, s18, $0xb8;
	[tilespmem:$0x6780] =	vst v63  }
0x18e: {  	s0 =	sld [smem:$0x7F6]  }
0x18f: {  	[spmem:s3] =	stream.indirect.scatter.add.f32 [tilespmem:s17], [sflag:$0x1], $0x10, s1, s18, $0xb8;
	[tilespmem:$0x6780] =	vst v63  }
0x190: {  	s1 =	sld [smem:$0x7F7]  }
0x191: {  	[spmem:s3] =	stream.indirect.scatter.add.f32 [tilespmem:s17], [sflag:$0x1], $0x10, s0, s18, $0xb8;
	[tilespmem:$0x6780] =	vst v63  }
0x192: {  	s0 =	sld [smem:$0x7F8]  }
0x193: {  	[spmem:s3] =	stream.indirect.scatter.add.f32 [tilespmem:s17], [sflag:$0x1], $0x10, s1, s18, $0xb8;
	[tilespmem:$0x6780] =	vst v63  }
0x194: {  	s1 =	sld [smem:$0x7F9]  }
0x195: {  	[spmem:s3] =	stream.indirect.scatter.add.f32 [tilespmem:s17], [sflag:$0x1], $0x10, s0, s18, $0xb8;
	[tilespmem:$0x6780] =	vst v63  }
0x196: {  	_ = 	snop  }
0x197: {  	[spmem:s3] =	stream.indirect.scatter.add.f32 [tilespmem:s17], [sflag:$0x1], $0x10, s1, s18, $0xb8;
	[tilespmem:$0x6780] =	vst v63  }
0x198: {  	_ =	swait.ge [sflag:s15], $0x800  }
0x199: {  	[sflag:s15] =	ssyncset.done $0x0  }
0x19a: {  	[sflag:s15] =	ssyncadd.s32 $0xFFFFF800  }
0x19b: {  	_ =	swait.ge [sflag:s15], $0x800  }
0x19c: {  	[sflag:s15] =	ssyncset.done $0x0  }
0x19d: {  	[sflag:s15] =	ssyncadd.s32 $0xFFFFF800  }
0x19e: {  	_ =	swait.ge [sflag:s15], $0x800  }
0x19f: {  	[sflag:s15] =	ssyncset.done $0x0  }
0x1a0: {  	[sflag:s15] =	ssyncadd.s32 $0xFFFFF800  }
0x1a1: {  	_ =	swait.ge [sflag:s15], $0x800  }
0x1a2: {  	[sflag:s15] =	ssyncset.done $0x0  }
0x1a3: {  	[sflag:s15] =	ssyncadd.s32 $0xFFFFF800  }
0x1a4: {  	_ =	swait.ge [sflag:s15], $0x800  }
0x1a5: {  	[sflag:s15] =	ssyncset.done $0x0  }
0x1a6: {  	[sflag:s15] =	ssyncadd.s32 $0xFFFFF800  }
0x1a7: {  	_ =	swait.ge [sflag:s15], $0x800  }
0x1a8: {  	[sflag:s15] =	ssyncset.done $0x0  }
0x1a9: {  	[sflag:s15] =	ssyncadd.s32 $0xFFFFF800  }
0x1aa: {  	_ =	swait.ge [sflag:s15], $0x800  }
0x1ab: {  	[sflag:s15] =	ssyncset.done $0x0  }
0x1ac: {  	[sflag:s15] =	ssyncadd.s32 $0xFFFFF800  }
0x1ad: {  	_ =	swait.ge [sflag:s15], $0x800  }
0x1ae: {  	s0 =	sld [smem:$0x7FA]  }
0x1af: {  	[sflag:s15] =	ssyncset.done $0x0  }
0x1b0: {  	s1 =	sld [smem:$0x7FB];
	[sflag:s15] =	ssyncadd.s32 $0xFFFFF800  }
0x1b1: {  	[spmem:s3] =	stream.indirect.scatter.add.f32 [tilespmem:s17], [sflag:$0x1], $0x10, s0, s18, $0xb8;
	[tilespmem:$0x6780] =	vst v63  }
0x1b2: {  	s0 =	sld [smem:$0x7FC]  }
0x1b3: {  	[spmem:s3] =	stream.indirect.scatter.add.f32 [tilespmem:s17], [sflag:$0x1], $0x10, s1, s18, $0xb8;
	[tilespmem:$0x6780] =	vst v63  }
0x1b4: {  	s1 =	sld [smem:$0x7FD]  }
0x1b5: {  	[spmem:s3] =	stream.indirect.scatter.add.f32 [tilespmem:s17], [sflag:$0x1], $0x10, s0, s18, $0xb8;
	[tilespmem:$0x6780] =	vst v63  }
0x1b6: {  	_ = 	snop  }
0x1b7: {  	[spmem:s3] =	stream.indirect.scatter.add.f32 [tilespmem:s17], [sflag:$0x1], $0x10, s1, s18, $0xb8;
	[tilespmem:$0x6780] =	vst v63  }
0x1b8: {  	_ = 	snop  }
0x1b9: {  	[spmem:s3] =	stream.indirect.scatter.add.f32 [tilespmem:s17], [sflag:$0x1], $0x10, s28, s18, $0xb8;
	[tilespmem:$0x6780] =	vst v63  }
0x1ba: {  	_ = 	snop  }
0x1bb: {  	[spmem:s3] =	stream.indirect.scatter.add.f32 [tilespmem:s17], [sflag:$0x1], $0x10, s29, s18, $0xb8;
	[tilespmem:$0x6780] =	vst v63  }
0x1bc: {  	_ = 	snop  }
0x1bd: {  	[spmem:s3] =	stream.indirect.scatter.add.f32 [tilespmem:s17], [sflag:$0x1], $0x10, s30, s18, $0xb8;
	[tilespmem:$0x6780] =	vst v63  }
0x1be: {  	_ = 	snop  }
0x1bf: {  	[spmem:s3] =	stream.indirect.scatter.add.f32 [tilespmem:s17], [sflag:$0x1], $0x10, s20, s18, $0xb8;
	[tilespmem:$0x6780] =	vst v63  }
0x1c0: {  	_ =	swait.ge [sflag:s15], $0x800  }
0x1c1: {  	[sflag:s15] =	ssyncset.done $0x0  }
0x1c2: {  	[sflag:s15] =	ssyncadd.s32 $0xFFFFF800  }
0x1c3: {  	_ =	swait.ge [sflag:s15], $0x800  }
0x1c4: {  	[sflag:s15] =	ssyncset.done $0x0  }
0x1c5: {  	[sflag:s15] =	ssyncadd.s32 $0xFFFFF800  }
0x1c6: {  	_ =	swait.ge [sflag:s15], $0x800  }
0x1c7: {  	[sflag:s15] =	ssyncset.done $0x0  }
0x1c8: {  	[sflag:s15] =	ssyncadd.s32 $0xFFFFF800  }
0x1c9: {  	_ =	swait.ge [sflag:s15], $0x800  }
0x1ca: {  	[sflag:s15] =	ssyncset.done $0x0  }
0x1cb: {  	[sflag:s15] =	ssyncadd.s32 $0xFFFFF800  }
0x1cc: {  	_ =	swait.ge [sflag:s15], $0x800  }
0x1cd: {  	[sflag:s15] =	ssyncset.done $0x0  }
0x1ce: {  	[sflag:s15] =	ssyncadd.s32 $0xFFFFF800  }
0x1cf: {  	_ =	swait.ge [sflag:s15], $0x800  }
0x1d0: {  	[sflag:s15] =	ssyncset.done $0x0  }
0x1d1: {  	[sflag:s15] =	ssyncadd.s32 $0xFFFFF800  }
0x1d2: {  	_ =	swait.ge [sflag:s15], $0x800  }
0x1d3: {  	[sflag:s15] =	ssyncset.done $0x0  }
0x1d4: {  	[sflag:s15] =	ssyncadd.s32 $0xFFFFF800  }
0x1d5: {  	_ =	swait.ge [sflag:s15], $0x800  }
0x1d6: {  	[sflag:s15] =	ssyncset.done $0x0  }
0x1d7: {  	s1 =	simm.s32 $0x2400;
	[sflag:s15] =	ssyncadd.s32 $0xFFFFF800  }
0x1d8: {  	[spmem:s3] =	stream.indirect.scatter.add.f32 [tilespmem:s17], [sflag:$0x1], $0x10, s1, s18, $0xb8;
	[tilespmem:$0x6780] =	vst v63  }
0x1d9: {  	_ = 	snop  }
0x1da: {  	[spmem:s3] =	stream.indirect.scatter.add.f32 [tilespmem:s17], [sflag:$0x1], $0x10, s21, s18, $0xb8;
	[tilespmem:$0x6780] =	vst v63  }
0x1db: {  	_ = 	snop  }
0x1dc: {  	[spmem:s3] =	stream.indirect.scatter.add.f32 [tilespmem:s17], [sflag:$0x1], $0x10, s22, s18, $0xb8;
	[tilespmem:$0x6780] =	vst v63  }
0x1dd: {  	_ = 	snop  }
0x1de: {  	[spmem:s3] =	stream.indirect.scatter.add.f32 [tilespmem:s17], [sflag:$0x1], $0x10, s23, s18, $0xb8;
	[tilespmem:$0x6780] =	vst v63  }
0x1df: {  	_ = 	snop  }
0x1e0: {  	[spmem:s3] =	stream.indirect.scatter.add.f32 [tilespmem:s17], [sflag:$0x1], $0x10, s24, s18, $0xb8;
	[tilespmem:$0x6780] =	vst v63  }
0x1e1: {  	_ = 	snop  }
0x1e2: {  	[spmem:s3] =	stream.indirect.scatter.add.f32 [tilespmem:s17], [sflag:$0x1], $0x10, s25, s18, $0xb8;
	[tilespmem:$0x6780] =	vst v63  }
0x1e3: {  	_ = 	snop  }
0x1e4: {  	[spmem:s3] =	stream.indirect.scatter.add.f32 [tilespmem:s17], [sflag:$0x1], $0x10, s26, s18, $0xb8;
	[tilespmem:$0x6780] =	vst v63  }
0x1e5: {  	_ =	swait.ge [sflag:s15], $0x800  }
0x1e6: {  	[sflag:s15] =	ssyncset.done $0x0  }
0x1e7: {  	[sflag:s15] =	ssyncadd.s32 $0xFFFFF800  }
0x1e8: {  	_ =	swait.ge [sflag:s15], $0x800  }
0x1e9: {  	[sflag:s15] =	ssyncset.done $0x0  }
0x1ea: {  	[sflag:s15] =	ssyncadd.s32 $0xFFFFF800  }
0x1eb: {  	_ =	swait.ge [sflag:s15], $0x800  }
0x1ec: {  	[sflag:s15] =	ssyncset.done $0x0  }
0x1ed: {  	[sflag:s15] =	ssyncadd.s32 $0xFFFFF800  }
0x1ee: {  	_ =	swait.ge [sflag:s15], $0x800  }
0x1ef: {  	[sflag:s15] =	ssyncset.done $0x0  }
0x1f0: {  	[sflag:s15] =	ssyncadd.s32 $0xFFFFF800  }
0x1f1: {  	_ =	swait.ge [sflag:s15], $0x800  }
0x1f2: {  	[sflag:s15] =	ssyncset.done $0x0  }
0x1f3: {  	[sflag:s15] =	ssyncadd.s32 $0xFFFFF800  }
0x1f4: {  	_ =	swait.ge [sflag:s15], $0x800  }
0x1f5: {  	[sflag:s15] =	ssyncset.done $0x0  }
0x1f6: {  	[sflag:s15] =	ssyncadd.s32 $0xFFFFF800  }
0x1f7: {  	_ =	swait.ge [sflag:s15], $0x800  }
0x1f8: {  	[sflag:s15] =	ssyncset.done $0x0  }
0x1f9: {  	[sflag:s15] =	ssyncadd.s32 $0xFFFFF800  }
0x1fa: {  	[bflag:$0x0] =	sbarrier.arrive $0xFFFF  }
0x1fb: {  	[tilespmem:s12], [sflag:$0x2] =	stream.linear.gather [spmem:s8], $0x800, $0x38;
	[tilespmem:$0x6780] =	vst v63  }
0x1fc: {  	_ =	swait.ge [sflag:s9], $0x800  }
0x1fd: {  	[sflag:s9] =	ssyncset.done $0x0  }
0x1fe: {  	[sflag:s9] =	ssyncadd.s32 $0xFFFFF800  }
0x1ff: {  	[hbm4b:s16+s2] =	stream.linear.scatter [tilespmem:s12], [sflag:$0x2], $0x800, $0x38;
	[tilespmem:$0x6780] =	vst v63  }
0x200: {  	_ =	swait.ge [sflag:s9], $0x800  }
0x201: {  	[sflag:s9] =	ssyncset.done $0x0  }
0x202: {  	[sflag:s9] =	ssyncadd.s32 $0xFFFFF800  }
0x203: {  	[tilespmem:s12], [sflag:$0x2] =	stream.linear.gather [spmem:s7], $0x800, $0x38;
	[tilespmem:$0x6780] =	vst v63  }
0x204: {  	_ =	swait.ge [sflag:s9], $0x800  }
0x205: {  	[sflag:s9] =	ssyncset.done $0x0  }
0x206: {  	[sflag:s9] =	ssyncadd.s32 $0xFFFFF800  }
0x207: {  	[hbm4b:s14+s2] =	stream.linear.scatter [tilespmem:s12], [sflag:$0x2], $0x800, $0x38;
	[tilespmem:$0x6780] =	vst v63  }
0x208: {  	_ =	swait.ge [sflag:s9], $0x800  }
0x209: {  	[sflag:s9] =	ssyncset.done $0x0  }
0x20a: {  	[sflag:s9] =	ssyncadd.s32 $0xFFFFF800  }
0x20b: {  	[tilespmem:s12], [sflag:$0x2] =	stream.linear.gather [spmem:s6], $0x800, $0x38;
	[tilespmem:$0x6780] =	vst v63  }
0x20c: {  	_ =	swait.ge [sflag:s9], $0x800  }
0x20d: {  	[sflag:s9] =	ssyncset.done $0x0  }
0x20e: {  	[sflag:s9] =	ssyncadd.s32 $0xFFFFF800  }
0x20f: {  	[hbm4b:s13+s2] =	stream.linear.scatter [tilespmem:s12], [sflag:$0x2], $0x800, $0x38;
	[tilespmem:$0x6780] =	vst v63  }
0x210: {  	_ =	swait.ge [sflag:s9], $0x800  }
0x211: {  	[sflag:s9] =	ssyncset.done $0x0  }
0x212: {  	[sflag:s9] =	ssyncadd.s32 $0xFFFFF800  }
0x213: {  	[tilespmem:s12], [sflag:$0x2] =	stream.linear.gather [spmem:s4], $0x800, $0x38;
	[tilespmem:$0x6780] =	vst v63  }
0x214: {  	_ =	swait.ge [sflag:s9], $0x800  }
0x215: {  	[sflag:s9] =	ssyncset.done $0x0  }
0x216: {  	[sflag:s9] =	ssyncadd.s32 $0xFFFFF800  }
0x217: {  	[hbm4b:s11+s2] =	stream.linear.scatter [tilespmem:s12], [sflag:$0x2], $0x800, $0x38;
	[tilespmem:$0x6780] =	vst v63  }
0x218: {  	_ =	swait.ge [sflag:s9], $0x800  }
0x219: {  	[sflag:s9] =	ssyncset.done $0x0  }
0x21a: {  	[sflag:s9] =	ssyncadd.s32 $0xFFFFF800  }
0x21b: {  	[tilespmem:s12], [sflag:$0x2] =	stream.linear.gather [spmem:s5], $0x800, $0x38;
	[tilespmem:$0x6780] =	vst v63  }
0x21c: {  	p1 =	sne.s32 s19, $0x1;
	_ =	swait.ge [sflag:s9], $0x800  }
.Ltmp1:
0x21d: {  	[sflag:s9] =	ssyncset.done $0x0;
	(pc) =	sbr.rel @!p1 .LBB2_3-.Ltmp1, $4  }
0x21e: {  	[sflag:s9] =	ssyncadd.s32 $0xFFFFF800  }
0x21f: {  	[hbm4b:s10+s2] =	stream.linear.scatter [tilespmem:s12], [sflag:$0x2], $0x800, $0x38;
	[tilespmem:$0x6780] =	vst v63  }
0x220: {  	p0 =	por $0x1, $0x1;
	_ =	swait.ge [sflag:s9], $0x800  }
0x221: {  	s0 =	sadd.s32 $0xFFFFFFFF, s19;
	s1 =	rddreg [dreg:$0x6];
	[sflag:s9] =	ssyncset.done $0x0  }
.LBB2_4:
0x222: {  	[sflag:s9] =	ssyncadd.s32 $0xFFFFF800  }
0x223: {  	[tilespmem:s2], [sflag:$0x2] =	stream.linear.gather [hbm4b:s1+s2], $0x2780, $0x38;
	[tilespmem:$0x6780] =	vst v63  }
0x224: {  	_ =	swait.ge [sflag:s9], $0x2780  }
0x225: {  	[sflag:s9] =	ssyncset.done $0x0  }
0x226: {  	s19 =	rddreg [dreg:$0x4];
	[sflag:s9] =	ssyncadd.s32 $0xFFFFD880  }
0x227: {  	[tilespmem:s17], [sflag:$0x2] =	stream.linear.gather [hbm4b:s19+s2], $0x800, $0x38;
	[tilespmem:$0x6780] =	vst v63  }
0x228: {  	_ =	swait.ge [sflag:s9], $0x800  }
0x229: {  	[sflag:s9] =	ssyncset.done $0x0  }
0x22a: {  	s19 =	rddreg [dreg:$0x5];
	[sflag:s9] =	ssyncadd.s32 $0xFFFFF800  }
0x22b: {  	[tilespmem:s31], [sflag:$0x2] =	stream.linear.gather [hbm4b:s19+s2], $0x800, $0x38;
	[tilespmem:$0x6780] =	vst v63  }
0x22c: {  	_ =	swait.ge [sflag:s9], $0x800  }
0x22d: {  	[sflag:s9] =	ssyncset.done $0x0  }
0x22e: {  	[sflag:s9] =	ssyncadd.s32 $0xFFFFF800  }
0x22f: {  	[spmem:s8] =	stream.linear.scatter [tilespmem:s31], [sflag:$0x2], $0x800, $0x38;
	[tilespmem:$0x6780] =	vst v63  }
0x230: {  	_ =	swait.ge [sflag:s9], $0x800  }
0x231: {  	[sflag:s9] =	ssyncset.done $0x0  }
0x232: {  	[sflag:s9] =	ssyncadd.s32 $0xFFFFF800  }
0x233: {  	[spmem:s7] =	stream.linear.scatter [tilespmem:s31], [sflag:$0x2], $0x800, $0x38;
	[tilespmem:$0x6780] =	vst v63  }
0x234: {  	_ =	swait.ge [sflag:s9], $0x800  }
0x235: {  	[sflag:s9] =	ssyncset.done $0x0  }
0x236: {  	[sflag:s9] =	ssyncadd.s32 $0xFFFFF800  }
0x237: {  	[spmem:s6] =	stream.linear.scatter [tilespmem:s31], [sflag:$0x2], $0x800, $0x38;
	[tilespmem:$0x6780] =	vst v63  }
0x238: {  	_ =	swait.ge [sflag:s9], $0x800  }
0x239: {  	[sflag:s9] =	ssyncset.done $0x0  }
0x23a: {  	[sflag:s9] =	ssyncadd.s32 $0xFFFFF800  }
0x23b: {  	[spmem:s4] =	stream.linear.scatter [tilespmem:s31], [sflag:$0x2], $0x800, $0x38;
	[tilespmem:$0x6780] =	vst v63  }
0x23c: {  	_ =	swait.ge [sflag:s9], $0x800  }
0x23d: {  	[sflag:s9] =	ssyncset.done $0x0  }
0x23e: {  	[sflag:s9] =	ssyncadd.s32 $0xFFFFF800  }
0x23f: {  	[spmem:s5] =	stream.linear.scatter [tilespmem:s31], [sflag:$0x2], $0x800, $0x38;
	[tilespmem:$0x6780] =	vst v63  }
0x240: {  	_ =	swait.ge [sflag:s9], $0x800  }
0x241: {  	[sflag:s9] =	ssyncset.done $0x0  }
0x242: {  	[sflag:s9] =	ssyncadd.s32 $0xFFFFF800  }
0x243: {  	[bflag:$0x0] =	sbarrier.arrive $0xFFFF  }
0x244: {  	[spmem:s3] =	stream.indirect.scatter.add.f32 [tilespmem:s17], [sflag:$0x1], $0x10, s2, s18, $0xb8;
	[tilespmem:$0x6780] =	vst v63  }
0x245: {  	_ = 	snop  }
0x246: {  	[spmem:s3] =	stream.indirect.scatter.add.f32 [tilespmem:s17], [sflag:$0x1], $0x10, s18, s18, $0xb8;
	[tilespmem:$0x6780] =	vst v63  }
0x247: {  	s1 =	rddreg [dreg:$0x7]  }
0x248: {  	[spmem:s3] =	stream.indirect.scatter.add.f32 [tilespmem:s17], [sflag:$0x1], $0x10, s1, s18, $0xb8;
	[tilespmem:$0x6780] =	vst v63  }
0x249: {  	s19 =	rddreg [dreg:$0x8]  }
0x24a: {  	[spmem:s3] =	stream.indirect.scatter.add.f32 [tilespmem:s17], [sflag:$0x1], $0x10, s19, s18, $0xb8;
	[tilespmem:$0x6780] =	vst v63  }
0x24b: {  	s1 =	rddreg [dreg:$0x9]  }
0x24c: {  	[spmem:s3] =	stream.indirect.scatter.add.f32 [tilespmem:s17], [sflag:$0x1], $0x10, s1, s18, $0xb8;
	[tilespmem:$0x6780] =	vst v63  }
0x24d: {  	s19 =	rddreg [dreg:$0xa]  }
0x24e: {  	[spmem:s3] =	stream.indirect.scatter.add.f32 [tilespmem:s17], [sflag:$0x1], $0x10, s19, s18, $0xb8;
	[tilespmem:$0x6780] =	vst v63  }
0x24f: {  	s1 =	rddreg [dreg:$0xb]  }
0x250: {  	[spmem:s3] =	stream.indirect.scatter.add.f32 [tilespmem:s17], [sflag:$0x1], $0x10, s1, s18, $0xb8;
	[tilespmem:$0x6780] =	vst v63  }
0x251: {  	s19 =	rddreg [dreg:$0xc]  }
0x252: {  	[spmem:s3] =	stream.indirect.scatter.add.f32 [tilespmem:s17], [sflag:$0x1], $0x10, s19, s18, $0xb8;
	[tilespmem:$0x6780] =	vst v63  }
0x253: {  	_ =	swait.ge [sflag:s15], $0x800  }
0x254: {  	[sflag:s15] =	ssyncset.done $0x0  }
0x255: {  	[sflag:s15] =	ssyncadd.s32 $0xFFFFF800  }
0x256: {  	_ =	swait.ge [sflag:s15], $0x800  }
0x257: {  	[sflag:s15] =	ssyncset.done $0x0  }
0x258: {  	[sflag:s15] =	ssyncadd.s32 $0xFFFFF800  }
0x259: {  	_ =	swait.ge [sflag:s15], $0x800  }
0x25a: {  	[sflag:s15] =	ssyncset.done $0x0  }
0x25b: {  	[sflag:s15] =	ssyncadd.s32 $0xFFFFF800  }
0x25c: {  	_ =	swait.ge [sflag:s15], $0x800  }
0x25d: {  	[sflag:s15] =	ssyncset.done $0x0  }
0x25e: {  	[sflag:s15] =	ssyncadd.s32 $0xFFFFF800  }
0x25f: {  	_ =	swait.ge [sflag:s15], $0x800  }
0x260: {  	[sflag:s15] =	ssyncset.done $0x0  }
0x261: {  	[sflag:s15] =	ssyncadd.s32 $0xFFFFF800  }
0x262: {  	_ =	swait.ge [sflag:s15], $0x800  }
0x263: {  	[sflag:s15] =	ssyncset.done $0x0  }
0x264: {  	[sflag:s15] =	ssyncadd.s32 $0xFFFFF800  }
0x265: {  	_ =	swait.ge [sflag:s15], $0x800  }
0x266: {  	[sflag:s15] =	ssyncset.done $0x0  }
0x267: {  	[sflag:s15] =	ssyncadd.s32 $0xFFFFF800  }
0x268: {  	_ =	swait.ge [sflag:s15], $0x800  }
0x269: {  	[sflag:s15] =	ssyncset.done $0x0  }
0x26a: {  	s1 =	rddreg [dreg:$0xd];
	[sflag:s15] =	ssyncadd.s32 $0xFFFFF800  }
0x26b: {  	[spmem:s3] =	stream.indirect.scatter.add.f32 [tilespmem:s17], [sflag:$0x1], $0x10, s1, s18, $0xb8;
	[tilespmem:$0x6780] =	vst v63  }
0x26c: {  	s19 =	rddreg [dreg:$0xe]  }
0x26d: {  	[spmem:s3] =	stream.indirect.scatter.add.f32 [tilespmem:s17], [sflag:$0x1], $0x10, s19, s18, $0xb8;
	[tilespmem:$0x6780] =	vst v63  }
0x26e: {  	s1 =	rddreg [dreg:$0xf]  }
0x26f: {  	[spmem:s3] =	stream.indirect.scatter.add.f32 [tilespmem:s17], [sflag:$0x1], $0x10, s1, s18, $0xb8;
	[tilespmem:$0x6780] =	vst v63  }
0x270: {  	s19 =	rddreg [dreg:$0x10]  }
0x271: {  	[spmem:s3] =	stream.indirect.scatter.add.f32 [tilespmem:s17], [sflag:$0x1], $0x10, s19, s18, $0xb8;
	[tilespmem:$0x6780] =	vst v63  }
0x272: {  	s1 =	rddreg [dreg:$0x11]  }
0x273: {  	[spmem:s3] =	stream.indirect.scatter.add.f32 [tilespmem:s17], [sflag:$0x1], $0x10, s1, s18, $0xb8;
	[tilespmem:$0x6780] =	vst v63  }
0x274: {  	s19 =	rddreg [dreg:$0x12]  }
0x275: {  	[spmem:s3] =	stream.indirect.scatter.add.f32 [tilespmem:s17], [sflag:$0x1], $0x10, s19, s18, $0xb8;
	[tilespmem:$0x6780] =	vst v63  }
0x276: {  	s1 =	rddreg [dreg:$0x13]  }
0x277: {  	[spmem:s3] =	stream.indirect.scatter.add.f32 [tilespmem:s17], [sflag:$0x1], $0x10, s1, s18, $0xb8;
	[tilespmem:$0x6780] =	vst v63  }
0x278: {  	s19 =	rddreg [dreg:$0x14]  }
0x279: {  	[spmem:s3] =	stream.indirect.scatter.add.f32 [tilespmem:s17], [sflag:$0x1], $0x10, s19, s18, $0xb8;
	[tilespmem:$0x6780] =	vst v63  }
0x27a: {  	_ =	swait.ge [sflag:s15], $0x800  }
0x27b: {  	[sflag:s15] =	ssyncset.done $0x0  }
0x27c: {  	[sflag:s15] =	ssyncadd.s32 $0xFFFFF800  }
0x27d: {  	_ =	swait.ge [sflag:s15], $0x800  }
0x27e: {  	[sflag:s15] =	ssyncset.done $0x0  }
0x27f: {  	[sflag:s15] =	ssyncadd.s32 $0xFFFFF800  }
0x280: {  	_ =	swait.ge [sflag:s15], $0x800  }
0x281: {  	[sflag:s15] =	ssyncset.done $0x0  }
0x282: {  	[sflag:s15] =	ssyncadd.s32 $0xFFFFF800  }
0x283: {  	_ =	swait.ge [sflag:s15], $0x800  }
0x284: {  	[sflag:s15] =	ssyncset.done $0x0  }
0x285: {  	[sflag:s15] =	ssyncadd.s32 $0xFFFFF800  }
0x286: {  	_ =	swait.ge [sflag:s15], $0x800  }
0x287: {  	[sflag:s15] =	ssyncset.done $0x0  }
0x288: {  	[sflag:s15] =	ssyncadd.s32 $0xFFFFF800  }
0x289: {  	_ =	swait.ge [sflag:s15], $0x800  }
0x28a: {  	[sflag:s15] =	ssyncset.done $0x0  }
0x28b: {  	[sflag:s15] =	ssyncadd.s32 $0xFFFFF800  }
0x28c: {  	_ =	swait.ge [sflag:s15], $0x800  }
0x28d: {  	[sflag:s15] =	ssyncset.done $0x0  }
0x28e: {  	[sflag:s15] =	ssyncadd.s32 $0xFFFFF800  }
0x28f: {  	_ =	swait.ge [sflag:s15], $0x800  }
0x290: {  	[sflag:s15] =	ssyncset.done $0x0  }
0x291: {  	s1 =	rddreg [dreg:$0x15];
	[sflag:s15] =	ssyncadd.s32 $0xFFFFF800  }
0x292: {  	[spmem:s3] =	stream.indirect.scatter.add.f32 [tilespmem:s17], [sflag:$0x1], $0x10, s1, s18, $0xb8;
	[tilespmem:$0x6780] =	vst v63  }
0x293: {  	s19 =	rddreg [dreg:$0x16]  }
0x294: {  	[spmem:s3] =	stream.indirect.scatter.add.f32 [tilespmem:s17], [sflag:$0x1], $0x10, s19, s18, $0xb8;
	[tilespmem:$0x6780] =	vst v63  }
0x295: {  	s1 =	rddreg [dreg:$0x17]  }
0x296: {  	[spmem:s3] =	stream.indirect.scatter.add.f32 [tilespmem:s17], [sflag:$0x1], $0x10, s1, s18, $0xb8;
	[tilespmem:$0x6780] =	vst v63  }
0x297: {  	s19 =	rddreg [dreg:$0x18]  }
0x298: {  	[spmem:s3] =	stream.indirect.scatter.add.f32 [tilespmem:s17], [sflag:$0x1], $0x10, s19, s18, $0xb8;
	[tilespmem:$0x6780] =	vst v63  }
0x299: {  	s1 =	rddreg [dreg:$0x19]  }
0x29a: {  	[spmem:s3] =	stream.indirect.scatter.add.f32 [tilespmem:s17], [sflag:$0x1], $0x10, s1, s18, $0xb8;
	[tilespmem:$0x6780] =	vst v63  }
0x29b: {  	s19 =	rddreg [dreg:$0x1a]  }
0x29c: {  	[spmem:s3] =	stream.indirect.scatter.add.f32 [tilespmem:s17], [sflag:$0x1], $0x10, s19, s18, $0xb8;
	[tilespmem:$0x6780] =	vst v63  }
0x29d: {  	s1 =	rddreg [dreg:$0x1b]  }
0x29e: {  	[spmem:s3] =	stream.indirect.scatter.add.f32 [tilespmem:s17], [sflag:$0x1], $0x10, s1, s18, $0xb8;
	[tilespmem:$0x6780] =	vst v63  }
0x29f: {  	s19 =	rddreg [dreg:$0x1c]  }
0x2a0: {  	[spmem:s3] =	stream.indirect.scatter.add.f32 [tilespmem:s17], [sflag:$0x1], $0x10, s19, s18, $0xb8;
	[tilespmem:$0x6780] =	vst v63  }
0x2a1: {  	_ =	swait.ge [sflag:s15], $0x800  }
0x2a2: {  	[sflag:s15] =	ssyncset.done $0x0  }
0x2a3: {  	[sflag:s15] =	ssyncadd.s32 $0xFFFFF800  }
0x2a4: {  	_ =	swait.ge [sflag:s15], $0x800  }
0x2a5: {  	[sflag:s15] =	ssyncset.done $0x0  }
0x2a6: {  	[sflag:s15] =	ssyncadd.s32 $0xFFFFF800  }
0x2a7: {  	_ =	swait.ge [sflag:s15], $0x800  }
0x2a8: {  	[sflag:s15] =	ssyncset.done $0x0  }
0x2a9: {  	[sflag:s15] =	ssyncadd.s32 $0xFFFFF800  }
0x2aa: {  	_ =	swait.ge [sflag:s15], $0x800  }
0x2ab: {  	[sflag:s15] =	ssyncset.done $0x0  }
0x2ac: {  	[sflag:s15] =	ssyncadd.s32 $0xFFFFF800  }
0x2ad: {  	_ =	swait.ge [sflag:s15], $0x800  }
0x2ae: {  	[sflag:s15] =	ssyncset.done $0x0  }
0x2af: {  	[sflag:s15] =	ssyncadd.s32 $0xFFFFF800  }
0x2b0: {  	_ =	swait.ge [sflag:s15], $0x800  }
0x2b1: {  	[sflag:s15] =	ssyncset.done $0x0  }
0x2b2: {  	[sflag:s15] =	ssyncadd.s32 $0xFFFFF800  }
0x2b3: {  	_ =	swait.ge [sflag:s15], $0x800  }
0x2b4: {  	[sflag:s15] =	ssyncset.done $0x0  }
0x2b5: {  	[sflag:s15] =	ssyncadd.s32 $0xFFFFF800  }
0x2b6: {  	_ =	swait.ge [sflag:s15], $0x800  }
0x2b7: {  	s1 =	rddreg [dreg:$0x1d];
	[sflag:s15] =	ssyncset.done $0x0  }
0x2b8: {  	s19 =	rddreg [dreg:$0x1e];
	[sflag:s15] =	ssyncadd.s32 $0xFFFFF800  }
0x2b9: {  	[spmem:s3] =	stream.indirect.scatter.add.f32 [tilespmem:s17], [sflag:$0x1], $0x10, s1, s18, $0xb8;
	[tilespmem:$0x6780] =	vst v63  }
0x2ba: {  	s1 =	rddreg [dreg:$0x1f]  }
0x2bb: {  	[spmem:s3] =	stream.indirect.scatter.add.f32 [tilespmem:s17], [sflag:$0x1], $0x10, s19, s18, $0xb8;
	[tilespmem:$0x6780] =	vst v63  }
0x2bc: {  	s19 =	sld [smem:$0x7D5]  }
0x2bd: {  	[spmem:s3] =	stream.indirect.scatter.add.f32 [tilespmem:s17], [sflag:$0x1], $0x10, s1, s18, $0xb8;
	[tilespmem:$0x6780] =	vst v63  }
0x2be: {  	s1 =	sld [smem:$0x7D6]  }
0x2bf: {  	[spmem:s3] =	stream.indirect.scatter.add.f32 [tilespmem:s17], [sflag:$0x1], $0x10, s19, s18, $0xb8;
	[tilespmem:$0x6780] =	vst v63  }
0x2c0: {  	s19 =	sld [smem:$0x7D7]  }
0x2c1: {  	[spmem:s3] =	stream.indirect.scatter.add.f32 [tilespmem:s17], [sflag:$0x1], $0x10, s1, s18, $0xb8;
	[tilespmem:$0x6780] =	vst v63  }
0x2c2: {  	s1 =	sld [smem:$0x7D8]  }
0x2c3: {  	[spmem:s3] =	stream.indirect.scatter.add.f32 [tilespmem:s17], [sflag:$0x1], $0x10, s19, s18, $0xb8;
	[tilespmem:$0x6780] =	vst v63  }
0x2c4: {  	s19 =	sld [smem:$0x7D9]  }
0x2c5: {  	[spmem:s3] =	stream.indirect.scatter.add.f32 [tilespmem:s17], [sflag:$0x1], $0x10, s1, s18, $0xb8;
	[tilespmem:$0x6780] =	vst v63  }
0x2c6: {  	_ = 	snop  }
0x2c7: {  	[spmem:s3] =	stream.indirect.scatter.add.f32 [tilespmem:s17], [sflag:$0x1], $0x10, s19, s18, $0xb8;
	[tilespmem:$0x6780] =	vst v63  }
0x2c8: {  	_ =	swait.ge [sflag:s15], $0x800  }
0x2c9: {  	[sflag:s15] =	ssyncset.done $0x0  }
0x2ca: {  	[sflag:s15] =	ssyncadd.s32 $0xFFFFF800  }
0x2cb: {  	_ =	swait.ge [sflag:s15], $0x800  }
0x2cc: {  	[sflag:s15] =	ssyncset.done $0x0  }
0x2cd: {  	[sflag:s15] =	ssyncadd.s32 $0xFFFFF800  }
0x2ce: {  	_ =	swait.ge [sflag:s15], $0x800  }
0x2cf: {  	[sflag:s15] =	ssyncset.done $0x0  }
0x2d0: {  	[sflag:s15] =	ssyncadd.s32 $0xFFFFF800  }
0x2d1: {  	_ =	swait.ge [sflag:s15], $0x800  }
0x2d2: {  	[sflag:s15] =	ssyncset.done $0x0  }
0x2d3: {  	[sflag:s15] =	ssyncadd.s32 $0xFFFFF800  }
0x2d4: {  	_ =	swait.ge [sflag:s15], $0x800  }
0x2d5: {  	[sflag:s15] =	ssyncset.done $0x0  }
0x2d6: {  	[sflag:s15] =	ssyncadd.s32 $0xFFFFF800  }
0x2d7: {  	_ =	swait.ge [sflag:s15], $0x800  }
0x2d8: {  	[sflag:s15] =	ssyncset.done $0x0  }
0x2d9: {  	[sflag:s15] =	ssyncadd.s32 $0xFFFFF800  }
0x2da: {  	_ =	swait.ge [sflag:s15], $0x800  }
0x2db: {  	[sflag:s15] =	ssyncset.done $0x0  }
0x2dc: {  	[sflag:s15] =	ssyncadd.s32 $0xFFFFF800  }
0x2dd: {  	_ =	swait.ge [sflag:s15], $0x800  }
0x2de: {  	s1 =	sld [smem:$0x7DA]  }
0x2df: {  	[sflag:s15] =	ssyncset.done $0x0  }
0x2e0: {  	s19 =	sld [smem:$0x7DB];
	[sflag:s15] =	ssyncadd.s32 $0xFFFFF800  }
0x2e1: {  	[spmem:s3] =	stream.indirect.scatter.add.f32 [tilespmem:s17], [sflag:$0x1], $0x10, s1, s18, $0xb8;
	[tilespmem:$0x6780] =	vst v63  }
0x2e2: {  	s1 =	sld [smem:$0x7DC]  }
0x2e3: {  	[spmem:s3] =	stream.indirect.scatter.add.f32 [tilespmem:s17], [sflag:$0x1], $0x10, s19, s18, $0xb8;
	[tilespmem:$0x6780] =	vst v63  }
0x2e4: {  	s19 =	sld [smem:$0x7DD]  }
0x2e5: {  	[spmem:s3] =	stream.indirect.scatter.add.f32 [tilespmem:s17], [sflag:$0x1], $0x10, s1, s18, $0xb8;
	[tilespmem:$0x6780] =	vst v63  }
0x2e6: {  	s1 =	sld [smem:$0x7DE]  }
0x2e7: {  	[spmem:s3] =	stream.indirect.scatter.add.f32 [tilespmem:s17], [sflag:$0x1], $0x10, s19, s18, $0xb8;
	[tilespmem:$0x6780] =	vst v63  }
0x2e8: {  	s19 =	sld [smem:$0x7DF]  }
0x2e9: {  	[spmem:s3] =	stream.indirect.scatter.add.f32 [tilespmem:s17], [sflag:$0x1], $0x10, s1, s18, $0xb8;
	[tilespmem:$0x6780] =	vst v63  }
0x2ea: {  	s1 =	sld [smem:$0x7E0]  }
0x2eb: {  	[spmem:s3] =	stream.indirect.scatter.add.f32 [tilespmem:s17], [sflag:$0x1], $0x10, s19, s18, $0xb8;
	[tilespmem:$0x6780] =	vst v63  }
0x2ec: {  	s19 =	sld [smem:$0x7E1]  }
0x2ed: {  	[spmem:s3] =	stream.indirect.scatter.add.f32 [tilespmem:s17], [sflag:$0x1], $0x10, s1, s18, $0xb8;
	[tilespmem:$0x6780] =	vst v63  }
0x2ee: {  	_ = 	snop  }
0x2ef: {  	[spmem:s3] =	stream.indirect.scatter.add.f32 [tilespmem:s17], [sflag:$0x1], $0x10, s19, s18, $0xb8;
	[tilespmem:$0x6780] =	vst v63  }
0x2f0: {  	_ =	swait.ge [sflag:s15], $0x800  }
0x2f1: {  	[sflag:s15] =	ssyncset.done $0x0  }
0x2f2: {  	[sflag:s15] =	ssyncadd.s32 $0xFFFFF800  }
0x2f3: {  	_ =	swait.ge [sflag:s15], $0x800  }
0x2f4: {  	[sflag:s15] =	ssyncset.done $0x0  }
0x2f5: {  	[sflag:s15] =	ssyncadd.s32 $0xFFFFF800  }
0x2f6: {  	_ =	swait.ge [sflag:s15], $0x800  }
0x2f7: {  	[sflag:s15] =	ssyncset.done $0x0  }
0x2f8: {  	[sflag:s15] =	ssyncadd.s32 $0xFFFFF800  }
0x2f9: {  	_ =	swait.ge [sflag:s15], $0x800  }
0x2fa: {  	[sflag:s15] =	ssyncset.done $0x0  }
0x2fb: {  	[sflag:s15] =	ssyncadd.s32 $0xFFFFF800  }
0x2fc: {  	_ =	swait.ge [sflag:s15], $0x800  }
0x2fd: {  	[sflag:s15] =	ssyncset.done $0x0  }
0x2fe: {  	[sflag:s15] =	ssyncadd.s32 $0xFFFFF800  }
0x2ff: {  	_ =	swait.ge [sflag:s15], $0x800  }
0x300: {  	[sflag:s15] =	ssyncset.done $0x0  }
0x301: {  	[sflag:s15] =	ssyncadd.s32 $0xFFFFF800  }
0x302: {  	_ =	swait.ge [sflag:s15], $0x800  }
0x303: {  	[sflag:s15] =	ssyncset.done $0x0  }
0x304: {  	[sflag:s15] =	ssyncadd.s32 $0xFFFFF800  }
0x305: {  	_ =	swait.ge [sflag:s15], $0x800  }
0x306: {  	s1 =	sld [smem:$0x7E2]  }
0x307: {  	[sflag:s15] =	ssyncset.done $0x0  }
0x308: {  	s19 =	sld [smem:$0x7E3];
	[sflag:s15] =	ssyncadd.s32 $0xFFFFF800  }
0x309: {  	[spmem:s3] =	stream.indirect.scatter.add.f32 [tilespmem:s17], [sflag:$0x1], $0x10, s1, s18, $0xb8;
	[tilespmem:$0x6780] =	vst v63  }
0x30a: {  	s1 =	sld [smem:$0x7E4]  }
0x30b: {  	[spmem:s3] =	stream.indirect.scatter.add.f32 [tilespmem:s17], [sflag:$0x1], $0x10, s19, s18, $0xb8;
	[tilespmem:$0x6780] =	vst v63  }
0x30c: {  	s19 =	sld [smem:$0x7E5]  }
0x30d: {  	[spmem:s3] =	stream.indirect.scatter.add.f32 [tilespmem:s17], [sflag:$0x1], $0x10, s1, s18, $0xb8;
	[tilespmem:$0x6780] =	vst v63  }
0x30e: {  	s1 =	sld [smem:$0x7E6]  }
0x30f: {  	[spmem:s3] =	stream.indirect.scatter.add.f32 [tilespmem:s17], [sflag:$0x1], $0x10, s19, s18, $0xb8;
	[tilespmem:$0x6780] =	vst v63  }
0x310: {  	s19 =	sld [smem:$0x7E7]  }
0x311: {  	[spmem:s3] =	stream.indirect.scatter.add.f32 [tilespmem:s17], [sflag:$0x1], $0x10, s1, s18, $0xb8;
	[tilespmem:$0x6780] =	vst v63  }
0x312: {  	s1 =	sld [smem:$0x7E8]  }
0x313: {  	[spmem:s3] =	stream.indirect.scatter.add.f32 [tilespmem:s17], [sflag:$0x1], $0x10, s19, s18, $0xb8;
	[tilespmem:$0x6780] =	vst v63  }
0x314: {  	s19 =	sld [smem:$0x7E9]  }
0x315: {  	[spmem:s3] =	stream.indirect.scatter.add.f32 [tilespmem:s17], [sflag:$0x1], $0x10, s1, s18, $0xb8;
	[tilespmem:$0x6780] =	vst v63  }
0x316: {  	_ = 	snop  }
0x317: {  	[spmem:s3] =	stream.indirect.scatter.add.f32 [tilespmem:s17], [sflag:$0x1], $0x10, s19, s18, $0xb8;
	[tilespmem:$0x6780] =	vst v63  }
0x318: {  	_ =	swait.ge [sflag:s15], $0x800  }
0x319: {  	[sflag:s15] =	ssyncset.done $0x0  }
0x31a: {  	[sflag:s15] =	ssyncadd.s32 $0xFFFFF800  }
0x31b: {  	_ =	swait.ge [sflag:s15], $0x800  }
0x31c: {  	[sflag:s15] =	ssyncset.done $0x0  }
0x31d: {  	[sflag:s15] =	ssyncadd.s32 $0xFFFFF800  }
0x31e: {  	_ =	swait.ge [sflag:s15], $0x800  }
0x31f: {  	[sflag:s15] =	ssyncset.done $0x0  }
0x320: {  	[sflag:s15] =	ssyncadd.s32 $0xFFFFF800  }
0x321: {  	_ =	swait.ge [sflag:s15], $0x800  }
0x322: {  	[sflag:s15] =	ssyncset.done $0x0  }
0x323: {  	[sflag:s15] =	ssyncadd.s32 $0xFFFFF800  }
0x324: {  	_ =	swait.ge [sflag:s15], $0x800  }
0x325: {  	[sflag:s15] =	ssyncset.done $0x0  }
0x326: {  	[sflag:s15] =	ssyncadd.s32 $0xFFFFF800  }
0x327: {  	_ =	swait.ge [sflag:s15], $0x800  }
0x328: {  	[sflag:s15] =	ssyncset.done $0x0  }
0x329: {  	[sflag:s15] =	ssyncadd.s32 $0xFFFFF800  }
0x32a: {  	_ =	swait.ge [sflag:s15], $0x800  }
0x32b: {  	[sflag:s15] =	ssyncset.done $0x0  }
0x32c: {  	[sflag:s15] =	ssyncadd.s32 $0xFFFFF800  }
0x32d: {  	_ =	swait.ge [sflag:s15], $0x800  }
0x32e: {  	s1 =	sld [smem:$0x7EA]  }
0x32f: {  	[sflag:s15] =	ssyncset.done $0x0  }
0x330: {  	s19 =	sld [smem:$0x7EB];
	[sflag:s15] =	ssyncadd.s32 $0xFFFFF800  }
0x331: {  	[spmem:s3] =	stream.indirect.scatter.add.f32 [tilespmem:s17], [sflag:$0x1], $0x10, s1, s18, $0xb8;
	[tilespmem:$0x6780] =	vst v63  }
0x332: {  	s1 =	sld [smem:$0x7EC]  }
0x333: {  	[spmem:s3] =	stream.indirect.scatter.add.f32 [tilespmem:s17], [sflag:$0x1], $0x10, s19, s18, $0xb8;
	[tilespmem:$0x6780] =	vst v63  }
0x334: {  	s19 =	sld [smem:$0x7ED]  }
0x335: {  	[spmem:s3] =	stream.indirect.scatter.add.f32 [tilespmem:s17], [sflag:$0x1], $0x10, s1, s18, $0xb8;
	[tilespmem:$0x6780] =	vst v63  }
0x336: {  	s1 =	sld [smem:$0x7EE]  }
0x337: {  	[spmem:s3] =	stream.indirect.scatter.add.f32 [tilespmem:s17], [sflag:$0x1], $0x10, s19, s18, $0xb8;
	[tilespmem:$0x6780] =	vst v63  }
0x338: {  	s19 =	sld [smem:$0x7EF]  }
0x339: {  	[spmem:s3] =	stream.indirect.scatter.add.f32 [tilespmem:s17], [sflag:$0x1], $0x10, s1, s18, $0xb8;
	[tilespmem:$0x6780] =	vst v63  }
0x33a: {  	s1 =	sld [smem:$0x7F0]  }
0x33b: {  	[spmem:s3] =	stream.indirect.scatter.add.f32 [tilespmem:s17], [sflag:$0x1], $0x10, s19, s18, $0xb8;
	[tilespmem:$0x6780] =	vst v63  }
0x33c: {  	s19 =	sld [smem:$0x7F1]  }
0x33d: {  	[spmem:s3] =	stream.indirect.scatter.add.f32 [tilespmem:s17], [sflag:$0x1], $0x10, s1, s18, $0xb8;
	[tilespmem:$0x6780] =	vst v63  }
0x33e: {  	_ = 	snop  }
0x33f: {  	[spmem:s3] =	stream.indirect.scatter.add.f32 [tilespmem:s17], [sflag:$0x1], $0x10, s19, s18, $0xb8;
	[tilespmem:$0x6780] =	vst v63  }
0x340: {  	_ =	swait.ge [sflag:s15], $0x800  }
0x341: {  	[sflag:s15] =	ssyncset.done $0x0  }
0x342: {  	[sflag:s15] =	ssyncadd.s32 $0xFFFFF800  }
0x343: {  	_ =	swait.ge [sflag:s15], $0x800  }
0x344: {  	[sflag:s15] =	ssyncset.done $0x0  }
0x345: {  	[sflag:s15] =	ssyncadd.s32 $0xFFFFF800  }
0x346: {  	_ =	swait.ge [sflag:s15], $0x800  }
0x347: {  	[sflag:s15] =	ssyncset.done $0x0  }
0x348: {  	[sflag:s15] =	ssyncadd.s32 $0xFFFFF800  }
0x349: {  	_ =	swait.ge [sflag:s15], $0x800  }
0x34a: {  	[sflag:s15] =	ssyncset.done $0x0  }
0x34b: {  	[sflag:s15] =	ssyncadd.s32 $0xFFFFF800  }
0x34c: {  	_ =	swait.ge [sflag:s15], $0x800  }
0x34d: {  	[sflag:s15] =	ssyncset.done $0x0  }
0x34e: {  	[sflag:s15] =	ssyncadd.s32 $0xFFFFF800  }
0x34f: {  	_ =	swait.ge [sflag:s15], $0x800  }
0x350: {  	[sflag:s15] =	ssyncset.done $0x0  }
0x351: {  	[sflag:s15] =	ssyncadd.s32 $0xFFFFF800  }
0x352: {  	_ =	swait.ge [sflag:s15], $0x800  }
0x353: {  	[sflag:s15] =	ssyncset.done $0x0  }
0x354: {  	[sflag:s15] =	ssyncadd.s32 $0xFFFFF800  }
0x355: {  	_ =	swait.ge [sflag:s15], $0x800  }
0x356: {  	s1 =	sld [smem:$0x7F2]  }
0x357: {  	[sflag:s15] =	ssyncset.done $0x0  }
0x358: {  	s19 =	sld [smem:$0x7F3];
	[sflag:s15] =	ssyncadd.s32 $0xFFFFF800  }
0x359: {  	[spmem:s3] =	stream.indirect.scatter.add.f32 [tilespmem:s17], [sflag:$0x1], $0x10, s1, s18, $0xb8;
	[tilespmem:$0x6780] =	vst v63  }
0x35a: {  	s1 =	sld [smem:$0x7F4]  }
0x35b: {  	[spmem:s3] =	stream.indirect.scatter.add.f32 [tilespmem:s17], [sflag:$0x1], $0x10, s19, s18, $0xb8;
	[tilespmem:$0x6780] =	vst v63  }
0x35c: {  	s19 =	sld [smem:$0x7F5]  }
0x35d: {  	[spmem:s3] =	stream.indirect.scatter.add.f32 [tilespmem:s17], [sflag:$0x1], $0x10, s1, s18, $0xb8;
	[tilespmem:$0x6780] =	vst v63  }
0x35e: {  	s1 =	sld [smem:$0x7F6]  }
0x35f: {  	[spmem:s3] =	stream.indirect.scatter.add.f32 [tilespmem:s17], [sflag:$0x1], $0x10, s19, s18, $0xb8;
	[tilespmem:$0x6780] =	vst v63  }
0x360: {  	s19 =	sld [smem:$0x7F7]  }
0x361: {  	[spmem:s3] =	stream.indirect.scatter.add.f32 [tilespmem:s17], [sflag:$0x1], $0x10, s1, s18, $0xb8;
	[tilespmem:$0x6780] =	vst v63  }
0x362: {  	s1 =	sld [smem:$0x7F8]  }
0x363: {  	[spmem:s3] =	stream.indirect.scatter.add.f32 [tilespmem:s17], [sflag:$0x1], $0x10, s19, s18, $0xb8;
	[tilespmem:$0x6780] =	vst v63  }
0x364: {  	s19 =	sld [smem:$0x7F9]  }
0x365: {  	[spmem:s3] =	stream.indirect.scatter.add.f32 [tilespmem:s17], [sflag:$0x1], $0x10, s1, s18, $0xb8;
	[tilespmem:$0x6780] =	vst v63  }
0x366: {  	_ = 	snop  }
0x367: {  	[spmem:s3] =	stream.indirect.scatter.add.f32 [tilespmem:s17], [sflag:$0x1], $0x10, s19, s18, $0xb8;
	[tilespmem:$0x6780] =	vst v63  }
0x368: {  	_ =	swait.ge [sflag:s15], $0x800  }
0x369: {  	[sflag:s15] =	ssyncset.done $0x0  }
0x36a: {  	[sflag:s15] =	ssyncadd.s32 $0xFFFFF800  }
0x36b: {  	_ =	swait.ge [sflag:s15], $0x800  }
0x36c: {  	[sflag:s15] =	ssyncset.done $0x0  }
0x36d: {  	[sflag:s15] =	ssyncadd.s32 $0xFFFFF800  }
0x36e: {  	_ =	swait.ge [sflag:s15], $0x800  }
0x36f: {  	[sflag:s15] =	ssyncset.done $0x0  }
0x370: {  	[sflag:s15] =	ssyncadd.s32 $0xFFFFF800  }
0x371: {  	_ =	swait.ge [sflag:s15], $0x800  }
0x372: {  	[sflag:s15] =	ssyncset.done $0x0  }
0x373: {  	[sflag:s15] =	ssyncadd.s32 $0xFFFFF800  }
0x374: {  	_ =	swait.ge [sflag:s15], $0x800  }
0x375: {  	[sflag:s15] =	ssyncset.done $0x0  }
0x376: {  	[sflag:s15] =	ssyncadd.s32 $0xFFFFF800  }
0x377: {  	_ =	swait.ge [sflag:s15], $0x800  }
0x378: {  	[sflag:s15] =	ssyncset.done $0x0  }
0x379: {  	[sflag:s15] =	ssyncadd.s32 $0xFFFFF800  }
0x37a: {  	_ =	swait.ge [sflag:s15], $0x800  }
0x37b: {  	[sflag:s15] =	ssyncset.done $0x0  }
0x37c: {  	[sflag:s15] =	ssyncadd.s32 $0xFFFFF800  }
0x37d: {  	_ =	swait.ge [sflag:s15], $0x800  }
0x37e: {  	s1 =	sld [smem:$0x7FA]  }
0x37f: {  	[sflag:s15] =	ssyncset.done $0x0  }
0x380: {  	s19 =	sld [smem:$0x7FB];
	[sflag:s15] =	ssyncadd.s32 $0xFFFFF800  }
0x381: {  	[spmem:s3] =	stream.indirect.scatter.add.f32 [tilespmem:s17], [sflag:$0x1], $0x10, s1, s18, $0xb8;
	[tilespmem:$0x6780] =	vst v63  }
0x382: {  	s1 =	sld [smem:$0x7FC]  }
0x383: {  	[spmem:s3] =	stream.indirect.scatter.add.f32 [tilespmem:s17], [sflag:$0x1], $0x10, s19, s18, $0xb8;
	[tilespmem:$0x6780] =	vst v63  }
0x384: {  	s19 =	sld [smem:$0x7FD]  }
0x385: {  	[spmem:s3] =	stream.indirect.scatter.add.f32 [tilespmem:s17], [sflag:$0x1], $0x10, s1, s18, $0xb8;
	[tilespmem:$0x6780] =	vst v63  }
0x386: {  	_ = 	snop  }
0x387: {  	[spmem:s3] =	stream.indirect.scatter.add.f32 [tilespmem:s17], [sflag:$0x1], $0x10, s19, s18, $0xb8;
	[tilespmem:$0x6780] =	vst v63  }
0x388: {  	_ = 	snop  }
0x389: {  	[spmem:s3] =	stream.indirect.scatter.add.f32 [tilespmem:s17], [sflag:$0x1], $0x10, s28, s18, $0xb8;
	[tilespmem:$0x6780] =	vst v63  }
0x38a: {  	_ = 	snop  }
0x38b: {  	[spmem:s3] =	stream.indirect.scatter.add.f32 [tilespmem:s17], [sflag:$0x1], $0x10, s29, s18, $0xb8;
	[tilespmem:$0x6780] =	vst v63  }
0x38c: {  	_ = 	snop  }
0x38d: {  	[spmem:s3] =	stream.indirect.scatter.add.f32 [tilespmem:s17], [sflag:$0x1], $0x10, s30, s18, $0xb8;
	[tilespmem:$0x6780] =	vst v63  }
0x38e: {  	_ = 	snop  }
0x38f: {  	[spmem:s3] =	stream.indirect.scatter.add.f32 [tilespmem:s17], [sflag:$0x1], $0x10, s20, s18, $0xb8;
	[tilespmem:$0x6780] =	vst v63  }
0x390: {  	_ =	swait.ge [sflag:s15], $0x800  }
0x391: {  	[sflag:s15] =	ssyncset.done $0x0  }
0x392: {  	[sflag:s15] =	ssyncadd.s32 $0xFFFFF800  }
0x393: {  	_ =	swait.ge [sflag:s15], $0x800  }
0x394: {  	[sflag:s15] =	ssyncset.done $0x0  }
0x395: {  	[sflag:s15] =	ssyncadd.s32 $0xFFFFF800  }
0x396: {  	_ =	swait.ge [sflag:s15], $0x800  }
0x397: {  	[sflag:s15] =	ssyncset.done $0x0  }
0x398: {  	[sflag:s15] =	ssyncadd.s32 $0xFFFFF800  }
0x399: {  	_ =	swait.ge [sflag:s15], $0x800  }
0x39a: {  	[sflag:s15] =	ssyncset.done $0x0  }
0x39b: {  	[sflag:s15] =	ssyncadd.s32 $0xFFFFF800  }
0x39c: {  	_ =	swait.ge [sflag:s15], $0x800  }
0x39d: {  	[sflag:s15] =	ssyncset.done $0x0  }
0x39e: {  	[sflag:s15] =	ssyncadd.s32 $0xFFFFF800  }
0x39f: {  	_ =	swait.ge [sflag:s15], $0x800  }
0x3a0: {  	[sflag:s15] =	ssyncset.done $0x0  }
0x3a1: {  	[sflag:s15] =	ssyncadd.s32 $0xFFFFF800  }
0x3a2: {  	_ =	swait.ge [sflag:s15], $0x800  }
0x3a3: {  	[sflag:s15] =	ssyncset.done $0x0  }
0x3a4: {  	[sflag:s15] =	ssyncadd.s32 $0xFFFFF800  }
0x3a5: {  	_ =	swait.ge [sflag:s15], $0x800  }
0x3a6: {  	[sflag:s15] =	ssyncset.done $0x0  }
0x3a7: {  	s19 =	simm.s32 $0x2400;
	[sflag:s15] =	ssyncadd.s32 $0xFFFFF800  }
0x3a8: {  	[spmem:s3] =	stream.indirect.scatter.add.f32 [tilespmem:s17], [sflag:$0x1], $0x10, s19, s18, $0xb8;
	[tilespmem:$0x6780] =	vst v63  }
0x3a9: {  	_ = 	snop  }
0x3aa: {  	[spmem:s3] =	stream.indirect.scatter.add.f32 [tilespmem:s17], [sflag:$0x1], $0x10, s21, s18, $0xb8;
	[tilespmem:$0x6780] =	vst v63  }
0x3ab: {  	_ = 	snop  }
0x3ac: {  	[spmem:s3] =	stream.indirect.scatter.add.f32 [tilespmem:s17], [sflag:$0x1], $0x10, s22, s18, $0xb8;
	[tilespmem:$0x6780] =	vst v63  }
0x3ad: {  	_ = 	snop  }
0x3ae: {  	[spmem:s3] =	stream.indirect.scatter.add.f32 [tilespmem:s17], [sflag:$0x1], $0x10, s23, s18, $0xb8;
	[tilespmem:$0x6780] =	vst v63  }
0x3af: {  	_ = 	snop  }
0x3b0: {  	[spmem:s3] =	stream.indirect.scatter.add.f32 [tilespmem:s17], [sflag:$0x1], $0x10, s24, s18, $0xb8;
	[tilespmem:$0x6780] =	vst v63  }
0x3b1: {  	_ = 	snop  }
0x3b2: {  	[spmem:s3] =	stream.indirect.scatter.add.f32 [tilespmem:s17], [sflag:$0x1], $0x10, s25, s18, $0xb8;
	[tilespmem:$0x6780] =	vst v63  }
0x3b3: {  	_ = 	snop  }
0x3b4: {  	[spmem:s3] =	stream.indirect.scatter.add.f32 [tilespmem:s17], [sflag:$0x1], $0x10, s26, s18, $0xb8;
	[tilespmem:$0x6780] =	vst v63  }
0x3b5: {  	_ =	swait.ge [sflag:s15], $0x800  }
0x3b6: {  	[sflag:s15] =	ssyncset.done $0x0  }
0x3b7: {  	[sflag:s15] =	ssyncadd.s32 $0xFFFFF800  }
0x3b8: {  	_ =	swait.ge [sflag:s15], $0x800  }
0x3b9: {  	[sflag:s15] =	ssyncset.done $0x0  }
0x3ba: {  	[sflag:s15] =	ssyncadd.s32 $0xFFFFF800  }
0x3bb: {  	_ =	swait.ge [sflag:s15], $0x800  }
0x3bc: {  	[sflag:s15] =	ssyncset.done $0x0  }
0x3bd: {  	[sflag:s15] =	ssyncadd.s32 $0xFFFFF800  }
0x3be: {  	_ =	swait.ge [sflag:s15], $0x800  }
0x3bf: {  	[sflag:s15] =	ssyncset.done $0x0  }
0x3c0: {  	[sflag:s15] =	ssyncadd.s32 $0xFFFFF800  }
0x3c1: {  	_ =	swait.ge [sflag:s15], $0x800  }
0x3c2: {  	[sflag:s15] =	ssyncset.done $0x0  }
0x3c3: {  	[sflag:s15] =	ssyncadd.s32 $0xFFFFF800  }
0x3c4: {  	_ =	swait.ge [sflag:s15], $0x800  }
0x3c5: {  	[sflag:s15] =	ssyncset.done $0x0  }
0x3c6: {  	[sflag:s15] =	ssyncadd.s32 $0xFFFFF800  }
0x3c7: {  	_ =	swait.ge [sflag:s15], $0x800  }
0x3c8: {  	[sflag:s15] =	ssyncset.done $0x0  }
0x3c9: {  	[sflag:s15] =	ssyncadd.s32 $0xFFFFF800  }
0x3ca: {  	[bflag:$0x0] =	sbarrier.arrive $0xFFFF  }
0x3cb: {  	[tilespmem:s12], [sflag:$0x2] =	stream.linear.gather [spmem:s8], $0x800, $0x38;
	[tilespmem:$0x6780] =	vst v63  }
0x3cc: {  	_ =	swait.ge [sflag:s9], $0x800  }
0x3cd: {  	[sflag:s9] =	ssyncset.done $0x0  }
0x3ce: {  	[sflag:s9] =	ssyncadd.s32 $0xFFFFF800  }
0x3cf: {  	[hbm4b:s16+s2] =	stream.linear.scatter [tilespmem:s12], [sflag:$0x2], $0x800, $0x38;
	[tilespmem:$0x6780] =	vst v63  }
0x3d0: {  	_ =	swait.ge [sflag:s9], $0x800  }
0x3d1: {  	[sflag:s9] =	ssyncset.done $0x0  }
0x3d2: {  	[sflag:s9] =	ssyncadd.s32 $0xFFFFF800  }
0x3d3: {  	[tilespmem:s12], [sflag:$0x2] =	stream.linear.gather [spmem:s7], $0x800, $0x38;
	[tilespmem:$0x6780] =	vst v63  }
0x3d4: {  	_ =	swait.ge [sflag:s9], $0x800  }
0x3d5: {  	[sflag:s9] =	ssyncset.done $0x0  }
0x3d6: {  	[sflag:s9] =	ssyncadd.s32 $0xFFFFF800  }
0x3d7: {  	[hbm4b:s14+s2] =	stream.linear.scatter [tilespmem:s12], [sflag:$0x2], $0x800, $0x38;
	[tilespmem:$0x6780] =	vst v63  }
0x3d8: {  	_ =	swait.ge [sflag:s9], $0x800  }
0x3d9: {  	[sflag:s9] =	ssyncset.done $0x0  }
0x3da: {  	[sflag:s9] =	ssyncadd.s32 $0xFFFFF800  }
0x3db: {  	[tilespmem:s12], [sflag:$0x2] =	stream.linear.gather [spmem:s6], $0x800, $0x38;
	[tilespmem:$0x6780] =	vst v63  }
0x3dc: {  	_ =	swait.ge [sflag:s9], $0x800  }
0x3dd: {  	[sflag:s9] =	ssyncset.done $0x0  }
0x3de: {  	[sflag:s9] =	ssyncadd.s32 $0xFFFFF800  }
0x3df: {  	[hbm4b:s13+s2] =	stream.linear.scatter [tilespmem:s12], [sflag:$0x2], $0x800, $0x38;
	[tilespmem:$0x6780] =	vst v63  }
0x3e0: {  	_ =	swait.ge [sflag:s9], $0x800  }
0x3e1: {  	[sflag:s9] =	ssyncset.done $0x0  }
0x3e2: {  	[sflag:s9] =	ssyncadd.s32 $0xFFFFF800  }
0x3e3: {  	[tilespmem:s12], [sflag:$0x2] =	stream.linear.gather [spmem:s4], $0x800, $0x38;
	[tilespmem:$0x6780] =	vst v63  }
0x3e4: {  	_ =	swait.ge [sflag:s9], $0x800  }
0x3e5: {  	[sflag:s9] =	ssyncset.done $0x0  }
0x3e6: {  	[sflag:s9] =	ssyncadd.s32 $0xFFFFF800  }
0x3e7: {  	[hbm4b:s11+s2] =	stream.linear.scatter [tilespmem:s12], [sflag:$0x2], $0x800, $0x38;
	[tilespmem:$0x6780] =	vst v63  }
0x3e8: {  	_ =	swait.ge [sflag:s9], $0x800  }
0x3e9: {  	[sflag:s9] =	ssyncset.done $0x0  }
0x3ea: {  	[sflag:s9] =	ssyncadd.s32 $0xFFFFF800  }
0x3eb: {  	[tilespmem:s12], [sflag:$0x2] =	stream.linear.gather [spmem:s5], $0x800, $0x38;
	[tilespmem:$0x6780] =	vst v63  }
0x3ec: {  	p1 =	sne.s32 s0, $0x1;
	_ =	swait.ge [sflag:s9], $0x800  }
.Ltmp2:
0x3ed: {  	[sflag:s9] =	ssyncset.done $0x0;
	(pc) =	sbr.rel @p1 .LBB2_4-.Ltmp2, $4  }
0x3ee: {  	[sflag:s9] =	ssyncadd.s32 $0xFFFFF800  }
0x3ef: {  	[hbm4b:s10+s2] =	stream.linear.scatter [tilespmem:s12], [sflag:$0x2], $0x800, $0x38;
	[tilespmem:$0x6780] =	vst v63  }
0x3f0: {  	_ =	swait.ge [sflag:s9], $0x800  }
0x3f1: {  	s0 =	sadd.s32 $0xFFFFFFFF, s0;
	s1 =	rddreg [dreg:$0x6];
	[sflag:s9] =	ssyncset.done $0x0  }
0x3f2: {  	s26 =	simm.s32 $0x2380;
	s30 =	simm.s32 $0x2300  }
0x3f3: {  	s29 =	simm.s32 $0x2280;
	s28 =	simm.s32 $0x2200;
	s25 =	simm.s32 $0x2680  }
0x3f4: {  	s24 =	simm.s32 $0x2600;
	s23 =	simm.s32 $0x2580;
	s22 =	simm.s32 $0x2500  }
0x3f5: {  	s21 =	simm.s32 $0x2480;
	s20 =	simm.s32 $0x2400;
	s19 =	rddreg [dreg:$0x3]  }
.LBB2_6:
0x3f6: {  	[sflag:s9] =	ssyncadd.s32 @p0 $0xFFFFF800  }
0x3f7: {  	[tilespmem:s2], [sflag:$0x2] =	stream.linear.gather [hbm4b:s1+s2], $0x2780, $0x38;
	[tilespmem:$0x6780] =	vst v63  }
0x3f8: {  	_ =	swait.ge [sflag:s9], $0x2780  }
0x3f9: {  	[sflag:s9] =	ssyncset.done $0x0  }
0x3fa: {  	s0 =	rddreg [dreg:$0x4];
	[sflag:s9] =	ssyncadd.s32 $0xFFFFD880  }
0x3fb: {  	[tilespmem:s17], [sflag:$0x2] =	stream.linear.gather [hbm4b:s0+s2], $0x800, $0x38;
	[tilespmem:$0x6780] =	vst v63  }
0x3fc: {  	_ =	swait.ge [sflag:s9], $0x800  }
0x3fd: {  	[sflag:s9] =	ssyncset.done $0x0  }
0x3fe: {  	s1 =	rddreg [dreg:$0x5];
	[sflag:s9] =	ssyncadd.s32 $0xFFFFF800  }
0x3ff: {  	[tilespmem:s31], [sflag:$0x2] =	stream.linear.gather [hbm4b:s1+s2], $0x800, $0x38;
	[tilespmem:$0x6780] =	vst v63  }
0x400: {  	_ =	swait.ge [sflag:s9], $0x800  }
0x401: {  	[sflag:s9] =	ssyncset.done $0x0  }
0x402: {  	[sflag:s9] =	ssyncadd.s32 $0xFFFFF800  }
0x403: {  	[spmem:s8] =	stream.linear.scatter [tilespmem:s31], [sflag:$0x2], $0x800, $0x38;
	[tilespmem:$0x6780] =	vst v63  }
0x404: {  	_ =	swait.ge [sflag:s9], $0x800  }
0x405: {  	[sflag:s9] =	ssyncset.done $0x0  }
0x406: {  	[sflag:s9] =	ssyncadd.s32 $0xFFFFF800  }
0x407: {  	[spmem:s7] =	stream.linear.scatter [tilespmem:s31], [sflag:$0x2], $0x800, $0x38;
	[tilespmem:$0x6780] =	vst v63  }
0x408: {  	_ =	swait.ge [sflag:s9], $0x800  }
0x409: {  	[sflag:s9] =	ssyncset.done $0x0  }
0x40a: {  	[sflag:s9] =	ssyncadd.s32 $0xFFFFF800  }
0x40b: {  	[spmem:s6] =	stream.linear.scatter [tilespmem:s31], [sflag:$0x2], $0x800, $0x38;
	[tilespmem:$0x6780] =	vst v63  }
0x40c: {  	_ =	swait.ge [sflag:s9], $0x800  }
0x40d: {  	[sflag:s9] =	ssyncset.done $0x0  }
0x40e: {  	[sflag:s9] =	ssyncadd.s32 $0xFFFFF800  }
0x40f: {  	[spmem:s4] =	stream.linear.scatter [tilespmem:s31], [sflag:$0x2], $0x800, $0x38;
	[tilespmem:$0x6780] =	vst v63  }
0x410: {  	_ =	swait.ge [sflag:s9], $0x800  }
0x411: {  	[sflag:s9] =	ssyncset.done $0x0  }
0x412: {  	[sflag:s9] =	ssyncadd.s32 $0xFFFFF800  }
0x413: {  	[spmem:s5] =	stream.linear.scatter [tilespmem:s31], [sflag:$0x2], $0x800, $0x38;
	[tilespmem:$0x6780] =	vst v63  }
0x414: {  	_ =	swait.ge [sflag:s9], $0x800  }
0x415: {  	[sflag:s9] =	ssyncset.done $0x0  }
0x416: {  	[sflag:s9] =	ssyncadd.s32 $0xFFFFF800  }
0x417: {  	[bflag:$0x0] =	sbarrier.arrive $0xFFFF  }
0x418: {  	[spmem:s3] =	stream.indirect.scatter.add.f32 [tilespmem:s17], [sflag:$0x1], $0x10, s2, s18, $0xb8;
	[tilespmem:$0x6780] =	vst v63  }
0x419: {  	_ = 	snop  }
0x41a: {  	[spmem:s3] =	stream.indirect.scatter.add.f32 [tilespmem:s17], [sflag:$0x1], $0x10, s18, s18, $0xb8;
	[tilespmem:$0x6780] =	vst v63  }
0x41b: {  	s1 =	rddreg [dreg:$0x7]  }
0x41c: {  	[spmem:s3] =	stream.indirect.scatter.add.f32 [tilespmem:s17], [sflag:$0x1], $0x10, s1, s18, $0xb8;
	[tilespmem:$0x6780] =	vst v63  }
0x41d: {  	s31 =	rddreg [dreg:$0x8]  }
0x41e: {  	[spmem:s3] =	stream.indirect.scatter.add.f32 [tilespmem:s17], [sflag:$0x1], $0x10, s31, s18, $0xb8;
	[tilespmem:$0x6780] =	vst v63  }
0x41f: {  	s0 =	rddreg [dreg:$0x9]  }
0x420: {  	[spmem:s3] =	stream.indirect.scatter.add.f32 [tilespmem:s17], [sflag:$0x1], $0x10, s0, s18, $0xb8;
	[tilespmem:$0x6780] =	vst v63  }
0x421: {  	s31 =	rddreg [dreg:$0xa]  }
0x422: {  	[spmem:s3] =	stream.indirect.scatter.add.f32 [tilespmem:s17], [sflag:$0x1], $0x10, s31, s18, $0xb8;
	[tilespmem:$0x6780] =	vst v63  }
0x423: {  	s0 =	rddreg [dreg:$0xb]  }
0x424: {  	[spmem:s3] =	stream.indirect.scatter.add.f32 [tilespmem:s17], [sflag:$0x1], $0x10, s0, s18, $0xb8;
	[tilespmem:$0x6780] =	vst v63  }
0x425: {  	s31 =	rddreg [dreg:$0xc]  }
0x426: {  	[spmem:s3] =	stream.indirect.scatter.add.f32 [tilespmem:s17], [sflag:$0x1], $0x10, s31, s18, $0xb8;
	[tilespmem:$0x6780] =	vst v63  }
0x427: {  	_ =	swait.ge [sflag:s15], $0x800  }
0x428: {  	[sflag:s15] =	ssyncset.done $0x0  }
0x429: {  	[sflag:s15] =	ssyncadd.s32 $0xFFFFF800  }
0x42a: {  	_ =	swait.ge [sflag:s15], $0x800  }
0x42b: {  	[sflag:s15] =	ssyncset.done $0x0  }
0x42c: {  	[sflag:s15] =	ssyncadd.s32 $0xFFFFF800  }
0x42d: {  	_ =	swait.ge [sflag:s15], $0x800  }
0x42e: {  	[sflag:s15] =	ssyncset.done $0x0  }
0x42f: {  	[sflag:s15] =	ssyncadd.s32 $0xFFFFF800  }
0x430: {  	_ =	swait.ge [sflag:s15], $0x800  }
0x431: {  	[sflag:s15] =	ssyncset.done $0x0  }
0x432: {  	[sflag:s15] =	ssyncadd.s32 $0xFFFFF800  }
0x433: {  	_ =	swait.ge [sflag:s15], $0x800  }
0x434: {  	[sflag:s15] =	ssyncset.done $0x0  }
0x435: {  	[sflag:s15] =	ssyncadd.s32 $0xFFFFF800  }
0x436: {  	_ =	swait.ge [sflag:s15], $0x800  }
0x437: {  	[sflag:s15] =	ssyncset.done $0x0  }
0x438: {  	[sflag:s15] =	ssyncadd.s32 $0xFFFFF800  }
0x439: {  	_ =	swait.ge [sflag:s15], $0x800  }
0x43a: {  	[sflag:s15] =	ssyncset.done $0x0  }
0x43b: {  	[sflag:s15] =	ssyncadd.s32 $0xFFFFF800  }
0x43c: {  	_ =	swait.ge [sflag:s15], $0x800  }
0x43d: {  	[sflag:s15] =	ssyncset.done $0x0  }
0x43e: {  	s1 =	rddreg [dreg:$0xd];
	[sflag:s15] =	ssyncadd.s32 $0xFFFFF800  }
0x43f: {  	[spmem:s3] =	stream.indirect.scatter.add.f32 [tilespmem:s17], [sflag:$0x1], $0x10, s1, s18, $0xb8;
	[tilespmem:$0x6780] =	vst v63  }
0x440: {  	s31 =	rddreg [dreg:$0xe]  }
0x441: {  	[spmem:s3] =	stream.indirect.scatter.add.f32 [tilespmem:s17], [sflag:$0x1], $0x10, s31, s18, $0xb8;
	[tilespmem:$0x6780] =	vst v63  }
0x442: {  	s0 =	rddreg [dreg:$0xf]  }
0x443: {  	[spmem:s3] =	stream.indirect.scatter.add.f32 [tilespmem:s17], [sflag:$0x1], $0x10, s0, s18, $0xb8;
	[tilespmem:$0x6780] =	vst v63  }
0x444: {  	s31 =	rddreg [dreg:$0x10]  }
0x445: {  	[spmem:s3] =	stream.indirect.scatter.add.f32 [tilespmem:s17], [sflag:$0x1], $0x10, s31, s18, $0xb8;
	[tilespmem:$0x6780] =	vst v63  }
0x446: {  	s0 =	rddreg [dreg:$0x11]  }
0x447: {  	[spmem:s3] =	stream.indirect.scatter.add.f32 [tilespmem:s17], [sflag:$0x1], $0x10, s0, s18, $0xb8;
	[tilespmem:$0x6780] =	vst v63  }
0x448: {  	s31 =	rddreg [dreg:$0x12]  }
0x449: {  	[spmem:s3] =	stream.indirect.scatter.add.f32 [tilespmem:s17], [sflag:$0x1], $0x10, s31, s18, $0xb8;
	[tilespmem:$0x6780] =	vst v63  }
0x44a: {  	s0 =	rddreg [dreg:$0x13]  }
0x44b: {  	[spmem:s3] =	stream.indirect.scatter.add.f32 [tilespmem:s17], [sflag:$0x1], $0x10, s0, s18, $0xb8;
	[tilespmem:$0x6780] =	vst v63  }
0x44c: {  	s31 =	rddreg [dreg:$0x14]  }
0x44d: {  	[spmem:s3] =	stream.indirect.scatter.add.f32 [tilespmem:s17], [sflag:$0x1], $0x10, s31, s18, $0xb8;
	[tilespmem:$0x6780] =	vst v63  }
0x44e: {  	_ =	swait.ge [sflag:s15], $0x800  }
0x44f: {  	[sflag:s15] =	ssyncset.done $0x0  }
0x450: {  	[sflag:s15] =	ssyncadd.s32 $0xFFFFF800  }
0x451: {  	_ =	swait.ge [sflag:s15], $0x800  }
0x452: {  	[sflag:s15] =	ssyncset.done $0x0  }
0x453: {  	[sflag:s15] =	ssyncadd.s32 $0xFFFFF800  }
0x454: {  	_ =	swait.ge [sflag:s15], $0x800  }
0x455: {  	[sflag:s15] =	ssyncset.done $0x0  }
0x456: {  	[sflag:s15] =	ssyncadd.s32 $0xFFFFF800  }
0x457: {  	_ =	swait.ge [sflag:s15], $0x800  }
0x458: {  	[sflag:s15] =	ssyncset.done $0x0  }
0x459: {  	[sflag:s15] =	ssyncadd.s32 $0xFFFFF800  }
0x45a: {  	_ =	swait.ge [sflag:s15], $0x800  }
0x45b: {  	[sflag:s15] =	ssyncset.done $0x0  }
0x45c: {  	[sflag:s15] =	ssyncadd.s32 $0xFFFFF800  }
0x45d: {  	_ =	swait.ge [sflag:s15], $0x800  }
0x45e: {  	[sflag:s15] =	ssyncset.done $0x0  }
0x45f: {  	[sflag:s15] =	ssyncadd.s32 $0xFFFFF800  }
0x460: {  	_ =	swait.ge [sflag:s15], $0x800  }
0x461: {  	[sflag:s15] =	ssyncset.done $0x0  }
0x462: {  	[sflag:s15] =	ssyncadd.s32 $0xFFFFF800  }
0x463: {  	_ =	swait.ge [sflag:s15], $0x800  }
0x464: {  	[sflag:s15] =	ssyncset.done $0x0  }
0x465: {  	s1 =	rddreg [dreg:$0x15];
	[sflag:s15] =	ssyncadd.s32 $0xFFFFF800  }
0x466: {  	[spmem:s3] =	stream.indirect.scatter.add.f32 [tilespmem:s17], [sflag:$0x1], $0x10, s1, s18, $0xb8;
	[tilespmem:$0x6780] =	vst v63  }
0x467: {  	s31 =	rddreg [dreg:$0x16]  }
0x468: {  	[spmem:s3] =	stream.indirect.scatter.add.f32 [tilespmem:s17], [sflag:$0x1], $0x10, s31, s18, $0xb8;
	[tilespmem:$0x6780] =	vst v63  }
0x469: {  	s0 =	rddreg [dreg:$0x17]  }
0x46a: {  	[spmem:s3] =	stream.indirect.scatter.add.f32 [tilespmem:s17], [sflag:$0x1], $0x10, s0, s18, $0xb8;
	[tilespmem:$0x6780] =	vst v63  }
0x46b: {  	s31 =	rddreg [dreg:$0x18]  }
0x46c: {  	[spmem:s3] =	stream.indirect.scatter.add.f32 [tilespmem:s17], [sflag:$0x1], $0x10, s31, s18, $0xb8;
	[tilespmem:$0x6780] =	vst v63  }
0x46d: {  	s0 =	rddreg [dreg:$0x19]  }
0x46e: {  	[spmem:s3] =	stream.indirect.scatter.add.f32 [tilespmem:s17], [sflag:$0x1], $0x10, s0, s18, $0xb8;
	[tilespmem:$0x6780] =	vst v63  }
0x46f: {  	s31 =	rddreg [dreg:$0x1a]  }
0x470: {  	[spmem:s3] =	stream.indirect.scatter.add.f32 [tilespmem:s17], [sflag:$0x1], $0x10, s31, s18, $0xb8;
	[tilespmem:$0x6780] =	vst v63  }
0x471: {  	s0 =	rddreg [dreg:$0x1b]  }
0x472: {  	[spmem:s3] =	stream.indirect.scatter.add.f32 [tilespmem:s17], [sflag:$0x1], $0x10, s0, s18, $0xb8;
	[tilespmem:$0x6780] =	vst v63  }
0x473: {  	s31 =	rddreg [dreg:$0x1c]  }
0x474: {  	[spmem:s3] =	stream.indirect.scatter.add.f32 [tilespmem:s17], [sflag:$0x1], $0x10, s31, s18, $0xb8;
	[tilespmem:$0x6780] =	vst v63  }
0x475: {  	_ =	swait.ge [sflag:s15], $0x800  }
0x476: {  	[sflag:s15] =	ssyncset.done $0x0  }
0x477: {  	[sflag:s15] =	ssyncadd.s32 $0xFFFFF800  }
0x478: {  	_ =	swait.ge [sflag:s15], $0x800  }
0x479: {  	[sflag:s15] =	ssyncset.done $0x0  }
0x47a: {  	[sflag:s15] =	ssyncadd.s32 $0xFFFFF800  }
0x47b: {  	_ =	swait.ge [sflag:s15], $0x800  }
0x47c: {  	[sflag:s15] =	ssyncset.done $0x0  }
0x47d: {  	[sflag:s15] =	ssyncadd.s32 $0xFFFFF800  }
0x47e: {  	_ =	swait.ge [sflag:s15], $0x800  }
0x47f: {  	[sflag:s15] =	ssyncset.done $0x0  }
0x480: {  	[sflag:s15] =	ssyncadd.s32 $0xFFFFF800  }
0x481: {  	_ =	swait.ge [sflag:s15], $0x800  }
0x482: {  	[sflag:s15] =	ssyncset.done $0x0  }
0x483: {  	[sflag:s15] =	ssyncadd.s32 $0xFFFFF800  }
0x484: {  	_ =	swait.ge [sflag:s15], $0x800  }
0x485: {  	[sflag:s15] =	ssyncset.done $0x0  }
0x486: {  	[sflag:s15] =	ssyncadd.s32 $0xFFFFF800  }
0x487: {  	_ =	swait.ge [sflag:s15], $0x800  }
0x488: {  	[sflag:s15] =	ssyncset.done $0x0  }
0x489: {  	[sflag:s15] =	ssyncadd.s32 $0xFFFFF800  }
0x48a: {  	_ =	swait.ge [sflag:s15], $0x800  }
0x48b: {  	s1 =	rddreg [dreg:$0x1d];
	[sflag:s15] =	ssyncset.done $0x0  }
0x48c: {  	s31 =	rddreg [dreg:$0x1e];
	[sflag:s15] =	ssyncadd.s32 $0xFFFFF800  }
0x48d: {  	[spmem:s3] =	stream.indirect.scatter.add.f32 [tilespmem:s17], [sflag:$0x1], $0x10, s1, s18, $0xb8;
	[tilespmem:$0x6780] =	vst v63  }
0x48e: {  	s0 =	rddreg [dreg:$0x1f]  }
0x48f: {  	[spmem:s3] =	stream.indirect.scatter.add.f32 [tilespmem:s17], [sflag:$0x1], $0x10, s31, s18, $0xb8;
	[tilespmem:$0x6780] =	vst v63  }
0x490: {  	s31 =	sld [smem:$0x7D5]  }
0x491: {  	[spmem:s3] =	stream.indirect.scatter.add.f32 [tilespmem:s17], [sflag:$0x1], $0x10, s0, s18, $0xb8;
	[tilespmem:$0x6780] =	vst v63  }
0x492: {  	s0 =	sld [smem:$0x7D6]  }
0x493: {  	[spmem:s3] =	stream.indirect.scatter.add.f32 [tilespmem:s17], [sflag:$0x1], $0x10, s31, s18, $0xb8;
	[tilespmem:$0x6780] =	vst v63  }
0x494: {  	s31 =	sld [smem:$0x7D7]  }
0x495: {  	[spmem:s3] =	stream.indirect.scatter.add.f32 [tilespmem:s17], [sflag:$0x1], $0x10, s0, s18, $0xb8;
	[tilespmem:$0x6780] =	vst v63  }
0x496: {  	s0 =	sld [smem:$0x7D8]  }
0x497: {  	[spmem:s3] =	stream.indirect.scatter.add.f32 [tilespmem:s17], [sflag:$0x1], $0x10, s31, s18, $0xb8;
	[tilespmem:$0x6780] =	vst v63  }
0x498: {  	s31 =	sld [smem:$0x7D9]  }
0x499: {  	[spmem:s3] =	stream.indirect.scatter.add.f32 [tilespmem:s17], [sflag:$0x1], $0x10, s0, s18, $0xb8;
	[tilespmem:$0x6780] =	vst v63  }
0x49a: {  	_ = 	snop  }
0x49b: {  	[spmem:s3] =	stream.indirect.scatter.add.f32 [tilespmem:s17], [sflag:$0x1], $0x10, s31, s18, $0xb8;
	[tilespmem:$0x6780] =	vst v63  }
0x49c: {  	_ =	swait.ge [sflag:s15], $0x800  }
0x49d: {  	[sflag:s15] =	ssyncset.done $0x0  }
0x49e: {  	[sflag:s15] =	ssyncadd.s32 $0xFFFFF800  }
0x49f: {  	_ =	swait.ge [sflag:s15], $0x800  }
0x4a0: {  	[sflag:s15] =	ssyncset.done $0x0  }
0x4a1: {  	[sflag:s15] =	ssyncadd.s32 $0xFFFFF800  }
0x4a2: {  	_ =	swait.ge [sflag:s15], $0x800  }
0x4a3: {  	[sflag:s15] =	ssyncset.done $0x0  }
0x4a4: {  	[sflag:s15] =	ssyncadd.s32 $0xFFFFF800  }
0x4a5: {  	_ =	swait.ge [sflag:s15], $0x800  }
0x4a6: {  	[sflag:s15] =	ssyncset.done $0x0  }
0x4a7: {  	[sflag:s15] =	ssyncadd.s32 $0xFFFFF800  }
0x4a8: {  	_ =	swait.ge [sflag:s15], $0x800  }
0x4a9: {  	[sflag:s15] =	ssyncset.done $0x0  }
0x4aa: {  	[sflag:s15] =	ssyncadd.s32 $0xFFFFF800  }
0x4ab: {  	_ =	swait.ge [sflag:s15], $0x800  }
0x4ac: {  	[sflag:s15] =	ssyncset.done $0x0  }
0x4ad: {  	[sflag:s15] =	ssyncadd.s32 $0xFFFFF800  }
0x4ae: {  	_ =	swait.ge [sflag:s15], $0x800  }
0x4af: {  	[sflag:s15] =	ssyncset.done $0x0  }
0x4b0: {  	[sflag:s15] =	ssyncadd.s32 $0xFFFFF800  }
0x4b1: {  	_ =	swait.ge [sflag:s15], $0x800  }
0x4b2: {  	s1 =	sld [smem:$0x7DA]  }
0x4b3: {  	[sflag:s15] =	ssyncset.done $0x0  }
0x4b4: {  	s31 =	sld [smem:$0x7DB];
	[sflag:s15] =	ssyncadd.s32 $0xFFFFF800  }
0x4b5: {  	[spmem:s3] =	stream.indirect.scatter.add.f32 [tilespmem:s17], [sflag:$0x1], $0x10, s1, s18, $0xb8;
	[tilespmem:$0x6780] =	vst v63  }
0x4b6: {  	s0 =	sld [smem:$0x7DC]  }
0x4b7: {  	[spmem:s3] =	stream.indirect.scatter.add.f32 [tilespmem:s17], [sflag:$0x1], $0x10, s31, s18, $0xb8;
	[tilespmem:$0x6780] =	vst v63  }
0x4b8: {  	s31 =	sld [smem:$0x7DD]  }
0x4b9: {  	[spmem:s3] =	stream.indirect.scatter.add.f32 [tilespmem:s17], [sflag:$0x1], $0x10, s0, s18, $0xb8;
	[tilespmem:$0x6780] =	vst v63  }
0x4ba: {  	s0 =	sld [smem:$0x7DE]  }
0x4bb: {  	[spmem:s3] =	stream.indirect.scatter.add.f32 [tilespmem:s17], [sflag:$0x1], $0x10, s31, s18, $0xb8;
	[tilespmem:$0x6780] =	vst v63  }
0x4bc: {  	s31 =	sld [smem:$0x7DF]  }
0x4bd: {  	[spmem:s3] =	stream.indirect.scatter.add.f32 [tilespmem:s17], [sflag:$0x1], $0x10, s0, s18, $0xb8;
	[tilespmem:$0x6780] =	vst v63  }
0x4be: {  	s0 =	sld [smem:$0x7E0]  }
0x4bf: {  	[spmem:s3] =	stream.indirect.scatter.add.f32 [tilespmem:s17], [sflag:$0x1], $0x10, s31, s18, $0xb8;
	[tilespmem:$0x6780] =	vst v63  }
0x4c0: {  	s31 =	sld [smem:$0x7E1]  }
0x4c1: {  	[spmem:s3] =	stream.indirect.scatter.add.f32 [tilespmem:s17], [sflag:$0x1], $0x10, s0, s18, $0xb8;
	[tilespmem:$0x6780] =	vst v63  }
0x4c2: {  	_ = 	snop  }
0x4c3: {  	[spmem:s3] =	stream.indirect.scatter.add.f32 [tilespmem:s17], [sflag:$0x1], $0x10, s31, s18, $0xb8;
	[tilespmem:$0x6780] =	vst v63  }
0x4c4: {  	_ =	swait.ge [sflag:s15], $0x800  }
0x4c5: {  	[sflag:s15] =	ssyncset.done $0x0  }
0x4c6: {  	[sflag:s15] =	ssyncadd.s32 $0xFFFFF800  }
0x4c7: {  	_ =	swait.ge [sflag:s15], $0x800  }
0x4c8: {  	[sflag:s15] =	ssyncset.done $0x0  }
0x4c9: {  	[sflag:s15] =	ssyncadd.s32 $0xFFFFF800  }
0x4ca: {  	_ =	swait.ge [sflag:s15], $0x800  }
0x4cb: {  	[sflag:s15] =	ssyncset.done $0x0  }
0x4cc: {  	[sflag:s15] =	ssyncadd.s32 $0xFFFFF800  }
0x4cd: {  	_ =	swait.ge [sflag:s15], $0x800  }
0x4ce: {  	[sflag:s15] =	ssyncset.done $0x0  }
0x4cf: {  	[sflag:s15] =	ssyncadd.s32 $0xFFFFF800  }
0x4d0: {  	_ =	swait.ge [sflag:s15], $0x800  }
0x4d1: {  	[sflag:s15] =	ssyncset.done $0x0  }
0x4d2: {  	[sflag:s15] =	ssyncadd.s32 $0xFFFFF800  }
0x4d3: {  	_ =	swait.ge [sflag:s15], $0x800  }
0x4d4: {  	[sflag:s15] =	ssyncset.done $0x0  }
0x4d5: {  	[sflag:s15] =	ssyncadd.s32 $0xFFFFF800  }
0x4d6: {  	_ =	swait.ge [sflag:s15], $0x800  }
0x4d7: {  	[sflag:s15] =	ssyncset.done $0x0  }
0x4d8: {  	[sflag:s15] =	ssyncadd.s32 $0xFFFFF800  }
0x4d9: {  	_ =	swait.ge [sflag:s15], $0x800  }
0x4da: {  	s1 =	sld [smem:$0x7E2]  }
0x4db: {  	[sflag:s15] =	ssyncset.done $0x0  }
0x4dc: {  	s31 =	sld [smem:$0x7E3];
	[sflag:s15] =	ssyncadd.s32 $0xFFFFF800  }
0x4dd: {  	[spmem:s3] =	stream.indirect.scatter.add.f32 [tilespmem:s17], [sflag:$0x1], $0x10, s1, s18, $0xb8;
	[tilespmem:$0x6780] =	vst v63  }
0x4de: {  	s0 =	sld [smem:$0x7E4]  }
0x4df: {  	[spmem:s3] =	stream.indirect.scatter.add.f32 [tilespmem:s17], [sflag:$0x1], $0x10, s31, s18, $0xb8;
	[tilespmem:$0x6780] =	vst v63  }
0x4e0: {  	s31 =	sld [smem:$0x7E5]  }
0x4e1: {  	[spmem:s3] =	stream.indirect.scatter.add.f32 [tilespmem:s17], [sflag:$0x1], $0x10, s0, s18, $0xb8;
	[tilespmem:$0x6780] =	vst v63  }
0x4e2: {  	s0 =	sld [smem:$0x7E6]  }
0x4e3: {  	[spmem:s3] =	stream.indirect.scatter.add.f32 [tilespmem:s17], [sflag:$0x1], $0x10, s31, s18, $0xb8;
	[tilespmem:$0x6780] =	vst v63  }
0x4e4: {  	s31 =	sld [smem:$0x7E7]  }
0x4e5: {  	[spmem:s3] =	stream.indirect.scatter.add.f32 [tilespmem:s17], [sflag:$0x1], $0x10, s0, s18, $0xb8;
	[tilespmem:$0x6780] =	vst v63  }
0x4e6: {  	s0 =	sld [smem:$0x7E8]  }
0x4e7: {  	[spmem:s3] =	stream.indirect.scatter.add.f32 [tilespmem:s17], [sflag:$0x1], $0x10, s31, s18, $0xb8;
	[tilespmem:$0x6780] =	vst v63  }
0x4e8: {  	s31 =	sld [smem:$0x7E9]  }
0x4e9: {  	[spmem:s3] =	stream.indirect.scatter.add.f32 [tilespmem:s17], [sflag:$0x1], $0x10, s0, s18, $0xb8;
	[tilespmem:$0x6780] =	vst v63  }
0x4ea: {  	_ = 	snop  }
0x4eb: {  	[spmem:s3] =	stream.indirect.scatter.add.f32 [tilespmem:s17], [sflag:$0x1], $0x10, s31, s18, $0xb8;
	[tilespmem:$0x6780] =	vst v63  }
0x4ec: {  	_ =	swait.ge [sflag:s15], $0x800  }
0x4ed: {  	[sflag:s15] =	ssyncset.done $0x0  }
0x4ee: {  	[sflag:s15] =	ssyncadd.s32 $0xFFFFF800  }
0x4ef: {  	_ =	swait.ge [sflag:s15], $0x800  }
0x4f0: {  	[sflag:s15] =	ssyncset.done $0x0  }
0x4f1: {  	[sflag:s15] =	ssyncadd.s32 $0xFFFFF800  }
0x4f2: {  	_ =	swait.ge [sflag:s15], $0x800  }
0x4f3: {  	[sflag:s15] =	ssyncset.done $0x0  }
0x4f4: {  	[sflag:s15] =	ssyncadd.s32 $0xFFFFF800  }
0x4f5: {  	_ =	swait.ge [sflag:s15], $0x800  }
0x4f6: {  	[sflag:s15] =	ssyncset.done $0x0  }
0x4f7: {  	[sflag:s15] =	ssyncadd.s32 $0xFFFFF800  }
0x4f8: {  	_ =	swait.ge [sflag:s15], $0x800  }
0x4f9: {  	[sflag:s15] =	ssyncset.done $0x0  }
0x4fa: {  	[sflag:s15] =	ssyncadd.s32 $0xFFFFF800  }
0x4fb: {  	_ =	swait.ge [sflag:s15], $0x800  }
0x4fc: {  	[sflag:s15] =	ssyncset.done $0x0  }
0x4fd: {  	[sflag:s15] =	ssyncadd.s32 $0xFFFFF800  }
0x4fe: {  	_ =	swait.ge [sflag:s15], $0x800  }
0x4ff: {  	[sflag:s15] =	ssyncset.done $0x0  }
0x500: {  	[sflag:s15] =	ssyncadd.s32 $0xFFFFF800  }
0x501: {  	_ =	swait.ge [sflag:s15], $0x800  }
0x502: {  	s1 =	sld [smem:$0x7EA]  }
0x503: {  	[sflag:s15] =	ssyncset.done $0x0  }
0x504: {  	s31 =	sld [smem:$0x7EB];
	[sflag:s15] =	ssyncadd.s32 $0xFFFFF800  }
0x505: {  	[spmem:s3] =	stream.indirect.scatter.add.f32 [tilespmem:s17], [sflag:$0x1], $0x10, s1, s18, $0xb8;
	[tilespmem:$0x6780] =	vst v63  }
0x506: {  	s0 =	sld [smem:$0x7EC]  }
0x507: {  	[spmem:s3] =	stream.indirect.scatter.add.f32 [tilespmem:s17], [sflag:$0x1], $0x10, s31, s18, $0xb8;
	[tilespmem:$0x6780] =	vst v63  }
0x508: {  	s31 =	sld [smem:$0x7ED]  }
0x509: {  	[spmem:s3] =	stream.indirect.scatter.add.f32 [tilespmem:s17], [sflag:$0x1], $0x10, s0, s18, $0xb8;
	[tilespmem:$0x6780] =	vst v63  }
0x50a: {  	s0 =	sld [smem:$0x7EE]  }
0x50b: {  	[spmem:s3] =	stream.indirect.scatter.add.f32 [tilespmem:s17], [sflag:$0x1], $0x10, s31, s18, $0xb8;
	[tilespmem:$0x6780] =	vst v63  }
0x50c: {  	s31 =	sld [smem:$0x7EF]  }
0x50d: {  	[spmem:s3] =	stream.indirect.scatter.add.f32 [tilespmem:s17], [sflag:$0x1], $0x10, s0, s18, $0xb8;
	[tilespmem:$0x6780] =	vst v63  }
0x50e: {  	s0 =	sld [smem:$0x7F0]  }
0x50f: {  	[spmem:s3] =	stream.indirect.scatter.add.f32 [tilespmem:s17], [sflag:$0x1], $0x10, s31, s18, $0xb8;
	[tilespmem:$0x6780] =	vst v63  }
0x510: {  	s31 =	sld [smem:$0x7F1]  }
0x511: {  	[spmem:s3] =	stream.indirect.scatter.add.f32 [tilespmem:s17], [sflag:$0x1], $0x10, s0, s18, $0xb8;
	[tilespmem:$0x6780] =	vst v63  }
0x512: {  	_ = 	snop  }
0x513: {  	[spmem:s3] =	stream.indirect.scatter.add.f32 [tilespmem:s17], [sflag:$0x1], $0x10, s31, s18, $0xb8;
	[tilespmem:$0x6780] =	vst v63  }
0x514: {  	_ =	swait.ge [sflag:s15], $0x800  }
0x515: {  	[sflag:s15] =	ssyncset.done $0x0  }
0x516: {  	[sflag:s15] =	ssyncadd.s32 $0xFFFFF800  }
0x517: {  	_ =	swait.ge [sflag:s15], $0x800  }
0x518: {  	[sflag:s15] =	ssyncset.done $0x0  }
0x519: {  	[sflag:s15] =	ssyncadd.s32 $0xFFFFF800  }
0x51a: {  	_ =	swait.ge [sflag:s15], $0x800  }
0x51b: {  	[sflag:s15] =	ssyncset.done $0x0  }
0x51c: {  	[sflag:s15] =	ssyncadd.s32 $0xFFFFF800  }
0x51d: {  	_ =	swait.ge [sflag:s15], $0x800  }
0x51e: {  	[sflag:s15] =	ssyncset.done $0x0  }
0x51f: {  	[sflag:s15] =	ssyncadd.s32 $0xFFFFF800  }
0x520: {  	_ =	swait.ge [sflag:s15], $0x800  }
0x521: {  	[sflag:s15] =	ssyncset.done $0x0  }
0x522: {  	[sflag:s15] =	ssyncadd.s32 $0xFFFFF800  }
0x523: {  	_ =	swait.ge [sflag:s15], $0x800  }
0x524: {  	[sflag:s15] =	ssyncset.done $0x0  }
0x525: {  	[sflag:s15] =	ssyncadd.s32 $0xFFFFF800  }
0x526: {  	_ =	swait.ge [sflag:s15], $0x800  }
0x527: {  	[sflag:s15] =	ssyncset.done $0x0  }
0x528: {  	[sflag:s15] =	ssyncadd.s32 $0xFFFFF800  }
0x529: {  	_ =	swait.ge [sflag:s15], $0x800  }
0x52a: {  	s1 =	sld [smem:$0x7F2]  }
0x52b: {  	[sflag:s15] =	ssyncset.done $0x0  }
0x52c: {  	s31 =	sld [smem:$0x7F3];
	[sflag:s15] =	ssyncadd.s32 $0xFFFFF800  }
0x52d: {  	[spmem:s3] =	stream.indirect.scatter.add.f32 [tilespmem:s17], [sflag:$0x1], $0x10, s1, s18, $0xb8;
	[tilespmem:$0x6780] =	vst v63  }
0x52e: {  	s0 =	sld [smem:$0x7F4]  }
0x52f: {  	[spmem:s3] =	stream.indirect.scatter.add.f32 [tilespmem:s17], [sflag:$0x1], $0x10, s31, s18, $0xb8;
	[tilespmem:$0x6780] =	vst v63  }
0x530: {  	s31 =	sld [smem:$0x7F5]  }
0x531: {  	[spmem:s3] =	stream.indirect.scatter.add.f32 [tilespmem:s17], [sflag:$0x1], $0x10, s0, s18, $0xb8;
	[tilespmem:$0x6780] =	vst v63  }
0x532: {  	s0 =	sld [smem:$0x7F6]  }
0x533: {  	[spmem:s3] =	stream.indirect.scatter.add.f32 [tilespmem:s17], [sflag:$0x1], $0x10, s31, s18, $0xb8;
	[tilespmem:$0x6780] =	vst v63  }
0x534: {  	s31 =	sld [smem:$0x7F7]  }
0x535: {  	[spmem:s3] =	stream.indirect.scatter.add.f32 [tilespmem:s17], [sflag:$0x1], $0x10, s0, s18, $0xb8;
	[tilespmem:$0x6780] =	vst v63  }
0x536: {  	s0 =	sld [smem:$0x7F8]  }
0x537: {  	[spmem:s3] =	stream.indirect.scatter.add.f32 [tilespmem:s17], [sflag:$0x1], $0x10, s31, s18, $0xb8;
	[tilespmem:$0x6780] =	vst v63  }
0x538: {  	s31 =	sld [smem:$0x7F9]  }
0x539: {  	[spmem:s3] =	stream.indirect.scatter.add.f32 [tilespmem:s17], [sflag:$0x1], $0x10, s0, s18, $0xb8;
	[tilespmem:$0x6780] =	vst v63  }
0x53a: {  	_ = 	snop  }
0x53b: {  	[spmem:s3] =	stream.indirect.scatter.add.f32 [tilespmem:s17], [sflag:$0x1], $0x10, s31, s18, $0xb8;
	[tilespmem:$0x6780] =	vst v63  }
0x53c: {  	_ =	swait.ge [sflag:s15], $0x800  }
0x53d: {  	[sflag:s15] =	ssyncset.done $0x0  }
0x53e: {  	[sflag:s15] =	ssyncadd.s32 $0xFFFFF800  }
0x53f: {  	_ =	swait.ge [sflag:s15], $0x800  }
0x540: {  	[sflag:s15] =	ssyncset.done $0x0  }
0x541: {  	[sflag:s15] =	ssyncadd.s32 $0xFFFFF800  }
0x542: {  	_ =	swait.ge [sflag:s15], $0x800  }
0x543: {  	[sflag:s15] =	ssyncset.done $0x0  }
0x544: {  	[sflag:s15] =	ssyncadd.s32 $0xFFFFF800  }
0x545: {  	_ =	swait.ge [sflag:s15], $0x800  }
0x546: {  	[sflag:s15] =	ssyncset.done $0x0  }
0x547: {  	[sflag:s15] =	ssyncadd.s32 $0xFFFFF800  }
0x548: {  	_ =	swait.ge [sflag:s15], $0x800  }
0x549: {  	[sflag:s15] =	ssyncset.done $0x0  }
0x54a: {  	[sflag:s15] =	ssyncadd.s32 $0xFFFFF800  }
0x54b: {  	_ =	swait.ge [sflag:s15], $0x800  }
0x54c: {  	[sflag:s15] =	ssyncset.done $0x0  }
0x54d: {  	[sflag:s15] =	ssyncadd.s32 $0xFFFFF800  }
0x54e: {  	_ =	swait.ge [sflag:s15], $0x800  }
0x54f: {  	[sflag:s15] =	ssyncset.done $0x0  }
0x550: {  	[sflag:s15] =	ssyncadd.s32 $0xFFFFF800  }
0x551: {  	_ =	swait.ge [sflag:s15], $0x800  }
0x552: {  	s1 =	sld [smem:$0x7FA]  }
0x553: {  	[sflag:s15] =	ssyncset.done $0x0  }
0x554: {  	s31 =	sld [smem:$0x7FB];
	[sflag:s15] =	ssyncadd.s32 $0xFFFFF800  }
0x555: {  	[spmem:s3] =	stream.indirect.scatter.add.f32 [tilespmem:s17], [sflag:$0x1], $0x10, s1, s18, $0xb8;
	[tilespmem:$0x6780] =	vst v63  }
0x556: {  	s0 =	sld [smem:$0x7FC]  }
0x557: {  	[spmem:s3] =	stream.indirect.scatter.add.f32 [tilespmem:s17], [sflag:$0x1], $0x10, s31, s18, $0xb8;
	[tilespmem:$0x6780] =	vst v63  }
0x558: {  	s31 =	sld [smem:$0x7FD]  }
0x559: {  	[spmem:s3] =	stream.indirect.scatter.add.f32 [tilespmem:s17], [sflag:$0x1], $0x10, s0, s18, $0xb8;
	[tilespmem:$0x6780] =	vst v63  }
0x55a: {  	_ = 	snop  }
0x55b: {  	[spmem:s3] =	stream.indirect.scatter.add.f32 [tilespmem:s17], [sflag:$0x1], $0x10, s31, s18, $0xb8;
	[tilespmem:$0x6780] =	vst v63  }
0x55c: {  	_ = 	snop  }
0x55d: {  	[spmem:s3] =	stream.indirect.scatter.add.f32 [tilespmem:s17], [sflag:$0x1], $0x10, s28, s18, $0xb8;
	[tilespmem:$0x6780] =	vst v63  }
0x55e: {  	_ = 	snop  }
0x55f: {  	[spmem:s3] =	stream.indirect.scatter.add.f32 [tilespmem:s17], [sflag:$0x1], $0x10, s29, s18, $0xb8;
	[tilespmem:$0x6780] =	vst v63  }
0x560: {  	_ = 	snop  }
0x561: {  	[spmem:s3] =	stream.indirect.scatter.add.f32 [tilespmem:s17], [sflag:$0x1], $0x10, s30, s18, $0xb8;
	[tilespmem:$0x6780] =	vst v63  }
0x562: {  	_ = 	snop  }
0x563: {  	[spmem:s3] =	stream.indirect.scatter.add.f32 [tilespmem:s17], [sflag:$0x1], $0x10, s26, s18, $0xb8;
	[tilespmem:$0x6780] =	vst v63  }
0x564: {  	_ =	swait.ge [sflag:s15], $0x800  }
0x565: {  	[sflag:s15] =	ssyncset.done $0x0  }
0x566: {  	[sflag:s15] =	ssyncadd.s32 $0xFFFFF800  }
0x567: {  	_ =	swait.ge [sflag:s15], $0x800  }
0x568: {  	[sflag:s15] =	ssyncset.done $0x0  }
0x569: {  	[sflag:s15] =	ssyncadd.s32 $0xFFFFF800  }
0x56a: {  	_ =	swait.ge [sflag:s15], $0x800  }
0x56b: {  	[sflag:s15] =	ssyncset.done $0x0  }
0x56c: {  	[sflag:s15] =	ssyncadd.s32 $0xFFFFF800  }
0x56d: {  	_ =	swait.ge [sflag:s15], $0x800  }
0x56e: {  	[sflag:s15] =	ssyncset.done $0x0  }
0x56f: {  	[sflag:s15] =	ssyncadd.s32 $0xFFFFF800  }
0x570: {  	_ =	swait.ge [sflag:s15], $0x800  }
0x571: {  	[sflag:s15] =	ssyncset.done $0x0  }
0x572: {  	[sflag:s15] =	ssyncadd.s32 $0xFFFFF800  }
0x573: {  	_ =	swait.ge [sflag:s15], $0x800  }
0x574: {  	[sflag:s15] =	ssyncset.done $0x0  }
0x575: {  	[sflag:s15] =	ssyncadd.s32 $0xFFFFF800  }
0x576: {  	_ =	swait.ge [sflag:s15], $0x800  }
0x577: {  	[sflag:s15] =	ssyncset.done $0x0  }
0x578: {  	[sflag:s15] =	ssyncadd.s32 $0xFFFFF800  }
0x579: {  	_ =	swait.ge [sflag:s15], $0x800  }
0x57a: {  	[sflag:s15] =	ssyncset.done $0x0  }
0x57b: {  	[sflag:s15] =	ssyncadd.s32 $0xFFFFF800  }
0x57c: {  	[spmem:s3] =	stream.indirect.scatter.add.f32 [tilespmem:s17], [sflag:$0x1], $0x10, s20, s18, $0xb8;
	[tilespmem:$0x6780] =	vst v63  }
0x57d: {  	_ = 	snop  }
0x57e: {  	[spmem:s3] =	stream.indirect.scatter.add.f32 [tilespmem:s17], [sflag:$0x1], $0x10, s21, s18, $0xb8;
	[tilespmem:$0x6780] =	vst v63  }
0x57f: {  	_ = 	snop  }
0x580: {  	[spmem:s3] =	stream.indirect.scatter.add.f32 [tilespmem:s17], [sflag:$0x1], $0x10, s22, s18, $0xb8;
	[tilespmem:$0x6780] =	vst v63  }
0x581: {  	_ = 	snop  }
0x582: {  	[spmem:s3] =	stream.indirect.scatter.add.f32 [tilespmem:s17], [sflag:$0x1], $0x10, s23, s18, $0xb8;
	[tilespmem:$0x6780] =	vst v63  }
0x583: {  	_ = 	snop  }
0x584: {  	[spmem:s3] =	stream.indirect.scatter.add.f32 [tilespmem:s17], [sflag:$0x1], $0x10, s24, s18, $0xb8;
	[tilespmem:$0x6780] =	vst v63  }
0x585: {  	_ = 	snop  }
0x586: {  	[spmem:s3] =	stream.indirect.scatter.add.f32 [tilespmem:s17], [sflag:$0x1], $0x10, s25, s18, $0xb8;
	[tilespmem:$0x6780] =	vst v63  }
0x587: {  	s30 =	simm.s32 $0x2700  }
0x588: {  	[spmem:s3] =	stream.indirect.scatter.add.f32 [tilespmem:s17], [sflag:$0x1], $0x10, s30, s18, $0xb8;
	[tilespmem:$0x6780] =	vst v63  }
0x589: {  	_ =	swait.ge [sflag:s15], $0x800  }
0x58a: {  	[sflag:s15] =	ssyncset.done $0x0  }
0x58b: {  	[sflag:s15] =	ssyncadd.s32 $0xFFFFF800  }
0x58c: {  	_ =	swait.ge [sflag:s15], $0x800  }
0x58d: {  	[sflag:s15] =	ssyncset.done $0x0  }
0x58e: {  	[sflag:s15] =	ssyncadd.s32 $0xFFFFF800  }
0x58f: {  	_ =	swait.ge [sflag:s15], $0x800  }
0x590: {  	[sflag:s15] =	ssyncset.done $0x0  }
0x591: {  	[sflag:s15] =	ssyncadd.s32 $0xFFFFF800  }
0x592: {  	_ =	swait.ge [sflag:s15], $0x800  }
0x593: {  	[sflag:s15] =	ssyncset.done $0x0  }
0x594: {  	[sflag:s15] =	ssyncadd.s32 $0xFFFFF800  }
0x595: {  	_ =	swait.ge [sflag:s15], $0x800  }
0x596: {  	[sflag:s15] =	ssyncset.done $0x0  }
0x597: {  	[sflag:s15] =	ssyncadd.s32 $0xFFFFF800  }
0x598: {  	_ =	swait.ge [sflag:s15], $0x800  }
0x599: {  	[sflag:s15] =	ssyncset.done $0x0  }
0x59a: {  	[sflag:s15] =	ssyncadd.s32 $0xFFFFF800  }
0x59b: {  	_ =	swait.ge [sflag:s15], $0x800  }
0x59c: {  	[sflag:s15] =	ssyncset.done $0x0  }
0x59d: {  	[sflag:s15] =	ssyncadd.s32 $0xFFFFF800  }
0x59e: {  	[bflag:$0x0] =	sbarrier.arrive $0xFFFF  }
0x59f: {  	[tilespmem:s12], [sflag:$0x2] =	stream.linear.gather [spmem:s8], $0x800, $0x38;
	[tilespmem:$0x6780] =	vst v63  }
0x5a0: {  	_ =	swait.ge [sflag:s9], $0x800  }
0x5a1: {  	[sflag:s9] =	ssyncset.done $0x0  }
0x5a2: {  	[sflag:s9] =	ssyncadd.s32 $0xFFFFF800  }
0x5a3: {  	[hbm4b:s16+s2] =	stream.linear.scatter [tilespmem:s12], [sflag:$0x2], $0x800, $0x38;
	[tilespmem:$0x6780] =	vst v63  }
0x5a4: {  	_ =	swait.ge [sflag:s9], $0x800  }
0x5a5: {  	[sflag:s9] =	ssyncset.done $0x0  }
0x5a6: {  	[sflag:s9] =	ssyncadd.s32 $0xFFFFF800  }
0x5a7: {  	[tilespmem:s12], [sflag:$0x2] =	stream.linear.gather [spmem:s7], $0x800, $0x38;
	[tilespmem:$0x6780] =	vst v63  }
0x5a8: {  	_ =	swait.ge [sflag:s9], $0x800  }
0x5a9: {  	[sflag:s9] =	ssyncset.done $0x0  }
0x5aa: {  	[sflag:s9] =	ssyncadd.s32 $0xFFFFF800  }
0x5ab: {  	[hbm4b:s14+s2] =	stream.linear.scatter [tilespmem:s12], [sflag:$0x2], $0x800, $0x38;
	[tilespmem:$0x6780] =	vst v63  }
0x5ac: {  	_ =	swait.ge [sflag:s9], $0x800  }
0x5ad: {  	[sflag:s9] =	ssyncset.done $0x0  }
0x5ae: {  	[sflag:s9] =	ssyncadd.s32 $0xFFFFF800  }
0x5af: {  	[tilespmem:s12], [sflag:$0x2] =	stream.linear.gather [spmem:s6], $0x800, $0x38;
	[tilespmem:$0x6780] =	vst v63  }
0x5b0: {  	_ =	swait.ge [sflag:s9], $0x800  }
0x5b1: {  	[sflag:s9] =	ssyncset.done $0x0  }
0x5b2: {  	[sflag:s9] =	ssyncadd.s32 $0xFFFFF800  }
0x5b3: {  	[hbm4b:s13+s2] =	stream.linear.scatter [tilespmem:s12], [sflag:$0x2], $0x800, $0x38;
	[tilespmem:$0x6780] =	vst v63  }
0x5b4: {  	_ =	swait.ge [sflag:s9], $0x800  }
0x5b5: {  	[sflag:s9] =	ssyncset.done $0x0  }
0x5b6: {  	[sflag:s9] =	ssyncadd.s32 $0xFFFFF800  }
0x5b7: {  	[tilespmem:s12], [sflag:$0x2] =	stream.linear.gather [spmem:s4], $0x800, $0x38;
	[tilespmem:$0x6780] =	vst v63  }
0x5b8: {  	_ =	swait.ge [sflag:s9], $0x800  }
0x5b9: {  	[sflag:s9] =	ssyncset.done $0x0  }
0x5ba: {  	[sflag:s9] =	ssyncadd.s32 $0xFFFFF800  }
0x5bb: {  	[hbm4b:s11+s2] =	stream.linear.scatter [tilespmem:s12], [sflag:$0x2], $0x800, $0x38;
	[tilespmem:$0x6780] =	vst v63  }
0x5bc: {  	_ =	swait.ge [sflag:s9], $0x800  }
0x5bd: {  	[sflag:s9] =	ssyncset.done $0x0  }
0x5be: {  	[sflag:s9] =	ssyncadd.s32 $0xFFFFF800  }
0x5bf: {  	[tilespmem:s12], [sflag:$0x2] =	stream.linear.gather [spmem:s5], $0x800, $0x38;
	[tilespmem:$0x6780] =	vst v63  }
0x5c0: {  	_ =	swait.ge [sflag:s9], $0x800  }
0x5c1: {  	[sflag:s9] =	ssyncset.done $0x0  }
0x5c2: {  	[sflag:s9] =	ssyncadd.s32 $0xFFFFF800  }
0x5c3: {  	[hbm4b:s10+s2] =	stream.linear.scatter [tilespmem:s12], [sflag:$0x2], $0x800, $0x38;
	[tilespmem:$0x6780] =	vst v63  }
0x5c4: {  	_ =	swait.ge [sflag:s9], $0x800  }
0x5c5: {  	[sflag:s9] =	ssyncset.done $0x0  }
0x5c6: {  	[sflag:s9] =	ssyncadd.s32 $0xFFFFF800  }
0x5c7: {  	_ =	sfence.sel $0x180000  }
0x5c8: {  	s31 =	stileid.u32;
	[bflag:$0x0] =	sbarrier.arrive $0xFFFF  }
0x5c9: {  	p0 =	sne.s32 s31, $0x0;
	_ =	strace $0x90000047  }
0x5ca: {  	s0 =	sadd.s32 @!p0 $0x100000, s19;
	[bflag:$0x2] =	sbarrier.arrive $0xFFFF  }
0x5cb: {  	[sflag:s0] =	ssyncadd.tile.s32 @!p0 $0x1;
	_ =	shalt  }
.LBB2_1:
.Ltmp3:
0x5cc: {  	(pc) =	sbr.rel .LBB2_6-.Ltmp3, $4  }
0x5cd: {  	s26 =	simm.s32 $0x2380  }
0x5ce: {  	s30 =	simm.s32 $0x2300;
	s29 =	simm.s32 $0x2280;
	s28 =	simm.s32 $0x2200  }
0x5cf: {  	s25 =	simm.s32 $0x2680;
	s24 =	simm.s32 $0x2600;
	s23 =	simm.s32 $0x2580  }
0x5d0: {  	s22 =	simm.s32 $0x2500;
	s21 =	simm.s32 $0x2480;
	s20 =	simm.s32 $0x2400  }
.LBB2_3:
.Ltmp4:
0x5d1: {  	(pc) =	sbr.rel .LBB2_6-.Ltmp4, $4  }
0x5d2: {  	s26 =	simm.s32 $0x2380;
	s30 =	simm.s32 $0x2300  }
0x5d3: {  	s29 =	simm.s32 $0x2280;
	s28 =	simm.s32 $0x2200;
	s25 =	simm.s32 $0x2680  }
0x5d4: {  	s24 =	simm.s32 $0x2600;
	s23 =	simm.s32 $0x2580;
	s22 =	simm.s32 $0x2500  }
0x5d5: {  	s21 =	simm.s32 $0x2480;
	s20 =	simm.s32 $0x2400;
	s19 =	rddreg [dreg:$0x3]  }
.Lfunc_end2:
_tile_overlayer_lowered:
.L_overlay_start_2:
0x5d6: {  	(tag) =	ssettag $0x2  }
0x5d7: {  	s0 =	rddreg [dreg:$0x0];
	s2 =	stileid.u32  }
0x5d8: {  	s1 =	rddreg [dreg:$0x1];
	p0 =	sne.s32 s2, $0x0  }
0x5d9: {  	s3 =	rddreg [dreg:$0x2];
	[bflag:$0x3] =	sbarrier.arrive $0xFFFF;
	s2 =	simm.s32 @!p0 $0x1C02  }
0x5da: {  	[timem:s3], [sflag:s2] =	dma.local @!p0 [hbm:s0], s1  }
0x5db: {  	s0 =	simm.s32 @!p0 $0x2  }
0x5dc: {  	_ =	swait.ge @!p0 [sflag:s0], s1  }
0x5dd: {  	s1 =	ssub.s32 @!p0 $0x0, s1;
	[sflag:s0] =	ssyncset.done @!p0 $0x0  }
0x5de: {  	[sflag:s0] =	ssyncadd.s32 @!p0 s1  }
0x5df: {  	[bflag:$0x3] =	sbarrier.arrive $0xFFFF  }
0x5e0: {  	_ =	shalt  }

</sc_bundles>
